<compile_context>
chip_gen: v7x
topology: tpu7x:2x2x1
jax: 0.10.2.dev20260603
libtpu: 0.0.44.dev20260713+nightly
codegen_flags: <defaults>
</compile_context>

<pallas_src>
import functools

import jax
import jax.numpy as jnp
from jax import lax
from jax.experimental import pallas as pl
from jax.experimental.pallas import tpu as pltpu
import jax.experimental.pallas.tpu_sc as plsc

N = 10000
E = 320000
D = 128
DOUT = 40

NC = 2
NS = 16
NW = NC * NS
CH = 128
CHUNKS = 80
EPW = CH * CHUNKS
EPAD = EPW * NW
NPAD = 10112
RPT = NPAD // NS

_f32 = jnp.float32
_i32 = jnp.int32



def _zero_vmem_2d(buf, rows, width):
    zero16 = jnp.zeros((16,), _f32)

    def body(i, _):
        r = i // (width // 16)
        c = (i % (width // 16)) * 16
        buf[r, pl.ds(c, 16)] = zero16
        return 0

    lax.fori_loop(0, rows * (width // 16), body, 0)


def _sc_scatter_body(z_hbm, row_hbm, col_hbm, acc_out,
                     ridx0, ridx1, ridx2, cidx0, cidx1,
                     gbuf0, gbuf1, gbuf2, acc_sh,
                     gsem0, gsem1, gsem2, csem0, csem1):
    cid = lax.axis_index("c")
    sid = lax.axis_index("s")
    wid = cid * NS + sid
    bufs = [(ridx0, gbuf0, gsem0), (ridx1, gbuf1, gsem1),
            (ridx2, gbuf2, gsem2)]
    cps = [(cidx0, csem0), (cidx1, csem1)]

    _zero_vmem_2d(gbuf0, CH, D)
    for k in range(RPT // CH):
        pltpu.sync_copy(gbuf0, acc_sh.at[pl.ds(sid * RPT + k * CH, CH)])
    pltpu.sync_copy(gbuf0.at[pl.ds(0, RPT % CH)],
                    acc_sh.at[pl.ds(sid * RPT + (RPT // CH) * CH, RPT % CH)])
    plsc.subcore_barrier()

    base_w = wid * EPW

    def fire(i, t):
        ridx, gbuf, gsem = t
        pltpu.sync_copy(row_hbm.at[pl.ds(base_w + i * CH, CH)], ridx)
        pltpu.async_copy(z_hbm.at[ridx], gbuf, gsem)

    def fire_col(i, c):
        cidx, csem = c
        pltpu.async_copy(col_hbm.at[pl.ds(base_w + i * CH, CH)], cidx, csem)

    def drain(i, t, c, refill_col):
        ridx, gbuf, gsem = t
        cidx, csem = c
        pltpu.make_async_copy(z_hbm.at[ridx], gbuf, gsem).wait()
        pltpu.make_async_copy(
            col_hbm.at[pl.ds(base_w + i * CH, CH)], cidx, csem).wait()
        pltpu.sync_copy(gbuf, acc_sh.at[cidx], add=True)
        if refill_col:
            fire_col(i + 2, c)

    fire(0, bufs[0])
    fire(1, bufs[1])
    fire_col(0, cps[0])
    fire_col(1, cps[1])

    def sextet(g, _):
        for k in range(6):
            i = 6 * g + k
            fire(i + 2, bufs[(k + 2) % 3])
            drain(i, bufs[k % 3], cps[k % 2], True)
        return 0

    lax.fori_loop(0, CHUNKS // 6, sextet, 0)
    for i in range((CHUNKS // 6) * 6, CHUNKS):
        if i + 2 < CHUNKS:
            fire(i + 2, bufs[(i + 2) % 3])
        drain(i, bufs[i % 3], cps[i % 2], i + 2 < CHUNKS)
    plsc.subcore_barrier()

    pltpu.sync_copy(acc_sh.at[pl.ds(sid * RPT, RPT)],
                    acc_out.at[cid, pl.ds(sid * RPT, RPT)])


def _sc_count_body(col_hbm, cnt_out, cidx_v, ones_v, zbuf, cnt_sh):
    cid = lax.axis_index("c")
    sid = lax.axis_index("s")
    wid = cid * NS + sid

    _zero_vmem_2d(zbuf, CH, D)
    one16 = jnp.ones((16,), _f32)

    def fill_ones(i, _):
        r = i // (D // 16)
        c = (i % (D // 16)) * 16
        ones_v[r, pl.ds(c, 16)] = one16
        return 0

    lax.fori_loop(0, CH * (D // 16), fill_ones, 0)

    for k in range(RPT // CH):
        pltpu.sync_copy(zbuf, cnt_sh.at[pl.ds(sid * RPT + k * CH, CH)])
    pltpu.sync_copy(zbuf.at[pl.ds(0, RPT % CH)],
                    cnt_sh.at[pl.ds(sid * RPT + (RPT // CH) * CH, RPT % CH)])
    plsc.subcore_barrier()

    base_w = wid * EPW

    def chunk(i, _):
        base = base_w + i * CH
        pltpu.sync_copy(col_hbm.at[pl.ds(base, CH)], cidx_v)
        pltpu.sync_copy(ones_v, cnt_sh.at[cidx_v], add=True)
        return 0

    lax.fori_loop(0, CHUNKS, chunk, 0)
    plsc.subcore_barrier()

    pltpu.sync_copy(cnt_sh.at[pl.ds(sid * RPT, RPT)],
                    cnt_out.at[cid, pl.ds(sid * RPT, RPT)])


@functools.lru_cache(maxsize=None)
def _sc_kernels():
    mesh = plsc.VectorSubcoreMesh(
        core_axis_name="c", subcore_axis_name="s",
        num_cores=NC, num_subcores=NS)

    scatter = pl.kernel(
        _sc_scatter_body,
        out_type=jax.ShapeDtypeStruct((NC, NPAD, D), _f32),
        mesh=mesh,
        scratch_types=[
            pltpu.VMEM((CH,), _i32),
            pltpu.VMEM((CH,), _i32),
            pltpu.VMEM((CH,), _i32),
            pltpu.VMEM((CH,), _i32),
            pltpu.VMEM((CH,), _i32),
            pltpu.VMEM((CH, D), _f32),
            pltpu.VMEM((CH, D), _f32),
            pltpu.VMEM((CH, D), _f32),
            pltpu.VMEM_SHARED((NPAD, D), _f32),
            pltpu.SemaphoreType.DMA,
            pltpu.SemaphoreType.DMA,
            pltpu.SemaphoreType.DMA,
            pltpu.SemaphoreType.DMA,
            pltpu.SemaphoreType.DMA,
        ],
    )

    count = pl.kernel(
        _sc_count_body,
        out_type=jax.ShapeDtypeStruct((NC, NPAD, D), _f32),
        mesh=mesh,
        scratch_types=[
            pltpu.VMEM((CH,), _i32),
            pltpu.VMEM((CH, D), _f32),
            pltpu.VMEM((CH, D), _f32),
            pltpu.VMEM_SHARED((NPAD, D), _f32),
        ],
    )
    return scatter, count



def _tc_lin_body(x_ref, w_ref, b_ref, z_ref):
    z_ref[...] = jnp.maximum(
        jnp.dot(x_ref[...], w_ref[...], preferred_element_type=_f32)
        + b_ref[...], 0.0)


def _tc_update_body(acc_ref, cnt_ref, x_ref, wu_ref, g_ref, be_ref,
                    wn_ref, bn_ref, h_ref, z_ref):
    acc = acc_ref[0, :N, :] + acc_ref[1, :N, :]
    cnt = cnt_ref[0, :N, :1] + cnt_ref[1, :N, :1]
    aggr = acc / jnp.maximum(cnt, 1.0)
    u = jnp.maximum(
        jnp.dot(aggr, wu_ref[:D, :], preferred_element_type=_f32)
        + jnp.dot(x_ref[...], wu_ref[D:, :], preferred_element_type=_f32),
        0.0)
    mu = jnp.mean(u, axis=0, keepdims=True)
    var = jnp.mean((u - mu) * (u - mu), axis=0, keepdims=True)
    h = jnp.maximum(
        g_ref[...] * (u - mu) / jnp.sqrt(var + 1e-5) + be_ref[...], 0.0)
    h_ref[...] = h
    z_ref[...] = jnp.maximum(
        jnp.dot(h, wn_ref[...], preferred_element_type=_f32) + bn_ref[...],
        0.0)


def _tc_final_body(acc_ref, cnt_ref, x_ref, wu_ref, wo_ref, bo_ref, o_ref):
    acc = acc_ref[0, :N, :] + acc_ref[1, :N, :]
    cnt = cnt_ref[0, :N, :1] + cnt_ref[1, :N, :1]
    aggr = acc / jnp.maximum(cnt, 1.0)
    u = jnp.maximum(
        jnp.dot(aggr, wu_ref[:D, :], preferred_element_type=_f32)
        + jnp.dot(x_ref[...], wu_ref[D:, :], preferred_element_type=_f32),
        0.0)
    o_ref[...] = jnp.dot(u, wo_ref[...], preferred_element_type=_f32) \
        + bo_ref[...]


_tc_lin = pl.pallas_call(
    _tc_lin_body, out_shape=jax.ShapeDtypeStruct((N, D), _f32))

_tc_update = pl.pallas_call(
    _tc_update_body,
    out_shape=[jax.ShapeDtypeStruct((N, D), _f32),
               jax.ShapeDtypeStruct((N, D), _f32)])

_tc_final = pl.pallas_call(
    _tc_final_body, out_shape=jax.ShapeDtypeStruct((N, D), _f32))



def kernel(x, edge_index, pos,
           W_lin1, b_lin1, W_upd1,
           W_lin2, b_lin2, W_upd2,
           W_lin3, b_lin3, W_upd3,
           bn_gamma, bn_beta, W_out, b_out):
    row = edge_index[0].astype(_i32)
    col = edge_index[1].astype(_i32)
    npad = EPAD - E
    rowp = jnp.concatenate([row, jnp.zeros((npad,), _i32)])
    colp = jnp.concatenate([col, jnp.full((npad,), N, _i32)])

    b1 = b_lin1.reshape(1, D)
    b2 = b_lin2.reshape(1, D)
    b3 = b_lin3.reshape(1, D)
    g = bn_gamma.reshape(1, D)
    be = bn_beta.reshape(1, D)
    wo = jnp.zeros((D, D), _f32).at[:, :DOUT].set(W_out)
    bo = jnp.zeros((1, D), _f32).at[0, :DOUT].set(b_out)

    _sc_scatter, _sc_count = _sc_kernels()
    cnt = _sc_count(colp)

    z1 = _tc_lin(x, W_lin1, b1)
    acc1 = _sc_scatter(z1, rowp, colp)
    h1, z2 = _tc_update(acc1, cnt, x, W_upd1, g, be, W_lin2, b2)
    acc2 = _sc_scatter(z2, rowp, colp)
    h2, z3 = _tc_update(acc2, cnt, h1, W_upd2, g, be, W_lin3, b3)
    acc3 = _sc_scatter(z3, rowp, colp)
    out = _tc_final(acc3, cnt, h2, W_upd3, wo, bo)
    return out[:, :DOUT]

# --- scband reference (transcript-rebuilt; emitter-appended) ---
"""Pipeline reference for scband-node-classifier-56221121904890 (READ-ONLY COPY).

The authoritative reference and input builder live on the scoring server;
editing this copy changes nothing except your own understanding.
"""

import jax, jax.numpy as jnp
import numpy as np

N_NODES = 10000
N_EDGES = 320000
D_IN = 128
D_H = 128
D_OUT = 40


def _sage_conv(x, row, col, W_lin, b_lin, W_upd, n_nodes):
    # message: relu(lin(x_j)) where x_j = x[row] (source nodes)
    m = jax.nn.relu(x[row] @ W_lin + b_lin)
    # mean aggregation at target index col
    s = jax.ops.segment_sum(m, col, num_segments=n_nodes)
    cnt = jax.ops.segment_sum(jnp.ones((row.shape[0], 1), x.dtype), col, num_segments=n_nodes)
    aggr = s / jnp.clip(cnt, 1.0)
    # update: relu(update_lin(cat([aggr, x])))  (no bias)
    return jax.nn.relu(jnp.concatenate([aggr, x], axis=1) @ W_upd)


def _batch_norm(x, gamma, beta, eps=1e-5):
    mu = jnp.mean(x, axis=0)
    var = jnp.var(x, axis=0)
    return gamma * (x - mu) / jnp.sqrt(var + eps) + beta


def setup_inputs(seed: int = 0) -> dict:
    key = jax.random.key(seed)
    ks = jax.random.split(key, 16)
    x = jax.random.normal(ks[0], (N_NODES, D_IN), dtype=jnp.float32)
    edge_index = jax.random.randint(ks[1], (2, N_EDGES), 0, N_NODES, dtype=jnp.int64)
    pos = jax.random.normal(ks[2], (N_NODES, 3), dtype=jnp.float32)

    def lin_w(k, fan_in, fan_out):
        return jax.random.normal(k, (fan_in, fan_out), dtype=jnp.float32) * (1.0 / np.sqrt(fan_in))

    params = {
        'W_lin1': lin_w(ks[3], D_IN, D_H), 'b_lin1': jnp.zeros((D_H,), jnp.float32),
        'W_upd1': lin_w(ks[4], D_IN + D_H, D_H),
        'W_lin2': lin_w(ks[5], D_H, D_H), 'b_lin2': jnp.zeros((D_H,), jnp.float32),
        'W_upd2': lin_w(ks[6], D_H + D_H, D_H),
        'W_lin3': lin_w(ks[7], D_H, D_H), 'b_lin3': jnp.zeros((D_H,), jnp.float32),
        'W_upd3': lin_w(ks[8], D_H + D_H, D_H),
        'bn_gamma': jnp.ones((D_H,), jnp.float32), 'bn_beta': jnp.zeros((D_H,), jnp.float32),
        'W_out': lin_w(ks[9], D_H, D_OUT), 'b_out': jnp.zeros((D_OUT,), jnp.float32),
    }
    return {'x': x, 'edge_index': edge_index, 'pos': pos, **params}


def reference(x, edge_index, pos,
              W_lin1, b_lin1, W_upd1,
              W_lin2, b_lin2, W_upd2,
              W_lin3, b_lin3, W_upd3,
              bn_gamma, bn_beta, W_out, b_out):
    row, col = edge_index[0], edge_index[1]
    n = x.shape[0]
    h = _sage_conv(x, row, col, W_lin1, b_lin1, W_upd1, n)
    h = jax.nn.relu(_batch_norm(h, bn_gamma, bn_beta))
    h = _sage_conv(h, row, col, W_lin2, b_lin2, W_upd2, n)
    h = jax.nn.relu(_batch_norm(h, bn_gamma, bn_beta))
    h = _sage_conv(h, row, col, W_lin3, b_lin3, W_upd3, n)
    return h @ W_out + b_out

if __name__ == "__main__":
    import jax
    _d = setup_inputs()
    print(jax.jit(kernel)(*tuple(_d.values())))

</pallas_src>

<mosaic_0001>
#map = affine_map<(d0, d1) -> (0)>
#map1 = affine_map<(d0, d1) -> (0, 0, 0)>
module attributes {stable_mosaic.version = 14 : i64} {
  func.func @_sc_count_body(%arg0: i32, %arg1: i32, %arg2: memref<327680xi32, #tpu.memory_space<hbm>>, %arg3: memref<2x10112x128xf32, #tpu.memory_space<hbm>>, %arg4: memref<128xi32, #tpu.memory_space<vmem>>, %arg5: memref<128x128xf32, #tpu.memory_space<vmem>>, %arg6: memref<128x128xf32, #tpu.memory_space<vmem>>, %arg7: memref<10112x128xf32, #tpu.memory_space<vmem_shared>>) attributes {dimension_semantics = [#tpu.dimension_semantics<core_parallel>, #tpu.dimension_semantics<subcore_parallel>], iteration_bounds = array<i64: 2, 16>, scalar_prefetch = 0 : i64, scratch_operands = 4 : i64, tpu.core_type = #tpu.core_type<sc_vector_subcore>, window_params = [{transform_indices = #map}, {transform_indices = #map1}]} {
    %mul3A = arith.constant 16 : i32
    %mul3A_0 = arith.muli %arg0, %mul3A : i32
    %add3A = arith.addi %mul3A_0, %arg1 : i32
    %broadcast_in_dim3A = arith.constant 0.000000e+00 : f32
    %broadcast_in_dim3A_1 = vector.broadcast %broadcast_in_dim3A : f32 to vector<16xf32>
    %scan3A = arith.constant 0 : i32
    %scan3A_2 = arith.constant 0 : i32
    %scan3A_3 = arith.constant 1024 : i32
    %scan3A_4 = arith.addi %scan3A_2, %scan3A_3 : i32
    %scan3A_5 = arith.constant 1 : i32
    %scan3A_6 = scf.for %scan3A_51 = %scan3A_2 to %scan3A_4 step %scan3A_5 iter_args(%scan3A_52 = %scan3A) -> (i32)  : i32 {
      %jit3A = arith.constant 8 : i32
      %div3A = arith.divsi %scan3A_51, %jit3A : i32
      %sign3A = arith.constant 0 : i32
      %sign3A_53 = arith.cmpi sgt, %scan3A_51, %sign3A : i32
      %sign3A_54 = arith.extui %sign3A_53 : i1 to i32
      %sign3A_55 = arith.constant 0 : i32
      %sign3A_56 = arith.cmpi slt, %scan3A_51, %sign3A_55 : i32
      %sign3A_57 = arith.extui %sign3A_56 : i1 to i32
      %sign3A_58 = arith.subi %sign3A_54, %sign3A_57 : i32
      %sign3A_59 = arith.constant 0 : i32
      %sign3A_60 = arith.cmpi sgt, %jit3A, %sign3A_59 : i32
      %sign3A_61 = arith.extui %sign3A_60 : i1 to i32
      %sign3A_62 = arith.constant 0 : i32
      %sign3A_63 = arith.cmpi slt, %jit3A, %sign3A_62 : i32
      %sign3A_64 = arith.extui %sign3A_63 : i1 to i32
      %sign3A_65 = arith.subi %sign3A_61, %sign3A_64 : i32
      %ne3A = arith.cmpi ne, %sign3A_58, %sign3A_65 : i32
      %rem3A = arith.remsi %scan3A_51, %jit3A : i32
      %ne3A_66 = arith.constant 0 : i32
      %ne3A_67 = arith.cmpi ne, %rem3A, %ne3A_66 : i32
      %and3A = arith.andi %ne3A, %ne3A_67 : i1
      %sub3A = arith.constant 1 : i32
      %sub3A_68 = arith.subi %div3A, %sub3A : i32
      %select_n3A = arith.select %and3A, %sub3A_68, %div3A : i32
      %jit3A_69 = arith.constant 8 : i32
      %eq3A = arith.constant 0 : i32
      %eq3A_70 = arith.cmpi eq, %jit3A_69, %eq3A : i32
      %jit3A_71 = arith.constant 1 : i32
      %select_n3A_72 = arith.select %eq3A_70, %jit3A_71, %jit3A_69 : i32
      %rem3A_73 = arith.remsi %scan3A_51, %select_n3A_72 : i32
      %ne3A_74 = arith.constant 0 : i32
      %ne3A_75 = arith.cmpi ne, %rem3A_73, %ne3A_74 : i32
      %lt3A = arith.constant 0 : i32
      %lt3A_76 = arith.cmpi slt, %rem3A_73, %lt3A : i32
      %lt3A_77 = arith.constant 0 : i32
      %lt3A_78 = arith.cmpi slt, %select_n3A_72, %lt3A_77 : i32
      %ne3A_79 = arith.xori %lt3A_76, %lt3A_78 : i1
      %and3A_80 = arith.andi %ne3A_79, %ne3A_75 : i1
      %add3A_81 = arith.addi %rem3A_73, %select_n3A_72 : i32
      %select_n3A_82 = arith.select %and3A_80, %add3A_81, %rem3A_73 : i32
      %mul3A_83 = arith.constant 16 : i32
      %mul3A_84 = arith.muli %select_n3A_82, %mul3A_83 : i32
      %swap3A = arith.index_cast %select_n3A : i32 to index
      %swap3A_85 = arith.index_cast %mul3A_84 : i32 to index
      %swap3A_86 = tpu.vector_load %arg6[%swap3A, %swap3A_85] {strides = array<i32>} : memref<128x128xf32, #tpu.memory_space<vmem>>, vector<1x16xf32>,
      %swap3A_87 = vector.shape_cast %swap3A_86 : vector<1x16xf32> to vector<16xf32>
      %swap3A_88 = vector.shape_cast %broadcast_in_dim3A_1 : vector<16xf32> to vector<1x16xf32>
      tpu.vector_store %arg6[%swap3A, %swap3A_85], %swap3A_88 {strides = array<i32>} : memref<128x128xf32, #tpu.memory_space<vmem>>, vector<1x16xf32>,
      %scan3A_89 = arith.constant 0 : i32
      scf.yield %scan3A_89 : i32
    }
    %scan3A_7 = arith.constant 1024 : i32
    %broadcast_in_dim3A_8 = arith.constant 1.000000e+00 : f32
    %broadcast_in_dim3A_9 = vector.broadcast %broadcast_in_dim3A_8 : f32 to vector<16xf32>
    %scan3A_10 = arith.constant 0 : i32
    %scan3A_11 = arith.constant 0 : i32
    %scan3A_12 = arith.constant 1024 : i32
    %scan3A_13 = arith.addi %scan3A_11, %scan3A_12 : i32
    %scan3A_14 = arith.constant 1 : i32
    %scan3A_15 = scf.for %scan3A_51 = %scan3A_11 to %scan3A_13 step %scan3A_14 iter_args(%scan3A_52 = %scan3A_10) -> (i32)  : i32 {
      %jit3A = arith.constant 8 : i32
      %div3A = arith.divsi %scan3A_51, %jit3A : i32
      %sign3A = arith.constant 0 : i32
      %sign3A_53 = arith.cmpi sgt, %scan3A_51, %sign3A : i32
      %sign3A_54 = arith.extui %sign3A_53 : i1 to i32
      %sign3A_55 = arith.constant 0 : i32
      %sign3A_56 = arith.cmpi slt, %scan3A_51, %sign3A_55 : i32
      %sign3A_57 = arith.extui %sign3A_56 : i1 to i32
      %sign3A_58 = arith.subi %sign3A_54, %sign3A_57 : i32
      %sign3A_59 = arith.constant 0 : i32
      %sign3A_60 = arith.cmpi sgt, %jit3A, %sign3A_59 : i32
      %sign3A_61 = arith.extui %sign3A_60 : i1 to i32
      %sign3A_62 = arith.constant 0 : i32
      %sign3A_63 = arith.cmpi slt, %jit3A, %sign3A_62 : i32
      %sign3A_64 = arith.extui %sign3A_63 : i1 to i32
      %sign3A_65 = arith.subi %sign3A_61, %sign3A_64 : i32
      %ne3A = arith.cmpi ne, %sign3A_58, %sign3A_65 : i32
      %rem3A = arith.remsi %scan3A_51, %jit3A : i32
      %ne3A_66 = arith.constant 0 : i32
      %ne3A_67 = arith.cmpi ne, %rem3A, %ne3A_66 : i32
      %and3A = arith.andi %ne3A, %ne3A_67 : i1
      %sub3A = arith.constant 1 : i32
      %sub3A_68 = arith.subi %div3A, %sub3A : i32
      %select_n3A = arith.select %and3A, %sub3A_68, %div3A : i32
      %jit3A_69 = arith.constant 8 : i32
      %eq3A = arith.constant 0 : i32
      %eq3A_70 = arith.cmpi eq, %jit3A_69, %eq3A : i32
      %jit3A_71 = arith.constant 1 : i32
      %select_n3A_72 = arith.select %eq3A_70, %jit3A_71, %jit3A_69 : i32
      %rem3A_73 = arith.remsi %scan3A_51, %select_n3A_72 : i32
      %ne3A_74 = arith.constant 0 : i32
      %ne3A_75 = arith.cmpi ne, %rem3A_73, %ne3A_74 : i32
      %lt3A = arith.constant 0 : i32
      %lt3A_76 = arith.cmpi slt, %rem3A_73, %lt3A : i32
      %lt3A_77 = arith.constant 0 : i32
      %lt3A_78 = arith.cmpi slt, %select_n3A_72, %lt3A_77 : i32
      %ne3A_79 = arith.xori %lt3A_76, %lt3A_78 : i1
      %and3A_80 = arith.andi %ne3A_79, %ne3A_75 : i1
      %add3A_81 = arith.addi %rem3A_73, %select_n3A_72 : i32
      %select_n3A_82 = arith.select %and3A_80, %add3A_81, %rem3A_73 : i32
      %mul3A_83 = arith.constant 16 : i32
      %mul3A_84 = arith.muli %select_n3A_82, %mul3A_83 : i32
      %swap3A = arith.index_cast %select_n3A : i32 to index
      %swap3A_85 = arith.index_cast %mul3A_84 : i32 to index
      %swap3A_86 = tpu.vector_load %arg5[%swap3A, %swap3A_85] {strides = array<i32>} : memref<128x128xf32, #tpu.memory_space<vmem>>, vector<1x16xf32>,
      %swap3A_87 = vector.shape_cast %swap3A_86 : vector<1x16xf32> to vector<16xf32>
      %swap3A_88 = vector.shape_cast %broadcast_in_dim3A_9 : vector<16xf32> to vector<1x16xf32>
      tpu.vector_store %arg5[%swap3A, %swap3A_85], %swap3A_88 {strides = array<i32>} : memref<128x128xf32, #tpu.memory_space<vmem>>, vector<1x16xf32>,
      %scan3A_89 = arith.constant 0 : i32
      scf.yield %scan3A_89 : i32
    }
    %scan3A_16 = arith.constant 1024 : i32
    %mul3A_17 = arith.constant 632 : i32
    %mul3A_18 = arith.muli %arg1, %mul3A_17 : i32
    %add3A_19 = arith.constant 0 : i32
    %add3A_20 = arith.addi %mul3A_18, %add3A_19 : i32
    "tpu.region"() ({
      %run_scoped3A = tpu.sem_alloc : memref<!tpu.dma_semaphore, #tpu.memory_space<semaphore_mem>>
      %dma_start3A = arith.constant 0 : i32
      %dma_start3A_51 = tpu.memref_slice %arg7[%add3A_20, %dma_start3A] : memref<10112x128xf32, #tpu.memory_space<vmem_shared>> -> memref<128x128xf32, #tpu.memory_space<vmem_shared>>
      %dma_start3A_52 = arith.constant 0 : i32
      %dma_start3A_53 = tpu.memref_slice %arg7[%add3A_20, %dma_start3A_52] : memref<10112x128xf32, #tpu.memory_space<vmem_shared>> -> memref<128x128xf32, #tpu.memory_space<vmem_shared>>
      tpu.enqueue_dma source(%arg6 : memref<128x128xf32, #tpu.memory_space<vmem>>) target(%dma_start3A_53 : memref<128x128xf32, #tpu.memory_space<vmem_shared>>) target_semaphore(%run_scoped3A : memref<!tpu.dma_semaphore, #tpu.memory_space<semaphore_mem>>)
      %dma_wait3A = arith.constant 0 : i32
      %dma_wait3A_54 = tpu.memref_slice %arg7[%add3A_20, %dma_wait3A] : memref<10112x128xf32, #tpu.memory_space<vmem_shared>> -> memref<128x128xf32, #tpu.memory_space<vmem_shared>>
      %dma_wait3A_55 = arith.constant 0 : i32
      %dma_wait3A_56 = tpu.memref_slice %arg7[%add3A_20, %dma_wait3A_55] : memref<10112x128xf32, #tpu.memory_space<vmem_shared>> -> memref<128x128xf32, #tpu.memory_space<vmem_shared>>
      tpu.wait_dma2 semaphore(%run_scoped3A : memref<!tpu.dma_semaphore, #tpu.memory_space<semaphore_mem>>) src(%arg6 : memref<128x128xf32, #tpu.memory_space<vmem>>) dst(%dma_wait3A_56 : memref<128x128xf32, #tpu.memory_space<vmem_shared>>)
      tpu.yield
    }) : () -> ()
    %mul3A_21 = arith.constant 632 : i32
    %mul3A_22 = arith.muli %arg1, %mul3A_21 : i32
    %add3A_23 = arith.constant 128 : i32
    %add3A_24 = arith.addi %mul3A_22, %add3A_23 : i32
    "tpu.region"() ({
      %run_scoped3A = tpu.sem_alloc : memref<!tpu.dma_semaphore, #tpu.memory_space<semaphore_mem>>
      %dma_start3A = arith.constant 0 : i32
      %dma_start3A_51 = tpu.memref_slice %arg7[%add3A_24, %dma_start3A] : memref<10112x128xf32, #tpu.memory_space<vmem_shared>> -> memref<128x128xf32, #tpu.memory_space<vmem_shared>>
      %dma_start3A_52 = arith.constant 0 : i32
      %dma_start3A_53 = tpu.memref_slice %arg7[%add3A_24, %dma_start3A_52] : memref<10112x128xf32, #tpu.memory_space<vmem_shared>> -> memref<128x128xf32, #tpu.memory_space<vmem_shared>>
      tpu.enqueue_dma source(%arg6 : memref<128x128xf32, #tpu.memory_space<vmem>>) target(%dma_start3A_53 : memref<128x128xf32, #tpu.memory_space<vmem_shared>>) target_semaphore(%run_scoped3A : memref<!tpu.dma_semaphore, #tpu.memory_space<semaphore_mem>>)
      %dma_wait3A = arith.constant 0 : i32
      %dma_wait3A_54 = tpu.memref_slice %arg7[%add3A_24, %dma_wait3A] : memref<10112x128xf32, #tpu.memory_space<vmem_shared>> -> memref<128x128xf32, #tpu.memory_space<vmem_shared>>
      %dma_wait3A_55 = arith.constant 0 : i32
      %dma_wait3A_56 = tpu.memref_slice %arg7[%add3A_24, %dma_wait3A_55] : memref<10112x128xf32, #tpu.memory_space<vmem_shared>> -> memref<128x128xf32, #tpu.memory_space<vmem_shared>>
      tpu.wait_dma2 semaphore(%run_scoped3A : memref<!tpu.dma_semaphore, #tpu.memory_space<semaphore_mem>>) src(%arg6 : memref<128x128xf32, #tpu.memory_space<vmem>>) dst(%dma_wait3A_56 : memref<128x128xf32, #tpu.memory_space<vmem_shared>>)
      tpu.yield
    }) : () -> ()
    %mul3A_25 = arith.constant 632 : i32
    %mul3A_26 = arith.muli %arg1, %mul3A_25 : i32
    %add3A_27 = arith.constant 256 : i32
    %add3A_28 = arith.addi %mul3A_26, %add3A_27 : i32
    "tpu.region"() ({
      %run_scoped3A = tpu.sem_alloc : memref<!tpu.dma_semaphore, #tpu.memory_space<semaphore_mem>>
      %dma_start3A = arith.constant 0 : i32
      %dma_start3A_51 = tpu.memref_slice %arg7[%add3A_28, %dma_start3A] : memref<10112x128xf32, #tpu.memory_space<vmem_shared>> -> memref<128x128xf32, #tpu.memory_space<vmem_shared>>
      %dma_start3A_52 = arith.constant 0 : i32
      %dma_start3A_53 = tpu.memref_slice %arg7[%add3A_28, %dma_start3A_52] : memref<10112x128xf32, #tpu.memory_space<vmem_shared>> -> memref<128x128xf32, #tpu.memory_space<vmem_shared>>
      tpu.enqueue_dma source(%arg6 : memref<128x128xf32, #tpu.memory_space<vmem>>) target(%dma_start3A_53 : memref<128x128xf32, #tpu.memory_space<vmem_shared>>) target_semaphore(%run_scoped3A : memref<!tpu.dma_semaphore, #tpu.memory_space<semaphore_mem>>)
      %dma_wait3A = arith.constant 0 : i32
      %dma_wait3A_54 = tpu.memref_slice %arg7[%add3A_28, %dma_wait3A] : memref<10112x128xf32, #tpu.memory_space<vmem_shared>> -> memref<128x128xf32, #tpu.memory_space<vmem_shared>>
      %dma_wait3A_55 = arith.constant 0 : i32
      %dma_wait3A_56 = tpu.memref_slice %arg7[%add3A_28, %dma_wait3A_55] : memref<10112x128xf32, #tpu.memory_space<vmem_shared>> -> memref<128x128xf32, #tpu.memory_space<vmem_shared>>
      tpu.wait_dma2 semaphore(%run_scoped3A : memref<!tpu.dma_semaphore, #tpu.memory_space<semaphore_mem>>) src(%arg6 : memref<128x128xf32, #tpu.memory_space<vmem>>) dst(%dma_wait3A_56 : memref<128x128xf32, #tpu.memory_space<vmem_shared>>)
      tpu.yield
    }) : () -> ()
    %mul3A_29 = arith.constant 632 : i32
    %mul3A_30 = arith.muli %arg1, %mul3A_29 : i32
    %add3A_31 = arith.constant 384 : i32
    %add3A_32 = arith.addi %mul3A_30, %add3A_31 : i32
    "tpu.region"() ({
      %run_scoped3A = tpu.sem_alloc : memref<!tpu.dma_semaphore, #tpu.memory_space<semaphore_mem>>
      %dma_start3A = arith.constant 0 : i32
      %dma_start3A_51 = tpu.memref_slice %arg7[%add3A_32, %dma_start3A] : memref<10112x128xf32, #tpu.memory_space<vmem_shared>> -> memref<128x128xf32, #tpu.memory_space<vmem_shared>>
      %dma_start3A_52 = arith.constant 0 : i32
      %dma_start3A_53 = tpu.memref_slice %arg7[%add3A_32, %dma_start3A_52] : memref<10112x128xf32, #tpu.memory_space<vmem_shared>> -> memref<128x128xf32, #tpu.memory_space<vmem_shared>>
      tpu.enqueue_dma source(%arg6 : memref<128x128xf32, #tpu.memory_space<vmem>>) target(%dma_start3A_53 : memref<128x128xf32, #tpu.memory_space<vmem_shared>>) target_semaphore(%run_scoped3A : memref<!tpu.dma_semaphore, #tpu.memory_space<semaphore_mem>>)
      %dma_wait3A = arith.constant 0 : i32
      %dma_wait3A_54 = tpu.memref_slice %arg7[%add3A_32, %dma_wait3A] : memref<10112x128xf32, #tpu.memory_space<vmem_shared>> -> memref<128x128xf32, #tpu.memory_space<vmem_shared>>
      %dma_wait3A_55 = arith.constant 0 : i32
      %dma_wait3A_56 = tpu.memref_slice %arg7[%add3A_32, %dma_wait3A_55] : memref<10112x128xf32, #tpu.memory_space<vmem_shared>> -> memref<128x128xf32, #tpu.memory_space<vmem_shared>>
      tpu.wait_dma2 semaphore(%run_scoped3A : memref<!tpu.dma_semaphore, #tpu.memory_space<semaphore_mem>>) src(%arg6 : memref<128x128xf32, #tpu.memory_space<vmem>>) dst(%dma_wait3A_56 : memref<128x128xf32, #tpu.memory_space<vmem_shared>>)
      tpu.yield
    }) : () -> ()
    %mul3A_33 = arith.constant 632 : i32
    %mul3A_34 = arith.muli %arg1, %mul3A_33 : i32
    %add3A_35 = arith.constant 512 : i32
    %add3A_36 = arith.addi %mul3A_34, %add3A_35 : i32
    "tpu.region"() ({
      %run_scoped3A = tpu.sem_alloc : memref<!tpu.dma_semaphore, #tpu.memory_space<semaphore_mem>>
      %dma_start3A = arith.constant 0 : i32
      %dma_start3A_51 = arith.constant 0 : i32
      %dma_start3A_52 = tpu.memref_slice %arg6[%dma_start3A, %dma_start3A_51] : memref<128x128xf32, #tpu.memory_space<vmem>> -> memref<120x128xf32, #tpu.memory_space<vmem>>
      %dma_start3A_53 = arith.constant 0 : i32
      %dma_start3A_54 = tpu.memref_slice %arg7[%add3A_36, %dma_start3A_53] : memref<10112x128xf32, #tpu.memory_space<vmem_shared>> -> memref<120x128xf32, #tpu.memory_space<vmem_shared>>
      %dma_start3A_55 = arith.constant 0 : i32
      %dma_start3A_56 = tpu.memref_slice %arg7[%add3A_36, %dma_start3A_55] : memref<10112x128xf32, #tpu.memory_space<vmem_shared>> -> memref<120x128xf32, #tpu.memory_space<vmem_shared>>
      %dma_start3A_57 = arith.constant 0 : i32
      %dma_start3A_58 = arith.constant 0 : i32
      %dma_start3A_59 = tpu.memref_slice %arg6[%dma_start3A_57, %dma_start3A_58] : memref<128x128xf32, #tpu.memory_space<vmem>> -> memref<120x128xf32, #tpu.memory_space<vmem>>
      tpu.enqueue_dma source(%dma_start3A_59 : memref<120x128xf32, #tpu.memory_space<vmem>>) target(%dma_start3A_56 : memref<120x128xf32, #tpu.memory_space<vmem_shared>>) target_semaphore(%run_scoped3A : memref<!tpu.dma_semaphore, #tpu.memory_space<semaphore_mem>>)
      %dma_wait3A = arith.constant 0 : i32
      %dma_wait3A_60 = arith.constant 0 : i32
      %dma_wait3A_61 = tpu.memref_slice %arg6[%dma_wait3A, %dma_wait3A_60] : memref<128x128xf32, #tpu.memory_space<vmem>> -> memref<120x128xf32, #tpu.memory_space<vmem>>
      %dma_wait3A_62 = arith.constant 0 : i32
      %dma_wait3A_63 = tpu.memref_slice %arg7[%add3A_36, %dma_wait3A_62] : memref<10112x128xf32, #tpu.memory_space<vmem_shared>> -> memref<120x128xf32, #tpu.memory_space<vmem_shared>>
      %dma_wait3A_64 = arith.constant 0 : i32
      %dma_wait3A_65 = tpu.memref_slice %arg7[%add3A_36, %dma_wait3A_64] : memref<10112x128xf32, #tpu.memory_space<vmem_shared>> -> memref<120x128xf32, #tpu.memory_space<vmem_shared>>
      %dma_wait3A_66 = arith.constant 0 : i32
      %dma_wait3A_67 = arith.constant 0 : i32
      %dma_wait3A_68 = tpu.memref_slice %arg6[%dma_wait3A_66, %dma_wait3A_67] : memref<128x128xf32, #tpu.memory_space<vmem>> -> memref<120x128xf32, #tpu.memory_space<vmem>>
      tpu.wait_dma2 semaphore(%run_scoped3A : memref<!tpu.dma_semaphore, #tpu.memory_space<semaphore_mem>>) src(%dma_wait3A_68 : memref<120x128xf32, #tpu.memory_space<vmem>>) dst(%dma_wait3A_65 : memref<120x128xf32, #tpu.memory_space<vmem_shared>>)
      tpu.yield
    }) : () -> ()
    %barrier3A = arith.constant 0 : index
    tpu.barrier barrier_id(%barrier3A)
    %mul3A_37 = arith.constant 10240 : i32
    %mul3A_38 = arith.muli %add3A, %mul3A_37 : i32
    %scan3A_39 = arith.constant 0 : i32
    %scan3A_40 = arith.constant 0 : i32
    %scan3A_41 = arith.constant 80 : i32
    %scan3A_42 = arith.addi %scan3A_40, %scan3A_41 : i32
    %scan3A_43 = arith.constant 1 : i32
    %scan3A_44 = scf.for %scan3A_51 = %scan3A_40 to %scan3A_42 step %scan3A_43 iter_args(%scan3A_52 = %scan3A_39) -> (i32)  : i32 {
      %mul3A_53 = arith.constant 128 : i32
      %mul3A_54 = arith.muli %scan3A_51, %mul3A_53 : i32
      %add3A_55 = arith.addi %mul3A_38, %mul3A_54 : i32
      "tpu.region"() ({
        %run_scoped3A = tpu.sem_alloc : memref<!tpu.dma_semaphore, #tpu.memory_space<semaphore_mem>>
        %dma_start3A = tpu.memref_slice %arg2[%add3A_55] : memref<327680xi32, #tpu.memory_space<hbm>> -> memref<128xi32, #tpu.memory_space<hbm>>
        %dma_start3A_57 = tpu.memref_slice %arg2[%add3A_55] : memref<327680xi32, #tpu.memory_space<hbm>> -> memref<128xi32, #tpu.memory_space<hbm>>
        tpu.enqueue_dma source(%dma_start3A_57 : memref<128xi32, #tpu.memory_space<hbm>>) target(%arg4 : memref<128xi32, #tpu.memory_space<vmem>>) target_semaphore(%run_scoped3A : memref<!tpu.dma_semaphore, #tpu.memory_space<semaphore_mem>>)
        %dma_wait3A = tpu.memref_slice %arg2[%add3A_55] : memref<327680xi32, #tpu.memory_space<hbm>> -> memref<128xi32, #tpu.memory_space<hbm>>
        %dma_wait3A_58 = tpu.memref_slice %arg2[%add3A_55] : memref<327680xi32, #tpu.memory_space<hbm>> -> memref<128xi32, #tpu.memory_space<hbm>>
        tpu.wait_dma2 semaphore(%run_scoped3A : memref<!tpu.dma_semaphore, #tpu.memory_space<semaphore_mem>>) src(%dma_wait3A_58 : memref<128xi32, #tpu.memory_space<hbm>>) dst(%arg4 : memref<128xi32, #tpu.memory_space<vmem>>)
        tpu.yield
      }) : () -> ()
      "tpu.region"() ({
        %run_scoped3A = tpu.sem_alloc : memref<!tpu.dma_semaphore, #tpu.memory_space<semaphore_mem>>
        %dma_start3A = arith.constant 0 : i32
        %dma_start3A_57 = arith.constant 0 : i32
        %dma_start3A_58 = tpu.memref_slice %arg7[%dma_start3A, %dma_start3A_57] : memref<10112x128xf32, #tpu.memory_space<vmem_shared>> -> memref<10112x128xf32, #tpu.memory_space<vmem_shared>>
        tpu.enqueue_indirect_dma source(%arg5 : memref<128x128xf32, #tpu.memory_space<vmem>>) target(%dma_start3A_58 : memref<10112x128xf32, #tpu.memory_space<vmem_shared>>) offsets(%arg4 : memref<128xi32, #tpu.memory_space<vmem>>) semaphore(%run_scoped3A : memref<!tpu.dma_semaphore, #tpu.memory_space<semaphore_mem>>) {add = true}
        %dma_wait3A = arith.constant 0 : i32
        %dma_wait3A_59 = arith.constant 0 : i32
        %dma_wait3A_60 = tpu.memref_slice %arg7[%dma_wait3A, %dma_wait3A_59] : memref<10112x128xf32, #tpu.memory_space<vmem_shared>> -> memref<10112x128xf32, #tpu.memory_space<vmem_shared>>
        tpu.wait_indirect_dma semaphore(%run_scoped3A : memref<!tpu.dma_semaphore, #tpu.memory_space<semaphore_mem>>) src(%arg5 : memref<128x128xf32, #tpu.memory_space<vmem>>) dst(%dma_wait3A_60 : memref<10112x128xf32, #tpu.memory_space<vmem_shared>>)
        tpu.yield
      }) : () -> ()
      %scan3A_56 = arith.constant 0 : i32
      scf.yield %scan3A_56 : i32
    }
    %scan3A_45 = arith.constant 80 : i32
    %barrier3A_46 = arith.constant 0 : index
    tpu.barrier barrier_id(%barrier3A_46)
    %mul3A_47 = arith.constant 632 : i32
    %mul3A_48 = arith.muli %arg1, %mul3A_47 : i32
    %mul3A_49 = arith.constant 632 : i32
    %mul3A_50 = arith.muli %arg1, %mul3A_49 : i32
    "tpu.region"() ({
      %run_scoped3A = tpu.sem_alloc : memref<!tpu.dma_semaphore, #tpu.memory_space<semaphore_mem>>
      %dma_start3A = arith.constant 0 : i32
      %dma_start3A_51 = tpu.memref_slice %arg3[%arg0, %mul3A_50, %dma_start3A] : memref<2x10112x128xf32, #tpu.memory_space<hbm>> -> memref<1x632x128xf32, #tpu.memory_space<hbm>>
      %dma_start3A_52 = tpu.memref_squeeze %dma_start3A_51 : memref<1x632x128xf32, #tpu.memory_space<hbm>> -> memref<632x128xf32, #tpu.memory_space<hbm>>
      %dma_start3A_53 = arith.constant 0 : i32
      %dma_start3A_54 = tpu.memref_slice %arg7[%mul3A_48, %dma_start3A_53] : memref<10112x128xf32, #tpu.memory_space<vmem_shared>> -> memref<632x128xf32, #tpu.memory_space<vmem_shared>>
      tpu.enqueue_dma source(%dma_start3A_54 : memref<632x128xf32, #tpu.memory_space<vmem_shared>>) target(%dma_start3A_52 : memref<632x128xf32, #tpu.memory_space<hbm>>) target_semaphore(%run_scoped3A : memref<!tpu.dma_semaphore, #tpu.memory_space<semaphore_mem>>)
      %dma_wait3A = arith.constant 0 : i32
      %dma_wait3A_55 = tpu.memref_slice %arg3[%arg0, %mul3A_50, %dma_wait3A] : memref<2x10112x128xf32, #tpu.memory_space<hbm>> -> memref<1x632x128xf32, #tpu.memory_space<hbm>>
      %dma_wait3A_56 = tpu.memref_squeeze %dma_wait3A_55 : memref<1x632x128xf32, #tpu.memory_space<hbm>> -> memref<632x128xf32, #tpu.memory_space<hbm>>
      %dma_wait3A_57 = arith.constant 0 : i32
      %dma_wait3A_58 = tpu.memref_slice %arg7[%mul3A_48, %dma_wait3A_57] : memref<10112x128xf32, #tpu.memory_space<vmem_shared>> -> memref<632x128xf32, #tpu.memory_space<vmem_shared>>
      tpu.wait_dma2 semaphore(%run_scoped3A : memref<!tpu.dma_semaphore, #tpu.memory_space<semaphore_mem>>) src(%dma_wait3A_58 : memref<632x128xf32, #tpu.memory_space<vmem_shared>>) dst(%dma_wait3A_56 : memref<632x128xf32, #tpu.memory_space<hbm>>)
      tpu.yield
    }) : () -> ()
    return
  }
}

#map = affine_map<(d0, d1) -> (0, 0)>
#map1 = affine_map<(d0, d1) -> (0)>
#map2 = affine_map<(d0, d1) -> (0, 0, 0)>
module attributes {stable_mosaic.version = 14 : i64} {
  func.func @_sc_scatter_body(%arg0: i32, %arg1: i32, %arg2: memref<10000x128xf32, #tpu.memory_space<hbm>>, %arg3: memref<327680xi32, #tpu.memory_space<hbm>>, %arg4: memref<327680xi32, #tpu.memory_space<hbm>>, %arg5: memref<2x10112x128xf32, #tpu.memory_space<hbm>>, %arg6: memref<128xi32, #tpu.memory_space<vmem>>, %arg7: memref<128xi32, #tpu.memory_space<vmem>>, %arg8: memref<128xi32, #tpu.memory_space<vmem>>, %arg9: memref<128xi32, #tpu.memory_space<vmem>>, %arg10: memref<128xi32, #tpu.memory_space<vmem>>, %arg11: memref<128x128xf32, #tpu.memory_space<vmem>>, %arg12: memref<128x128xf32, #tpu.memory_space<vmem>>, %arg13: memref<128x128xf32, #tpu.memory_space<vmem>>, %arg14: memref<10112x128xf32, #tpu.memory_space<vmem_shared>>, %arg15: memref<!tpu.dma_semaphore, #tpu.memory_space<semaphore_mem>>, %arg16: memref<!tpu.dma_semaphore, #tpu.memory_space<semaphore_mem>>, %arg17: memref<!tpu.dma_semaphore, #tpu.memory_space<semaphore_mem>>, %arg18: memref<!tpu.dma_semaphore, #tpu.memory_space<semaphore_mem>>, %arg19: memref<!tpu.dma_semaphore, #tpu.memory_space<semaphore_mem>>) attributes {dimension_semantics = [#tpu.dimension_semantics<core_parallel>, #tpu.dimension_semantics<subcore_parallel>], iteration_bounds = array<i64: 2, 16>, scalar_prefetch = 0 : i64, scratch_operands = 14 : i64, tpu.core_type = #tpu.core_type<sc_vector_subcore>, window_params = [{transform_indices = #map}, {transform_indices = #map1}, {transform_indices = #map1}, {transform_indices = #map2}]} {
    %mul3A = arith.constant 16 : i32
    %mul3A_0 = arith.muli %arg0, %mul3A : i32
    %add3A = arith.addi %mul3A_0, %arg1 : i32
    %broadcast_in_dim3A = arith.constant 0.000000e+00 : f32
    %broadcast_in_dim3A_1 = vector.broadcast %broadcast_in_dim3A : f32 to vector<16xf32>
    %scan3A = arith.constant 0 : i32
    %scan3A_2 = arith.constant 0 : i32
    %scan3A_3 = arith.constant 1024 : i32
    %scan3A_4 = arith.addi %scan3A_2, %scan3A_3 : i32
    %scan3A_5 = arith.constant 1 : i32
    %scan3A_6 = scf.for %scan3A_72 = %scan3A_2 to %scan3A_4 step %scan3A_5 iter_args(%scan3A_73 = %scan3A) -> (i32)  : i32 {
      %jit3A = arith.constant 8 : i32
      %div3A = arith.divsi %scan3A_72, %jit3A : i32
      %sign3A = arith.constant 0 : i32
      %sign3A_74 = arith.cmpi sgt, %scan3A_72, %sign3A : i32
      %sign3A_75 = arith.extui %sign3A_74 : i1 to i32
      %sign3A_76 = arith.constant 0 : i32
      %sign3A_77 = arith.cmpi slt, %scan3A_72, %sign3A_76 : i32
      %sign3A_78 = arith.extui %sign3A_77 : i1 to i32
      %sign3A_79 = arith.subi %sign3A_75, %sign3A_78 : i32
      %sign3A_80 = arith.constant 0 : i32
      %sign3A_81 = arith.cmpi sgt, %jit3A, %sign3A_80 : i32
      %sign3A_82 = arith.extui %sign3A_81 : i1 to i32
      %sign3A_83 = arith.constant 0 : i32
      %sign3A_84 = arith.cmpi slt, %jit3A, %sign3A_83 : i32
      %sign3A_85 = arith.extui %sign3A_84 : i1 to i32
      %sign3A_86 = arith.subi %sign3A_82, %sign3A_85 : i32
      %ne3A = arith.cmpi ne, %sign3A_79, %sign3A_86 : i32
      %rem3A = arith.remsi %scan3A_72, %jit3A : i32
      %ne3A_87 = arith.constant 0 : i32
      %ne3A_88 = arith.cmpi ne, %rem3A, %ne3A_87 : i32
      %and3A = arith.andi %ne3A, %ne3A_88 : i1
      %sub3A = arith.constant 1 : i32
      %sub3A_89 = arith.subi %div3A, %sub3A : i32
      %select_n3A = arith.select %and3A, %sub3A_89, %div3A : i32
      %jit3A_90 = arith.constant 8 : i32
      %eq3A = arith.constant 0 : i32
      %eq3A_91 = arith.cmpi eq, %jit3A_90, %eq3A : i32
      %jit3A_92 = arith.constant 1 : i32
      %select_n3A_93 = arith.select %eq3A_91, %jit3A_92, %jit3A_90 : i32
      %rem3A_94 = arith.remsi %scan3A_72, %select_n3A_93 : i32
      %ne3A_95 = arith.constant 0 : i32
      %ne3A_96 = arith.cmpi ne, %rem3A_94, %ne3A_95 : i32
      %lt3A = arith.constant 0 : i32
      %lt3A_97 = arith.cmpi slt, %rem3A_94, %lt3A : i32
      %lt3A_98 = arith.constant 0 : i32
      %lt3A_99 = arith.cmpi slt, %select_n3A_93, %lt3A_98 : i32
      %ne3A_100 = arith.xori %lt3A_97, %lt3A_99 : i1
      %and3A_101 = arith.andi %ne3A_100, %ne3A_96 : i1
      %add3A_102 = arith.addi %rem3A_94, %select_n3A_93 : i32
      %select_n3A_103 = arith.select %and3A_101, %add3A_102, %rem3A_94 : i32
      %mul3A_104 = arith.constant 16 : i32
      %mul3A_105 = arith.muli %select_n3A_103, %mul3A_104 : i32
      %swap3A = arith.index_cast %select_n3A : i32 to index
      %swap3A_106 = arith.index_cast %mul3A_105 : i32 to index
      %swap3A_107 = tpu.vector_load %arg11[%swap3A, %swap3A_106] {strides = array<i32>} : memref<128x128xf32, #tpu.memory_space<vmem>>, vector<1x16xf32>,
      %swap3A_108 = vector.shape_cast %swap3A_107 : vector<1x16xf32> to vector<16xf32>
      %swap3A_109 = vector.shape_cast %broadcast_in_dim3A_1 : vector<16xf32> to vector<1x16xf32>
      tpu.vector_store %arg11[%swap3A, %swap3A_106], %swap3A_109 {strides = array<i32>} : memref<128x128xf32, #tpu.memory_space<vmem>>, vector<1x16xf32>,
      %scan3A_110 = arith.constant 0 : i32
      scf.yield %scan3A_110 : i32
    }
    %scan3A_7 = arith.constant 1024 : i32
    %mul3A_8 = arith.constant 632 : i32
    %mul3A_9 = arith.muli %arg1, %mul3A_8 : i32
    %add3A_10 = arith.constant 0 : i32
    %add3A_11 = arith.addi %mul3A_9, %add3A_10 : i32
    "tpu.region"() ({
      %run_scoped3A = tpu.sem_alloc : memref<!tpu.dma_semaphore, #tpu.memory_space<semaphore_mem>>
      %dma_start3A_72 = arith.constant 0 : i32
      %dma_start3A_73 = tpu.memref_slice %arg14[%add3A_11, %dma_start3A_72] : memref<10112x128xf32, #tpu.memory_space<vmem_shared>> -> memref<128x128xf32, #tpu.memory_space<vmem_shared>>
      %dma_start3A_74 = arith.constant 0 : i32
      %dma_start3A_75 = tpu.memref_slice %arg14[%add3A_11, %dma_start3A_74] : memref<10112x128xf32, #tpu.memory_space<vmem_shared>> -> memref<128x128xf32, #tpu.memory_space<vmem_shared>>
      tpu.enqueue_dma source(%arg11 : memref<128x128xf32, #tpu.memory_space<vmem>>) target(%dma_start3A_75 : memref<128x128xf32, #tpu.memory_space<vmem_shared>>) target_semaphore(%run_scoped3A : memref<!tpu.dma_semaphore, #tpu.memory_space<semaphore_mem>>)
      %dma_wait3A_76 = arith.constant 0 : i32
      %dma_wait3A_77 = tpu.memref_slice %arg14[%add3A_11, %dma_wait3A_76] : memref<10112x128xf32, #tpu.memory_space<vmem_shared>> -> memref<128x128xf32, #tpu.memory_space<vmem_shared>>
      %dma_wait3A_78 = arith.constant 0 : i32
      %dma_wait3A_79 = tpu.memref_slice %arg14[%add3A_11, %dma_wait3A_78] : memref<10112x128xf32, #tpu.memory_space<vmem_shared>> -> memref<128x128xf32, #tpu.memory_space<vmem_shared>>
      tpu.wait_dma2 semaphore(%run_scoped3A : memref<!tpu.dma_semaphore, #tpu.memory_space<semaphore_mem>>) src(%arg11 : memref<128x128xf32, #tpu.memory_space<vmem>>) dst(%dma_wait3A_79 : memref<128x128xf32, #tpu.memory_space<vmem_shared>>)
      tpu.yield
    }) : () -> ()
    %mul3A_12 = arith.constant 632 : i32
    %mul3A_13 = arith.muli %arg1, %mul3A_12 : i32
    %add3A_14 = arith.constant 128 : i32
    %add3A_15 = arith.addi %mul3A_13, %add3A_14 : i32
    "tpu.region"() ({
      %run_scoped3A = tpu.sem_alloc : memref<!tpu.dma_semaphore, #tpu.memory_space<semaphore_mem>>
      %dma_start3A_72 = arith.constant 0 : i32
      %dma_start3A_73 = tpu.memref_slice %arg14[%add3A_15, %dma_start3A_72] : memref<10112x128xf32, #tpu.memory_space<vmem_shared>> -> memref<128x128xf32, #tpu.memory_space<vmem_shared>>
      %dma_start3A_74 = arith.constant 0 : i32
      %dma_start3A_75 = tpu.memref_slice %arg14[%add3A_15, %dma_start3A_74] : memref<10112x128xf32, #tpu.memory_space<vmem_shared>> -> memref<128x128xf32, #tpu.memory_space<vmem_shared>>
      tpu.enqueue_dma source(%arg11 : memref<128x128xf32, #tpu.memory_space<vmem>>) target(%dma_start3A_75 : memref<128x128xf32, #tpu.memory_space<vmem_shared>>) target_semaphore(%run_scoped3A : memref<!tpu.dma_semaphore, #tpu.memory_space<semaphore_mem>>)
      %dma_wait3A_76 = arith.constant 0 : i32
      %dma_wait3A_77 = tpu.memref_slice %arg14[%add3A_15, %dma_wait3A_76] : memref<10112x128xf32, #tpu.memory_space<vmem_shared>> -> memref<128x128xf32, #tpu.memory_space<vmem_shared>>
      %dma_wait3A_78 = arith.constant 0 : i32
      %dma_wait3A_79 = tpu.memref_slice %arg14[%add3A_15, %dma_wait3A_78] : memref<10112x128xf32, #tpu.memory_space<vmem_shared>> -> memref<128x128xf32, #tpu.memory_space<vmem_shared>>
      tpu.wait_dma2 semaphore(%run_scoped3A : memref<!tpu.dma_semaphore, #tpu.memory_space<semaphore_mem>>) src(%arg11 : memref<128x128xf32, #tpu.memory_space<vmem>>) dst(%dma_wait3A_79 : memref<128x128xf32, #tpu.memory_space<vmem_shared>>)
      tpu.yield
    }) : () -> ()
    %mul3A_16 = arith.constant 632 : i32
    %mul3A_17 = arith.muli %arg1, %mul3A_16 : i32
    %add3A_18 = arith.constant 256 : i32
    %add3A_19 = arith.addi %mul3A_17, %add3A_18 : i32
    "tpu.region"() ({
      %run_scoped3A = tpu.sem_alloc : memref<!tpu.dma_semaphore, #tpu.memory_space<semaphore_mem>>
      %dma_start3A_72 = arith.constant 0 : i32
      %dma_start3A_73 = tpu.memref_slice %arg14[%add3A_19, %dma_start3A_72] : memref<10112x128xf32, #tpu.memory_space<vmem_shared>> -> memref<128x128xf32, #tpu.memory_space<vmem_shared>>
      %dma_start3A_74 = arith.constant 0 : i32
      %dma_start3A_75 = tpu.memref_slice %arg14[%add3A_19, %dma_start3A_74] : memref<10112x128xf32, #tpu.memory_space<vmem_shared>> -> memref<128x128xf32, #tpu.memory_space<vmem_shared>>
      tpu.enqueue_dma source(%arg11 : memref<128x128xf32, #tpu.memory_space<vmem>>) target(%dma_start3A_75 : memref<128x128xf32, #tpu.memory_space<vmem_shared>>) target_semaphore(%run_scoped3A : memref<!tpu.dma_semaphore, #tpu.memory_space<semaphore_mem>>)
      %dma_wait3A_76 = arith.constant 0 : i32
      %dma_wait3A_77 = tpu.memref_slice %arg14[%add3A_19, %dma_wait3A_76] : memref<10112x128xf32, #tpu.memory_space<vmem_shared>> -> memref<128x128xf32, #tpu.memory_space<vmem_shared>>
      %dma_wait3A_78 = arith.constant 0 : i32
      %dma_wait3A_79 = tpu.memref_slice %arg14[%add3A_19, %dma_wait3A_78] : memref<10112x128xf32, #tpu.memory_space<vmem_shared>> -> memref<128x128xf32, #tpu.memory_space<vmem_shared>>
      tpu.wait_dma2 semaphore(%run_scoped3A : memref<!tpu.dma_semaphore, #tpu.memory_space<semaphore_mem>>) src(%arg11 : memref<128x128xf32, #tpu.memory_space<vmem>>) dst(%dma_wait3A_79 : memref<128x128xf32, #tpu.memory_space<vmem_shared>>)
      tpu.yield
    }) : () -> ()
    %mul3A_20 = arith.constant 632 : i32
    %mul3A_21 = arith.muli %arg1, %mul3A_20 : i32
    %add3A_22 = arith.constant 384 : i32
    %add3A_23 = arith.addi %mul3A_21, %add3A_22 : i32
    "tpu.region"() ({
      %run_scoped3A = tpu.sem_alloc : memref<!tpu.dma_semaphore, #tpu.memory_space<semaphore_mem>>
      %dma_start3A_72 = arith.constant 0 : i32
      %dma_start3A_73 = tpu.memref_slice %arg14[%add3A_23, %dma_start3A_72] : memref<10112x128xf32, #tpu.memory_space<vmem_shared>> -> memref<128x128xf32, #tpu.memory_space<vmem_shared>>
      %dma_start3A_74 = arith.constant 0 : i32
      %dma_start3A_75 = tpu.memref_slice %arg14[%add3A_23, %dma_start3A_74] : memref<10112x128xf32, #tpu.memory_space<vmem_shared>> -> memref<128x128xf32, #tpu.memory_space<vmem_shared>>
      tpu.enqueue_dma source(%arg11 : memref<128x128xf32, #tpu.memory_space<vmem>>) target(%dma_start3A_75 : memref<128x128xf32, #tpu.memory_space<vmem_shared>>) target_semaphore(%run_scoped3A : memref<!tpu.dma_semaphore, #tpu.memory_space<semaphore_mem>>)
      %dma_wait3A_76 = arith.constant 0 : i32
      %dma_wait3A_77 = tpu.memref_slice %arg14[%add3A_23, %dma_wait3A_76] : memref<10112x128xf32, #tpu.memory_space<vmem_shared>> -> memref<128x128xf32, #tpu.memory_space<vmem_shared>>
      %dma_wait3A_78 = arith.constant 0 : i32
      %dma_wait3A_79 = tpu.memref_slice %arg14[%add3A_23, %dma_wait3A_78] : memref<10112x128xf32, #tpu.memory_space<vmem_shared>> -> memref<128x128xf32, #tpu.memory_space<vmem_shared>>
      tpu.wait_dma2 semaphore(%run_scoped3A : memref<!tpu.dma_semaphore, #tpu.memory_space<semaphore_mem>>) src(%arg11 : memref<128x128xf32, #tpu.memory_space<vmem>>) dst(%dma_wait3A_79 : memref<128x128xf32, #tpu.memory_space<vmem_shared>>)
      tpu.yield
    }) : () -> ()
    %mul3A_24 = arith.constant 632 : i32
    %mul3A_25 = arith.muli %arg1, %mul3A_24 : i32
    %add3A_26 = arith.constant 512 : i32
    %add3A_27 = arith.addi %mul3A_25, %add3A_26 : i32
    "tpu.region"() ({
      %run_scoped3A = tpu.sem_alloc : memref<!tpu.dma_semaphore, #tpu.memory_space<semaphore_mem>>
      %dma_start3A_72 = arith.constant 0 : i32
      %dma_start3A_73 = arith.constant 0 : i32
      %dma_start3A_74 = tpu.memref_slice %arg11[%dma_start3A_72, %dma_start3A_73] : memref<128x128xf32, #tpu.memory_space<vmem>> -> memref<120x128xf32, #tpu.memory_space<vmem>>
      %dma_start3A_75 = arith.constant 0 : i32
      %dma_start3A_76 = tpu.memref_slice %arg14[%add3A_27, %dma_start3A_75] : memref<10112x128xf32, #tpu.memory_space<vmem_shared>> -> memref<120x128xf32, #tpu.memory_space<vmem_shared>>
      %dma_start3A_77 = arith.constant 0 : i32
      %dma_start3A_78 = tpu.memref_slice %arg14[%add3A_27, %dma_start3A_77] : memref<10112x128xf32, #tpu.memory_space<vmem_shared>> -> memref<120x128xf32, #tpu.memory_space<vmem_shared>>
      %dma_start3A_79 = arith.constant 0 : i32
      %dma_start3A_80 = arith.constant 0 : i32
      %dma_start3A_81 = tpu.memref_slice %arg11[%dma_start3A_79, %dma_start3A_80] : memref<128x128xf32, #tpu.memory_space<vmem>> -> memref<120x128xf32, #tpu.memory_space<vmem>>
      tpu.enqueue_dma source(%dma_start3A_81 : memref<120x128xf32, #tpu.memory_space<vmem>>) target(%dma_start3A_78 : memref<120x128xf32, #tpu.memory_space<vmem_shared>>) target_semaphore(%run_scoped3A : memref<!tpu.dma_semaphore, #tpu.memory_space<semaphore_mem>>)
      %dma_wait3A_82 = arith.constant 0 : i32
      %dma_wait3A_83 = arith.constant 0 : i32
      %dma_wait3A_84 = tpu.memref_slice %arg11[%dma_wait3A_82, %dma_wait3A_83] : memref<128x128xf32, #tpu.memory_space<vmem>> -> memref<120x128xf32, #tpu.memory_space<vmem>>
      %dma_wait3A_85 = arith.constant 0 : i32
      %dma_wait3A_86 = tpu.memref_slice %arg14[%add3A_27, %dma_wait3A_85] : memref<10112x128xf32, #tpu.memory_space<vmem_shared>> -> memref<120x128xf32, #tpu.memory_space<vmem_shared>>
      %dma_wait3A_87 = arith.constant 0 : i32
      %dma_wait3A_88 = tpu.memref_slice %arg14[%add3A_27, %dma_wait3A_87] : memref<10112x128xf32, #tpu.memory_space<vmem_shared>> -> memref<120x128xf32, #tpu.memory_space<vmem_shared>>
      %dma_wait3A_89 = arith.constant 0 : i32
      %dma_wait3A_90 = arith.constant 0 : i32
      %dma_wait3A_91 = tpu.memref_slice %arg11[%dma_wait3A_89, %dma_wait3A_90] : memref<128x128xf32, #tpu.memory_space<vmem>> -> memref<120x128xf32, #tpu.memory_space<vmem>>
      tpu.wait_dma2 semaphore(%run_scoped3A : memref<!tpu.dma_semaphore, #tpu.memory_space<semaphore_mem>>) src(%dma_wait3A_91 : memref<120x128xf32, #tpu.memory_space<vmem>>) dst(%dma_wait3A_88 : memref<120x128xf32, #tpu.memory_space<vmem_shared>>)
      tpu.yield
    }) : () -> ()
    %barrier3A = arith.constant 0 : index
    tpu.barrier barrier_id(%barrier3A)
    %mul3A_28 = arith.constant 10240 : i32
    %mul3A_29 = arith.muli %add3A, %mul3A_28 : i32
    %add3A_30 = arith.constant 0 : i32
    %add3A_31 = arith.addi %mul3A_29, %add3A_30 : i32
    "tpu.region"() ({
      %run_scoped3A = tpu.sem_alloc : memref<!tpu.dma_semaphore, #tpu.memory_space<semaphore_mem>>
      %dma_start3A_72 = tpu.memref_slice %arg3[%add3A_31] : memref<327680xi32, #tpu.memory_space<hbm>> -> memref<128xi32, #tpu.memory_space<hbm>>
      %dma_start3A_73 = tpu.memref_slice %arg3[%add3A_31] : memref<327680xi32, #tpu.memory_space<hbm>> -> memref<128xi32, #tpu.memory_space<hbm>>
      tpu.enqueue_dma source(%dma_start3A_73 : memref<128xi32, #tpu.memory_space<hbm>>) target(%arg6 : memref<128xi32, #tpu.memory_space<vmem>>) target_semaphore(%run_scoped3A : memref<!tpu.dma_semaphore, #tpu.memory_space<semaphore_mem>>)
      %dma_wait3A_74 = tpu.memref_slice %arg3[%add3A_31] : memref<327680xi32, #tpu.memory_space<hbm>> -> memref<128xi32, #tpu.memory_space<hbm>>
      %dma_wait3A_75 = tpu.memref_slice %arg3[%add3A_31] : memref<327680xi32, #tpu.memory_space<hbm>> -> memref<128xi32, #tpu.memory_space<hbm>>
      tpu.wait_dma2 semaphore(%run_scoped3A : memref<!tpu.dma_semaphore, #tpu.memory_space<semaphore_mem>>) src(%dma_wait3A_75 : memref<128xi32, #tpu.memory_space<hbm>>) dst(%arg6 : memref<128xi32, #tpu.memory_space<vmem>>)
      tpu.yield
    }) : () -> ()
    %dma_start3A = arith.constant 0 : i32
    %dma_start3A_32 = arith.constant 0 : i32
    %dma_start3A_33 = tpu.memref_slice %arg2[%dma_start3A, %dma_start3A_32] : memref<10000x128xf32, #tpu.memory_space<hbm>> -> memref<10000x128xf32, #tpu.memory_space<hbm>>
    tpu.enqueue_indirect_dma source(%dma_start3A_33 : memref<10000x128xf32, #tpu.memory_space<hbm>>) target(%arg11 : memref<128x128xf32, #tpu.memory_space<vmem>>) offsets(%arg6 : memref<128xi32, #tpu.memory_space<vmem>>) semaphore(%arg15 : memref<!tpu.dma_semaphore, #tpu.memory_space<semaphore_mem>>)
    %add3A_34 = arith.constant 128 : i32
    %add3A_35 = arith.addi %mul3A_29, %add3A_34 : i32
    "tpu.region"() ({
      %run_scoped3A = tpu.sem_alloc : memref<!tpu.dma_semaphore, #tpu.memory_space<semaphore_mem>>
      %dma_start3A_72 = tpu.memref_slice %arg3[%add3A_35] : memref<327680xi32, #tpu.memory_space<hbm>> -> memref<128xi32, #tpu.memory_space<hbm>>
      %dma_start3A_73 = tpu.memref_slice %arg3[%add3A_35] : memref<327680xi32, #tpu.memory_space<hbm>> -> memref<128xi32, #tpu.memory_space<hbm>>
      tpu.enqueue_dma source(%dma_start3A_73 : memref<128xi32, #tpu.memory_space<hbm>>) target(%arg7 : memref<128xi32, #tpu.memory_space<vmem>>) target_semaphore(%run_scoped3A : memref<!tpu.dma_semaphore, #tpu.memory_space<semaphore_mem>>)
      %dma_wait3A_74 = tpu.memref_slice %arg3[%add3A_35] : memref<327680xi32, #tpu.memory_space<hbm>> -> memref<128xi32, #tpu.memory_space<hbm>>
      %dma_wait3A_75 = tpu.memref_slice %arg3[%add3A_35] : memref<327680xi32, #tpu.memory_space<hbm>> -> memref<128xi32, #tpu.memory_space<hbm>>
      tpu.wait_dma2 semaphore(%run_scoped3A : memref<!tpu.dma_semaphore, #tpu.memory_space<semaphore_mem>>) src(%dma_wait3A_75 : memref<128xi32, #tpu.memory_space<hbm>>) dst(%arg7 : memref<128xi32, #tpu.memory_space<vmem>>)
      tpu.yield
    }) : () -> ()
    %dma_start3A_36 = arith.constant 0 : i32
    %dma_start3A_37 = arith.constant 0 : i32
    %dma_start3A_38 = tpu.memref_slice %arg2[%dma_start3A_36, %dma_start3A_37] : memref<10000x128xf32, #tpu.memory_space<hbm>> -> memref<10000x128xf32, #tpu.memory_space<hbm>>
    tpu.enqueue_indirect_dma source(%dma_start3A_38 : memref<10000x128xf32, #tpu.memory_space<hbm>>) target(%arg12 : memref<128x128xf32, #tpu.memory_space<vmem>>) offsets(%arg7 : memref<128xi32, #tpu.memory_space<vmem>>) semaphore(%arg16 : memref<!tpu.dma_semaphore, #tpu.memory_space<semaphore_mem>>)
    %add3A_39 = arith.constant 0 : i32
    %add3A_40 = arith.addi %mul3A_29, %add3A_39 : i32
    %dma_start3A_41 = tpu.memref_slice %arg4[%add3A_40] : memref<327680xi32, #tpu.memory_space<hbm>> -> memref<128xi32, #tpu.memory_space<hbm>>
    %dma_start3A_42 = tpu.memref_slice %arg4[%add3A_40] : memref<327680xi32, #tpu.memory_space<hbm>> -> memref<128xi32, #tpu.memory_space<hbm>>
    tpu.enqueue_dma source(%dma_start3A_42 : memref<128xi32, #tpu.memory_space<hbm>>) target(%arg9 : memref<128xi32, #tpu.memory_space<vmem>>) target_semaphore(%arg18 : memref<!tpu.dma_semaphore, #tpu.memory_space<semaphore_mem>>)
    %add3A_43 = arith.constant 128 : i32
    %add3A_44 = arith.addi %mul3A_29, %add3A_43 : i32
    %dma_start3A_45 = tpu.memref_slice %arg4[%add3A_44] : memref<327680xi32, #tpu.memory_space<hbm>> -> memref<128xi32, #tpu.memory_space<hbm>>
    %dma_start3A_46 = tpu.memref_slice %arg4[%add3A_44] : memref<327680xi32, #tpu.memory_space<hbm>> -> memref<128xi32, #tpu.memory_space<hbm>>
    tpu.enqueue_dma source(%dma_start3A_46 : memref<128xi32, #tpu.memory_space<hbm>>) target(%arg10 : memref<128xi32, #tpu.memory_space<vmem>>) target_semaphore(%arg19 : memref<!tpu.dma_semaphore, #tpu.memory_space<semaphore_mem>>)
    %scan3A_47 = arith.constant 0 : i32
    %scan3A_48 = arith.constant 0 : i32
    %scan3A_49 = arith.constant 13 : i32
    %scan3A_50 = arith.addi %scan3A_48, %scan3A_49 : i32
    %scan3A_51 = arith.constant 1 : i32
    %scan3A_52 = scf.for %scan3A_72 = %scan3A_48 to %scan3A_50 step %scan3A_51 iter_args(%scan3A_73 = %scan3A_47) -> (i32)  : i32 {
      %mul3A_74 = arith.constant 6 : i32
      %mul3A_75 = arith.muli %mul3A_74, %scan3A_72 : i32
      %add3A_76 = arith.constant 0 : i32
      %add3A_77 = arith.addi %mul3A_75, %add3A_76 : i32
      %add3A_78 = arith.constant 2 : i32
      %add3A_79 = arith.addi %add3A_77, %add3A_78 : i32
      %mul3A_80 = arith.constant 128 : i32
      %mul3A_81 = arith.muli %add3A_79, %mul3A_80 : i32
      %add3A_82 = arith.addi %mul3A_29, %mul3A_81 : i32
      "tpu.region"() ({
        %run_scoped3A = tpu.sem_alloc : memref<!tpu.dma_semaphore, #tpu.memory_space<semaphore_mem>>
        %dma_start3A_237 = tpu.memref_slice %arg3[%add3A_82] : memref<327680xi32, #tpu.memory_space<hbm>> -> memref<128xi32, #tpu.memory_space<hbm>>
        %dma_start3A_238 = tpu.memref_slice %arg3[%add3A_82] : memref<327680xi32, #tpu.memory_space<hbm>> -> memref<128xi32, #tpu.memory_space<hbm>>
        tpu.enqueue_dma source(%dma_start3A_238 : memref<128xi32, #tpu.memory_space<hbm>>) target(%arg8 : memref<128xi32, #tpu.memory_space<vmem>>) target_semaphore(%run_scoped3A : memref<!tpu.dma_semaphore, #tpu.memory_space<semaphore_mem>>)
        %dma_wait3A_239 = tpu.memref_slice %arg3[%add3A_82] : memref<327680xi32, #tpu.memory_space<hbm>> -> memref<128xi32, #tpu.memory_space<hbm>>
        %dma_wait3A_240 = tpu.memref_slice %arg3[%add3A_82] : memref<327680xi32, #tpu.memory_space<hbm>> -> memref<128xi32, #tpu.memory_space<hbm>>
        tpu.wait_dma2 semaphore(%run_scoped3A : memref<!tpu.dma_semaphore, #tpu.memory_space<semaphore_mem>>) src(%dma_wait3A_240 : memref<128xi32, #tpu.memory_space<hbm>>) dst(%arg8 : memref<128xi32, #tpu.memory_space<vmem>>)
        tpu.yield
      }) : () -> ()
      %dma_start3A_83 = arith.constant 0 : i32
      %dma_start3A_84 = arith.constant 0 : i32
      %dma_start3A_85 = tpu.memref_slice %arg2[%dma_start3A_83, %dma_start3A_84] : memref<10000x128xf32, #tpu.memory_space<hbm>> -> memref<10000x128xf32, #tpu.memory_space<hbm>>
      tpu.enqueue_indirect_dma source(%dma_start3A_85 : memref<10000x128xf32, #tpu.memory_space<hbm>>) target(%arg13 : memref<128x128xf32, #tpu.memory_space<vmem>>) offsets(%arg8 : memref<128xi32, #tpu.memory_space<vmem>>) semaphore(%arg17 : memref<!tpu.dma_semaphore, #tpu.memory_space<semaphore_mem>>)
      %dma_wait3A_86 = arith.constant 0 : i32
      %dma_wait3A_87 = arith.constant 0 : i32
      %dma_wait3A_88 = tpu.memref_slice %arg2[%dma_wait3A_86, %dma_wait3A_87] : memref<10000x128xf32, #tpu.memory_space<hbm>> -> memref<10000x128xf32, #tpu.memory_space<hbm>>
      tpu.wait_indirect_dma semaphore(%arg15 : memref<!tpu.dma_semaphore, #tpu.memory_space<semaphore_mem>>) src(%dma_wait3A_88 : memref<10000x128xf32, #tpu.memory_space<hbm>>) dst(%arg11 : memref<128x128xf32, #tpu.memory_space<vmem>>)
      %mul3A_89 = arith.constant 128 : i32
      %mul3A_90 = arith.muli %add3A_77, %mul3A_89 : i32
      %add3A_91 = arith.addi %mul3A_29, %mul3A_90 : i32
      %dma_wait3A_92 = tpu.memref_slice %arg4[%add3A_91] : memref<327680xi32, #tpu.memory_space<hbm>> -> memref<128xi32, #tpu.memory_space<hbm>>
      %dma_wait3A_93 = tpu.memref_slice %arg4[%add3A_91] : memref<327680xi32, #tpu.memory_space<hbm>> -> memref<128xi32, #tpu.memory_space<hbm>>
      tpu.wait_dma2 semaphore(%arg18 : memref<!tpu.dma_semaphore, #tpu.memory_space<semaphore_mem>>) src(%dma_wait3A_93 : memref<128xi32, #tpu.memory_space<hbm>>) dst(%arg9 : memref<128xi32, #tpu.memory_space<vmem>>)
      "tpu.region"() ({
        %run_scoped3A = tpu.sem_alloc : memref<!tpu.dma_semaphore, #tpu.memory_space<semaphore_mem>>
        %dma_start3A_237 = arith.constant 0 : i32
        %dma_start3A_238 = arith.constant 0 : i32
        %dma_start3A_239 = tpu.memref_slice %arg14[%dma_start3A_237, %dma_start3A_238] : memref<10112x128xf32, #tpu.memory_space<vmem_shared>> -> memref<10112x128xf32, #tpu.memory_space<vmem_shared>>
        tpu.enqueue_indirect_dma source(%arg11 : memref<128x128xf32, #tpu.memory_space<vmem>>) target(%dma_start3A_239 : memref<10112x128xf32, #tpu.memory_space<vmem_shared>>) offsets(%arg9 : memref<128xi32, #tpu.memory_space<vmem>>) semaphore(%run_scoped3A : memref<!tpu.dma_semaphore, #tpu.memory_space<semaphore_mem>>) {add = true}
        %dma_wait3A_240 = arith.constant 0 : i32
        %dma_wait3A_241 = arith.constant 0 : i32
        %dma_wait3A_242 = tpu.memref_slice %arg14[%dma_wait3A_240, %dma_wait3A_241] : memref<10112x128xf32, #tpu.memory_space<vmem_shared>> -> memref<10112x128xf32, #tpu.memory_space<vmem_shared>>
        tpu.wait_indirect_dma semaphore(%run_scoped3A : memref<!tpu.dma_semaphore, #tpu.memory_space<semaphore_mem>>) src(%arg11 : memref<128x128xf32, #tpu.memory_space<vmem>>) dst(%dma_wait3A_242 : memref<10112x128xf32, #tpu.memory_space<vmem_shared>>)
        tpu.yield
      }) : () -> ()
      %add3A_94 = arith.constant 2 : i32
      %add3A_95 = arith.addi %add3A_77, %add3A_94 : i32
      %mul3A_96 = arith.constant 128 : i32
      %mul3A_97 = arith.muli %add3A_95, %mul3A_96 : i32
      %add3A_98 = arith.addi %mul3A_29, %mul3A_97 : i32
      %dma_start3A_99 = tpu.memref_slice %arg4[%add3A_98] : memref<327680xi32, #tpu.memory_space<hbm>> -> memref<128xi32, #tpu.memory_space<hbm>>
      %dma_start3A_100 = tpu.memref_slice %arg4[%add3A_98] : memref<327680xi32, #tpu.memory_space<hbm>> -> memref<128xi32, #tpu.memory_space<hbm>>
      tpu.enqueue_dma source(%dma_start3A_100 : memref<128xi32, #tpu.memory_space<hbm>>) target(%arg9 : memref<128xi32, #tpu.memory_space<vmem>>) target_semaphore(%arg18 : memref<!tpu.dma_semaphore, #tpu.memory_space<semaphore_mem>>)
      %mul3A_101 = arith.constant 6 : i32
      %mul3A_102 = arith.muli %mul3A_101, %scan3A_72 : i32
      %add3A_103 = arith.constant 1 : i32
      %add3A_104 = arith.addi %mul3A_102, %add3A_103 : i32
      %add3A_105 = arith.constant 2 : i32
      %add3A_106 = arith.addi %add3A_104, %add3A_105 : i32
      %mul3A_107 = arith.constant 128 : i32
      %mul3A_108 = arith.muli %add3A_106, %mul3A_107 : i32
      %add3A_109 = arith.addi %mul3A_29, %mul3A_108 : i32
      "tpu.region"() ({
        %run_scoped3A = tpu.sem_alloc : memref<!tpu.dma_semaphore, #tpu.memory_space<semaphore_mem>>
        %dma_start3A_237 = tpu.memref_slice %arg3[%add3A_109] : memref<327680xi32, #tpu.memory_space<hbm>> -> memref<128xi32, #tpu.memory_space<hbm>>
        %dma_start3A_238 = tpu.memref_slice %arg3[%add3A_109] : memref<327680xi32, #tpu.memory_space<hbm>> -> memref<128xi32, #tpu.memory_space<hbm>>
        tpu.enqueue_dma source(%dma_start3A_238 : memref<128xi32, #tpu.memory_space<hbm>>) target(%arg6 : memref<128xi32, #tpu.memory_space<vmem>>) target_semaphore(%run_scoped3A : memref<!tpu.dma_semaphore, #tpu.memory_space<semaphore_mem>>)
        %dma_wait3A_239 = tpu.memref_slice %arg3[%add3A_109] : memref<327680xi32, #tpu.memory_space<hbm>> -> memref<128xi32, #tpu.memory_space<hbm>>
        %dma_wait3A_240 = tpu.memref_slice %arg3[%add3A_109] : memref<327680xi32, #tpu.memory_space<hbm>> -> memref<128xi32, #tpu.memory_space<hbm>>
        tpu.wait_dma2 semaphore(%run_scoped3A : memref<!tpu.dma_semaphore, #tpu.memory_space<semaphore_mem>>) src(%dma_wait3A_240 : memref<128xi32, #tpu.memory_space<hbm>>) dst(%arg6 : memref<128xi32, #tpu.memory_space<vmem>>)
        tpu.yield
      }) : () -> ()
      %dma_start3A_110 = arith.constant 0 : i32
      %dma_start3A_111 = arith.constant 0 : i32
      %dma_start3A_112 = tpu.memref_slice %arg2[%dma_start3A_110, %dma_start3A_111] : memref<10000x128xf32, #tpu.memory_space<hbm>> -> memref<10000x128xf32, #tpu.memory_space<hbm>>
      tpu.enqueue_indirect_dma source(%dma_start3A_112 : memref<10000x128xf32, #tpu.memory_space<hbm>>) target(%arg11 : memref<128x128xf32, #tpu.memory_space<vmem>>) offsets(%arg6 : memref<128xi32, #tpu.memory_space<vmem>>) semaphore(%arg15 : memref<!tpu.dma_semaphore, #tpu.memory_space<semaphore_mem>>)
      %dma_wait3A_113 = arith.constant 0 : i32
      %dma_wait3A_114 = arith.constant 0 : i32
      %dma_wait3A_115 = tpu.memref_slice %arg2[%dma_wait3A_113, %dma_wait3A_114] : memref<10000x128xf32, #tpu.memory_space<hbm>> -> memref<10000x128xf32, #tpu.memory_space<hbm>>
      tpu.wait_indirect_dma semaphore(%arg16 : memref<!tpu.dma_semaphore, #tpu.memory_space<semaphore_mem>>) src(%dma_wait3A_115 : memref<10000x128xf32, #tpu.memory_space<hbm>>) dst(%arg12 : memref<128x128xf32, #tpu.memory_space<vmem>>)
      %mul3A_116 = arith.constant 128 : i32
      %mul3A_117 = arith.muli %add3A_104, %mul3A_116 : i32
      %add3A_118 = arith.addi %mul3A_29, %mul3A_117 : i32
      %dma_wait3A_119 = tpu.memref_slice %arg4[%add3A_118] : memref<327680xi32, #tpu.memory_space<hbm>> -> memref<128xi32, #tpu.memory_space<hbm>>
      %dma_wait3A_120 = tpu.memref_slice %arg4[%add3A_118] : memref<327680xi32, #tpu.memory_space<hbm>> -> memref<128xi32, #tpu.memory_space<hbm>>
      tpu.wait_dma2 semaphore(%arg19 : memref<!tpu.dma_semaphore, #tpu.memory_space<semaphore_mem>>) src(%dma_wait3A_120 : memref<128xi32, #tpu.memory_space<hbm>>) dst(%arg10 : memref<128xi32, #tpu.memory_space<vmem>>)
      "tpu.region"() ({
        %run_scoped3A = tpu.sem_alloc : memref<!tpu.dma_semaphore, #tpu.memory_space<semaphore_mem>>
        %dma_start3A_237 = arith.constant 0 : i32
        %dma_start3A_238 = arith.constant 0 : i32
        %dma_start3A_239 = tpu.memref_slice %arg14[%dma_start3A_237, %dma_start3A_238] : memref<10112x128xf32, #tpu.memory_space<vmem_shared>> -> memref<10112x128xf32, #tpu.memory_space<vmem_shared>>
        tpu.enqueue_indirect_dma source(%arg12 : memref<128x128xf32, #tpu.memory_space<vmem>>) target(%dma_start3A_239 : memref<10112x128xf32, #tpu.memory_space<vmem_shared>>) offsets(%arg10 : memref<128xi32, #tpu.memory_space<vmem>>) semaphore(%run_scoped3A : memref<!tpu.dma_semaphore, #tpu.memory_space<semaphore_mem>>) {add = true}
        %dma_wait3A_240 = arith.constant 0 : i32
        %dma_wait3A_241 = arith.constant 0 : i32
        %dma_wait3A_242 = tpu.memref_slice %arg14[%dma_wait3A_240, %dma_wait3A_241] : memref<10112x128xf32, #tpu.memory_space<vmem_shared>> -> memref<10112x128xf32, #tpu.memory_space<vmem_shared>>
        tpu.wait_indirect_dma semaphore(%run_scoped3A : memref<!tpu.dma_semaphore, #tpu.memory_space<semaphore_mem>>) src(%arg12 : memref<128x128xf32, #tpu.memory_space<vmem>>) dst(%dma_wait3A_242 : memref<10112x128xf32, #tpu.memory_space<vmem_shared>>)
        tpu.yield
      }) : () -> ()
      %add3A_121 = arith.constant 2 : i32
      %add3A_122 = arith.addi %add3A_104, %add3A_121 : i32
      %mul3A_123 = arith.constant 128 : i32
      %mul3A_124 = arith.muli %add3A_122, %mul3A_123 : i32
      %add3A_125 = arith.addi %mul3A_29, %mul3A_124 : i32
      %dma_start3A_126 = tpu.memref_slice %arg4[%add3A_125] : memref<327680xi32, #tpu.memory_space<hbm>> -> memref<128xi32, #tpu.memory_space<hbm>>
      %dma_start3A_127 = tpu.memref_slice %arg4[%add3A_125] : memref<327680xi32, #tpu.memory_space<hbm>> -> memref<128xi32, #tpu.memory_space<hbm>>
      tpu.enqueue_dma source(%dma_start3A_127 : memref<128xi32, #tpu.memory_space<hbm>>) target(%arg10 : memref<128xi32, #tpu.memory_space<vmem>>) target_semaphore(%arg19 : memref<!tpu.dma_semaphore, #tpu.memory_space<semaphore_mem>>)
      %mul3A_128 = arith.constant 6 : i32
      %mul3A_129 = arith.muli %mul3A_128, %scan3A_72 : i32
      %add3A_130 = arith.constant 2 : i32
      %add3A_131 = arith.addi %mul3A_129, %add3A_130 : i32
      %add3A_132 = arith.constant 2 : i32
      %add3A_133 = arith.addi %add3A_131, %add3A_132 : i32
      %mul3A_134 = arith.constant 128 : i32
      %mul3A_135 = arith.muli %add3A_133, %mul3A_134 : i32
      %add3A_136 = arith.addi %mul3A_29, %mul3A_135 : i32
      "tpu.region"() ({
        %run_scoped3A = tpu.sem_alloc : memref<!tpu.dma_semaphore, #tpu.memory_space<semaphore_mem>>
        %dma_start3A_237 = tpu.memref_slice %arg3[%add3A_136] : memref<327680xi32, #tpu.memory_space<hbm>> -> memref<128xi32, #tpu.memory_space<hbm>>
        %dma_start3A_238 = tpu.memref_slice %arg3[%add3A_136] : memref<327680xi32, #tpu.memory_space<hbm>> -> memref<128xi32, #tpu.memory_space<hbm>>
        tpu.enqueue_dma source(%dma_start3A_238 : memref<128xi32, #tpu.memory_space<hbm>>) target(%arg7 : memref<128xi32, #tpu.memory_space<vmem>>) target_semaphore(%run_scoped3A : memref<!tpu.dma_semaphore, #tpu.memory_space<semaphore_mem>>)
        %dma_wait3A_239 = tpu.memref_slice %arg3[%add3A_136] : memref<327680xi32, #tpu.memory_space<hbm>> -> memref<128xi32, #tpu.memory_space<hbm>>
        %dma_wait3A_240 = tpu.memref_slice %arg3[%add3A_136] : memref<327680xi32, #tpu.memory_space<hbm>> -> memref<128xi32, #tpu.memory_space<hbm>>
        tpu.wait_dma2 semaphore(%run_scoped3A : memref<!tpu.dma_semaphore, #tpu.memory_space<semaphore_mem>>) src(%dma_wait3A_240 : memref<128xi32, #tpu.memory_space<hbm>>) dst(%arg7 : memref<128xi32, #tpu.memory_space<vmem>>)
        tpu.yield
      }) : () -> ()
      %dma_start3A_137 = arith.constant 0 : i32
      %dma_start3A_138 = arith.constant 0 : i32
      %dma_start3A_139 = tpu.memref_slice %arg2[%dma_start3A_137, %dma_start3A_138] : memref<10000x128xf32, #tpu.memory_space<hbm>> -> memref<10000x128xf32, #tpu.memory_space<hbm>>
      tpu.enqueue_indirect_dma source(%dma_start3A_139 : memref<10000x128xf32, #tpu.memory_space<hbm>>) target(%arg12 : memref<128x128xf32, #tpu.memory_space<vmem>>) offsets(%arg7 : memref<128xi32, #tpu.memory_space<vmem>>) semaphore(%arg16 : memref<!tpu.dma_semaphore, #tpu.memory_space<semaphore_mem>>)
      %dma_wait3A_140 = arith.constant 0 : i32
      %dma_wait3A_141 = arith.constant 0 : i32
      %dma_wait3A_142 = tpu.memref_slice %arg2[%dma_wait3A_140, %dma_wait3A_141] : memref<10000x128xf32, #tpu.memory_space<hbm>> -> memref<10000x128xf32, #tpu.memory_space<hbm>>
      tpu.wait_indirect_dma semaphore(%arg17 : memref<!tpu.dma_semaphore, #tpu.memory_space<semaphore_mem>>) src(%dma_wait3A_142 : memref<10000x128xf32, #tpu.memory_space<hbm>>) dst(%arg13 : memref<128x128xf32, #tpu.memory_space<vmem>>)
      %mul3A_143 = arith.constant 128 : i32
      %mul3A_144 = arith.muli %add3A_131, %mul3A_143 : i32
      %add3A_145 = arith.addi %mul3A_29, %mul3A_144 : i32
      %dma_wait3A_146 = tpu.memref_slice %arg4[%add3A_145] : memref<327680xi32, #tpu.memory_space<hbm>> -> memref<128xi32, #tpu.memory_space<hbm>>
      %dma_wait3A_147 = tpu.memref_slice %arg4[%add3A_145] : memref<327680xi32, #tpu.memory_space<hbm>> -> memref<128xi32, #tpu.memory_space<hbm>>
      tpu.wait_dma2 semaphore(%arg18 : memref<!tpu.dma_semaphore, #tpu.memory_space<semaphore_mem>>) src(%dma_wait3A_147 : memref<128xi32, #tpu.memory_space<hbm>>) dst(%arg9 : memref<128xi32, #tpu.memory_space<vmem>>)
      "tpu.region"() ({
        %run_scoped3A = tpu.sem_alloc : memref<!tpu.dma_semaphore, #tpu.memory_space<semaphore_mem>>
        %dma_start3A_237 = arith.constant 0 : i32
        %dma_start3A_238 = arith.constant 0 : i32
        %dma_start3A_239 = tpu.memref_slice %arg14[%dma_start3A_237, %dma_start3A_238] : memref<10112x128xf32, #tpu.memory_space<vmem_shared>> -> memref<10112x128xf32, #tpu.memory_space<vmem_shared>>
        tpu.enqueue_indirect_dma source(%arg13 : memref<128x128xf32, #tpu.memory_space<vmem>>) target(%dma_start3A_239 : memref<10112x128xf32, #tpu.memory_space<vmem_shared>>) offsets(%arg9 : memref<128xi32, #tpu.memory_space<vmem>>) semaphore(%run_scoped3A : memref<!tpu.dma_semaphore, #tpu.memory_space<semaphore_mem>>) {add = true}
        %dma_wait3A_240 = arith.constant 0 : i32
        %dma_wait3A_241 = arith.constant 0 : i32
        %dma_wait3A_242 = tpu.memref_slice %arg14[%dma_wait3A_240, %dma_wait3A_241] : memref<10112x128xf32, #tpu.memory_space<vmem_shared>> -> memref<10112x128xf32, #tpu.memory_space<vmem_shared>>
        tpu.wait_indirect_dma semaphore(%run_scoped3A : memref<!tpu.dma_semaphore, #tpu.memory_space<semaphore_mem>>) src(%arg13 : memref<128x128xf32, #tpu.memory_space<vmem>>) dst(%dma_wait3A_242 : memref<10112x128xf32, #tpu.memory_space<vmem_shared>>)
        tpu.yield
      }) : () -> ()
      %add3A_148 = arith.constant 2 : i32
      %add3A_149 = arith.addi %add3A_131, %add3A_148 : i32
      %mul3A_150 = arith.constant 128 : i32
      %mul3A_151 = arith.muli %add3A_149, %mul3A_150 : i32
      %add3A_152 = arith.addi %mul3A_29, %mul3A_151 : i32
      %dma_start3A_153 = tpu.memref_slice %arg4[%add3A_152] : memref<327680xi32, #tpu.memory_space<hbm>> -> memref<128xi32, #tpu.memory_space<hbm>>
      %dma_start3A_154 = tpu.memref_slice %arg4[%add3A_152] : memref<327680xi32, #tpu.memory_space<hbm>> -> memref<128xi32, #tpu.memory_space<hbm>>
      tpu.enqueue_dma source(%dma_start3A_154 : memref<128xi32, #tpu.memory_space<hbm>>) target(%arg9 : memref<128xi32, #tpu.memory_space<vmem>>) target_semaphore(%arg18 : memref<!tpu.dma_semaphore, #tpu.memory_space<semaphore_mem>>)
      %mul3A_155 = arith.constant 6 : i32
      %mul3A_156 = arith.muli %mul3A_155, %scan3A_72 : i32
      %add3A_157 = arith.constant 3 : i32
      %add3A_158 = arith.addi %mul3A_156, %add3A_157 : i32
      %add3A_159 = arith.constant 2 : i32
      %add3A_160 = arith.addi %add3A_158, %add3A_159 : i32
      %mul3A_161 = arith.constant 128 : i32
      %mul3A_162 = arith.muli %add3A_160, %mul3A_161 : i32
      %add3A_163 = arith.addi %mul3A_29, %mul3A_162 : i32
      "tpu.region"() ({
        %run_scoped3A = tpu.sem_alloc : memref<!tpu.dma_semaphore, #tpu.memory_space<semaphore_mem>>
        %dma_start3A_237 = tpu.memref_slice %arg3[%add3A_163] : memref<327680xi32, #tpu.memory_space<hbm>> -> memref<128xi32, #tpu.memory_space<hbm>>
        %dma_start3A_238 = tpu.memref_slice %arg3[%add3A_163] : memref<327680xi32, #tpu.memory_space<hbm>> -> memref<128xi32, #tpu.memory_space<hbm>>
        tpu.enqueue_dma source(%dma_start3A_238 : memref<128xi32, #tpu.memory_space<hbm>>) target(%arg8 : memref<128xi32, #tpu.memory_space<vmem>>) target_semaphore(%run_scoped3A : memref<!tpu.dma_semaphore, #tpu.memory_space<semaphore_mem>>)
        %dma_wait3A_239 = tpu.memref_slice %arg3[%add3A_163] : memref<327680xi32, #tpu.memory_space<hbm>> -> memref<128xi32, #tpu.memory_space<hbm>>
        %dma_wait3A_240 = tpu.memref_slice %arg3[%add3A_163] : memref<327680xi32, #tpu.memory_space<hbm>> -> memref<128xi32, #tpu.memory_space<hbm>>
        tpu.wait_dma2 semaphore(%run_scoped3A : memref<!tpu.dma_semaphore, #tpu.memory_space<semaphore_mem>>) src(%dma_wait3A_240 : memref<128xi32, #tpu.memory_space<hbm>>) dst(%arg8 : memref<128xi32, #tpu.memory_space<vmem>>)
        tpu.yield
      }) : () -> ()
      %dma_start3A_164 = arith.constant 0 : i32
      %dma_start3A_165 = arith.constant 0 : i32
      %dma_start3A_166 = tpu.memref_slice %arg2[%dma_start3A_164, %dma_start3A_165] : memref<10000x128xf32, #tpu.memory_space<hbm>> -> memref<10000x128xf32, #tpu.memory_space<hbm>>
      tpu.enqueue_indirect_dma source(%dma_start3A_166 : memref<10000x128xf32, #tpu.memory_space<hbm>>) target(%arg13 : memref<128x128xf32, #tpu.memory_space<vmem>>) offsets(%arg8 : memref<128xi32, #tpu.memory_space<vmem>>) semaphore(%arg17 : memref<!tpu.dma_semaphore, #tpu.memory_space<semaphore_mem>>)
      %dma_wait3A_167 = arith.constant 0 : i32
      %dma_wait3A_168 = arith.constant 0 : i32
      %dma_wait3A_169 = tpu.memref_slice %arg2[%dma_wait3A_167, %dma_wait3A_168] : memref<10000x128xf32, #tpu.memory_space<hbm>> -> memref<10000x128xf32, #tpu.memory_space<hbm>>
      tpu.wait_indirect_dma semaphore(%arg15 : memref<!tpu.dma_semaphore, #tpu.memory_space<semaphore_mem>>) src(%dma_wait3A_169 : memref<10000x128xf32, #tpu.memory_space<hbm>>) dst(%arg11 : memref<128x128xf32, #tpu.memory_space<vmem>>)
      %mul3A_170 = arith.constant 128 : i32
      %mul3A_171 = arith.muli %add3A_158, %mul3A_170 : i32
      %add3A_172 = arith.addi %mul3A_29, %mul3A_171 : i32
      %dma_wait3A_173 = tpu.memref_slice %arg4[%add3A_172] : memref<327680xi32, #tpu.memory_space<hbm>> -> memref<128xi32, #tpu.memory_space<hbm>>
      %dma_wait3A_174 = tpu.memref_slice %arg4[%add3A_172] : memref<327680xi32, #tpu.memory_space<hbm>> -> memref<128xi32, #tpu.memory_space<hbm>>
      tpu.wait_dma2 semaphore(%arg19 : memref<!tpu.dma_semaphore, #tpu.memory_space<semaphore_mem>>) src(%dma_wait3A_174 : memref<128xi32, #tpu.memory_space<hbm>>) dst(%arg10 : memref<128xi32, #tpu.memory_space<vmem>>)
      "tpu.region"() ({
        %run_scoped3A = tpu.sem_alloc : memref<!tpu.dma_semaphore, #tpu.memory_space<semaphore_mem>>
        %dma_start3A_237 = arith.constant 0 : i32
        %dma_start3A_238 = arith.constant 0 : i32
        %dma_start3A_239 = tpu.memref_slice %arg14[%dma_start3A_237, %dma_start3A_238] : memref<10112x128xf32, #tpu.memory_space<vmem_shared>> -> memref<10112x128xf32, #tpu.memory_space<vmem_shared>>
        tpu.enqueue_indirect_dma source(%arg11 : memref<128x128xf32, #tpu.memory_space<vmem>>) target(%dma_start3A_239 : memref<10112x128xf32, #tpu.memory_space<vmem_shared>>) offsets(%arg10 : memref<128xi32, #tpu.memory_space<vmem>>) semaphore(%run_scoped3A : memref<!tpu.dma_semaphore, #tpu.memory_space<semaphore_mem>>) {add = true}
        %dma_wait3A_240 = arith.constant 0 : i32
        %dma_wait3A_241 = arith.constant 0 : i32
        %dma_wait3A_242 = tpu.memref_slice %arg14[%dma_wait3A_240, %dma_wait3A_241] : memref<10112x128xf32, #tpu.memory_space<vmem_shared>> -> memref<10112x128xf32, #tpu.memory_space<vmem_shared>>
        tpu.wait_indirect_dma semaphore(%run_scoped3A : memref<!tpu.dma_semaphore, #tpu.memory_space<semaphore_mem>>) src(%arg11 : memref<128x128xf32, #tpu.memory_space<vmem>>) dst(%dma_wait3A_242 : memref<10112x128xf32, #tpu.memory_space<vmem_shared>>)
        tpu.yield
      }) : () -> ()
      %add3A_175 = arith.constant 2 : i32
      %add3A_176 = arith.addi %add3A_158, %add3A_175 : i32
      %mul3A_177 = arith.constant 128 : i32
      %mul3A_178 = arith.muli %add3A_176, %mul3A_177 : i32
      %add3A_179 = arith.addi %mul3A_29, %mul3A_178 : i32
      %dma_start3A_180 = tpu.memref_slice %arg4[%add3A_179] : memref<327680xi32, #tpu.memory_space<hbm>> -> memref<128xi32, #tpu.memory_space<hbm>>
      %dma_start3A_181 = tpu.memref_slice %arg4[%add3A_179] : memref<327680xi32, #tpu.memory_space<hbm>> -> memref<128xi32, #tpu.memory_space<hbm>>
      tpu.enqueue_dma source(%dma_start3A_181 : memref<128xi32, #tpu.memory_space<hbm>>) target(%arg10 : memref<128xi32, #tpu.memory_space<vmem>>) target_semaphore(%arg19 : memref<!tpu.dma_semaphore, #tpu.memory_space<semaphore_mem>>)
      %mul3A_182 = arith.constant 6 : i32
      %mul3A_183 = arith.muli %mul3A_182, %scan3A_72 : i32
      %add3A_184 = arith.constant 4 : i32
      %add3A_185 = arith.addi %mul3A_183, %add3A_184 : i32
      %add3A_186 = arith.constant 2 : i32
      %add3A_187 = arith.addi %add3A_185, %add3A_186 : i32
      %mul3A_188 = arith.constant 128 : i32
      %mul3A_189 = arith.muli %add3A_187, %mul3A_188 : i32
      %add3A_190 = arith.addi %mul3A_29, %mul3A_189 : i32
      "tpu.region"() ({
        %run_scoped3A = tpu.sem_alloc : memref<!tpu.dma_semaphore, #tpu.memory_space<semaphore_mem>>
        %dma_start3A_237 = tpu.memref_slice %arg3[%add3A_190] : memref<327680xi32, #tpu.memory_space<hbm>> -> memref<128xi32, #tpu.memory_space<hbm>>
        %dma_start3A_238 = tpu.memref_slice %arg3[%add3A_190] : memref<327680xi32, #tpu.memory_space<hbm>> -> memref<128xi32, #tpu.memory_space<hbm>>
        tpu.enqueue_dma source(%dma_start3A_238 : memref<128xi32, #tpu.memory_space<hbm>>) target(%arg6 : memref<128xi32, #tpu.memory_space<vmem>>) target_semaphore(%run_scoped3A : memref<!tpu.dma_semaphore, #tpu.memory_space<semaphore_mem>>)
        %dma_wait3A_239 = tpu.memref_slice %arg3[%add3A_190] : memref<327680xi32, #tpu.memory_space<hbm>> -> memref<128xi32, #tpu.memory_space<hbm>>
        %dma_wait3A_240 = tpu.memref_slice %arg3[%add3A_190] : memref<327680xi32, #tpu.memory_space<hbm>> -> memref<128xi32, #tpu.memory_space<hbm>>
        tpu.wait_dma2 semaphore(%run_scoped3A : memref<!tpu.dma_semaphore, #tpu.memory_space<semaphore_mem>>) src(%dma_wait3A_240 : memref<128xi32, #tpu.memory_space<hbm>>) dst(%arg6 : memref<128xi32, #tpu.memory_space<vmem>>)
        tpu.yield
      }) : () -> ()
      %dma_start3A_191 = arith.constant 0 : i32
      %dma_start3A_192 = arith.constant 0 : i32
      %dma_start3A_193 = tpu.memref_slice %arg2[%dma_start3A_191, %dma_start3A_192] : memref<10000x128xf32, #tpu.memory_space<hbm>> -> memref<10000x128xf32, #tpu.memory_space<hbm>>
      tpu.enqueue_indirect_dma source(%dma_start3A_193 : memref<10000x128xf32, #tpu.memory_space<hbm>>) target(%arg11 : memref<128x128xf32, #tpu.memory_space<vmem>>) offsets(%arg6 : memref<128xi32, #tpu.memory_space<vmem>>) semaphore(%arg15 : memref<!tpu.dma_semaphore, #tpu.memory_space<semaphore_mem>>)
      %dma_wait3A_194 = arith.constant 0 : i32
      %dma_wait3A_195 = arith.constant 0 : i32
      %dma_wait3A_196 = tpu.memref_slice %arg2[%dma_wait3A_194, %dma_wait3A_195] : memref<10000x128xf32, #tpu.memory_space<hbm>> -> memref<10000x128xf32, #tpu.memory_space<hbm>>
      tpu.wait_indirect_dma semaphore(%arg16 : memref<!tpu.dma_semaphore, #tpu.memory_space<semaphore_mem>>) src(%dma_wait3A_196 : memref<10000x128xf32, #tpu.memory_space<hbm>>) dst(%arg12 : memref<128x128xf32, #tpu.memory_space<vmem>>)
      %mul3A_197 = arith.constant 128 : i32
      %mul3A_198 = arith.muli %add3A_185, %mul3A_197 : i32
      %add3A_199 = arith.addi %mul3A_29, %mul3A_198 : i32
      %dma_wait3A_200 = tpu.memref_slice %arg4[%add3A_199] : memref<327680xi32, #tpu.memory_space<hbm>> -> memref<128xi32, #tpu.memory_space<hbm>>
      %dma_wait3A_201 = tpu.memref_slice %arg4[%add3A_199] : memref<327680xi32, #tpu.memory_space<hbm>> -> memref<128xi32, #tpu.memory_space<hbm>>
      tpu.wait_dma2 semaphore(%arg18 : memref<!tpu.dma_semaphore, #tpu.memory_space<semaphore_mem>>) src(%dma_wait3A_201 : memref<128xi32, #tpu.memory_space<hbm>>) dst(%arg9 : memref<128xi32, #tpu.memory_space<vmem>>)
      "tpu.region"() ({
        %run_scoped3A = tpu.sem_alloc : memref<!tpu.dma_semaphore, #tpu.memory_space<semaphore_mem>>
        %dma_start3A_237 = arith.constant 0 : i32
        %dma_start3A_238 = arith.constant 0 : i32
        %dma_start3A_239 = tpu.memref_slice %arg14[%dma_start3A_237, %dma_start3A_238] : memref<10112x128xf32, #tpu.memory_space<vmem_shared>> -> memref<10112x128xf32, #tpu.memory_space<vmem_shared>>
        tpu.enqueue_indirect_dma source(%arg12 : memref<128x128xf32, #tpu.memory_space<vmem>>) target(%dma_start3A_239 : memref<10112x128xf32, #tpu.memory_space<vmem_shared>>) offsets(%arg9 : memref<128xi32, #tpu.memory_space<vmem>>) semaphore(%run_scoped3A : memref<!tpu.dma_semaphore, #tpu.memory_space<semaphore_mem>>) {add = true}
        %dma_wait3A_240 = arith.constant 0 : i32
        %dma_wait3A_241 = arith.constant 0 : i32
        %dma_wait3A_242 = tpu.memref_slice %arg14[%dma_wait3A_240, %dma_wait3A_241] : memref<10112x128xf32, #tpu.memory_space<vmem_shared>> -> memref<10112x128xf32, #tpu.memory_space<vmem_shared>>
        tpu.wait_indirect_dma semaphore(%run_scoped3A : memref<!tpu.dma_semaphore, #tpu.memory_space<semaphore_mem>>) src(%arg12 : memref<128x128xf32, #tpu.memory_space<vmem>>) dst(%dma_wait3A_242 : memref<10112x128xf32, #tpu.memory_space<vmem_shared>>)
        tpu.yield
      }) : () -> ()
      %add3A_202 = arith.constant 2 : i32
      %add3A_203 = arith.addi %add3A_185, %add3A_202 : i32
      %mul3A_204 = arith.constant 128 : i32
      %mul3A_205 = arith.muli %add3A_203, %mul3A_204 : i32
      %add3A_206 = arith.addi %mul3A_29, %mul3A_205 : i32
      %dma_start3A_207 = tpu.memref_slice %arg4[%add3A_206] : memref<327680xi32, #tpu.memory_space<hbm>> -> memref<128xi32, #tpu.memory_space<hbm>>
      %dma_start3A_208 = tpu.memref_slice %arg4[%add3A_206] : memref<327680xi32, #tpu.memory_space<hbm>> -> memref<128xi32, #tpu.memory_space<hbm>>
      tpu.enqueue_dma source(%dma_start3A_208 : memref<128xi32, #tpu.memory_space<hbm>>) target(%arg9 : memref<128xi32, #tpu.memory_space<vmem>>) target_semaphore(%arg18 : memref<!tpu.dma_semaphore, #tpu.memory_space<semaphore_mem>>)
      %mul3A_209 = arith.constant 6 : i32
      %mul3A_210 = arith.muli %mul3A_209, %scan3A_72 : i32
      %add3A_211 = arith.constant 5 : i32
      %add3A_212 = arith.addi %mul3A_210, %add3A_211 : i32
      %add3A_213 = arith.constant 2 : i32
      %add3A_214 = arith.addi %add3A_212, %add3A_213 : i32
      %mul3A_215 = arith.constant 128 : i32
      %mul3A_216 = arith.muli %add3A_214, %mul3A_215 : i32
      %add3A_217 = arith.addi %mul3A_29, %mul3A_216 : i32
      "tpu.region"() ({
        %run_scoped3A = tpu.sem_alloc : memref<!tpu.dma_semaphore, #tpu.memory_space<semaphore_mem>>
        %dma_start3A_237 = tpu.memref_slice %arg3[%add3A_217] : memref<327680xi32, #tpu.memory_space<hbm>> -> memref<128xi32, #tpu.memory_space<hbm>>
        %dma_start3A_238 = tpu.memref_slice %arg3[%add3A_217] : memref<327680xi32, #tpu.memory_space<hbm>> -> memref<128xi32, #tpu.memory_space<hbm>>
        tpu.enqueue_dma source(%dma_start3A_238 : memref<128xi32, #tpu.memory_space<hbm>>) target(%arg7 : memref<128xi32, #tpu.memory_space<vmem>>) target_semaphore(%run_scoped3A : memref<!tpu.dma_semaphore, #tpu.memory_space<semaphore_mem>>)
        %dma_wait3A_239 = tpu.memref_slice %arg3[%add3A_217] : memref<327680xi32, #tpu.memory_space<hbm>> -> memref<128xi32, #tpu.memory_space<hbm>>
        %dma_wait3A_240 = tpu.memref_slice %arg3[%add3A_217] : memref<327680xi32, #tpu.memory_space<hbm>> -> memref<128xi32, #tpu.memory_space<hbm>>
        tpu.wait_dma2 semaphore(%run_scoped3A : memref<!tpu.dma_semaphore, #tpu.memory_space<semaphore_mem>>) src(%dma_wait3A_240 : memref<128xi32, #tpu.memory_space<hbm>>) dst(%arg7 : memref<128xi32, #tpu.memory_space<vmem>>)
        tpu.yield
      }) : () -> ()
      %dma_start3A_218 = arith.constant 0 : i32
      %dma_start3A_219 = arith.constant 0 : i32
      %dma_start3A_220 = tpu.memref_slice %arg2[%dma_start3A_218, %dma_start3A_219] : memref<10000x128xf32, #tpu.memory_space<hbm>> -> memref<10000x128xf32, #tpu.memory_space<hbm>>
      tpu.enqueue_indirect_dma source(%dma_start3A_220 : memref<10000x128xf32, #tpu.memory_space<hbm>>) target(%arg12 : memref<128x128xf32, #tpu.memory_space<vmem>>) offsets(%arg7 : memref<128xi32, #tpu.memory_space<vmem>>) semaphore(%arg16 : memref<!tpu.dma_semaphore, #tpu.memory_space<semaphore_mem>>)
      %dma_wait3A_221 = arith.constant 0 : i32
      %dma_wait3A_222 = arith.constant 0 : i32
      %dma_wait3A_223 = tpu.memref_slice %arg2[%dma_wait3A_221, %dma_wait3A_222] : memref<10000x128xf32, #tpu.memory_space<hbm>> -> memref<10000x128xf32, #tpu.memory_space<hbm>>
      tpu.wait_indirect_dma semaphore(%arg17 : memref<!tpu.dma_semaphore, #tpu.memory_space<semaphore_mem>>) src(%dma_wait3A_223 : memref<10000x128xf32, #tpu.memory_space<hbm>>) dst(%arg13 : memref<128x128xf32, #tpu.memory_space<vmem>>)
      %mul3A_224 = arith.constant 128 : i32
      %mul3A_225 = arith.muli %add3A_212, %mul3A_224 : i32
      %add3A_226 = arith.addi %mul3A_29, %mul3A_225 : i32
      %dma_wait3A_227 = tpu.memref_slice %arg4[%add3A_226] : memref<327680xi32, #tpu.memory_space<hbm>> -> memref<128xi32, #tpu.memory_space<hbm>>
      %dma_wait3A_228 = tpu.memref_slice %arg4[%add3A_226] : memref<327680xi32, #tpu.memory_space<hbm>> -> memref<128xi32, #tpu.memory_space<hbm>>
      tpu.wait_dma2 semaphore(%arg19 : memref<!tpu.dma_semaphore, #tpu.memory_space<semaphore_mem>>) src(%dma_wait3A_228 : memref<128xi32, #tpu.memory_space<hbm>>) dst(%arg10 : memref<128xi32, #tpu.memory_space<vmem>>)
      "tpu.region"() ({
        %run_scoped3A = tpu.sem_alloc : memref<!tpu.dma_semaphore, #tpu.memory_space<semaphore_mem>>
        %dma_start3A_237 = arith.constant 0 : i32
        %dma_start3A_238 = arith.constant 0 : i32
        %dma_start3A_239 = tpu.memref_slice %arg14[%dma_start3A_237, %dma_start3A_238] : memref<10112x128xf32, #tpu.memory_space<vmem_shared>> -> memref<10112x128xf32, #tpu.memory_space<vmem_shared>>
        tpu.enqueue_indirect_dma source(%arg13 : memref<128x128xf32, #tpu.memory_space<vmem>>) target(%dma_start3A_239 : memref<10112x128xf32, #tpu.memory_space<vmem_shared>>) offsets(%arg10 : memref<128xi32, #tpu.memory_space<vmem>>) semaphore(%run_scoped3A : memref<!tpu.dma_semaphore, #tpu.memory_space<semaphore_mem>>) {add = true}
        %dma_wait3A_240 = arith.constant 0 : i32
        %dma_wait3A_241 = arith.constant 0 : i32
        %dma_wait3A_242 = tpu.memref_slice %arg14[%dma_wait3A_240, %dma_wait3A_241] : memref<10112x128xf32, #tpu.memory_space<vmem_shared>> -> memref<10112x128xf32, #tpu.memory_space<vmem_shared>>
        tpu.wait_indirect_dma semaphore(%run_scoped3A : memref<!tpu.dma_semaphore, #tpu.memory_space<semaphore_mem>>) src(%arg13 : memref<128x128xf32, #tpu.memory_space<vmem>>) dst(%dma_wait3A_242 : memref<10112x128xf32, #tpu.memory_space<vmem_shared>>)
        tpu.yield
      }) : () -> ()
      %add3A_229 = arith.constant 2 : i32
      %add3A_230 = arith.addi %add3A_212, %add3A_229 : i32
      %mul3A_231 = arith.constant 128 : i32
      %mul3A_232 = arith.muli %add3A_230, %mul3A_231 : i32
      %add3A_233 = arith.addi %mul3A_29, %mul3A_232 : i32
      %dma_start3A_234 = tpu.memref_slice %arg4[%add3A_233] : memref<327680xi32, #tpu.memory_space<hbm>> -> memref<128xi32, #tpu.memory_space<hbm>>
      %dma_start3A_235 = tpu.memref_slice %arg4[%add3A_233] : memref<327680xi32, #tpu.memory_space<hbm>> -> memref<128xi32, #tpu.memory_space<hbm>>
      tpu.enqueue_dma source(%dma_start3A_235 : memref<128xi32, #tpu.memory_space<hbm>>) target(%arg10 : memref<128xi32, #tpu.memory_space<vmem>>) target_semaphore(%arg19 : memref<!tpu.dma_semaphore, #tpu.memory_space<semaphore_mem>>)
      %scan3A_236 = arith.constant 0 : i32
      scf.yield %scan3A_236 : i32
    }
    %scan3A_53 = arith.constant 13 : i32
    %dma_wait3A = arith.constant 0 : i32
    %dma_wait3A_54 = arith.constant 0 : i32
    %dma_wait3A_55 = tpu.memref_slice %arg2[%dma_wait3A, %dma_wait3A_54] : memref<10000x128xf32, #tpu.memory_space<hbm>> -> memref<10000x128xf32, #tpu.memory_space<hbm>>
    tpu.wait_indirect_dma semaphore(%arg15 : memref<!tpu.dma_semaphore, #tpu.memory_space<semaphore_mem>>) src(%dma_wait3A_55 : memref<10000x128xf32, #tpu.memory_space<hbm>>) dst(%arg11 : memref<128x128xf32, #tpu.memory_space<vmem>>)
    %add3A_56 = arith.constant 9984 : i32
    %add3A_57 = arith.addi %mul3A_29, %add3A_56 : i32
    %dma_wait3A_58 = tpu.memref_slice %arg4[%add3A_57] : memref<327680xi32, #tpu.memory_space<hbm>> -> memref<128xi32, #tpu.memory_space<hbm>>
    %dma_wait3A_59 = tpu.memref_slice %arg4[%add3A_57] : memref<327680xi32, #tpu.memory_space<hbm>> -> memref<128xi32, #tpu.memory_space<hbm>>
    tpu.wait_dma2 semaphore(%arg18 : memref<!tpu.dma_semaphore, #tpu.memory_space<semaphore_mem>>) src(%dma_wait3A_59 : memref<128xi32, #tpu.memory_space<hbm>>) dst(%arg9 : memref<128xi32, #tpu.memory_space<vmem>>)
    "tpu.region"() ({
      %run_scoped3A = tpu.sem_alloc : memref<!tpu.dma_semaphore, #tpu.memory_space<semaphore_mem>>
      %dma_start3A_72 = arith.constant 0 : i32
      %dma_start3A_73 = arith.constant 0 : i32
      %dma_start3A_74 = tpu.memref_slice %arg14[%dma_start3A_72, %dma_start3A_73] : memref<10112x128xf32, #tpu.memory_space<vmem_shared>> -> memref<10112x128xf32, #tpu.memory_space<vmem_shared>>
      tpu.enqueue_indirect_dma source(%arg11 : memref<128x128xf32, #tpu.memory_space<vmem>>) target(%dma_start3A_74 : memref<10112x128xf32, #tpu.memory_space<vmem_shared>>) offsets(%arg9 : memref<128xi32, #tpu.memory_space<vmem>>) semaphore(%run_scoped3A : memref<!tpu.dma_semaphore, #tpu.memory_space<semaphore_mem>>) {add = true}
      %dma_wait3A_75 = arith.constant 0 : i32
      %dma_wait3A_76 = arith.constant 0 : i32
      %dma_wait3A_77 = tpu.memref_slice %arg14[%dma_wait3A_75, %dma_wait3A_76] : memref<10112x128xf32, #tpu.memory_space<vmem_shared>> -> memref<10112x128xf32, #tpu.memory_space<vmem_shared>>
      tpu.wait_indirect_dma semaphore(%run_scoped3A : memref<!tpu.dma_semaphore, #tpu.memory_space<semaphore_mem>>) src(%arg11 : memref<128x128xf32, #tpu.memory_space<vmem>>) dst(%dma_wait3A_77 : memref<10112x128xf32, #tpu.memory_space<vmem_shared>>)
      tpu.yield
    }) : () -> ()
    %dma_wait3A_60 = arith.constant 0 : i32
    %dma_wait3A_61 = arith.constant 0 : i32
    %dma_wait3A_62 = tpu.memref_slice %arg2[%dma_wait3A_60, %dma_wait3A_61] : memref<10000x128xf32, #tpu.memory_space<hbm>> -> memref<10000x128xf32, #tpu.memory_space<hbm>>
    tpu.wait_indirect_dma semaphore(%arg16 : memref<!tpu.dma_semaphore, #tpu.memory_space<semaphore_mem>>) src(%dma_wait3A_62 : memref<10000x128xf32, #tpu.memory_space<hbm>>) dst(%arg12 : memref<128x128xf32, #tpu.memory_space<vmem>>)
    %add3A_63 = arith.constant 10112 : i32
    %add3A_64 = arith.addi %mul3A_29, %add3A_63 : i32
    %dma_wait3A_65 = tpu.memref_slice %arg4[%add3A_64] : memref<327680xi32, #tpu.memory_space<hbm>> -> memref<128xi32, #tpu.memory_space<hbm>>
    %dma_wait3A_66 = tpu.memref_slice %arg4[%add3A_64] : memref<327680xi32, #tpu.memory_space<hbm>> -> memref<128xi32, #tpu.memory_space<hbm>>
    tpu.wait_dma2 semaphore(%arg19 : memref<!tpu.dma_semaphore, #tpu.memory_space<semaphore_mem>>) src(%dma_wait3A_66 : memref<128xi32, #tpu.memory_space<hbm>>) dst(%arg10 : memref<128xi32, #tpu.memory_space<vmem>>)
    "tpu.region"() ({
      %run_scoped3A = tpu.sem_alloc : memref<!tpu.dma_semaphore, #tpu.memory_space<semaphore_mem>>
      %dma_start3A_72 = arith.constant 0 : i32
      %dma_start3A_73 = arith.constant 0 : i32
      %dma_start3A_74 = tpu.memref_slice %arg14[%dma_start3A_72, %dma_start3A_73] : memref<10112x128xf32, #tpu.memory_space<vmem_shared>> -> memref<10112x128xf32, #tpu.memory_space<vmem_shared>>
      tpu.enqueue_indirect_dma source(%arg12 : memref<128x128xf32, #tpu.memory_space<vmem>>) target(%dma_start3A_74 : memref<10112x128xf32, #tpu.memory_space<vmem_shared>>) offsets(%arg10 : memref<128xi32, #tpu.memory_space<vmem>>) semaphore(%run_scoped3A : memref<!tpu.dma_semaphore, #tpu.memory_space<semaphore_mem>>) {add = true}
      %dma_wait3A_75 = arith.constant 0 : i32
      %dma_wait3A_76 = arith.constant 0 : i32
      %dma_wait3A_77 = tpu.memref_slice %arg14[%dma_wait3A_75, %dma_wait3A_76] : memref<10112x128xf32, #tpu.memory_space<vmem_shared>> -> memref<10112x128xf32, #tpu.memory_space<vmem_shared>>
      tpu.wait_indirect_dma semaphore(%run_scoped3A : memref<!tpu.dma_semaphore, #tpu.memory_space<semaphore_mem>>) src(%arg12 : memref<128x128xf32, #tpu.memory_space<vmem>>) dst(%dma_wait3A_77 : memref<10112x128xf32, #tpu.memory_space<vmem_shared>>)
      tpu.yield
    }) : () -> ()
    %barrier3A_67 = arith.constant 0 : index
    tpu.barrier barrier_id(%barrier3A_67)
    %mul3A_68 = arith.constant 632 : i32
    %mul3A_69 = arith.muli %arg1, %mul3A_68 : i32
    %mul3A_70 = arith.constant 632 : i32
    %mul3A_71 = arith.muli %arg1, %mul3A_70 : i32
    "tpu.region"() ({
      %run_scoped3A = tpu.sem_alloc : memref<!tpu.dma_semaphore, #tpu.memory_space<semaphore_mem>>
      %dma_start3A_72 = arith.constant 0 : i32
      %dma_start3A_73 = tpu.memref_slice %arg5[%arg0, %mul3A_71, %dma_start3A_72] : memref<2x10112x128xf32, #tpu.memory_space<hbm>> -> memref<1x632x128xf32, #tpu.memory_space<hbm>>
      %dma_start3A_74 = tpu.memref_squeeze %dma_start3A_73 : memref<1x632x128xf32, #tpu.memory_space<hbm>> -> memref<632x128xf32, #tpu.memory_space<hbm>>
      %dma_start3A_75 = arith.constant 0 : i32
      %dma_start3A_76 = tpu.memref_slice %arg14[%mul3A_69, %dma_start3A_75] : memref<10112x128xf32, #tpu.memory_space<vmem_shared>> -> memref<632x128xf32, #tpu.memory_space<vmem_shared>>
      tpu.enqueue_dma source(%dma_start3A_76 : memref<632x128xf32, #tpu.memory_space<vmem_shared>>) target(%dma_start3A_74 : memref<632x128xf32, #tpu.memory_space<hbm>>) target_semaphore(%run_scoped3A : memref<!tpu.dma_semaphore, #tpu.memory_space<semaphore_mem>>)
      %dma_wait3A_77 = arith.constant 0 : i32
      %dma_wait3A_78 = tpu.memref_slice %arg5[%arg0, %mul3A_71, %dma_wait3A_77] : memref<2x10112x128xf32, #tpu.memory_space<hbm>> -> memref<1x632x128xf32, #tpu.memory_space<hbm>>
      %dma_wait3A_79 = tpu.memref_squeeze %dma_wait3A_78 : memref<1x632x128xf32, #tpu.memory_space<hbm>> -> memref<632x128xf32, #tpu.memory_space<hbm>>
      %dma_wait3A_80 = arith.constant 0 : i32
      %dma_wait3A_81 = tpu.memref_slice %arg14[%mul3A_69, %dma_wait3A_80] : memref<10112x128xf32, #tpu.memory_space<vmem_shared>> -> memref<632x128xf32, #tpu.memory_space<vmem_shared>>
      tpu.wait_dma2 semaphore(%run_scoped3A : memref<!tpu.dma_semaphore, #tpu.memory_space<semaphore_mem>>) src(%dma_wait3A_81 : memref<632x128xf32, #tpu.memory_space<vmem_shared>>) dst(%dma_wait3A_79 : memref<632x128xf32, #tpu.memory_space<hbm>>)
      tpu.yield
    }) : () -> ()
    return
  }
}

#map = affine_map<(d0, d1) -> (0, 0)>
#map1 = affine_map<(d0, d1) -> (0)>
#map2 = affine_map<(d0, d1) -> (0, 0, 0)>
module attributes {stable_mosaic.version = 14 : i64} {
  func.func @_sc_scatter_body(%arg0: i32, %arg1: i32, %arg2: memref<10000x128xf32, #tpu.memory_space<hbm>>, %arg3: memref<327680xi32, #tpu.memory_space<hbm>>, %arg4: memref<327680xi32, #tpu.memory_space<hbm>>, %arg5: memref<2x10112x128xf32, #tpu.memory_space<hbm>>, %arg6: memref<128xi32, #tpu.memory_space<vmem>>, %arg7: memref<128xi32, #tpu.memory_space<vmem>>, %arg8: memref<128xi32, #tpu.memory_space<vmem>>, %arg9: memref<128xi32, #tpu.memory_space<vmem>>, %arg10: memref<128xi32, #tpu.memory_space<vmem>>, %arg11: memref<128x128xf32, #tpu.memory_space<vmem>>, %arg12: memref<128x128xf32, #tpu.memory_space<vmem>>, %arg13: memref<128x128xf32, #tpu.memory_space<vmem>>, %arg14: memref<10112x128xf32, #tpu.memory_space<vmem_shared>>, %arg15: memref<!tpu.dma_semaphore, #tpu.memory_space<semaphore_mem>>, %arg16: memref<!tpu.dma_semaphore, #tpu.memory_space<semaphore_mem>>, %arg17: memref<!tpu.dma_semaphore, #tpu.memory_space<semaphore_mem>>, %arg18: memref<!tpu.dma_semaphore, #tpu.memory_space<semaphore_mem>>, %arg19: memref<!tpu.dma_semaphore, #tpu.memory_space<semaphore_mem>>) attributes {dimension_semantics = [#tpu.dimension_semantics<core_parallel>, #tpu.dimension_semantics<subcore_parallel>], iteration_bounds = array<i64: 2, 16>, scalar_prefetch = 0 : i64, scratch_operands = 14 : i64, tpu.core_type = #tpu.core_type<sc_vector_subcore>, window_params = [{transform_indices = #map}, {transform_indices = #map1}, {transform_indices = #map1}, {transform_indices = #map2}]} {
    %mul3A = arith.constant 16 : i32
    %mul3A_0 = arith.muli %arg0, %mul3A : i32
    %add3A = arith.addi %mul3A_0, %arg1 : i32
    %broadcast_in_dim3A = arith.constant 0.000000e+00 : f32
    %broadcast_in_dim3A_1 = vector.broadcast %broadcast_in_dim3A : f32 to vector<16xf32>
    %scan3A = arith.constant 0 : i32
    %scan3A_2 = arith.constant 0 : i32
    %scan3A_3 = arith.constant 1024 : i32
    %scan3A_4 = arith.addi %scan3A_2, %scan3A_3 : i32
    %scan3A_5 = arith.constant 1 : i32
    %scan3A_6 = scf.for %scan3A_72 = %scan3A_2 to %scan3A_4 step %scan3A_5 iter_args(%scan3A_73 = %scan3A) -> (i32)  : i32 {
      %jit3A = arith.constant 8 : i32
      %div3A = arith.divsi %scan3A_72, %jit3A : i32
      %sign3A = arith.constant 0 : i32
      %sign3A_74 = arith.cmpi sgt, %scan3A_72, %sign3A : i32
      %sign3A_75 = arith.extui %sign3A_74 : i1 to i32
      %sign3A_76 = arith.constant 0 : i32
      %sign3A_77 = arith.cmpi slt, %scan3A_72, %sign3A_76 : i32
      %sign3A_78 = arith.extui %sign3A_77 : i1 to i32
      %sign3A_79 = arith.subi %sign3A_75, %sign3A_78 : i32
      %sign3A_80 = arith.constant 0 : i32
      %sign3A_81 = arith.cmpi sgt, %jit3A, %sign3A_80 : i32
      %sign3A_82 = arith.extui %sign3A_81 : i1 to i32
      %sign3A_83 = arith.constant 0 : i32
      %sign3A_84 = arith.cmpi slt, %jit3A, %sign3A_83 : i32
      %sign3A_85 = arith.extui %sign3A_84 : i1 to i32
      %sign3A_86 = arith.subi %sign3A_82, %sign3A_85 : i32
      %ne3A = arith.cmpi ne, %sign3A_79, %sign3A_86 : i32
      %rem3A = arith.remsi %scan3A_72, %jit3A : i32
      %ne3A_87 = arith.constant 0 : i32
      %ne3A_88 = arith.cmpi ne, %rem3A, %ne3A_87 : i32
      %and3A = arith.andi %ne3A, %ne3A_88 : i1
      %sub3A = arith.constant 1 : i32
      %sub3A_89 = arith.subi %div3A, %sub3A : i32
      %select_n3A = arith.select %and3A, %sub3A_89, %div3A : i32
      %jit3A_90 = arith.constant 8 : i32
      %eq3A = arith.constant 0 : i32
      %eq3A_91 = arith.cmpi eq, %jit3A_90, %eq3A : i32
      %jit3A_92 = arith.constant 1 : i32
      %select_n3A_93 = arith.select %eq3A_91, %jit3A_92, %jit3A_90 : i32
      %rem3A_94 = arith.remsi %scan3A_72, %select_n3A_93 : i32
      %ne3A_95 = arith.constant 0 : i32
      %ne3A_96 = arith.cmpi ne, %rem3A_94, %ne3A_95 : i32
      %lt3A = arith.constant 0 : i32
      %lt3A_97 = arith.cmpi slt, %rem3A_94, %lt3A : i32
      %lt3A_98 = arith.constant 0 : i32
      %lt3A_99 = arith.cmpi slt, %select_n3A_93, %lt3A_98 : i32
      %ne3A_100 = arith.xori %lt3A_97, %lt3A_99 : i1
      %and3A_101 = arith.andi %ne3A_100, %ne3A_96 : i1
      %add3A_102 = arith.addi %rem3A_94, %select_n3A_93 : i32
      %select_n3A_103 = arith.select %and3A_101, %add3A_102, %rem3A_94 : i32
      %mul3A_104 = arith.constant 16 : i32
      %mul3A_105 = arith.muli %select_n3A_103, %mul3A_104 : i32
      %swap3A = arith.index_cast %select_n3A : i32 to index
      %swap3A_106 = arith.index_cast %mul3A_105 : i32 to index
      %swap3A_107 = tpu.vector_load %arg11[%swap3A, %swap3A_106] {strides = array<i32>} : memref<128x128xf32, #tpu.memory_space<vmem>>, vector<1x16xf32>,
      %swap3A_108 = vector.shape_cast %swap3A_107 : vector<1x16xf32> to vector<16xf32>
      %swap3A_109 = vector.shape_cast %broadcast_in_dim3A_1 : vector<16xf32> to vector<1x16xf32>
      tpu.vector_store %arg11[%swap3A, %swap3A_106], %swap3A_109 {strides = array<i32>} : memref<128x128xf32, #tpu.memory_space<vmem>>, vector<1x16xf32>,
      %scan3A_110 = arith.constant 0 : i32
      scf.yield %scan3A_110 : i32
    }
    %scan3A_7 = arith.constant 1024 : i32
    %mul3A_8 = arith.constant 632 : i32
    %mul3A_9 = arith.muli %arg1, %mul3A_8 : i32
    %add3A_10 = arith.constant 0 : i32
    %add3A_11 = arith.addi %mul3A_9, %add3A_10 : i32
    "tpu.region"() ({
      %run_scoped3A = tpu.sem_alloc : memref<!tpu.dma_semaphore, #tpu.memory_space<semaphore_mem>>
      %dma_start3A_72 = arith.constant 0 : i32
      %dma_start3A_73 = tpu.memref_slice %arg14[%add3A_11, %dma_start3A_72] : memref<10112x128xf32, #tpu.memory_space<vmem_shared>> -> memref<128x128xf32, #tpu.memory_space<vmem_shared>>
      %dma_start3A_74 = arith.constant 0 : i32
      %dma_start3A_75 = tpu.memref_slice %arg14[%add3A_11, %dma_start3A_74] : memref<10112x128xf32, #tpu.memory_space<vmem_shared>> -> memref<128x128xf32, #tpu.memory_space<vmem_shared>>
      tpu.enqueue_dma source(%arg11 : memref<128x128xf32, #tpu.memory_space<vmem>>) target(%dma_start3A_75 : memref<128x128xf32, #tpu.memory_space<vmem_shared>>) target_semaphore(%run_scoped3A : memref<!tpu.dma_semaphore, #tpu.memory_space<semaphore_mem>>)
      %dma_wait3A_76 = arith.constant 0 : i32
      %dma_wait3A_77 = tpu.memref_slice %arg14[%add3A_11, %dma_wait3A_76] : memref<10112x128xf32, #tpu.memory_space<vmem_shared>> -> memref<128x128xf32, #tpu.memory_space<vmem_shared>>
      %dma_wait3A_78 = arith.constant 0 : i32
      %dma_wait3A_79 = tpu.memref_slice %arg14[%add3A_11, %dma_wait3A_78] : memref<10112x128xf32, #tpu.memory_space<vmem_shared>> -> memref<128x128xf32, #tpu.memory_space<vmem_shared>>
      tpu.wait_dma2 semaphore(%run_scoped3A : memref<!tpu.dma_semaphore, #tpu.memory_space<semaphore_mem>>) src(%arg11 : memref<128x128xf32, #tpu.memory_space<vmem>>) dst(%dma_wait3A_79 : memref<128x128xf32, #tpu.memory_space<vmem_shared>>)
      tpu.yield
    }) : () -> ()
    %mul3A_12 = arith.constant 632 : i32
    %mul3A_13 = arith.muli %arg1, %mul3A_12 : i32
    %add3A_14 = arith.constant 128 : i32
    %add3A_15 = arith.addi %mul3A_13, %add3A_14 : i32
    "tpu.region"() ({
      %run_scoped3A = tpu.sem_alloc : memref<!tpu.dma_semaphore, #tpu.memory_space<semaphore_mem>>
      %dma_start3A_72 = arith.constant 0 : i32
      %dma_start3A_73 = tpu.memref_slice %arg14[%add3A_15, %dma_start3A_72] : memref<10112x128xf32, #tpu.memory_space<vmem_shared>> -> memref<128x128xf32, #tpu.memory_space<vmem_shared>>
      %dma_start3A_74 = arith.constant 0 : i32
      %dma_start3A_75 = tpu.memref_slice %arg14[%add3A_15, %dma_start3A_74] : memref<10112x128xf32, #tpu.memory_space<vmem_shared>> -> memref<128x128xf32, #tpu.memory_space<vmem_shared>>
      tpu.enqueue_dma source(%arg11 : memref<128x128xf32, #tpu.memory_space<vmem>>) target(%dma_start3A_75 : memref<128x128xf32, #tpu.memory_space<vmem_shared>>) target_semaphore(%run_scoped3A : memref<!tpu.dma_semaphore, #tpu.memory_space<semaphore_mem>>)
      %dma_wait3A_76 = arith.constant 0 : i32
      %dma_wait3A_77 = tpu.memref_slice %arg14[%add3A_15, %dma_wait3A_76] : memref<10112x128xf32, #tpu.memory_space<vmem_shared>> -> memref<128x128xf32, #tpu.memory_space<vmem_shared>>
      %dma_wait3A_78 = arith.constant 0 : i32
      %dma_wait3A_79 = tpu.memref_slice %arg14[%add3A_15, %dma_wait3A_78] : memref<10112x128xf32, #tpu.memory_space<vmem_shared>> -> memref<128x128xf32, #tpu.memory_space<vmem_shared>>
      tpu.wait_dma2 semaphore(%run_scoped3A : memref<!tpu.dma_semaphore, #tpu.memory_space<semaphore_mem>>) src(%arg11 : memref<128x128xf32, #tpu.memory_space<vmem>>) dst(%dma_wait3A_79 : memref<128x128xf32, #tpu.memory_space<vmem_shared>>)
      tpu.yield
    }) : () -> ()
    %mul3A_16 = arith.constant 632 : i32
    %mul3A_17 = arith.muli %arg1, %mul3A_16 : i32
    %add3A_18 = arith.constant 256 : i32
    %add3A_19 = arith.addi %mul3A_17, %add3A_18 : i32
    "tpu.region"() ({
      %run_scoped3A = tpu.sem_alloc : memref<!tpu.dma_semaphore, #tpu.memory_space<semaphore_mem>>
      %dma_start3A_72 = arith.constant 0 : i32
      %dma_start3A_73 = tpu.memref_slice %arg14[%add3A_19, %dma_start3A_72] : memref<10112x128xf32, #tpu.memory_space<vmem_shared>> -> memref<128x128xf32, #tpu.memory_space<vmem_shared>>
      %dma_start3A_74 = arith.constant 0 : i32
      %dma_start3A_75 = tpu.memref_slice %arg14[%add3A_19, %dma_start3A_74] : memref<10112x128xf32, #tpu.memory_space<vmem_shared>> -> memref<128x128xf32, #tpu.memory_space<vmem_shared>>
      tpu.enqueue_dma source(%arg11 : memref<128x128xf32, #tpu.memory_space<vmem>>) target(%dma_start3A_75 : memref<128x128xf32, #tpu.memory_space<vmem_shared>>) target_semaphore(%run_scoped3A : memref<!tpu.dma_semaphore, #tpu.memory_space<semaphore_mem>>)
      %dma_wait3A_76 = arith.constant 0 : i32
      %dma_wait3A_77 = tpu.memref_slice %arg14[%add3A_19, %dma_wait3A_76] : memref<10112x128xf32, #tpu.memory_space<vmem_shared>> -> memref<128x128xf32, #tpu.memory_space<vmem_shared>>
      %dma_wait3A_78 = arith.constant 0 : i32
      %dma_wait3A_79 = tpu.memref_slice %arg14[%add3A_19, %dma_wait3A_78] : memref<10112x128xf32, #tpu.memory_space<vmem_shared>> -> memref<128x128xf32, #tpu.memory_space<vmem_shared>>
      tpu.wait_dma2 semaphore(%run_scoped3A : memref<!tpu.dma_semaphore, #tpu.memory_space<semaphore_mem>>) src(%arg11 : memref<128x128xf32, #tpu.memory_space<vmem>>) dst(%dma_wait3A_79 : memref<128x128xf32, #tpu.memory_space<vmem_shared>>)
      tpu.yield
    }) : () -> ()
    %mul3A_20 = arith.constant 632 : i32
    %mul3A_21 = arith.muli %arg1, %mul3A_20 : i32
    %add3A_22 = arith.constant 384 : i32
    %add3A_23 = arith.addi %mul3A_21, %add3A_22 : i32
    "tpu.region"() ({
      %run_scoped3A = tpu.sem_alloc : memref<!tpu.dma_semaphore, #tpu.memory_space<semaphore_mem>>
      %dma_start3A_72 = arith.constant 0 : i32
      %dma_start3A_73 = tpu.memref_slice %arg14[%add3A_23, %dma_start3A_72] : memref<10112x128xf32, #tpu.memory_space<vmem_shared>> -> memref<128x128xf32, #tpu.memory_space<vmem_shared>>
      %dma_start3A_74 = arith.constant 0 : i32
      %dma_start3A_75 = tpu.memref_slice %arg14[%add3A_23, %dma_start3A_74] : memref<10112x128xf32, #tpu.memory_space<vmem_shared>> -> memref<128x128xf32, #tpu.memory_space<vmem_shared>>
      tpu.enqueue_dma source(%arg11 : memref<128x128xf32, #tpu.memory_space<vmem>>) target(%dma_start3A_75 : memref<128x128xf32, #tpu.memory_space<vmem_shared>>) target_semaphore(%run_scoped3A : memref<!tpu.dma_semaphore, #tpu.memory_space<semaphore_mem>>)
      %dma_wait3A_76 = arith.constant 0 : i32
      %dma_wait3A_77 = tpu.memref_slice %arg14[%add3A_23, %dma_wait3A_76] : memref<10112x128xf32, #tpu.memory_space<vmem_shared>> -> memref<128x128xf32, #tpu.memory_space<vmem_shared>>
      %dma_wait3A_78 = arith.constant 0 : i32
      %dma_wait3A_79 = tpu.memref_slice %arg14[%add3A_23, %dma_wait3A_78] : memref<10112x128xf32, #tpu.memory_space<vmem_shared>> -> memref<128x128xf32, #tpu.memory_space<vmem_shared>>
      tpu.wait_dma2 semaphore(%run_scoped3A : memref<!tpu.dma_semaphore, #tpu.memory_space<semaphore_mem>>) src(%arg11 : memref<128x128xf32, #tpu.memory_space<vmem>>) dst(%dma_wait3A_79 : memref<128x128xf32, #tpu.memory_space<vmem_shared>>)
      tpu.yield
    }) : () -> ()
    %mul3A_24 = arith.constant 632 : i32
    %mul3A_25 = arith.muli %arg1, %mul3A_24 : i32
    %add3A_26 = arith.constant 512 : i32
    %add3A_27 = arith.addi %mul3A_25, %add3A_26 : i32
    "tpu.region"() ({
      %run_scoped3A = tpu.sem_alloc : memref<!tpu.dma_semaphore, #tpu.memory_space<semaphore_mem>>
      %dma_start3A_72 = arith.constant 0 : i32
      %dma_start3A_73 = arith.constant 0 : i32
      %dma_start3A_74 = tpu.memref_slice %arg11[%dma_start3A_72, %dma_start3A_73] : memref<128x128xf32, #tpu.memory_space<vmem>> -> memref<120x128xf32, #tpu.memory_space<vmem>>
      %dma_start3A_75 = arith.constant 0 : i32
      %dma_start3A_76 = tpu.memref_slice %arg14[%add3A_27, %dma_start3A_75] : memref<10112x128xf32, #tpu.memory_space<vmem_shared>> -> memref<120x128xf32, #tpu.memory_space<vmem_shared>>
      %dma_start3A_77 = arith.constant 0 : i32
      %dma_start3A_78 = tpu.memref_slice %arg14[%add3A_27, %dma_start3A_77] : memref<10112x128xf32, #tpu.memory_space<vmem_shared>> -> memref<120x128xf32, #tpu.memory_space<vmem_shared>>
      %dma_start3A_79 = arith.constant 0 : i32
      %dma_start3A_80 = arith.constant 0 : i32
      %dma_start3A_81 = tpu.memref_slice %arg11[%dma_start3A_79, %dma_start3A_80] : memref<128x128xf32, #tpu.memory_space<vmem>> -> memref<120x128xf32, #tpu.memory_space<vmem>>
      tpu.enqueue_dma source(%dma_start3A_81 : memref<120x128xf32, #tpu.memory_space<vmem>>) target(%dma_start3A_78 : memref<120x128xf32, #tpu.memory_space<vmem_shared>>) target_semaphore(%run_scoped3A : memref<!tpu.dma_semaphore, #tpu.memory_space<semaphore_mem>>)
      %dma_wait3A_82 = arith.constant 0 : i32
      %dma_wait3A_83 = arith.constant 0 : i32
      %dma_wait3A_84 = tpu.memref_slice %arg11[%dma_wait3A_82, %dma_wait3A_83] : memref<128x128xf32, #tpu.memory_space<vmem>> -> memref<120x128xf32, #tpu.memory_space<vmem>>
      %dma_wait3A_85 = arith.constant 0 : i32
      %dma_wait3A_86 = tpu.memref_slice %arg14[%add3A_27, %dma_wait3A_85] : memref<10112x128xf32, #tpu.memory_space<vmem_shared>> -> memref<120x128xf32, #tpu.memory_space<vmem_shared>>
      %dma_wait3A_87 = arith.constant 0 : i32
      %dma_wait3A_88 = tpu.memref_slice %arg14[%add3A_27, %dma_wait3A_87] : memref<10112x128xf32, #tpu.memory_space<vmem_shared>> -> memref<120x128xf32, #tpu.memory_space<vmem_shared>>
      %dma_wait3A_89 = arith.constant 0 : i32
      %dma_wait3A_90 = arith.constant 0 : i32
      %dma_wait3A_91 = tpu.memref_slice %arg11[%dma_wait3A_89, %dma_wait3A_90] : memref<128x128xf32, #tpu.memory_space<vmem>> -> memref<120x128xf32, #tpu.memory_space<vmem>>
      tpu.wait_dma2 semaphore(%run_scoped3A : memref<!tpu.dma_semaphore, #tpu.memory_space<semaphore_mem>>) src(%dma_wait3A_91 : memref<120x128xf32, #tpu.memory_space<vmem>>) dst(%dma_wait3A_88 : memref<120x128xf32, #tpu.memory_space<vmem_shared>>)
      tpu.yield
    }) : () -> ()
    %barrier3A = arith.constant 0 : index
    tpu.barrier barrier_id(%barrier3A)
    %mul3A_28 = arith.constant 10240 : i32
    %mul3A_29 = arith.muli %add3A, %mul3A_28 : i32
    %add3A_30 = arith.constant 0 : i32
    %add3A_31 = arith.addi %mul3A_29, %add3A_30 : i32
    "tpu.region"() ({
      %run_scoped3A = tpu.sem_alloc : memref<!tpu.dma_semaphore, #tpu.memory_space<semaphore_mem>>
      %dma_start3A_72 = tpu.memref_slice %arg3[%add3A_31] : memref<327680xi32, #tpu.memory_space<hbm>> -> memref<128xi32, #tpu.memory_space<hbm>>
      %dma_start3A_73 = tpu.memref_slice %arg3[%add3A_31] : memref<327680xi32, #tpu.memory_space<hbm>> -> memref<128xi32, #tpu.memory_space<hbm>>
      tpu.enqueue_dma source(%dma_start3A_73 : memref<128xi32, #tpu.memory_space<hbm>>) target(%arg6 : memref<128xi32, #tpu.memory_space<vmem>>) target_semaphore(%run_scoped3A : memref<!tpu.dma_semaphore, #tpu.memory_space<semaphore_mem>>)
      %dma_wait3A_74 = tpu.memref_slice %arg3[%add3A_31] : memref<327680xi32, #tpu.memory_space<hbm>> -> memref<128xi32, #tpu.memory_space<hbm>>
      %dma_wait3A_75 = tpu.memref_slice %arg3[%add3A_31] : memref<327680xi32, #tpu.memory_space<hbm>> -> memref<128xi32, #tpu.memory_space<hbm>>
      tpu.wait_dma2 semaphore(%run_scoped3A : memref<!tpu.dma_semaphore, #tpu.memory_space<semaphore_mem>>) src(%dma_wait3A_75 : memref<128xi32, #tpu.memory_space<hbm>>) dst(%arg6 : memref<128xi32, #tpu.memory_space<vmem>>)
      tpu.yield
    }) : () -> ()
    %dma_start3A = arith.constant 0 : i32
    %dma_start3A_32 = arith.constant 0 : i32
    %dma_start3A_33 = tpu.memref_slice %arg2[%dma_start3A, %dma_start3A_32] : memref<10000x128xf32, #tpu.memory_space<hbm>> -> memref<10000x128xf32, #tpu.memory_space<hbm>>
    tpu.enqueue_indirect_dma source(%dma_start3A_33 : memref<10000x128xf32, #tpu.memory_space<hbm>>) target(%arg11 : memref<128x128xf32, #tpu.memory_space<vmem>>) offsets(%arg6 : memref<128xi32, #tpu.memory_space<vmem>>) semaphore(%arg15 : memref<!tpu.dma_semaphore, #tpu.memory_space<semaphore_mem>>)
    %add3A_34 = arith.constant 128 : i32
    %add3A_35 = arith.addi %mul3A_29, %add3A_34 : i32
    "tpu.region"() ({
      %run_scoped3A = tpu.sem_alloc : memref<!tpu.dma_semaphore, #tpu.memory_space<semaphore_mem>>
      %dma_start3A_72 = tpu.memref_slice %arg3[%add3A_35] : memref<327680xi32, #tpu.memory_space<hbm>> -> memref<128xi32, #tpu.memory_space<hbm>>
      %dma_start3A_73 = tpu.memref_slice %arg3[%add3A_35] : memref<327680xi32, #tpu.memory_space<hbm>> -> memref<128xi32, #tpu.memory_space<hbm>>
      tpu.enqueue_dma source(%dma_start3A_73 : memref<128xi32, #tpu.memory_space<hbm>>) target(%arg7 : memref<128xi32, #tpu.memory_space<vmem>>) target_semaphore(%run_scoped3A : memref<!tpu.dma_semaphore, #tpu.memory_space<semaphore_mem>>)
      %dma_wait3A_74 = tpu.memref_slice %arg3[%add3A_35] : memref<327680xi32, #tpu.memory_space<hbm>> -> memref<128xi32, #tpu.memory_space<hbm>>
      %dma_wait3A_75 = tpu.memref_slice %arg3[%add3A_35] : memref<327680xi32, #tpu.memory_space<hbm>> -> memref<128xi32, #tpu.memory_space<hbm>>
      tpu.wait_dma2 semaphore(%run_scoped3A : memref<!tpu.dma_semaphore, #tpu.memory_space<semaphore_mem>>) src(%dma_wait3A_75 : memref<128xi32, #tpu.memory_space<hbm>>) dst(%arg7 : memref<128xi32, #tpu.memory_space<vmem>>)
      tpu.yield
    }) : () -> ()
    %dma_start3A_36 = arith.constant 0 : i32
    %dma_start3A_37 = arith.constant 0 : i32
    %dma_start3A_38 = tpu.memref_slice %arg2[%dma_start3A_36, %dma_start3A_37] : memref<10000x128xf32, #tpu.memory_space<hbm>> -> memref<10000x128xf32, #tpu.memory_space<hbm>>
    tpu.enqueue_indirect_dma source(%dma_start3A_38 : memref<10000x128xf32, #tpu.memory_space<hbm>>) target(%arg12 : memref<128x128xf32, #tpu.memory_space<vmem>>) offsets(%arg7 : memref<128xi32, #tpu.memory_space<vmem>>) semaphore(%arg16 : memref<!tpu.dma_semaphore, #tpu.memory_space<semaphore_mem>>)
    %add3A_39 = arith.constant 0 : i32
    %add3A_40 = arith.addi %mul3A_29, %add3A_39 : i32
    %dma_start3A_41 = tpu.memref_slice %arg4[%add3A_40] : memref<327680xi32, #tpu.memory_space<hbm>> -> memref<128xi32, #tpu.memory_space<hbm>>
    %dma_start3A_42 = tpu.memref_slice %arg4[%add3A_40] : memref<327680xi32, #tpu.memory_space<hbm>> -> memref<128xi32, #tpu.memory_space<hbm>>
    tpu.enqueue_dma source(%dma_start3A_42 : memref<128xi32, #tpu.memory_space<hbm>>) target(%arg9 : memref<128xi32, #tpu.memory_space<vmem>>) target_semaphore(%arg18 : memref<!tpu.dma_semaphore, #tpu.memory_space<semaphore_mem>>)
    %add3A_43 = arith.constant 128 : i32
    %add3A_44 = arith.addi %mul3A_29, %add3A_43 : i32
    %dma_start3A_45 = tpu.memref_slice %arg4[%add3A_44] : memref<327680xi32, #tpu.memory_space<hbm>> -> memref<128xi32, #tpu.memory_space<hbm>>
    %dma_start3A_46 = tpu.memref_slice %arg4[%add3A_44] : memref<327680xi32, #tpu.memory_space<hbm>> -> memref<128xi32, #tpu.memory_space<hbm>>
    tpu.enqueue_dma source(%dma_start3A_46 : memref<128xi32, #tpu.memory_space<hbm>>) target(%arg10 : memref<128xi32, #tpu.memory_space<vmem>>) target_semaphore(%arg19 : memref<!tpu.dma_semaphore, #tpu.memory_space<semaphore_mem>>)
    %scan3A_47 = arith.constant 0 : i32
    %scan3A_48 = arith.constant 0 : i32
    %scan3A_49 = arith.constant 13 : i32
    %scan3A_50 = arith.addi %scan3A_48, %scan3A_49 : i32
    %scan3A_51 = arith.constant 1 : i32
    %scan3A_52 = scf.for %scan3A_72 = %scan3A_48 to %scan3A_50 step %scan3A_51 iter_args(%scan3A_73 = %scan3A_47) -> (i32)  : i32 {
      %mul3A_74 = arith.constant 6 : i32
      %mul3A_75 = arith.muli %mul3A_74, %scan3A_72 : i32
      %add3A_76 = arith.constant 0 : i32
      %add3A_77 = arith.addi %mul3A_75, %add3A_76 : i32
      %add3A_78 = arith.constant 2 : i32
      %add3A_79 = arith.addi %add3A_77, %add3A_78 : i32
      %mul3A_80 = arith.constant 128 : i32
      %mul3A_81 = arith.muli %add3A_79, %mul3A_80 : i32
      %add3A_82 = arith.addi %mul3A_29, %mul3A_81 : i32
      "tpu.region"() ({
        %run_scoped3A = tpu.sem_alloc : memref<!tpu.dma_semaphore, #tpu.memory_space<semaphore_mem>>
        %dma_start3A_237 = tpu.memref_slice %arg3[%add3A_82] : memref<327680xi32, #tpu.memory_space<hbm>> -> memref<128xi32, #tpu.memory_space<hbm>>
        %dma_start3A_238 = tpu.memref_slice %arg3[%add3A_82] : memref<327680xi32, #tpu.memory_space<hbm>> -> memref<128xi32, #tpu.memory_space<hbm>>
        tpu.enqueue_dma source(%dma_start3A_238 : memref<128xi32, #tpu.memory_space<hbm>>) target(%arg8 : memref<128xi32, #tpu.memory_space<vmem>>) target_semaphore(%run_scoped3A : memref<!tpu.dma_semaphore, #tpu.memory_space<semaphore_mem>>)
        %dma_wait3A_239 = tpu.memref_slice %arg3[%add3A_82] : memref<327680xi32, #tpu.memory_space<hbm>> -> memref<128xi32, #tpu.memory_space<hbm>>
        %dma_wait3A_240 = tpu.memref_slice %arg3[%add3A_82] : memref<327680xi32, #tpu.memory_space<hbm>> -> memref<128xi32, #tpu.memory_space<hbm>>
        tpu.wait_dma2 semaphore(%run_scoped3A : memref<!tpu.dma_semaphore, #tpu.memory_space<semaphore_mem>>) src(%dma_wait3A_240 : memref<128xi32, #tpu.memory_space<hbm>>) dst(%arg8 : memref<128xi32, #tpu.memory_space<vmem>>)
        tpu.yield
      }) : () -> ()
      %dma_start3A_83 = arith.constant 0 : i32
      %dma_start3A_84 = arith.constant 0 : i32
      %dma_start3A_85 = tpu.memref_slice %arg2[%dma_start3A_83, %dma_start3A_84] : memref<10000x128xf32, #tpu.memory_space<hbm>> -> memref<10000x128xf32, #tpu.memory_space<hbm>>
      tpu.enqueue_indirect_dma source(%dma_start3A_85 : memref<10000x128xf32, #tpu.memory_space<hbm>>) target(%arg13 : memref<128x128xf32, #tpu.memory_space<vmem>>) offsets(%arg8 : memref<128xi32, #tpu.memory_space<vmem>>) semaphore(%arg17 : memref<!tpu.dma_semaphore, #tpu.memory_space<semaphore_mem>>)
      %dma_wait3A_86 = arith.constant 0 : i32
      %dma_wait3A_87 = arith.constant 0 : i32
      %dma_wait3A_88 = tpu.memref_slice %arg2[%dma_wait3A_86, %dma_wait3A_87] : memref<10000x128xf32, #tpu.memory_space<hbm>> -> memref<10000x128xf32, #tpu.memory_space<hbm>>
      tpu.wait_indirect_dma semaphore(%arg15 : memref<!tpu.dma_semaphore, #tpu.memory_space<semaphore_mem>>) src(%dma_wait3A_88 : memref<10000x128xf32, #tpu.memory_space<hbm>>) dst(%arg11 : memref<128x128xf32, #tpu.memory_space<vmem>>)
      %mul3A_89 = arith.constant 128 : i32
      %mul3A_90 = arith.muli %add3A_77, %mul3A_89 : i32
      %add3A_91 = arith.addi %mul3A_29, %mul3A_90 : i32
      %dma_wait3A_92 = tpu.memref_slice %arg4[%add3A_91] : memref<327680xi32, #tpu.memory_space<hbm>> -> memref<128xi32, #tpu.memory_space<hbm>>
      %dma_wait3A_93 = tpu.memref_slice %arg4[%add3A_91] : memref<327680xi32, #tpu.memory_space<hbm>> -> memref<128xi32, #tpu.memory_space<hbm>>
      tpu.wait_dma2 semaphore(%arg18 : memref<!tpu.dma_semaphore, #tpu.memory_space<semaphore_mem>>) src(%dma_wait3A_93 : memref<128xi32, #tpu.memory_space<hbm>>) dst(%arg9 : memref<128xi32, #tpu.memory_space<vmem>>)
      "tpu.region"() ({
        %run_scoped3A = tpu.sem_alloc : memref<!tpu.dma_semaphore, #tpu.memory_space<semaphore_mem>>
        %dma_start3A_237 = arith.constant 0 : i32
        %dma_start3A_238 = arith.constant 0 : i32
        %dma_start3A_239 = tpu.memref_slice %arg14[%dma_start3A_237, %dma_start3A_238] : memref<10112x128xf32, #tpu.memory_space<vmem_shared>> -> memref<10112x128xf32, #tpu.memory_space<vmem_shared>>
        tpu.enqueue_indirect_dma source(%arg11 : memref<128x128xf32, #tpu.memory_space<vmem>>) target(%dma_start3A_239 : memref<10112x128xf32, #tpu.memory_space<vmem_shared>>) offsets(%arg9 : memref<128xi32, #tpu.memory_space<vmem>>) semaphore(%run_scoped3A : memref<!tpu.dma_semaphore, #tpu.memory_space<semaphore_mem>>) {add = true}
        %dma_wait3A_240 = arith.constant 0 : i32
        %dma_wait3A_241 = arith.constant 0 : i32
        %dma_wait3A_242 = tpu.memref_slice %arg14[%dma_wait3A_240, %dma_wait3A_241] : memref<10112x128xf32, #tpu.memory_space<vmem_shared>> -> memref<10112x128xf32, #tpu.memory_space<vmem_shared>>
        tpu.wait_indirect_dma semaphore(%run_scoped3A : memref<!tpu.dma_semaphore, #tpu.memory_space<semaphore_mem>>) src(%arg11 : memref<128x128xf32, #tpu.memory_space<vmem>>) dst(%dma_wait3A_242 : memref<10112x128xf32, #tpu.memory_space<vmem_shared>>)
        tpu.yield
      }) : () -> ()
      %add3A_94 = arith.constant 2 : i32
      %add3A_95 = arith.addi %add3A_77, %add3A_94 : i32
      %mul3A_96 = arith.constant 128 : i32
      %mul3A_97 = arith.muli %add3A_95, %mul3A_96 : i32
      %add3A_98 = arith.addi %mul3A_29, %mul3A_97 : i32
      %dma_start3A_99 = tpu.memref_slice %arg4[%add3A_98] : memref<327680xi32, #tpu.memory_space<hbm>> -> memref<128xi32, #tpu.memory_space<hbm>>
      %dma_start3A_100 = tpu.memref_slice %arg4[%add3A_98] : memref<327680xi32, #tpu.memory_space<hbm>> -> memref<128xi32, #tpu.memory_space<hbm>>
      tpu.enqueue_dma source(%dma_start3A_100 : memref<128xi32, #tpu.memory_space<hbm>>) target(%arg9 : memref<128xi32, #tpu.memory_space<vmem>>) target_semaphore(%arg18 : memref<!tpu.dma_semaphore, #tpu.memory_space<semaphore_mem>>)
      %mul3A_101 = arith.constant 6 : i32
      %mul3A_102 = arith.muli %mul3A_101, %scan3A_72 : i32
      %add3A_103 = arith.constant 1 : i32
      %add3A_104 = arith.addi %mul3A_102, %add3A_103 : i32
      %add3A_105 = arith.constant 2 : i32
      %add3A_106 = arith.addi %add3A_104, %add3A_105 : i32
      %mul3A_107 = arith.constant 128 : i32
      %mul3A_108 = arith.muli %add3A_106, %mul3A_107 : i32
      %add3A_109 = arith.addi %mul3A_29, %mul3A_108 : i32
      "tpu.region"() ({
        %run_scoped3A = tpu.sem_alloc : memref<!tpu.dma_semaphore, #tpu.memory_space<semaphore_mem>>
        %dma_start3A_237 = tpu.memref_slice %arg3[%add3A_109] : memref<327680xi32, #tpu.memory_space<hbm>> -> memref<128xi32, #tpu.memory_space<hbm>>
        %dma_start3A_238 = tpu.memref_slice %arg3[%add3A_109] : memref<327680xi32, #tpu.memory_space<hbm>> -> memref<128xi32, #tpu.memory_space<hbm>>
        tpu.enqueue_dma source(%dma_start3A_238 : memref<128xi32, #tpu.memory_space<hbm>>) target(%arg6 : memref<128xi32, #tpu.memory_space<vmem>>) target_semaphore(%run_scoped3A : memref<!tpu.dma_semaphore, #tpu.memory_space<semaphore_mem>>)
        %dma_wait3A_239 = tpu.memref_slice %arg3[%add3A_109] : memref<327680xi32, #tpu.memory_space<hbm>> -> memref<128xi32, #tpu.memory_space<hbm>>
        %dma_wait3A_240 = tpu.memref_slice %arg3[%add3A_109] : memref<327680xi32, #tpu.memory_space<hbm>> -> memref<128xi32, #tpu.memory_space<hbm>>
        tpu.wait_dma2 semaphore(%run_scoped3A : memref<!tpu.dma_semaphore, #tpu.memory_space<semaphore_mem>>) src(%dma_wait3A_240 : memref<128xi32, #tpu.memory_space<hbm>>) dst(%arg6 : memref<128xi32, #tpu.memory_space<vmem>>)
        tpu.yield
      }) : () -> ()
      %dma_start3A_110 = arith.constant 0 : i32
      %dma_start3A_111 = arith.constant 0 : i32
      %dma_start3A_112 = tpu.memref_slice %arg2[%dma_start3A_110, %dma_start3A_111] : memref<10000x128xf32, #tpu.memory_space<hbm>> -> memref<10000x128xf32, #tpu.memory_space<hbm>>
      tpu.enqueue_indirect_dma source(%dma_start3A_112 : memref<10000x128xf32, #tpu.memory_space<hbm>>) target(%arg11 : memref<128x128xf32, #tpu.memory_space<vmem>>) offsets(%arg6 : memref<128xi32, #tpu.memory_space<vmem>>) semaphore(%arg15 : memref<!tpu.dma_semaphore, #tpu.memory_space<semaphore_mem>>)
      %dma_wait3A_113 = arith.constant 0 : i32
      %dma_wait3A_114 = arith.constant 0 : i32
      %dma_wait3A_115 = tpu.memref_slice %arg2[%dma_wait3A_113, %dma_wait3A_114] : memref<10000x128xf32, #tpu.memory_space<hbm>> -> memref<10000x128xf32, #tpu.memory_space<hbm>>
      tpu.wait_indirect_dma semaphore(%arg16 : memref<!tpu.dma_semaphore, #tpu.memory_space<semaphore_mem>>) src(%dma_wait3A_115 : memref<10000x128xf32, #tpu.memory_space<hbm>>) dst(%arg12 : memref<128x128xf32, #tpu.memory_space<vmem>>)
      %mul3A_116 = arith.constant 128 : i32
      %mul3A_117 = arith.muli %add3A_104, %mul3A_116 : i32
      %add3A_118 = arith.addi %mul3A_29, %mul3A_117 : i32
      %dma_wait3A_119 = tpu.memref_slice %arg4[%add3A_118] : memref<327680xi32, #tpu.memory_space<hbm>> -> memref<128xi32, #tpu.memory_space<hbm>>
      %dma_wait3A_120 = tpu.memref_slice %arg4[%add3A_118] : memref<327680xi32, #tpu.memory_space<hbm>> -> memref<128xi32, #tpu.memory_space<hbm>>
      tpu.wait_dma2 semaphore(%arg19 : memref<!tpu.dma_semaphore, #tpu.memory_space<semaphore_mem>>) src(%dma_wait3A_120 : memref<128xi32, #tpu.memory_space<hbm>>) dst(%arg10 : memref<128xi32, #tpu.memory_space<vmem>>)
      "tpu.region"() ({
        %run_scoped3A = tpu.sem_alloc : memref<!tpu.dma_semaphore, #tpu.memory_space<semaphore_mem>>
        %dma_start3A_237 = arith.constant 0 : i32
        %dma_start3A_238 = arith.constant 0 : i32
        %dma_start3A_239 = tpu.memref_slice %arg14[%dma_start3A_237, %dma_start3A_238] : memref<10112x128xf32, #tpu.memory_space<vmem_shared>> -> memref<10112x128xf32, #tpu.memory_space<vmem_shared>>
        tpu.enqueue_indirect_dma source(%arg12 : memref<128x128xf32, #tpu.memory_space<vmem>>) target(%dma_start3A_239 : memref<10112x128xf32, #tpu.memory_space<vmem_shared>>) offsets(%arg10 : memref<128xi32, #tpu.memory_space<vmem>>) semaphore(%run_scoped3A : memref<!tpu.dma_semaphore, #tpu.memory_space<semaphore_mem>>) {add = true}
        %dma_wait3A_240 = arith.constant 0 : i32
        %dma_wait3A_241 = arith.constant 0 : i32
        %dma_wait3A_242 = tpu.memref_slice %arg14[%dma_wait3A_240, %dma_wait3A_241] : memref<10112x128xf32, #tpu.memory_space<vmem_shared>> -> memref<10112x128xf32, #tpu.memory_space<vmem_shared>>
        tpu.wait_indirect_dma semaphore(%run_scoped3A : memref<!tpu.dma_semaphore, #tpu.memory_space<semaphore_mem>>) src(%arg12 : memref<128x128xf32, #tpu.memory_space<vmem>>) dst(%dma_wait3A_242 : memref<10112x128xf32, #tpu.memory_space<vmem_shared>>)
        tpu.yield
      }) : () -> ()
      %add3A_121 = arith.constant 2 : i32
      %add3A_122 = arith.addi %add3A_104, %add3A_121 : i32
      %mul3A_123 = arith.constant 128 : i32
      %mul3A_124 = arith.muli %add3A_122, %mul3A_123 : i32
      %add3A_125 = arith.addi %mul3A_29, %mul3A_124 : i32
      %dma_start3A_126 = tpu.memref_slice %arg4[%add3A_125] : memref<327680xi32, #tpu.memory_space<hbm>> -> memref<128xi32, #tpu.memory_space<hbm>>
      %dma_start3A_127 = tpu.memref_slice %arg4[%add3A_125] : memref<327680xi32, #tpu.memory_space<hbm>> -> memref<128xi32, #tpu.memory_space<hbm>>
      tpu.enqueue_dma source(%dma_start3A_127 : memref<128xi32, #tpu.memory_space<hbm>>) target(%arg10 : memref<128xi32, #tpu.memory_space<vmem>>) target_semaphore(%arg19 : memref<!tpu.dma_semaphore, #tpu.memory_space<semaphore_mem>>)
      %mul3A_128 = arith.constant 6 : i32
      %mul3A_129 = arith.muli %mul3A_128, %scan3A_72 : i32
      %add3A_130 = arith.constant 2 : i32
      %add3A_131 = arith.addi %mul3A_129, %add3A_130 : i32
      %add3A_132 = arith.constant 2 : i32
      %add3A_133 = arith.addi %add3A_131, %add3A_132 : i32
      %mul3A_134 = arith.constant 128 : i32
      %mul3A_135 = arith.muli %add3A_133, %mul3A_134 : i32
      %add3A_136 = arith.addi %mul3A_29, %mul3A_135 : i32
      "tpu.region"() ({
        %run_scoped3A = tpu.sem_alloc : memref<!tpu.dma_semaphore, #tpu.memory_space<semaphore_mem>>
        %dma_start3A_237 = tpu.memref_slice %arg3[%add3A_136] : memref<327680xi32, #tpu.memory_space<hbm>> -> memref<128xi32, #tpu.memory_space<hbm>>
        %dma_start3A_238 = tpu.memref_slice %arg3[%add3A_136] : memref<327680xi32, #tpu.memory_space<hbm>> -> memref<128xi32, #tpu.memory_space<hbm>>
        tpu.enqueue_dma source(%dma_start3A_238 : memref<128xi32, #tpu.memory_space<hbm>>) target(%arg7 : memref<128xi32, #tpu.memory_space<vmem>>) target_semaphore(%run_scoped3A : memref<!tpu.dma_semaphore, #tpu.memory_space<semaphore_mem>>)
        %dma_wait3A_239 = tpu.memref_slice %arg3[%add3A_136] : memref<327680xi32, #tpu.memory_space<hbm>> -> memref<128xi32, #tpu.memory_space<hbm>>
        %dma_wait3A_240 = tpu.memref_slice %arg3[%add3A_136] : memref<327680xi32, #tpu.memory_space<hbm>> -> memref<128xi32, #tpu.memory_space<hbm>>
        tpu.wait_dma2 semaphore(%run_scoped3A : memref<!tpu.dma_semaphore, #tpu.memory_space<semaphore_mem>>) src(%dma_wait3A_240 : memref<128xi32, #tpu.memory_space<hbm>>) dst(%arg7 : memref<128xi32, #tpu.memory_space<vmem>>)
        tpu.yield
      }) : () -> ()
      %dma_start3A_137 = arith.constant 0 : i32
      %dma_start3A_138 = arith.constant 0 : i32
      %dma_start3A_139 = tpu.memref_slice %arg2[%dma_start3A_137, %dma_start3A_138] : memref<10000x128xf32, #tpu.memory_space<hbm>> -> memref<10000x128xf32, #tpu.memory_space<hbm>>
      tpu.enqueue_indirect_dma source(%dma_start3A_139 : memref<10000x128xf32, #tpu.memory_space<hbm>>) target(%arg12 : memref<128x128xf32, #tpu.memory_space<vmem>>) offsets(%arg7 : memref<128xi32, #tpu.memory_space<vmem>>) semaphore(%arg16 : memref<!tpu.dma_semaphore, #tpu.memory_space<semaphore_mem>>)
      %dma_wait3A_140 = arith.constant 0 : i32
      %dma_wait3A_141 = arith.constant 0 : i32
      %dma_wait3A_142 = tpu.memref_slice %arg2[%dma_wait3A_140, %dma_wait3A_141] : memref<10000x128xf32, #tpu.memory_space<hbm>> -> memref<10000x128xf32, #tpu.memory_space<hbm>>
      tpu.wait_indirect_dma semaphore(%arg17 : memref<!tpu.dma_semaphore, #tpu.memory_space<semaphore_mem>>) src(%dma_wait3A_142 : memref<10000x128xf32, #tpu.memory_space<hbm>>) dst(%arg13 : memref<128x128xf32, #tpu.memory_space<vmem>>)
      %mul3A_143 = arith.constant 128 : i32
      %mul3A_144 = arith.muli %add3A_131, %mul3A_143 : i32
      %add3A_145 = arith.addi %mul3A_29, %mul3A_144 : i32
      %dma_wait3A_146 = tpu.memref_slice %arg4[%add3A_145] : memref<327680xi32, #tpu.memory_space<hbm>> -> memref<128xi32, #tpu.memory_space<hbm>>
      %dma_wait3A_147 = tpu.memref_slice %arg4[%add3A_145] : memref<327680xi32, #tpu.memory_space<hbm>> -> memref<128xi32, #tpu.memory_space<hbm>>
      tpu.wait_dma2 semaphore(%arg18 : memref<!tpu.dma_semaphore, #tpu.memory_space<semaphore_mem>>) src(%dma_wait3A_147 : memref<128xi32, #tpu.memory_space<hbm>>) dst(%arg9 : memref<128xi32, #tpu.memory_space<vmem>>)
      "tpu.region"() ({
        %run_scoped3A = tpu.sem_alloc : memref<!tpu.dma_semaphore, #tpu.memory_space<semaphore_mem>>
        %dma_start3A_237 = arith.constant 0 : i32
        %dma_start3A_238 = arith.constant 0 : i32
        %dma_start3A_239 = tpu.memref_slice %arg14[%dma_start3A_237, %dma_start3A_238] : memref<10112x128xf32, #tpu.memory_space<vmem_shared>> -> memref<10112x128xf32, #tpu.memory_space<vmem_shared>>
        tpu.enqueue_indirect_dma source(%arg13 : memref<128x128xf32, #tpu.memory_space<vmem>>) target(%dma_start3A_239 : memref<10112x128xf32, #tpu.memory_space<vmem_shared>>) offsets(%arg9 : memref<128xi32, #tpu.memory_space<vmem>>) semaphore(%run_scoped3A : memref<!tpu.dma_semaphore, #tpu.memory_space<semaphore_mem>>) {add = true}
        %dma_wait3A_240 = arith.constant 0 : i32
        %dma_wait3A_241 = arith.constant 0 : i32
        %dma_wait3A_242 = tpu.memref_slice %arg14[%dma_wait3A_240, %dma_wait3A_241] : memref<10112x128xf32, #tpu.memory_space<vmem_shared>> -> memref<10112x128xf32, #tpu.memory_space<vmem_shared>>
        tpu.wait_indirect_dma semaphore(%run_scoped3A : memref<!tpu.dma_semaphore, #tpu.memory_space<semaphore_mem>>) src(%arg13 : memref<128x128xf32, #tpu.memory_space<vmem>>) dst(%dma_wait3A_242 : memref<10112x128xf32, #tpu.memory_space<vmem_shared>>)
        tpu.yield
      }) : () -> ()
      %add3A_148 = arith.constant 2 : i32
      %add3A_149 = arith.addi %add3A_131, %add3A_148 : i32
      %mul3A_150 = arith.constant 128 : i32
      %mul3A_151 = arith.muli %add3A_149, %mul3A_150 : i32
      %add3A_152 = arith.addi %mul3A_29, %mul3A_151 : i32
      %dma_start3A_153 = tpu.memref_slice %arg4[%add3A_152] : memref<327680xi32, #tpu.memory_space<hbm>> -> memref<128xi32, #tpu.memory_space<hbm>>
      %dma_start3A_154 = tpu.memref_slice %arg4[%add3A_152] : memref<327680xi32, #tpu.memory_space<hbm>> -> memref<128xi32, #tpu.memory_space<hbm>>
      tpu.enqueue_dma source(%dma_start3A_154 : memref<128xi32, #tpu.memory_space<hbm>>) target(%arg9 : memref<128xi32, #tpu.memory_space<vmem>>) target_semaphore(%arg18 : memref<!tpu.dma_semaphore, #tpu.memory_space<semaphore_mem>>)
      %mul3A_155 = arith.constant 6 : i32
      %mul3A_156 = arith.muli %mul3A_155, %scan3A_72 : i32
      %add3A_157 = arith.constant 3 : i32
      %add3A_158 = arith.addi %mul3A_156, %add3A_157 : i32
      %add3A_159 = arith.constant 2 : i32
      %add3A_160 = arith.addi %add3A_158, %add3A_159 : i32
      %mul3A_161 = arith.constant 128 : i32
      %mul3A_162 = arith.muli %add3A_160, %mul3A_161 : i32
      %add3A_163 = arith.addi %mul3A_29, %mul3A_162 : i32
      "tpu.region"() ({
        %run_scoped3A = tpu.sem_alloc : memref<!tpu.dma_semaphore, #tpu.memory_space<semaphore_mem>>
        %dma_start3A_237 = tpu.memref_slice %arg3[%add3A_163] : memref<327680xi32, #tpu.memory_space<hbm>> -> memref<128xi32, #tpu.memory_space<hbm>>
        %dma_start3A_238 = tpu.memref_slice %arg3[%add3A_163] : memref<327680xi32, #tpu.memory_space<hbm>> -> memref<128xi32, #tpu.memory_space<hbm>>
        tpu.enqueue_dma source(%dma_start3A_238 : memref<128xi32, #tpu.memory_space<hbm>>) target(%arg8 : memref<128xi32, #tpu.memory_space<vmem>>) target_semaphore(%run_scoped3A : memref<!tpu.dma_semaphore, #tpu.memory_space<semaphore_mem>>)
        %dma_wait3A_239 = tpu.memref_slice %arg3[%add3A_163] : memref<327680xi32, #tpu.memory_space<hbm>> -> memref<128xi32, #tpu.memory_space<hbm>>
        %dma_wait3A_240 = tpu.memref_slice %arg3[%add3A_163] : memref<327680xi32, #tpu.memory_space<hbm>> -> memref<128xi32, #tpu.memory_space<hbm>>
        tpu.wait_dma2 semaphore(%run_scoped3A : memref<!tpu.dma_semaphore, #tpu.memory_space<semaphore_mem>>) src(%dma_wait3A_240 : memref<128xi32, #tpu.memory_space<hbm>>) dst(%arg8 : memref<128xi32, #tpu.memory_space<vmem>>)
        tpu.yield
      }) : () -> ()
      %dma_start3A_164 = arith.constant 0 : i32
      %dma_start3A_165 = arith.constant 0 : i32
      %dma_start3A_166 = tpu.memref_slice %arg2[%dma_start3A_164, %dma_start3A_165] : memref<10000x128xf32, #tpu.memory_space<hbm>> -> memref<10000x128xf32, #tpu.memory_space<hbm>>
      tpu.enqueue_indirect_dma source(%dma_start3A_166 : memref<10000x128xf32, #tpu.memory_space<hbm>>) target(%arg13 : memref<128x128xf32, #tpu.memory_space<vmem>>) offsets(%arg8 : memref<128xi32, #tpu.memory_space<vmem>>) semaphore(%arg17 : memref<!tpu.dma_semaphore, #tpu.memory_space<semaphore_mem>>)
      %dma_wait3A_167 = arith.constant 0 : i32
      %dma_wait3A_168 = arith.constant 0 : i32
      %dma_wait3A_169 = tpu.memref_slice %arg2[%dma_wait3A_167, %dma_wait3A_168] : memref<10000x128xf32, #tpu.memory_space<hbm>> -> memref<10000x128xf32, #tpu.memory_space<hbm>>
      tpu.wait_indirect_dma semaphore(%arg15 : memref<!tpu.dma_semaphore, #tpu.memory_space<semaphore_mem>>) src(%dma_wait3A_169 : memref<10000x128xf32, #tpu.memory_space<hbm>>) dst(%arg11 : memref<128x128xf32, #tpu.memory_space<vmem>>)
      %mul3A_170 = arith.constant 128 : i32
      %mul3A_171 = arith.muli %add3A_158, %mul3A_170 : i32
      %add3A_172 = arith.addi %mul3A_29, %mul3A_171 : i32
      %dma_wait3A_173 = tpu.memref_slice %arg4[%add3A_172] : memref<327680xi32, #tpu.memory_space<hbm>> -> memref<128xi32, #tpu.memory_space<hbm>>
      %dma_wait3A_174 = tpu.memref_slice %arg4[%add3A_172] : memref<327680xi32, #tpu.memory_space<hbm>> -> memref<128xi32, #tpu.memory_space<hbm>>
      tpu.wait_dma2 semaphore(%arg19 : memref<!tpu.dma_semaphore, #tpu.memory_space<semaphore_mem>>) src(%dma_wait3A_174 : memref<128xi32, #tpu.memory_space<hbm>>) dst(%arg10 : memref<128xi32, #tpu.memory_space<vmem>>)
      "tpu.region"() ({
        %run_scoped3A = tpu.sem_alloc : memref<!tpu.dma_semaphore, #tpu.memory_space<semaphore_mem>>
        %dma_start3A_237 = arith.constant 0 : i32
        %dma_start3A_238 = arith.constant 0 : i32
        %dma_start3A_239 = tpu.memref_slice %arg14[%dma_start3A_237, %dma_start3A_238] : memref<10112x128xf32, #tpu.memory_space<vmem_shared>> -> memref<10112x128xf32, #tpu.memory_space<vmem_shared>>
        tpu.enqueue_indirect_dma source(%arg11 : memref<128x128xf32, #tpu.memory_space<vmem>>) target(%dma_start3A_239 : memref<10112x128xf32, #tpu.memory_space<vmem_shared>>) offsets(%arg10 : memref<128xi32, #tpu.memory_space<vmem>>) semaphore(%run_scoped3A : memref<!tpu.dma_semaphore, #tpu.memory_space<semaphore_mem>>) {add = true}
        %dma_wait3A_240 = arith.constant 0 : i32
        %dma_wait3A_241 = arith.constant 0 : i32
        %dma_wait3A_242 = tpu.memref_slice %arg14[%dma_wait3A_240, %dma_wait3A_241] : memref<10112x128xf32, #tpu.memory_space<vmem_shared>> -> memref<10112x128xf32, #tpu.memory_space<vmem_shared>>
        tpu.wait_indirect_dma semaphore(%run_scoped3A : memref<!tpu.dma_semaphore, #tpu.memory_space<semaphore_mem>>) src(%arg11 : memref<128x128xf32, #tpu.memory_space<vmem>>) dst(%dma_wait3A_242 : memref<10112x128xf32, #tpu.memory_space<vmem_shared>>)
        tpu.yield
      }) : () -> ()
      %add3A_175 = arith.constant 2 : i32
      %add3A_176 = arith.addi %add3A_158, %add3A_175 : i32
      %mul3A_177 = arith.constant 128 : i32
      %mul3A_178 = arith.muli %add3A_176, %mul3A_177 : i32
      %add3A_179 = arith.addi %mul3A_29, %mul3A_178 : i32
      %dma_start3A_180 = tpu.memref_slice %arg4[%add3A_179] : memref<327680xi32, #tpu.memory_space<hbm>> -> memref<128xi32, #tpu.memory_space<hbm>>
      %dma_start3A_181 = tpu.memref_slice %arg4[%add3A_179] : memref<327680xi32, #tpu.memory_space<hbm>> -> memref<128xi32, #tpu.memory_space<hbm>>
      tpu.enqueue_dma source(%dma_start3A_181 : memref<128xi32, #tpu.memory_space<hbm>>) target(%arg10 : memref<128xi32, #tpu.memory_space<vmem>>) target_semaphore(%arg19 : memref<!tpu.dma_semaphore, #tpu.memory_space<semaphore_mem>>)
      %mul3A_182 = arith.constant 6 : i32
      %mul3A_183 = arith.muli %mul3A_182, %scan3A_72 : i32
      %add3A_184 = arith.constant 4 : i32
      %add3A_185 = arith.addi %mul3A_183, %add3A_184 : i32
      %add3A_186 = arith.constant 2 : i32
      %add3A_187 = arith.addi %add3A_185, %add3A_186 : i32
      %mul3A_188 = arith.constant 128 : i32
      %mul3A_189 = arith.muli %add3A_187, %mul3A_188 : i32
      %add3A_190 = arith.addi %mul3A_29, %mul3A_189 : i32
      "tpu.region"() ({
        %run_scoped3A = tpu.sem_alloc : memref<!tpu.dma_semaphore, #tpu.memory_space<semaphore_mem>>
        %dma_start3A_237 = tpu.memref_slice %arg3[%add3A_190] : memref<327680xi32, #tpu.memory_space<hbm>> -> memref<128xi32, #tpu.memory_space<hbm>>
        %dma_start3A_238 = tpu.memref_slice %arg3[%add3A_190] : memref<327680xi32, #tpu.memory_space<hbm>> -> memref<128xi32, #tpu.memory_space<hbm>>
        tpu.enqueue_dma source(%dma_start3A_238 : memref<128xi32, #tpu.memory_space<hbm>>) target(%arg6 : memref<128xi32, #tpu.memory_space<vmem>>) target_semaphore(%run_scoped3A : memref<!tpu.dma_semaphore, #tpu.memory_space<semaphore_mem>>)
        %dma_wait3A_239 = tpu.memref_slice %arg3[%add3A_190] : memref<327680xi32, #tpu.memory_space<hbm>> -> memref<128xi32, #tpu.memory_space<hbm>>
        %dma_wait3A_240 = tpu.memref_slice %arg3[%add3A_190] : memref<327680xi32, #tpu.memory_space<hbm>> -> memref<128xi32, #tpu.memory_space<hbm>>
        tpu.wait_dma2 semaphore(%run_scoped3A : memref<!tpu.dma_semaphore, #tpu.memory_space<semaphore_mem>>) src(%dma_wait3A_240 : memref<128xi32, #tpu.memory_space<hbm>>) dst(%arg6 : memref<128xi32, #tpu.memory_space<vmem>>)
        tpu.yield
      }) : () -> ()
      %dma_start3A_191 = arith.constant 0 : i32
      %dma_start3A_192 = arith.constant 0 : i32
      %dma_start3A_193 = tpu.memref_slice %arg2[%dma_start3A_191, %dma_start3A_192] : memref<10000x128xf32, #tpu.memory_space<hbm>> -> memref<10000x128xf32, #tpu.memory_space<hbm>>
      tpu.enqueue_indirect_dma source(%dma_start3A_193 : memref<10000x128xf32, #tpu.memory_space<hbm>>) target(%arg11 : memref<128x128xf32, #tpu.memory_space<vmem>>) offsets(%arg6 : memref<128xi32, #tpu.memory_space<vmem>>) semaphore(%arg15 : memref<!tpu.dma_semaphore, #tpu.memory_space<semaphore_mem>>)
      %dma_wait3A_194 = arith.constant 0 : i32
      %dma_wait3A_195 = arith.constant 0 : i32
      %dma_wait3A_196 = tpu.memref_slice %arg2[%dma_wait3A_194, %dma_wait3A_195] : memref<10000x128xf32, #tpu.memory_space<hbm>> -> memref<10000x128xf32, #tpu.memory_space<hbm>>
      tpu.wait_indirect_dma semaphore(%arg16 : memref<!tpu.dma_semaphore, #tpu.memory_space<semaphore_mem>>) src(%dma_wait3A_196 : memref<10000x128xf32, #tpu.memory_space<hbm>>) dst(%arg12 : memref<128x128xf32, #tpu.memory_space<vmem>>)
      %mul3A_197 = arith.constant 128 : i32
      %mul3A_198 = arith.muli %add3A_185, %mul3A_197 : i32
      %add3A_199 = arith.addi %mul3A_29, %mul3A_198 : i32
      %dma_wait3A_200 = tpu.memref_slice %arg4[%add3A_199] : memref<327680xi32, #tpu.memory_space<hbm>> -> memref<128xi32, #tpu.memory_space<hbm>>
      %dma_wait3A_201 = tpu.memref_slice %arg4[%add3A_199] : memref<327680xi32, #tpu.memory_space<hbm>> -> memref<128xi32, #tpu.memory_space<hbm>>
      tpu.wait_dma2 semaphore(%arg18 : memref<!tpu.dma_semaphore, #tpu.memory_space<semaphore_mem>>) src(%dma_wait3A_201 : memref<128xi32, #tpu.memory_space<hbm>>) dst(%arg9 : memref<128xi32, #tpu.memory_space<vmem>>)
      "tpu.region"() ({
        %run_scoped3A = tpu.sem_alloc : memref<!tpu.dma_semaphore, #tpu.memory_space<semaphore_mem>>
        %dma_start3A_237 = arith.constant 0 : i32
        %dma_start3A_238 = arith.constant 0 : i32
        %dma_start3A_239 = tpu.memref_slice %arg14[%dma_start3A_237, %dma_start3A_238] : memref<10112x128xf32, #tpu.memory_space<vmem_shared>> -> memref<10112x128xf32, #tpu.memory_space<vmem_shared>>
        tpu.enqueue_indirect_dma source(%arg12 : memref<128x128xf32, #tpu.memory_space<vmem>>) target(%dma_start3A_239 : memref<10112x128xf32, #tpu.memory_space<vmem_shared>>) offsets(%arg9 : memref<128xi32, #tpu.memory_space<vmem>>) semaphore(%run_scoped3A : memref<!tpu.dma_semaphore, #tpu.memory_space<semaphore_mem>>) {add = true}
        %dma_wait3A_240 = arith.constant 0 : i32
        %dma_wait3A_241 = arith.constant 0 : i32
        %dma_wait3A_242 = tpu.memref_slice %arg14[%dma_wait3A_240, %dma_wait3A_241] : memref<10112x128xf32, #tpu.memory_space<vmem_shared>> -> memref<10112x128xf32, #tpu.memory_space<vmem_shared>>
        tpu.wait_indirect_dma semaphore(%run_scoped3A : memref<!tpu.dma_semaphore, #tpu.memory_space<semaphore_mem>>) src(%arg12 : memref<128x128xf32, #tpu.memory_space<vmem>>) dst(%dma_wait3A_242 : memref<10112x128xf32, #tpu.memory_space<vmem_shared>>)
        tpu.yield
      }) : () -> ()
      %add3A_202 = arith.constant 2 : i32
      %add3A_203 = arith.addi %add3A_185, %add3A_202 : i32
      %mul3A_204 = arith.constant 128 : i32
      %mul3A_205 = arith.muli %add3A_203, %mul3A_204 : i32
      %add3A_206 = arith.addi %mul3A_29, %mul3A_205 : i32
      %dma_start3A_207 = tpu.memref_slice %arg4[%add3A_206] : memref<327680xi32, #tpu.memory_space<hbm>> -> memref<128xi32, #tpu.memory_space<hbm>>
      %dma_start3A_208 = tpu.memref_slice %arg4[%add3A_206] : memref<327680xi32, #tpu.memory_space<hbm>> -> memref<128xi32, #tpu.memory_space<hbm>>
      tpu.enqueue_dma source(%dma_start3A_208 : memref<128xi32, #tpu.memory_space<hbm>>) target(%arg9 : memref<128xi32, #tpu.memory_space<vmem>>) target_semaphore(%arg18 : memref<!tpu.dma_semaphore, #tpu.memory_space<semaphore_mem>>)
      %mul3A_209 = arith.constant 6 : i32
      %mul3A_210 = arith.muli %mul3A_209, %scan3A_72 : i32
      %add3A_211 = arith.constant 5 : i32
      %add3A_212 = arith.addi %mul3A_210, %add3A_211 : i32
      %add3A_213 = arith.constant 2 : i32
      %add3A_214 = arith.addi %add3A_212, %add3A_213 : i32
      %mul3A_215 = arith.constant 128 : i32
      %mul3A_216 = arith.muli %add3A_214, %mul3A_215 : i32
      %add3A_217 = arith.addi %mul3A_29, %mul3A_216 : i32
      "tpu.region"() ({
        %run_scoped3A = tpu.sem_alloc : memref<!tpu.dma_semaphore, #tpu.memory_space<semaphore_mem>>
        %dma_start3A_237 = tpu.memref_slice %arg3[%add3A_217] : memref<327680xi32, #tpu.memory_space<hbm>> -> memref<128xi32, #tpu.memory_space<hbm>>
        %dma_start3A_238 = tpu.memref_slice %arg3[%add3A_217] : memref<327680xi32, #tpu.memory_space<hbm>> -> memref<128xi32, #tpu.memory_space<hbm>>
        tpu.enqueue_dma source(%dma_start3A_238 : memref<128xi32, #tpu.memory_space<hbm>>) target(%arg7 : memref<128xi32, #tpu.memory_space<vmem>>) target_semaphore(%run_scoped3A : memref<!tpu.dma_semaphore, #tpu.memory_space<semaphore_mem>>)
        %dma_wait3A_239 = tpu.memref_slice %arg3[%add3A_217] : memref<327680xi32, #tpu.memory_space<hbm>> -> memref<128xi32, #tpu.memory_space<hbm>>
        %dma_wait3A_240 = tpu.memref_slice %arg3[%add3A_217] : memref<327680xi32, #tpu.memory_space<hbm>> -> memref<128xi32, #tpu.memory_space<hbm>>
        tpu.wait_dma2 semaphore(%run_scoped3A : memref<!tpu.dma_semaphore, #tpu.memory_space<semaphore_mem>>) src(%dma_wait3A_240 : memref<128xi32, #tpu.memory_space<hbm>>) dst(%arg7 : memref<128xi32, #tpu.memory_space<vmem>>)
        tpu.yield
      }) : () -> ()
      %dma_start3A_218 = arith.constant 0 : i32
      %dma_start3A_219 = arith.constant 0 : i32
      %dma_start3A_220 = tpu.memref_slice %arg2[%dma_start3A_218, %dma_start3A_219] : memref<10000x128xf32, #tpu.memory_space<hbm>> -> memref<10000x128xf32, #tpu.memory_space<hbm>>
      tpu.enqueue_indirect_dma source(%dma_start3A_220 : memref<10000x128xf32, #tpu.memory_space<hbm>>) target(%arg12 : memref<128x128xf32, #tpu.memory_space<vmem>>) offsets(%arg7 : memref<128xi32, #tpu.memory_space<vmem>>) semaphore(%arg16 : memref<!tpu.dma_semaphore, #tpu.memory_space<semaphore_mem>>)
      %dma_wait3A_221 = arith.constant 0 : i32
      %dma_wait3A_222 = arith.constant 0 : i32
      %dma_wait3A_223 = tpu.memref_slice %arg2[%dma_wait3A_221, %dma_wait3A_222] : memref<10000x128xf32, #tpu.memory_space<hbm>> -> memref<10000x128xf32, #tpu.memory_space<hbm>>
      tpu.wait_indirect_dma semaphore(%arg17 : memref<!tpu.dma_semaphore, #tpu.memory_space<semaphore_mem>>) src(%dma_wait3A_223 : memref<10000x128xf32, #tpu.memory_space<hbm>>) dst(%arg13 : memref<128x128xf32, #tpu.memory_space<vmem>>)
      %mul3A_224 = arith.constant 128 : i32
      %mul3A_225 = arith.muli %add3A_212, %mul3A_224 : i32
      %add3A_226 = arith.addi %mul3A_29, %mul3A_225 : i32
      %dma_wait3A_227 = tpu.memref_slice %arg4[%add3A_226] : memref<327680xi32, #tpu.memory_space<hbm>> -> memref<128xi32, #tpu.memory_space<hbm>>
      %dma_wait3A_228 = tpu.memref_slice %arg4[%add3A_226] : memref<327680xi32, #tpu.memory_space<hbm>> -> memref<128xi32, #tpu.memory_space<hbm>>
      tpu.wait_dma2 semaphore(%arg19 : memref<!tpu.dma_semaphore, #tpu.memory_space<semaphore_mem>>) src(%dma_wait3A_228 : memref<128xi32, #tpu.memory_space<hbm>>) dst(%arg10 : memref<128xi32, #tpu.memory_space<vmem>>)
      "tpu.region"() ({
        %run_scoped3A = tpu.sem_alloc : memref<!tpu.dma_semaphore, #tpu.memory_space<semaphore_mem>>
        %dma_start3A_237 = arith.constant 0 : i32
        %dma_start3A_238 = arith.constant 0 : i32
        %dma_start3A_239 = tpu.memref_slice %arg14[%dma_start3A_237, %dma_start3A_238] : memref<10112x128xf32, #tpu.memory_space<vmem_shared>> -> memref<10112x128xf32, #tpu.memory_space<vmem_shared>>
        tpu.enqueue_indirect_dma source(%arg13 : memref<128x128xf32, #tpu.memory_space<vmem>>) target(%dma_start3A_239 : memref<10112x128xf32, #tpu.memory_space<vmem_shared>>) offsets(%arg10 : memref<128xi32, #tpu.memory_space<vmem>>) semaphore(%run_scoped3A : memref<!tpu.dma_semaphore, #tpu.memory_space<semaphore_mem>>) {add = true}
        %dma_wait3A_240 = arith.constant 0 : i32
        %dma_wait3A_241 = arith.constant 0 : i32
        %dma_wait3A_242 = tpu.memref_slice %arg14[%dma_wait3A_240, %dma_wait3A_241] : memref<10112x128xf32, #tpu.memory_space<vmem_shared>> -> memref<10112x128xf32, #tpu.memory_space<vmem_shared>>
        tpu.wait_indirect_dma semaphore(%run_scoped3A : memref<!tpu.dma_semaphore, #tpu.memory_space<semaphore_mem>>) src(%arg13 : memref<128x128xf32, #tpu.memory_space<vmem>>) dst(%dma_wait3A_242 : memref<10112x128xf32, #tpu.memory_space<vmem_shared>>)
        tpu.yield
      }) : () -> ()
      %add3A_229 = arith.constant 2 : i32
      %add3A_230 = arith.addi %add3A_212, %add3A_229 : i32
      %mul3A_231 = arith.constant 128 : i32
      %mul3A_232 = arith.muli %add3A_230, %mul3A_231 : i32
      %add3A_233 = arith.addi %mul3A_29, %mul3A_232 : i32
      %dma_start3A_234 = tpu.memref_slice %arg4[%add3A_233] : memref<327680xi32, #tpu.memory_space<hbm>> -> memref<128xi32, #tpu.memory_space<hbm>>
      %dma_start3A_235 = tpu.memref_slice %arg4[%add3A_233] : memref<327680xi32, #tpu.memory_space<hbm>> -> memref<128xi32, #tpu.memory_space<hbm>>
      tpu.enqueue_dma source(%dma_start3A_235 : memref<128xi32, #tpu.memory_space<hbm>>) target(%arg10 : memref<128xi32, #tpu.memory_space<vmem>>) target_semaphore(%arg19 : memref<!tpu.dma_semaphore, #tpu.memory_space<semaphore_mem>>)
      %scan3A_236 = arith.constant 0 : i32
      scf.yield %scan3A_236 : i32
    }
    %scan3A_53 = arith.constant 13 : i32
    %dma_wait3A = arith.constant 0 : i32
    %dma_wait3A_54 = arith.constant 0 : i32
    %dma_wait3A_55 = tpu.memref_slice %arg2[%dma_wait3A, %dma_wait3A_54] : memref<10000x128xf32, #tpu.memory_space<hbm>> -> memref<10000x128xf32, #tpu.memory_space<hbm>>
    tpu.wait_indirect_dma semaphore(%arg15 : memref<!tpu.dma_semaphore, #tpu.memory_space<semaphore_mem>>) src(%dma_wait3A_55 : memref<10000x128xf32, #tpu.memory_space<hbm>>) dst(%arg11 : memref<128x128xf32, #tpu.memory_space<vmem>>)
    %add3A_56 = arith.constant 9984 : i32
    %add3A_57 = arith.addi %mul3A_29, %add3A_56 : i32
    %dma_wait3A_58 = tpu.memref_slice %arg4[%add3A_57] : memref<327680xi32, #tpu.memory_space<hbm>> -> memref<128xi32, #tpu.memory_space<hbm>>
    %dma_wait3A_59 = tpu.memref_slice %arg4[%add3A_57] : memref<327680xi32, #tpu.memory_space<hbm>> -> memref<128xi32, #tpu.memory_space<hbm>>
    tpu.wait_dma2 semaphore(%arg18 : memref<!tpu.dma_semaphore, #tpu.memory_space<semaphore_mem>>) src(%dma_wait3A_59 : memref<128xi32, #tpu.memory_space<hbm>>) dst(%arg9 : memref<128xi32, #tpu.memory_space<vmem>>)
    "tpu.region"() ({
      %run_scoped3A = tpu.sem_alloc : memref<!tpu.dma_semaphore, #tpu.memory_space<semaphore_mem>>
      %dma_start3A_72 = arith.constant 0 : i32
      %dma_start3A_73 = arith.constant 0 : i32
      %dma_start3A_74 = tpu.memref_slice %arg14[%dma_start3A_72, %dma_start3A_73] : memref<10112x128xf32, #tpu.memory_space<vmem_shared>> -> memref<10112x128xf32, #tpu.memory_space<vmem_shared>>
      tpu.enqueue_indirect_dma source(%arg11 : memref<128x128xf32, #tpu.memory_space<vmem>>) target(%dma_start3A_74 : memref<10112x128xf32, #tpu.memory_space<vmem_shared>>) offsets(%arg9 : memref<128xi32, #tpu.memory_space<vmem>>) semaphore(%run_scoped3A : memref<!tpu.dma_semaphore, #tpu.memory_space<semaphore_mem>>) {add = true}
      %dma_wait3A_75 = arith.constant 0 : i32
      %dma_wait3A_76 = arith.constant 0 : i32
      %dma_wait3A_77 = tpu.memref_slice %arg14[%dma_wait3A_75, %dma_wait3A_76] : memref<10112x128xf32, #tpu.memory_space<vmem_shared>> -> memref<10112x128xf32, #tpu.memory_space<vmem_shared>>
      tpu.wait_indirect_dma semaphore(%run_scoped3A : memref<!tpu.dma_semaphore, #tpu.memory_space<semaphore_mem>>) src(%arg11 : memref<128x128xf32, #tpu.memory_space<vmem>>) dst(%dma_wait3A_77 : memref<10112x128xf32, #tpu.memory_space<vmem_shared>>)
      tpu.yield
    }) : () -> ()
    %dma_wait3A_60 = arith.constant 0 : i32
    %dma_wait3A_61 = arith.constant 0 : i32
    %dma_wait3A_62 = tpu.memref_slice %arg2[%dma_wait3A_60, %dma_wait3A_61] : memref<10000x128xf32, #tpu.memory_space<hbm>> -> memref<10000x128xf32, #tpu.memory_space<hbm>>
    tpu.wait_indirect_dma semaphore(%arg16 : memref<!tpu.dma_semaphore, #tpu.memory_space<semaphore_mem>>) src(%dma_wait3A_62 : memref<10000x128xf32, #tpu.memory_space<hbm>>) dst(%arg12 : memref<128x128xf32, #tpu.memory_space<vmem>>)
    %add3A_63 = arith.constant 10112 : i32
    %add3A_64 = arith.addi %mul3A_29, %add3A_63 : i32
    %dma_wait3A_65 = tpu.memref_slice %arg4[%add3A_64] : memref<327680xi32, #tpu.memory_space<hbm>> -> memref<128xi32, #tpu.memory_space<hbm>>
    %dma_wait3A_66 = tpu.memref_slice %arg4[%add3A_64] : memref<327680xi32, #tpu.memory_space<hbm>> -> memref<128xi32, #tpu.memory_space<hbm>>
    tpu.wait_dma2 semaphore(%arg19 : memref<!tpu.dma_semaphore, #tpu.memory_space<semaphore_mem>>) src(%dma_wait3A_66 : memref<128xi32, #tpu.memory_space<hbm>>) dst(%arg10 : memref<128xi32, #tpu.memory_space<vmem>>)
    "tpu.region"() ({
      %run_scoped3A = tpu.sem_alloc : memref<!tpu.dma_semaphore, #tpu.memory_space<semaphore_mem>>
      %dma_start3A_72 = arith.constant 0 : i32
      %dma_start3A_73 = arith.constant 0 : i32
      %dma_start3A_74 = tpu.memref_slice %arg14[%dma_start3A_72, %dma_start3A_73] : memref<10112x128xf32, #tpu.memory_space<vmem_shared>> -> memref<10112x128xf32, #tpu.memory_space<vmem_shared>>
      tpu.enqueue_indirect_dma source(%arg12 : memref<128x128xf32, #tpu.memory_space<vmem>>) target(%dma_start3A_74 : memref<10112x128xf32, #tpu.memory_space<vmem_shared>>) offsets(%arg10 : memref<128xi32, #tpu.memory_space<vmem>>) semaphore(%run_scoped3A : memref<!tpu.dma_semaphore, #tpu.memory_space<semaphore_mem>>) {add = true}
      %dma_wait3A_75 = arith.constant 0 : i32
      %dma_wait3A_76 = arith.constant 0 : i32
      %dma_wait3A_77 = tpu.memref_slice %arg14[%dma_wait3A_75, %dma_wait3A_76] : memref<10112x128xf32, #tpu.memory_space<vmem_shared>> -> memref<10112x128xf32, #tpu.memory_space<vmem_shared>>
      tpu.wait_indirect_dma semaphore(%run_scoped3A : memref<!tpu.dma_semaphore, #tpu.memory_space<semaphore_mem>>) src(%arg12 : memref<128x128xf32, #tpu.memory_space<vmem>>) dst(%dma_wait3A_77 : memref<10112x128xf32, #tpu.memory_space<vmem_shared>>)
      tpu.yield
    }) : () -> ()
    %barrier3A_67 = arith.constant 0 : index
    tpu.barrier barrier_id(%barrier3A_67)
    %mul3A_68 = arith.constant 632 : i32
    %mul3A_69 = arith.muli %arg1, %mul3A_68 : i32
    %mul3A_70 = arith.constant 632 : i32
    %mul3A_71 = arith.muli %arg1, %mul3A_70 : i32
    "tpu.region"() ({
      %run_scoped3A = tpu.sem_alloc : memref<!tpu.dma_semaphore, #tpu.memory_space<semaphore_mem>>
      %dma_start3A_72 = arith.constant 0 : i32
      %dma_start3A_73 = tpu.memref_slice %arg5[%arg0, %mul3A_71, %dma_start3A_72] : memref<2x10112x128xf32, #tpu.memory_space<hbm>> -> memref<1x632x128xf32, #tpu.memory_space<hbm>>
      %dma_start3A_74 = tpu.memref_squeeze %dma_start3A_73 : memref<1x632x128xf32, #tpu.memory_space<hbm>> -> memref<632x128xf32, #tpu.memory_space<hbm>>
      %dma_start3A_75 = arith.constant 0 : i32
      %dma_start3A_76 = tpu.memref_slice %arg14[%mul3A_69, %dma_start3A_75] : memref<10112x128xf32, #tpu.memory_space<vmem_shared>> -> memref<632x128xf32, #tpu.memory_space<vmem_shared>>
      tpu.enqueue_dma source(%dma_start3A_76 : memref<632x128xf32, #tpu.memory_space<vmem_shared>>) target(%dma_start3A_74 : memref<632x128xf32, #tpu.memory_space<hbm>>) target_semaphore(%run_scoped3A : memref<!tpu.dma_semaphore, #tpu.memory_space<semaphore_mem>>)
      %dma_wait3A_77 = arith.constant 0 : i32
      %dma_wait3A_78 = tpu.memref_slice %arg5[%arg0, %mul3A_71, %dma_wait3A_77] : memref<2x10112x128xf32, #tpu.memory_space<hbm>> -> memref<1x632x128xf32, #tpu.memory_space<hbm>>
      %dma_wait3A_79 = tpu.memref_squeeze %dma_wait3A_78 : memref<1x632x128xf32, #tpu.memory_space<hbm>> -> memref<632x128xf32, #tpu.memory_space<hbm>>
      %dma_wait3A_80 = arith.constant 0 : i32
      %dma_wait3A_81 = tpu.memref_slice %arg14[%mul3A_69, %dma_wait3A_80] : memref<10112x128xf32, #tpu.memory_space<vmem_shared>> -> memref<632x128xf32, #tpu.memory_space<vmem_shared>>
      tpu.wait_dma2 semaphore(%run_scoped3A : memref<!tpu.dma_semaphore, #tpu.memory_space<semaphore_mem>>) src(%dma_wait3A_81 : memref<632x128xf32, #tpu.memory_space<vmem_shared>>) dst(%dma_wait3A_79 : memref<632x128xf32, #tpu.memory_space<hbm>>)
      tpu.yield
    }) : () -> ()
    return
  }
}

#map = affine_map<(d0, d1) -> (0, 0)>
#map1 = affine_map<(d0, d1) -> (0)>
#map2 = affine_map<(d0, d1) -> (0, 0, 0)>
module attributes {stable_mosaic.version = 14 : i64} {
  func.func @_sc_scatter_body(%arg0: i32, %arg1: i32, %arg2: memref<10000x128xf32, #tpu.memory_space<hbm>>, %arg3: memref<327680xi32, #tpu.memory_space<hbm>>, %arg4: memref<327680xi32, #tpu.memory_space<hbm>>, %arg5: memref<2x10112x128xf32, #tpu.memory_space<hbm>>, %arg6: memref<128xi32, #tpu.memory_space<vmem>>, %arg7: memref<128xi32, #tpu.memory_space<vmem>>, %arg8: memref<128xi32, #tpu.memory_space<vmem>>, %arg9: memref<128xi32, #tpu.memory_space<vmem>>, %arg10: memref<128xi32, #tpu.memory_space<vmem>>, %arg11: memref<128x128xf32, #tpu.memory_space<vmem>>, %arg12: memref<128x128xf32, #tpu.memory_space<vmem>>, %arg13: memref<128x128xf32, #tpu.memory_space<vmem>>, %arg14: memref<10112x128xf32, #tpu.memory_space<vmem_shared>>, %arg15: memref<!tpu.dma_semaphore, #tpu.memory_space<semaphore_mem>>, %arg16: memref<!tpu.dma_semaphore, #tpu.memory_space<semaphore_mem>>, %arg17: memref<!tpu.dma_semaphore, #tpu.memory_space<semaphore_mem>>, %arg18: memref<!tpu.dma_semaphore, #tpu.memory_space<semaphore_mem>>, %arg19: memref<!tpu.dma_semaphore, #tpu.memory_space<semaphore_mem>>) attributes {dimension_semantics = [#tpu.dimension_semantics<core_parallel>, #tpu.dimension_semantics<subcore_parallel>], iteration_bounds = array<i64: 2, 16>, scalar_prefetch = 0 : i64, scratch_operands = 14 : i64, tpu.core_type = #tpu.core_type<sc_vector_subcore>, window_params = [{transform_indices = #map}, {transform_indices = #map1}, {transform_indices = #map1}, {transform_indices = #map2}]} {
    %mul3A = arith.constant 16 : i32
    %mul3A_0 = arith.muli %arg0, %mul3A : i32
    %add3A = arith.addi %mul3A_0, %arg1 : i32
    %broadcast_in_dim3A = arith.constant 0.000000e+00 : f32
    %broadcast_in_dim3A_1 = vector.broadcast %broadcast_in_dim3A : f32 to vector<16xf32>
    %scan3A = arith.constant 0 : i32
    %scan3A_2 = arith.constant 0 : i32
    %scan3A_3 = arith.constant 1024 : i32
    %scan3A_4 = arith.addi %scan3A_2, %scan3A_3 : i32
    %scan3A_5 = arith.constant 1 : i32
    %scan3A_6 = scf.for %scan3A_72 = %scan3A_2 to %scan3A_4 step %scan3A_5 iter_args(%scan3A_73 = %scan3A) -> (i32)  : i32 {
      %jit3A = arith.constant 8 : i32
      %div3A = arith.divsi %scan3A_72, %jit3A : i32
      %sign3A = arith.constant 0 : i32
      %sign3A_74 = arith.cmpi sgt, %scan3A_72, %sign3A : i32
      %sign3A_75 = arith.extui %sign3A_74 : i1 to i32
      %sign3A_76 = arith.constant 0 : i32
      %sign3A_77 = arith.cmpi slt, %scan3A_72, %sign3A_76 : i32
      %sign3A_78 = arith.extui %sign3A_77 : i1 to i32
      %sign3A_79 = arith.subi %sign3A_75, %sign3A_78 : i32
      %sign3A_80 = arith.constant 0 : i32
      %sign3A_81 = arith.cmpi sgt, %jit3A, %sign3A_80 : i32
      %sign3A_82 = arith.extui %sign3A_81 : i1 to i32
      %sign3A_83 = arith.constant 0 : i32
      %sign3A_84 = arith.cmpi slt, %jit3A, %sign3A_83 : i32
      %sign3A_85 = arith.extui %sign3A_84 : i1 to i32
      %sign3A_86 = arith.subi %sign3A_82, %sign3A_85 : i32
      %ne3A = arith.cmpi ne, %sign3A_79, %sign3A_86 : i32
      %rem3A = arith.remsi %scan3A_72, %jit3A : i32
      %ne3A_87 = arith.constant 0 : i32
      %ne3A_88 = arith.cmpi ne, %rem3A, %ne3A_87 : i32
      %and3A = arith.andi %ne3A, %ne3A_88 : i1
      %sub3A = arith.constant 1 : i32
      %sub3A_89 = arith.subi %div3A, %sub3A : i32
      %select_n3A = arith.select %and3A, %sub3A_89, %div3A : i32
      %jit3A_90 = arith.constant 8 : i32
      %eq3A = arith.constant 0 : i32
      %eq3A_91 = arith.cmpi eq, %jit3A_90, %eq3A : i32
      %jit3A_92 = arith.constant 1 : i32
      %select_n3A_93 = arith.select %eq3A_91, %jit3A_92, %jit3A_90 : i32
      %rem3A_94 = arith.remsi %scan3A_72, %select_n3A_93 : i32
      %ne3A_95 = arith.constant 0 : i32
      %ne3A_96 = arith.cmpi ne, %rem3A_94, %ne3A_95 : i32
      %lt3A = arith.constant 0 : i32
      %lt3A_97 = arith.cmpi slt, %rem3A_94, %lt3A : i32
      %lt3A_98 = arith.constant 0 : i32
      %lt3A_99 = arith.cmpi slt, %select_n3A_93, %lt3A_98 : i32
      %ne3A_100 = arith.xori %lt3A_97, %lt3A_99 : i1
      %and3A_101 = arith.andi %ne3A_100, %ne3A_96 : i1
      %add3A_102 = arith.addi %rem3A_94, %select_n3A_93 : i32
      %select_n3A_103 = arith.select %and3A_101, %add3A_102, %rem3A_94 : i32
      %mul3A_104 = arith.constant 16 : i32
      %mul3A_105 = arith.muli %select_n3A_103, %mul3A_104 : i32
      %swap3A = arith.index_cast %select_n3A : i32 to index
      %swap3A_106 = arith.index_cast %mul3A_105 : i32 to index
      %swap3A_107 = tpu.vector_load %arg11[%swap3A, %swap3A_106] {strides = array<i32>} : memref<128x128xf32, #tpu.memory_space<vmem>>, vector<1x16xf32>,
      %swap3A_108 = vector.shape_cast %swap3A_107 : vector<1x16xf32> to vector<16xf32>
      %swap3A_109 = vector.shape_cast %broadcast_in_dim3A_1 : vector<16xf32> to vector<1x16xf32>
      tpu.vector_store %arg11[%swap3A, %swap3A_106], %swap3A_109 {strides = array<i32>} : memref<128x128xf32, #tpu.memory_space<vmem>>, vector<1x16xf32>,
      %scan3A_110 = arith.constant 0 : i32
      scf.yield %scan3A_110 : i32
    }
    %scan3A_7 = arith.constant 1024 : i32
    %mul3A_8 = arith.constant 632 : i32
    %mul3A_9 = arith.muli %arg1, %mul3A_8 : i32
    %add3A_10 = arith.constant 0 : i32
    %add3A_11 = arith.addi %mul3A_9, %add3A_10 : i32
    "tpu.region"() ({
      %run_scoped3A = tpu.sem_alloc : memref<!tpu.dma_semaphore, #tpu.memory_space<semaphore_mem>>
      %dma_start3A_72 = arith.constant 0 : i32
      %dma_start3A_73 = tpu.memref_slice %arg14[%add3A_11, %dma_start3A_72] : memref<10112x128xf32, #tpu.memory_space<vmem_shared>> -> memref<128x128xf32, #tpu.memory_space<vmem_shared>>
      %dma_start3A_74 = arith.constant 0 : i32
      %dma_start3A_75 = tpu.memref_slice %arg14[%add3A_11, %dma_start3A_74] : memref<10112x128xf32, #tpu.memory_space<vmem_shared>> -> memref<128x128xf32, #tpu.memory_space<vmem_shared>>
      tpu.enqueue_dma source(%arg11 : memref<128x128xf32, #tpu.memory_space<vmem>>) target(%dma_start3A_75 : memref<128x128xf32, #tpu.memory_space<vmem_shared>>) target_semaphore(%run_scoped3A : memref<!tpu.dma_semaphore, #tpu.memory_space<semaphore_mem>>)
      %dma_wait3A_76 = arith.constant 0 : i32
      %dma_wait3A_77 = tpu.memref_slice %arg14[%add3A_11, %dma_wait3A_76] : memref<10112x128xf32, #tpu.memory_space<vmem_shared>> -> memref<128x128xf32, #tpu.memory_space<vmem_shared>>
      %dma_wait3A_78 = arith.constant 0 : i32
      %dma_wait3A_79 = tpu.memref_slice %arg14[%add3A_11, %dma_wait3A_78] : memref<10112x128xf32, #tpu.memory_space<vmem_shared>> -> memref<128x128xf32, #tpu.memory_space<vmem_shared>>
      tpu.wait_dma2 semaphore(%run_scoped3A : memref<!tpu.dma_semaphore, #tpu.memory_space<semaphore_mem>>) src(%arg11 : memref<128x128xf32, #tpu.memory_space<vmem>>) dst(%dma_wait3A_79 : memref<128x128xf32, #tpu.memory_space<vmem_shared>>)
      tpu.yield
    }) : () -> ()
    %mul3A_12 = arith.constant 632 : i32
    %mul3A_13 = arith.muli %arg1, %mul3A_12 : i32
    %add3A_14 = arith.constant 128 : i32
    %add3A_15 = arith.addi %mul3A_13, %add3A_14 : i32
    "tpu.region"() ({
      %run_scoped3A = tpu.sem_alloc : memref<!tpu.dma_semaphore, #tpu.memory_space<semaphore_mem>>
      %dma_start3A_72 = arith.constant 0 : i32
      %dma_start3A_73 = tpu.memref_slice %arg14[%add3A_15, %dma_start3A_72] : memref<10112x128xf32, #tpu.memory_space<vmem_shared>> -> memref<128x128xf32, #tpu.memory_space<vmem_shared>>
      %dma_start3A_74 = arith.constant 0 : i32
      %dma_start3A_75 = tpu.memref_slice %arg14[%add3A_15, %dma_start3A_74] : memref<10112x128xf32, #tpu.memory_space<vmem_shared>> -> memref<128x128xf32, #tpu.memory_space<vmem_shared>>
      tpu.enqueue_dma source(%arg11 : memref<128x128xf32, #tpu.memory_space<vmem>>) target(%dma_start3A_75 : memref<128x128xf32, #tpu.memory_space<vmem_shared>>) target_semaphore(%run_scoped3A : memref<!tpu.dma_semaphore, #tpu.memory_space<semaphore_mem>>)
      %dma_wait3A_76 = arith.constant 0 : i32
      %dma_wait3A_77 = tpu.memref_slice %arg14[%add3A_15, %dma_wait3A_76] : memref<10112x128xf32, #tpu.memory_space<vmem_shared>> -> memref<128x128xf32, #tpu.memory_space<vmem_shared>>
      %dma_wait3A_78 = arith.constant 0 : i32
      %dma_wait3A_79 = tpu.memref_slice %arg14[%add3A_15, %dma_wait3A_78] : memref<10112x128xf32, #tpu.memory_space<vmem_shared>> -> memref<128x128xf32, #tpu.memory_space<vmem_shared>>
      tpu.wait_dma2 semaphore(%run_scoped3A : memref<!tpu.dma_semaphore, #tpu.memory_space<semaphore_mem>>) src(%arg11 : memref<128x128xf32, #tpu.memory_space<vmem>>) dst(%dma_wait3A_79 : memref<128x128xf32, #tpu.memory_space<vmem_shared>>)
      tpu.yield
    }) : () -> ()
    %mul3A_16 = arith.constant 632 : i32
    %mul3A_17 = arith.muli %arg1, %mul3A_16 : i32
    %add3A_18 = arith.constant 256 : i32
    %add3A_19 = arith.addi %mul3A_17, %add3A_18 : i32
    "tpu.region"() ({
      %run_scoped3A = tpu.sem_alloc : memref<!tpu.dma_semaphore, #tpu.memory_space<semaphore_mem>>
      %dma_start3A_72 = arith.constant 0 : i32
      %dma_start3A_73 = tpu.memref_slice %arg14[%add3A_19, %dma_start3A_72] : memref<10112x128xf32, #tpu.memory_space<vmem_shared>> -> memref<128x128xf32, #tpu.memory_space<vmem_shared>>
      %dma_start3A_74 = arith.constant 0 : i32
      %dma_start3A_75 = tpu.memref_slice %arg14[%add3A_19, %dma_start3A_74] : memref<10112x128xf32, #tpu.memory_space<vmem_shared>> -> memref<128x128xf32, #tpu.memory_space<vmem_shared>>
      tpu.enqueue_dma source(%arg11 : memref<128x128xf32, #tpu.memory_space<vmem>>) target(%dma_start3A_75 : memref<128x128xf32, #tpu.memory_space<vmem_shared>>) target_semaphore(%run_scoped3A : memref<!tpu.dma_semaphore, #tpu.memory_space<semaphore_mem>>)
      %dma_wait3A_76 = arith.constant 0 : i32
      %dma_wait3A_77 = tpu.memref_slice %arg14[%add3A_19, %dma_wait3A_76] : memref<10112x128xf32, #tpu.memory_space<vmem_shared>> -> memref<128x128xf32, #tpu.memory_space<vmem_shared>>
      %dma_wait3A_78 = arith.constant 0 : i32
      %dma_wait3A_79 = tpu.memref_slice %arg14[%add3A_19, %dma_wait3A_78] : memref<10112x128xf32, #tpu.memory_space<vmem_shared>> -> memref<128x128xf32, #tpu.memory_space<vmem_shared>>
      tpu.wait_dma2 semaphore(%run_scoped3A : memref<!tpu.dma_semaphore, #tpu.memory_space<semaphore_mem>>) src(%arg11 : memref<128x128xf32, #tpu.memory_space<vmem>>) dst(%dma_wait3A_79 : memref<128x128xf32, #tpu.memory_space<vmem_shared>>)
      tpu.yield
    }) : () -> ()
    %mul3A_20 = arith.constant 632 : i32
    %mul3A_21 = arith.muli %arg1, %mul3A_20 : i32
    %add3A_22 = arith.constant 384 : i32
    %add3A_23 = arith.addi %mul3A_21, %add3A_22 : i32
    "tpu.region"() ({
      %run_scoped3A = tpu.sem_alloc : memref<!tpu.dma_semaphore, #tpu.memory_space<semaphore_mem>>
      %dma_start3A_72 = arith.constant 0 : i32
      %dma_start3A_73 = tpu.memref_slice %arg14[%add3A_23, %dma_start3A_72] : memref<10112x128xf32, #tpu.memory_space<vmem_shared>> -> memref<128x128xf32, #tpu.memory_space<vmem_shared>>
      %dma_start3A_74 = arith.constant 0 : i32
      %dma_start3A_75 = tpu.memref_slice %arg14[%add3A_23, %dma_start3A_74] : memref<10112x128xf32, #tpu.memory_space<vmem_shared>> -> memref<128x128xf32, #tpu.memory_space<vmem_shared>>
      tpu.enqueue_dma source(%arg11 : memref<128x128xf32, #tpu.memory_space<vmem>>) target(%dma_start3A_75 : memref<128x128xf32, #tpu.memory_space<vmem_shared>>) target_semaphore(%run_scoped3A : memref<!tpu.dma_semaphore, #tpu.memory_space<semaphore_mem>>)
      %dma_wait3A_76 = arith.constant 0 : i32
      %dma_wait3A_77 = tpu.memref_slice %arg14[%add3A_23, %dma_wait3A_76] : memref<10112x128xf32, #tpu.memory_space<vmem_shared>> -> memref<128x128xf32, #tpu.memory_space<vmem_shared>>
      %dma_wait3A_78 = arith.constant 0 : i32
      %dma_wait3A_79 = tpu.memref_slice %arg14[%add3A_23, %dma_wait3A_78] : memref<10112x128xf32, #tpu.memory_space<vmem_shared>> -> memref<128x128xf32, #tpu.memory_space<vmem_shared>>
      tpu.wait_dma2 semaphore(%run_scoped3A : memref<!tpu.dma_semaphore, #tpu.memory_space<semaphore_mem>>) src(%arg11 : memref<128x128xf32, #tpu.memory_space<vmem>>) dst(%dma_wait3A_79 : memref<128x128xf32, #tpu.memory_space<vmem_shared>>)
      tpu.yield
    }) : () -> ()
    %mul3A_24 = arith.constant 632 : i32
    %mul3A_25 = arith.muli %arg1, %mul3A_24 : i32
    %add3A_26 = arith.constant 512 : i32
    %add3A_27 = arith.addi %mul3A_25, %add3A_26 : i32
    "tpu.region"() ({
      %run_scoped3A = tpu.sem_alloc : memref<!tpu.dma_semaphore, #tpu.memory_space<semaphore_mem>>
      %dma_start3A_72 = arith.constant 0 : i32
      %dma_start3A_73 = arith.constant 0 : i32
      %dma_start3A_74 = tpu.memref_slice %arg11[%dma_start3A_72, %dma_start3A_73] : memref<128x128xf32, #tpu.memory_space<vmem>> -> memref<120x128xf32, #tpu.memory_space<vmem>>
      %dma_start3A_75 = arith.constant 0 : i32
      %dma_start3A_76 = tpu.memref_slice %arg14[%add3A_27, %dma_start3A_75] : memref<10112x128xf32, #tpu.memory_space<vmem_shared>> -> memref<120x128xf32, #tpu.memory_space<vmem_shared>>
      %dma_start3A_77 = arith.constant 0 : i32
      %dma_start3A_78 = tpu.memref_slice %arg14[%add3A_27, %dma_start3A_77] : memref<10112x128xf32, #tpu.memory_space<vmem_shared>> -> memref<120x128xf32, #tpu.memory_space<vmem_shared>>
      %dma_start3A_79 = arith.constant 0 : i32
      %dma_start3A_80 = arith.constant 0 : i32
      %dma_start3A_81 = tpu.memref_slice %arg11[%dma_start3A_79, %dma_start3A_80] : memref<128x128xf32, #tpu.memory_space<vmem>> -> memref<120x128xf32, #tpu.memory_space<vmem>>
      tpu.enqueue_dma source(%dma_start3A_81 : memref<120x128xf32, #tpu.memory_space<vmem>>) target(%dma_start3A_78 : memref<120x128xf32, #tpu.memory_space<vmem_shared>>) target_semaphore(%run_scoped3A : memref<!tpu.dma_semaphore, #tpu.memory_space<semaphore_mem>>)
      %dma_wait3A_82 = arith.constant 0 : i32
      %dma_wait3A_83 = arith.constant 0 : i32
      %dma_wait3A_84 = tpu.memref_slice %arg11[%dma_wait3A_82, %dma_wait3A_83] : memref<128x128xf32, #tpu.memory_space<vmem>> -> memref<120x128xf32, #tpu.memory_space<vmem>>
      %dma_wait3A_85 = arith.constant 0 : i32
      %dma_wait3A_86 = tpu.memref_slice %arg14[%add3A_27, %dma_wait3A_85] : memref<10112x128xf32, #tpu.memory_space<vmem_shared>> -> memref<120x128xf32, #tpu.memory_space<vmem_shared>>
      %dma_wait3A_87 = arith.constant 0 : i32
      %dma_wait3A_88 = tpu.memref_slice %arg14[%add3A_27, %dma_wait3A_87] : memref<10112x128xf32, #tpu.memory_space<vmem_shared>> -> memref<120x128xf32, #tpu.memory_space<vmem_shared>>
      %dma_wait3A_89 = arith.constant 0 : i32
      %dma_wait3A_90 = arith.constant 0 : i32
      %dma_wait3A_91 = tpu.memref_slice %arg11[%dma_wait3A_89, %dma_wait3A_90] : memref<128x128xf32, #tpu.memory_space<vmem>> -> memref<120x128xf32, #tpu.memory_space<vmem>>
      tpu.wait_dma2 semaphore(%run_scoped3A : memref<!tpu.dma_semaphore, #tpu.memory_space<semaphore_mem>>) src(%dma_wait3A_91 : memref<120x128xf32, #tpu.memory_space<vmem>>) dst(%dma_wait3A_88 : memref<120x128xf32, #tpu.memory_space<vmem_shared>>)
      tpu.yield
    }) : () -> ()
    %barrier3A = arith.constant 0 : index
    tpu.barrier barrier_id(%barrier3A)
    %mul3A_28 = arith.constant 10240 : i32
    %mul3A_29 = arith.muli %add3A, %mul3A_28 : i32
    %add3A_30 = arith.constant 0 : i32
    %add3A_31 = arith.addi %mul3A_29, %add3A_30 : i32
    "tpu.region"() ({
      %run_scoped3A = tpu.sem_alloc : memref<!tpu.dma_semaphore, #tpu.memory_space<semaphore_mem>>
      %dma_start3A_72 = tpu.memref_slice %arg3[%add3A_31] : memref<327680xi32, #tpu.memory_space<hbm>> -> memref<128xi32, #tpu.memory_space<hbm>>
      %dma_start3A_73 = tpu.memref_slice %arg3[%add3A_31] : memref<327680xi32, #tpu.memory_space<hbm>> -> memref<128xi32, #tpu.memory_space<hbm>>
      tpu.enqueue_dma source(%dma_start3A_73 : memref<128xi32, #tpu.memory_space<hbm>>) target(%arg6 : memref<128xi32, #tpu.memory_space<vmem>>) target_semaphore(%run_scoped3A : memref<!tpu.dma_semaphore, #tpu.memory_space<semaphore_mem>>)
      %dma_wait3A_74 = tpu.memref_slice %arg3[%add3A_31] : memref<327680xi32, #tpu.memory_space<hbm>> -> memref<128xi32, #tpu.memory_space<hbm>>
      %dma_wait3A_75 = tpu.memref_slice %arg3[%add3A_31] : memref<327680xi32, #tpu.memory_space<hbm>> -> memref<128xi32, #tpu.memory_space<hbm>>
      tpu.wait_dma2 semaphore(%run_scoped3A : memref<!tpu.dma_semaphore, #tpu.memory_space<semaphore_mem>>) src(%dma_wait3A_75 : memref<128xi32, #tpu.memory_space<hbm>>) dst(%arg6 : memref<128xi32, #tpu.memory_space<vmem>>)
      tpu.yield
    }) : () -> ()
    %dma_start3A = arith.constant 0 : i32
    %dma_start3A_32 = arith.constant 0 : i32
    %dma_start3A_33 = tpu.memref_slice %arg2[%dma_start3A, %dma_start3A_32] : memref<10000x128xf32, #tpu.memory_space<hbm>> -> memref<10000x128xf32, #tpu.memory_space<hbm>>
    tpu.enqueue_indirect_dma source(%dma_start3A_33 : memref<10000x128xf32, #tpu.memory_space<hbm>>) target(%arg11 : memref<128x128xf32, #tpu.memory_space<vmem>>) offsets(%arg6 : memref<128xi32, #tpu.memory_space<vmem>>) semaphore(%arg15 : memref<!tpu.dma_semaphore, #tpu.memory_space<semaphore_mem>>)
    %add3A_34 = arith.constant 128 : i32
    %add3A_35 = arith.addi %mul3A_29, %add3A_34 : i32
    "tpu.region"() ({
      %run_scoped3A = tpu.sem_alloc : memref<!tpu.dma_semaphore, #tpu.memory_space<semaphore_mem>>
      %dma_start3A_72 = tpu.memref_slice %arg3[%add3A_35] : memref<327680xi32, #tpu.memory_space<hbm>> -> memref<128xi32, #tpu.memory_space<hbm>>
      %dma_start3A_73 = tpu.memref_slice %arg3[%add3A_35] : memref<327680xi32, #tpu.memory_space<hbm>> -> memref<128xi32, #tpu.memory_space<hbm>>
      tpu.enqueue_dma source(%dma_start3A_73 : memref<128xi32, #tpu.memory_space<hbm>>) target(%arg7 : memref<128xi32, #tpu.memory_space<vmem>>) target_semaphore(%run_scoped3A : memref<!tpu.dma_semaphore, #tpu.memory_space<semaphore_mem>>)
      %dma_wait3A_74 = tpu.memref_slice %arg3[%add3A_35] : memref<327680xi32, #tpu.memory_space<hbm>> -> memref<128xi32, #tpu.memory_space<hbm>>
      %dma_wait3A_75 = tpu.memref_slice %arg3[%add3A_35] : memref<327680xi32, #tpu.memory_space<hbm>> -> memref<128xi32, #tpu.memory_space<hbm>>
      tpu.wait_dma2 semaphore(%run_scoped3A : memref<!tpu.dma_semaphore, #tpu.memory_space<semaphore_mem>>) src(%dma_wait3A_75 : memref<128xi32, #tpu.memory_space<hbm>>) dst(%arg7 : memref<128xi32, #tpu.memory_space<vmem>>)
      tpu.yield
    }) : () -> ()
    %dma_start3A_36 = arith.constant 0 : i32
    %dma_start3A_37 = arith.constant 0 : i32
    %dma_start3A_38 = tpu.memref_slice %arg2[%dma_start3A_36, %dma_start3A_37] : memref<10000x128xf32, #tpu.memory_space<hbm>> -> memref<10000x128xf32, #tpu.memory_space<hbm>>
    tpu.enqueue_indirect_dma source(%dma_start3A_38 : memref<10000x128xf32, #tpu.memory_space<hbm>>) target(%arg12 : memref<128x128xf32, #tpu.memory_space<vmem>>) offsets(%arg7 : memref<128xi32, #tpu.memory_space<vmem>>) semaphore(%arg16 : memref<!tpu.dma_semaphore, #tpu.memory_space<semaphore_mem>>)
    %add3A_39 = arith.constant 0 : i32
    %add3A_40 = arith.addi %mul3A_29, %add3A_39 : i32
    %dma_start3A_41 = tpu.memref_slice %arg4[%add3A_40] : memref<327680xi32, #tpu.memory_space<hbm>> -> memref<128xi32, #tpu.memory_space<hbm>>
    %dma_start3A_42 = tpu.memref_slice %arg4[%add3A_40] : memref<327680xi32, #tpu.memory_space<hbm>> -> memref<128xi32, #tpu.memory_space<hbm>>
    tpu.enqueue_dma source(%dma_start3A_42 : memref<128xi32, #tpu.memory_space<hbm>>) target(%arg9 : memref<128xi32, #tpu.memory_space<vmem>>) target_semaphore(%arg18 : memref<!tpu.dma_semaphore, #tpu.memory_space<semaphore_mem>>)
    %add3A_43 = arith.constant 128 : i32
    %add3A_44 = arith.addi %mul3A_29, %add3A_43 : i32
    %dma_start3A_45 = tpu.memref_slice %arg4[%add3A_44] : memref<327680xi32, #tpu.memory_space<hbm>> -> memref<128xi32, #tpu.memory_space<hbm>>
    %dma_start3A_46 = tpu.memref_slice %arg4[%add3A_44] : memref<327680xi32, #tpu.memory_space<hbm>> -> memref<128xi32, #tpu.memory_space<hbm>>
    tpu.enqueue_dma source(%dma_start3A_46 : memref<128xi32, #tpu.memory_space<hbm>>) target(%arg10 : memref<128xi32, #tpu.memory_space<vmem>>) target_semaphore(%arg19 : memref<!tpu.dma_semaphore, #tpu.memory_space<semaphore_mem>>)
    %scan3A_47 = arith.constant 0 : i32
    %scan3A_48 = arith.constant 0 : i32
    %scan3A_49 = arith.constant 13 : i32
    %scan3A_50 = arith.addi %scan3A_48, %scan3A_49 : i32
    %scan3A_51 = arith.constant 1 : i32
    %scan3A_52 = scf.for %scan3A_72 = %scan3A_48 to %scan3A_50 step %scan3A_51 iter_args(%scan3A_73 = %scan3A_47) -> (i32)  : i32 {
      %mul3A_74 = arith.constant 6 : i32
      %mul3A_75 = arith.muli %mul3A_74, %scan3A_72 : i32
      %add3A_76 = arith.constant 0 : i32
      %add3A_77 = arith.addi %mul3A_75, %add3A_76 : i32
      %add3A_78 = arith.constant 2 : i32
      %add3A_79 = arith.addi %add3A_77, %add3A_78 : i32
      %mul3A_80 = arith.constant 128 : i32
      %mul3A_81 = arith.muli %add3A_79, %mul3A_80 : i32
      %add3A_82 = arith.addi %mul3A_29, %mul3A_81 : i32
      "tpu.region"() ({
        %run_scoped3A = tpu.sem_alloc : memref<!tpu.dma_semaphore, #tpu.memory_space<semaphore_mem>>
        %dma_start3A_237 = tpu.memref_slice %arg3[%add3A_82] : memref<327680xi32, #tpu.memory_space<hbm>> -> memref<128xi32, #tpu.memory_space<hbm>>
        %dma_start3A_238 = tpu.memref_slice %arg3[%add3A_82] : memref<327680xi32, #tpu.memory_space<hbm>> -> memref<128xi32, #tpu.memory_space<hbm>>
        tpu.enqueue_dma source(%dma_start3A_238 : memref<128xi32, #tpu.memory_space<hbm>>) target(%arg8 : memref<128xi32, #tpu.memory_space<vmem>>) target_semaphore(%run_scoped3A : memref<!tpu.dma_semaphore, #tpu.memory_space<semaphore_mem>>)
        %dma_wait3A_239 = tpu.memref_slice %arg3[%add3A_82] : memref<327680xi32, #tpu.memory_space<hbm>> -> memref<128xi32, #tpu.memory_space<hbm>>
        %dma_wait3A_240 = tpu.memref_slice %arg3[%add3A_82] : memref<327680xi32, #tpu.memory_space<hbm>> -> memref<128xi32, #tpu.memory_space<hbm>>
        tpu.wait_dma2 semaphore(%run_scoped3A : memref<!tpu.dma_semaphore, #tpu.memory_space<semaphore_mem>>) src(%dma_wait3A_240 : memref<128xi32, #tpu.memory_space<hbm>>) dst(%arg8 : memref<128xi32, #tpu.memory_space<vmem>>)
        tpu.yield
      }) : () -> ()
      %dma_start3A_83 = arith.constant 0 : i32
      %dma_start3A_84 = arith.constant 0 : i32
      %dma_start3A_85 = tpu.memref_slice %arg2[%dma_start3A_83, %dma_start3A_84] : memref<10000x128xf32, #tpu.memory_space<hbm>> -> memref<10000x128xf32, #tpu.memory_space<hbm>>
      tpu.enqueue_indirect_dma source(%dma_start3A_85 : memref<10000x128xf32, #tpu.memory_space<hbm>>) target(%arg13 : memref<128x128xf32, #tpu.memory_space<vmem>>) offsets(%arg8 : memref<128xi32, #tpu.memory_space<vmem>>) semaphore(%arg17 : memref<!tpu.dma_semaphore, #tpu.memory_space<semaphore_mem>>)
      %dma_wait3A_86 = arith.constant 0 : i32
      %dma_wait3A_87 = arith.constant 0 : i32
      %dma_wait3A_88 = tpu.memref_slice %arg2[%dma_wait3A_86, %dma_wait3A_87] : memref<10000x128xf32, #tpu.memory_space<hbm>> -> memref<10000x128xf32, #tpu.memory_space<hbm>>
      tpu.wait_indirect_dma semaphore(%arg15 : memref<!tpu.dma_semaphore, #tpu.memory_space<semaphore_mem>>) src(%dma_wait3A_88 : memref<10000x128xf32, #tpu.memory_space<hbm>>) dst(%arg11 : memref<128x128xf32, #tpu.memory_space<vmem>>)
      %mul3A_89 = arith.constant 128 : i32
      %mul3A_90 = arith.muli %add3A_77, %mul3A_89 : i32
      %add3A_91 = arith.addi %mul3A_29, %mul3A_90 : i32
      %dma_wait3A_92 = tpu.memref_slice %arg4[%add3A_91] : memref<327680xi32, #tpu.memory_space<hbm>> -> memref<128xi32, #tpu.memory_space<hbm>>
      %dma_wait3A_93 = tpu.memref_slice %arg4[%add3A_91] : memref<327680xi32, #tpu.memory_space<hbm>> -> memref<128xi32, #tpu.memory_space<hbm>>
      tpu.wait_dma2 semaphore(%arg18 : memref<!tpu.dma_semaphore, #tpu.memory_space<semaphore_mem>>) src(%dma_wait3A_93 : memref<128xi32, #tpu.memory_space<hbm>>) dst(%arg9 : memref<128xi32, #tpu.memory_space<vmem>>)
      "tpu.region"() ({
        %run_scoped3A = tpu.sem_alloc : memref<!tpu.dma_semaphore, #tpu.memory_space<semaphore_mem>>
        %dma_start3A_237 = arith.constant 0 : i32
        %dma_start3A_238 = arith.constant 0 : i32
        %dma_start3A_239 = tpu.memref_slice %arg14[%dma_start3A_237, %dma_start3A_238] : memref<10112x128xf32, #tpu.memory_space<vmem_shared>> -> memref<10112x128xf32, #tpu.memory_space<vmem_shared>>
        tpu.enqueue_indirect_dma source(%arg11 : memref<128x128xf32, #tpu.memory_space<vmem>>) target(%dma_start3A_239 : memref<10112x128xf32, #tpu.memory_space<vmem_shared>>) offsets(%arg9 : memref<128xi32, #tpu.memory_space<vmem>>) semaphore(%run_scoped3A : memref<!tpu.dma_semaphore, #tpu.memory_space<semaphore_mem>>) {add = true}
        %dma_wait3A_240 = arith.constant 0 : i32
        %dma_wait3A_241 = arith.constant 0 : i32
        %dma_wait3A_242 = tpu.memref_slice %arg14[%dma_wait3A_240, %dma_wait3A_241] : memref<10112x128xf32, #tpu.memory_space<vmem_shared>> -> memref<10112x128xf32, #tpu.memory_space<vmem_shared>>
        tpu.wait_indirect_dma semaphore(%run_scoped3A : memref<!tpu.dma_semaphore, #tpu.memory_space<semaphore_mem>>) src(%arg11 : memref<128x128xf32, #tpu.memory_space<vmem>>) dst(%dma_wait3A_242 : memref<10112x128xf32, #tpu.memory_space<vmem_shared>>)
        tpu.yield
      }) : () -> ()
      %add3A_94 = arith.constant 2 : i32
      %add3A_95 = arith.addi %add3A_77, %add3A_94 : i32
      %mul3A_96 = arith.constant 128 : i32
      %mul3A_97 = arith.muli %add3A_95, %mul3A_96 : i32
      %add3A_98 = arith.addi %mul3A_29, %mul3A_97 : i32
      %dma_start3A_99 = tpu.memref_slice %arg4[%add3A_98] : memref<327680xi32, #tpu.memory_space<hbm>> -> memref<128xi32, #tpu.memory_space<hbm>>
      %dma_start3A_100 = tpu.memref_slice %arg4[%add3A_98] : memref<327680xi32, #tpu.memory_space<hbm>> -> memref<128xi32, #tpu.memory_space<hbm>>
      tpu.enqueue_dma source(%dma_start3A_100 : memref<128xi32, #tpu.memory_space<hbm>>) target(%arg9 : memref<128xi32, #tpu.memory_space<vmem>>) target_semaphore(%arg18 : memref<!tpu.dma_semaphore, #tpu.memory_space<semaphore_mem>>)
      %mul3A_101 = arith.constant 6 : i32
      %mul3A_102 = arith.muli %mul3A_101, %scan3A_72 : i32
      %add3A_103 = arith.constant 1 : i32
      %add3A_104 = arith.addi %mul3A_102, %add3A_103 : i32
      %add3A_105 = arith.constant 2 : i32
      %add3A_106 = arith.addi %add3A_104, %add3A_105 : i32
      %mul3A_107 = arith.constant 128 : i32
      %mul3A_108 = arith.muli %add3A_106, %mul3A_107 : i32
      %add3A_109 = arith.addi %mul3A_29, %mul3A_108 : i32
      "tpu.region"() ({
        %run_scoped3A = tpu.sem_alloc : memref<!tpu.dma_semaphore, #tpu.memory_space<semaphore_mem>>
        %dma_start3A_237 = tpu.memref_slice %arg3[%add3A_109] : memref<327680xi32, #tpu.memory_space<hbm>> -> memref<128xi32, #tpu.memory_space<hbm>>
        %dma_start3A_238 = tpu.memref_slice %arg3[%add3A_109] : memref<327680xi32, #tpu.memory_space<hbm>> -> memref<128xi32, #tpu.memory_space<hbm>>
        tpu.enqueue_dma source(%dma_start3A_238 : memref<128xi32, #tpu.memory_space<hbm>>) target(%arg6 : memref<128xi32, #tpu.memory_space<vmem>>) target_semaphore(%run_scoped3A : memref<!tpu.dma_semaphore, #tpu.memory_space<semaphore_mem>>)
        %dma_wait3A_239 = tpu.memref_slice %arg3[%add3A_109] : memref<327680xi32, #tpu.memory_space<hbm>> -> memref<128xi32, #tpu.memory_space<hbm>>
        %dma_wait3A_240 = tpu.memref_slice %arg3[%add3A_109] : memref<327680xi32, #tpu.memory_space<hbm>> -> memref<128xi32, #tpu.memory_space<hbm>>
        tpu.wait_dma2 semaphore(%run_scoped3A : memref<!tpu.dma_semaphore, #tpu.memory_space<semaphore_mem>>) src(%dma_wait3A_240 : memref<128xi32, #tpu.memory_space<hbm>>) dst(%arg6 : memref<128xi32, #tpu.memory_space<vmem>>)
        tpu.yield
      }) : () -> ()
      %dma_start3A_110 = arith.constant 0 : i32
      %dma_start3A_111 = arith.constant 0 : i32
      %dma_start3A_112 = tpu.memref_slice %arg2[%dma_start3A_110, %dma_start3A_111] : memref<10000x128xf32, #tpu.memory_space<hbm>> -> memref<10000x128xf32, #tpu.memory_space<hbm>>
      tpu.enqueue_indirect_dma source(%dma_start3A_112 : memref<10000x128xf32, #tpu.memory_space<hbm>>) target(%arg11 : memref<128x128xf32, #tpu.memory_space<vmem>>) offsets(%arg6 : memref<128xi32, #tpu.memory_space<vmem>>) semaphore(%arg15 : memref<!tpu.dma_semaphore, #tpu.memory_space<semaphore_mem>>)
      %dma_wait3A_113 = arith.constant 0 : i32
      %dma_wait3A_114 = arith.constant 0 : i32
      %dma_wait3A_115 = tpu.memref_slice %arg2[%dma_wait3A_113, %dma_wait3A_114] : memref<10000x128xf32, #tpu.memory_space<hbm>> -> memref<10000x128xf32, #tpu.memory_space<hbm>>
      tpu.wait_indirect_dma semaphore(%arg16 : memref<!tpu.dma_semaphore, #tpu.memory_space<semaphore_mem>>) src(%dma_wait3A_115 : memref<10000x128xf32, #tpu.memory_space<hbm>>) dst(%arg12 : memref<128x128xf32, #tpu.memory_space<vmem>>)
      %mul3A_116 = arith.constant 128 : i32
      %mul3A_117 = arith.muli %add3A_104, %mul3A_116 : i32
      %add3A_118 = arith.addi %mul3A_29, %mul3A_117 : i32
      %dma_wait3A_119 = tpu.memref_slice %arg4[%add3A_118] : memref<327680xi32, #tpu.memory_space<hbm>> -> memref<128xi32, #tpu.memory_space<hbm>>
      %dma_wait3A_120 = tpu.memref_slice %arg4[%add3A_118] : memref<327680xi32, #tpu.memory_space<hbm>> -> memref<128xi32, #tpu.memory_space<hbm>>
      tpu.wait_dma2 semaphore(%arg19 : memref<!tpu.dma_semaphore, #tpu.memory_space<semaphore_mem>>) src(%dma_wait3A_120 : memref<128xi32, #tpu.memory_space<hbm>>) dst(%arg10 : memref<128xi32, #tpu.memory_space<vmem>>)
      "tpu.region"() ({
        %run_scoped3A = tpu.sem_alloc : memref<!tpu.dma_semaphore, #tpu.memory_space<semaphore_mem>>
        %dma_start3A_237 = arith.constant 0 : i32
        %dma_start3A_238 = arith.constant 0 : i32
        %dma_start3A_239 = tpu.memref_slice %arg14[%dma_start3A_237, %dma_start3A_238] : memref<10112x128xf32, #tpu.memory_space<vmem_shared>> -> memref<10112x128xf32, #tpu.memory_space<vmem_shared>>
        tpu.enqueue_indirect_dma source(%arg12 : memref<128x128xf32, #tpu.memory_space<vmem>>) target(%dma_start3A_239 : memref<10112x128xf32, #tpu.memory_space<vmem_shared>>) offsets(%arg10 : memref<128xi32, #tpu.memory_space<vmem>>) semaphore(%run_scoped3A : memref<!tpu.dma_semaphore, #tpu.memory_space<semaphore_mem>>) {add = true}
        %dma_wait3A_240 = arith.constant 0 : i32
        %dma_wait3A_241 = arith.constant 0 : i32
        %dma_wait3A_242 = tpu.memref_slice %arg14[%dma_wait3A_240, %dma_wait3A_241] : memref<10112x128xf32, #tpu.memory_space<vmem_shared>> -> memref<10112x128xf32, #tpu.memory_space<vmem_shared>>
        tpu.wait_indirect_dma semaphore(%run_scoped3A : memref<!tpu.dma_semaphore, #tpu.memory_space<semaphore_mem>>) src(%arg12 : memref<128x128xf32, #tpu.memory_space<vmem>>) dst(%dma_wait3A_242 : memref<10112x128xf32, #tpu.memory_space<vmem_shared>>)
        tpu.yield
      }) : () -> ()
      %add3A_121 = arith.constant 2 : i32
      %add3A_122 = arith.addi %add3A_104, %add3A_121 : i32
      %mul3A_123 = arith.constant 128 : i32
      %mul3A_124 = arith.muli %add3A_122, %mul3A_123 : i32
      %add3A_125 = arith.addi %mul3A_29, %mul3A_124 : i32
      %dma_start3A_126 = tpu.memref_slice %arg4[%add3A_125] : memref<327680xi32, #tpu.memory_space<hbm>> -> memref<128xi32, #tpu.memory_space<hbm>>
      %dma_start3A_127 = tpu.memref_slice %arg4[%add3A_125] : memref<327680xi32, #tpu.memory_space<hbm>> -> memref<128xi32, #tpu.memory_space<hbm>>
      tpu.enqueue_dma source(%dma_start3A_127 : memref<128xi32, #tpu.memory_space<hbm>>) target(%arg10 : memref<128xi32, #tpu.memory_space<vmem>>) target_semaphore(%arg19 : memref<!tpu.dma_semaphore, #tpu.memory_space<semaphore_mem>>)
      %mul3A_128 = arith.constant 6 : i32
      %mul3A_129 = arith.muli %mul3A_128, %scan3A_72 : i32
      %add3A_130 = arith.constant 2 : i32
      %add3A_131 = arith.addi %mul3A_129, %add3A_130 : i32
      %add3A_132 = arith.constant 2 : i32
      %add3A_133 = arith.addi %add3A_131, %add3A_132 : i32
      %mul3A_134 = arith.constant 128 : i32
      %mul3A_135 = arith.muli %add3A_133, %mul3A_134 : i32
      %add3A_136 = arith.addi %mul3A_29, %mul3A_135 : i32
      "tpu.region"() ({
        %run_scoped3A = tpu.sem_alloc : memref<!tpu.dma_semaphore, #tpu.memory_space<semaphore_mem>>
        %dma_start3A_237 = tpu.memref_slice %arg3[%add3A_136] : memref<327680xi32, #tpu.memory_space<hbm>> -> memref<128xi32, #tpu.memory_space<hbm>>
        %dma_start3A_238 = tpu.memref_slice %arg3[%add3A_136] : memref<327680xi32, #tpu.memory_space<hbm>> -> memref<128xi32, #tpu.memory_space<hbm>>
        tpu.enqueue_dma source(%dma_start3A_238 : memref<128xi32, #tpu.memory_space<hbm>>) target(%arg7 : memref<128xi32, #tpu.memory_space<vmem>>) target_semaphore(%run_scoped3A : memref<!tpu.dma_semaphore, #tpu.memory_space<semaphore_mem>>)
        %dma_wait3A_239 = tpu.memref_slice %arg3[%add3A_136] : memref<327680xi32, #tpu.memory_space<hbm>> -> memref<128xi32, #tpu.memory_space<hbm>>
        %dma_wait3A_240 = tpu.memref_slice %arg3[%add3A_136] : memref<327680xi32, #tpu.memory_space<hbm>> -> memref<128xi32, #tpu.memory_space<hbm>>
        tpu.wait_dma2 semaphore(%run_scoped3A : memref<!tpu.dma_semaphore, #tpu.memory_space<semaphore_mem>>) src(%dma_wait3A_240 : memref<128xi32, #tpu.memory_space<hbm>>) dst(%arg7 : memref<128xi32, #tpu.memory_space<vmem>>)
        tpu.yield
      }) : () -> ()
      %dma_start3A_137 = arith.constant 0 : i32
      %dma_start3A_138 = arith.constant 0 : i32
      %dma_start3A_139 = tpu.memref_slice %arg2[%dma_start3A_137, %dma_start3A_138] : memref<10000x128xf32, #tpu.memory_space<hbm>> -> memref<10000x128xf32, #tpu.memory_space<hbm>>
      tpu.enqueue_indirect_dma source(%dma_start3A_139 : memref<10000x128xf32, #tpu.memory_space<hbm>>) target(%arg12 : memref<128x128xf32, #tpu.memory_space<vmem>>) offsets(%arg7 : memref<128xi32, #tpu.memory_space<vmem>>) semaphore(%arg16 : memref<!tpu.dma_semaphore, #tpu.memory_space<semaphore_mem>>)
      %dma_wait3A_140 = arith.constant 0 : i32
      %dma_wait3A_141 = arith.constant 0 : i32
      %dma_wait3A_142 = tpu.memref_slice %arg2[%dma_wait3A_140, %dma_wait3A_141] : memref<10000x128xf32, #tpu.memory_space<hbm>> -> memref<10000x128xf32, #tpu.memory_space<hbm>>
      tpu.wait_indirect_dma semaphore(%arg17 : memref<!tpu.dma_semaphore, #tpu.memory_space<semaphore_mem>>) src(%dma_wait3A_142 : memref<10000x128xf32, #tpu.memory_space<hbm>>) dst(%arg13 : memref<128x128xf32, #tpu.memory_space<vmem>>)
      %mul3A_143 = arith.constant 128 : i32
      %mul3A_144 = arith.muli %add3A_131, %mul3A_143 : i32
      %add3A_145 = arith.addi %mul3A_29, %mul3A_144 : i32
      %dma_wait3A_146 = tpu.memref_slice %arg4[%add3A_145] : memref<327680xi32, #tpu.memory_space<hbm>> -> memref<128xi32, #tpu.memory_space<hbm>>
      %dma_wait3A_147 = tpu.memref_slice %arg4[%add3A_145] : memref<327680xi32, #tpu.memory_space<hbm>> -> memref<128xi32, #tpu.memory_space<hbm>>
      tpu.wait_dma2 semaphore(%arg18 : memref<!tpu.dma_semaphore, #tpu.memory_space<semaphore_mem>>) src(%dma_wait3A_147 : memref<128xi32, #tpu.memory_space<hbm>>) dst(%arg9 : memref<128xi32, #tpu.memory_space<vmem>>)
      "tpu.region"() ({
        %run_scoped3A = tpu.sem_alloc : memref<!tpu.dma_semaphore, #tpu.memory_space<semaphore_mem>>
        %dma_start3A_237 = arith.constant 0 : i32
        %dma_start3A_238 = arith.constant 0 : i32
        %dma_start3A_239 = tpu.memref_slice %arg14[%dma_start3A_237, %dma_start3A_238] : memref<10112x128xf32, #tpu.memory_space<vmem_shared>> -> memref<10112x128xf32, #tpu.memory_space<vmem_shared>>
        tpu.enqueue_indirect_dma source(%arg13 : memref<128x128xf32, #tpu.memory_space<vmem>>) target(%dma_start3A_239 : memref<10112x128xf32, #tpu.memory_space<vmem_shared>>) offsets(%arg9 : memref<128xi32, #tpu.memory_space<vmem>>) semaphore(%run_scoped3A : memref<!tpu.dma_semaphore, #tpu.memory_space<semaphore_mem>>) {add = true}
        %dma_wait3A_240 = arith.constant 0 : i32
        %dma_wait3A_241 = arith.constant 0 : i32
        %dma_wait3A_242 = tpu.memref_slice %arg14[%dma_wait3A_240, %dma_wait3A_241] : memref<10112x128xf32, #tpu.memory_space<vmem_shared>> -> memref<10112x128xf32, #tpu.memory_space<vmem_shared>>
        tpu.wait_indirect_dma semaphore(%run_scoped3A : memref<!tpu.dma_semaphore, #tpu.memory_space<semaphore_mem>>) src(%arg13 : memref<128x128xf32, #tpu.memory_space<vmem>>) dst(%dma_wait3A_242 : memref<10112x128xf32, #tpu.memory_space<vmem_shared>>)
        tpu.yield
      }) : () -> ()
      %add3A_148 = arith.constant 2 : i32
      %add3A_149 = arith.addi %add3A_131, %add3A_148 : i32
      %mul3A_150 = arith.constant 128 : i32
      %mul3A_151 = arith.muli %add3A_149, %mul3A_150 : i32
      %add3A_152 = arith.addi %mul3A_29, %mul3A_151 : i32
      %dma_start3A_153 = tpu.memref_slice %arg4[%add3A_152] : memref<327680xi32, #tpu.memory_space<hbm>> -> memref<128xi32, #tpu.memory_space<hbm>>
      %dma_start3A_154 = tpu.memref_slice %arg4[%add3A_152] : memref<327680xi32, #tpu.memory_space<hbm>> -> memref<128xi32, #tpu.memory_space<hbm>>
      tpu.enqueue_dma source(%dma_start3A_154 : memref<128xi32, #tpu.memory_space<hbm>>) target(%arg9 : memref<128xi32, #tpu.memory_space<vmem>>) target_semaphore(%arg18 : memref<!tpu.dma_semaphore, #tpu.memory_space<semaphore_mem>>)
      %mul3A_155 = arith.constant 6 : i32
      %mul3A_156 = arith.muli %mul3A_155, %scan3A_72 : i32
      %add3A_157 = arith.constant 3 : i32
      %add3A_158 = arith.addi %mul3A_156, %add3A_157 : i32
      %add3A_159 = arith.constant 2 : i32
      %add3A_160 = arith.addi %add3A_158, %add3A_159 : i32
      %mul3A_161 = arith.constant 128 : i32
      %mul3A_162 = arith.muli %add3A_160, %mul3A_161 : i32
      %add3A_163 = arith.addi %mul3A_29, %mul3A_162 : i32
      "tpu.region"() ({
        %run_scoped3A = tpu.sem_alloc : memref<!tpu.dma_semaphore, #tpu.memory_space<semaphore_mem>>
        %dma_start3A_237 = tpu.memref_slice %arg3[%add3A_163] : memref<327680xi32, #tpu.memory_space<hbm>> -> memref<128xi32, #tpu.memory_space<hbm>>
        %dma_start3A_238 = tpu.memref_slice %arg3[%add3A_163] : memref<327680xi32, #tpu.memory_space<hbm>> -> memref<128xi32, #tpu.memory_space<hbm>>
        tpu.enqueue_dma source(%dma_start3A_238 : memref<128xi32, #tpu.memory_space<hbm>>) target(%arg8 : memref<128xi32, #tpu.memory_space<vmem>>) target_semaphore(%run_scoped3A : memref<!tpu.dma_semaphore, #tpu.memory_space<semaphore_mem>>)
        %dma_wait3A_239 = tpu.memref_slice %arg3[%add3A_163] : memref<327680xi32, #tpu.memory_space<hbm>> -> memref<128xi32, #tpu.memory_space<hbm>>
        %dma_wait3A_240 = tpu.memref_slice %arg3[%add3A_163] : memref<327680xi32, #tpu.memory_space<hbm>> -> memref<128xi32, #tpu.memory_space<hbm>>
        tpu.wait_dma2 semaphore(%run_scoped3A : memref<!tpu.dma_semaphore, #tpu.memory_space<semaphore_mem>>) src(%dma_wait3A_240 : memref<128xi32, #tpu.memory_space<hbm>>) dst(%arg8 : memref<128xi32, #tpu.memory_space<vmem>>)
        tpu.yield
      }) : () -> ()
      %dma_start3A_164 = arith.constant 0 : i32
      %dma_start3A_165 = arith.constant 0 : i32
      %dma_start3A_166 = tpu.memref_slice %arg2[%dma_start3A_164, %dma_start3A_165] : memref<10000x128xf32, #tpu.memory_space<hbm>> -> memref<10000x128xf32, #tpu.memory_space<hbm>>
      tpu.enqueue_indirect_dma source(%dma_start3A_166 : memref<10000x128xf32, #tpu.memory_space<hbm>>) target(%arg13 : memref<128x128xf32, #tpu.memory_space<vmem>>) offsets(%arg8 : memref<128xi32, #tpu.memory_space<vmem>>) semaphore(%arg17 : memref<!tpu.dma_semaphore, #tpu.memory_space<semaphore_mem>>)
      %dma_wait3A_167 = arith.constant 0 : i32
      %dma_wait3A_168 = arith.constant 0 : i32
      %dma_wait3A_169 = tpu.memref_slice %arg2[%dma_wait3A_167, %dma_wait3A_168] : memref<10000x128xf32, #tpu.memory_space<hbm>> -> memref<10000x128xf32, #tpu.memory_space<hbm>>
      tpu.wait_indirect_dma semaphore(%arg15 : memref<!tpu.dma_semaphore, #tpu.memory_space<semaphore_mem>>) src(%dma_wait3A_169 : memref<10000x128xf32, #tpu.memory_space<hbm>>) dst(%arg11 : memref<128x128xf32, #tpu.memory_space<vmem>>)
      %mul3A_170 = arith.constant 128 : i32
      %mul3A_171 = arith.muli %add3A_158, %mul3A_170 : i32
      %add3A_172 = arith.addi %mul3A_29, %mul3A_171 : i32
      %dma_wait3A_173 = tpu.memref_slice %arg4[%add3A_172] : memref<327680xi32, #tpu.memory_space<hbm>> -> memref<128xi32, #tpu.memory_space<hbm>>
      %dma_wait3A_174 = tpu.memref_slice %arg4[%add3A_172] : memref<327680xi32, #tpu.memory_space<hbm>> -> memref<128xi32, #tpu.memory_space<hbm>>
      tpu.wait_dma2 semaphore(%arg19 : memref<!tpu.dma_semaphore, #tpu.memory_space<semaphore_mem>>) src(%dma_wait3A_174 : memref<128xi32, #tpu.memory_space<hbm>>) dst(%arg10 : memref<128xi32, #tpu.memory_space<vmem>>)
      "tpu.region"() ({
        %run_scoped3A = tpu.sem_alloc : memref<!tpu.dma_semaphore, #tpu.memory_space<semaphore_mem>>
        %dma_start3A_237 = arith.constant 0 : i32
        %dma_start3A_238 = arith.constant 0 : i32
        %dma_start3A_239 = tpu.memref_slice %arg14[%dma_start3A_237, %dma_start3A_238] : memref<10112x128xf32, #tpu.memory_space<vmem_shared>> -> memref<10112x128xf32, #tpu.memory_space<vmem_shared>>
        tpu.enqueue_indirect_dma source(%arg11 : memref<128x128xf32, #tpu.memory_space<vmem>>) target(%dma_start3A_239 : memref<10112x128xf32, #tpu.memory_space<vmem_shared>>) offsets(%arg10 : memref<128xi32, #tpu.memory_space<vmem>>) semaphore(%run_scoped3A : memref<!tpu.dma_semaphore, #tpu.memory_space<semaphore_mem>>) {add = true}
        %dma_wait3A_240 = arith.constant 0 : i32
        %dma_wait3A_241 = arith.constant 0 : i32
        %dma_wait3A_242 = tpu.memref_slice %arg14[%dma_wait3A_240, %dma_wait3A_241] : memref<10112x128xf32, #tpu.memory_space<vmem_shared>> -> memref<10112x128xf32, #tpu.memory_space<vmem_shared>>
        tpu.wait_indirect_dma semaphore(%run_scoped3A : memref<!tpu.dma_semaphore, #tpu.memory_space<semaphore_mem>>) src(%arg11 : memref<128x128xf32, #tpu.memory_space<vmem>>) dst(%dma_wait3A_242 : memref<10112x128xf32, #tpu.memory_space<vmem_shared>>)
        tpu.yield
      }) : () -> ()
      %add3A_175 = arith.constant 2 : i32
      %add3A_176 = arith.addi %add3A_158, %add3A_175 : i32
      %mul3A_177 = arith.constant 128 : i32
      %mul3A_178 = arith.muli %add3A_176, %mul3A_177 : i32
      %add3A_179 = arith.addi %mul3A_29, %mul3A_178 : i32
      %dma_start3A_180 = tpu.memref_slice %arg4[%add3A_179] : memref<327680xi32, #tpu.memory_space<hbm>> -> memref<128xi32, #tpu.memory_space<hbm>>
      %dma_start3A_181 = tpu.memref_slice %arg4[%add3A_179] : memref<327680xi32, #tpu.memory_space<hbm>> -> memref<128xi32, #tpu.memory_space<hbm>>
      tpu.enqueue_dma source(%dma_start3A_181 : memref<128xi32, #tpu.memory_space<hbm>>) target(%arg10 : memref<128xi32, #tpu.memory_space<vmem>>) target_semaphore(%arg19 : memref<!tpu.dma_semaphore, #tpu.memory_space<semaphore_mem>>)
      %mul3A_182 = arith.constant 6 : i32
      %mul3A_183 = arith.muli %mul3A_182, %scan3A_72 : i32
      %add3A_184 = arith.constant 4 : i32
      %add3A_185 = arith.addi %mul3A_183, %add3A_184 : i32
      %add3A_186 = arith.constant 2 : i32
      %add3A_187 = arith.addi %add3A_185, %add3A_186 : i32
      %mul3A_188 = arith.constant 128 : i32
      %mul3A_189 = arith.muli %add3A_187, %mul3A_188 : i32
      %add3A_190 = arith.addi %mul3A_29, %mul3A_189 : i32
      "tpu.region"() ({
        %run_scoped3A = tpu.sem_alloc : memref<!tpu.dma_semaphore, #tpu.memory_space<semaphore_mem>>
        %dma_start3A_237 = tpu.memref_slice %arg3[%add3A_190] : memref<327680xi32, #tpu.memory_space<hbm>> -> memref<128xi32, #tpu.memory_space<hbm>>
        %dma_start3A_238 = tpu.memref_slice %arg3[%add3A_190] : memref<327680xi32, #tpu.memory_space<hbm>> -> memref<128xi32, #tpu.memory_space<hbm>>
        tpu.enqueue_dma source(%dma_start3A_238 : memref<128xi32, #tpu.memory_space<hbm>>) target(%arg6 : memref<128xi32, #tpu.memory_space<vmem>>) target_semaphore(%run_scoped3A : memref<!tpu.dma_semaphore, #tpu.memory_space<semaphore_mem>>)
        %dma_wait3A_239 = tpu.memref_slice %arg3[%add3A_190] : memref<327680xi32, #tpu.memory_space<hbm>> -> memref<128xi32, #tpu.memory_space<hbm>>
        %dma_wait3A_240 = tpu.memref_slice %arg3[%add3A_190] : memref<327680xi32, #tpu.memory_space<hbm>> -> memref<128xi32, #tpu.memory_space<hbm>>
        tpu.wait_dma2 semaphore(%run_scoped3A : memref<!tpu.dma_semaphore, #tpu.memory_space<semaphore_mem>>) src(%dma_wait3A_240 : memref<128xi32, #tpu.memory_space<hbm>>) dst(%arg6 : memref<128xi32, #tpu.memory_space<vmem>>)
        tpu.yield
      }) : () -> ()
      %dma_start3A_191 = arith.constant 0 : i32
      %dma_start3A_192 = arith.constant 0 : i32
      %dma_start3A_193 = tpu.memref_slice %arg2[%dma_start3A_191, %dma_start3A_192] : memref<10000x128xf32, #tpu.memory_space<hbm>> -> memref<10000x128xf32, #tpu.memory_space<hbm>>
      tpu.enqueue_indirect_dma source(%dma_start3A_193 : memref<10000x128xf32, #tpu.memory_space<hbm>>) target(%arg11 : memref<128x128xf32, #tpu.memory_space<vmem>>) offsets(%arg6 : memref<128xi32, #tpu.memory_space<vmem>>) semaphore(%arg15 : memref<!tpu.dma_semaphore, #tpu.memory_space<semaphore_mem>>)
      %dma_wait3A_194 = arith.constant 0 : i32
      %dma_wait3A_195 = arith.constant 0 : i32
      %dma_wait3A_196 = tpu.memref_slice %arg2[%dma_wait3A_194, %dma_wait3A_195] : memref<10000x128xf32, #tpu.memory_space<hbm>> -> memref<10000x128xf32, #tpu.memory_space<hbm>>
      tpu.wait_indirect_dma semaphore(%arg16 : memref<!tpu.dma_semaphore, #tpu.memory_space<semaphore_mem>>) src(%dma_wait3A_196 : memref<10000x128xf32, #tpu.memory_space<hbm>>) dst(%arg12 : memref<128x128xf32, #tpu.memory_space<vmem>>)
      %mul3A_197 = arith.constant 128 : i32
      %mul3A_198 = arith.muli %add3A_185, %mul3A_197 : i32
      %add3A_199 = arith.addi %mul3A_29, %mul3A_198 : i32
      %dma_wait3A_200 = tpu.memref_slice %arg4[%add3A_199] : memref<327680xi32, #tpu.memory_space<hbm>> -> memref<128xi32, #tpu.memory_space<hbm>>
      %dma_wait3A_201 = tpu.memref_slice %arg4[%add3A_199] : memref<327680xi32, #tpu.memory_space<hbm>> -> memref<128xi32, #tpu.memory_space<hbm>>
      tpu.wait_dma2 semaphore(%arg18 : memref<!tpu.dma_semaphore, #tpu.memory_space<semaphore_mem>>) src(%dma_wait3A_201 : memref<128xi32, #tpu.memory_space<hbm>>) dst(%arg9 : memref<128xi32, #tpu.memory_space<vmem>>)
      "tpu.region"() ({
        %run_scoped3A = tpu.sem_alloc : memref<!tpu.dma_semaphore, #tpu.memory_space<semaphore_mem>>
        %dma_start3A_237 = arith.constant 0 : i32
        %dma_start3A_238 = arith.constant 0 : i32
        %dma_start3A_239 = tpu.memref_slice %arg14[%dma_start3A_237, %dma_start3A_238] : memref<10112x128xf32, #tpu.memory_space<vmem_shared>> -> memref<10112x128xf32, #tpu.memory_space<vmem_shared>>
        tpu.enqueue_indirect_dma source(%arg12 : memref<128x128xf32, #tpu.memory_space<vmem>>) target(%dma_start3A_239 : memref<10112x128xf32, #tpu.memory_space<vmem_shared>>) offsets(%arg9 : memref<128xi32, #tpu.memory_space<vmem>>) semaphore(%run_scoped3A : memref<!tpu.dma_semaphore, #tpu.memory_space<semaphore_mem>>) {add = true}
        %dma_wait3A_240 = arith.constant 0 : i32
        %dma_wait3A_241 = arith.constant 0 : i32
        %dma_wait3A_242 = tpu.memref_slice %arg14[%dma_wait3A_240, %dma_wait3A_241] : memref<10112x128xf32, #tpu.memory_space<vmem_shared>> -> memref<10112x128xf32, #tpu.memory_space<vmem_shared>>
        tpu.wait_indirect_dma semaphore(%run_scoped3A : memref<!tpu.dma_semaphore, #tpu.memory_space<semaphore_mem>>) src(%arg12 : memref<128x128xf32, #tpu.memory_space<vmem>>) dst(%dma_wait3A_242 : memref<10112x128xf32, #tpu.memory_space<vmem_shared>>)
        tpu.yield
      }) : () -> ()
      %add3A_202 = arith.constant 2 : i32
      %add3A_203 = arith.addi %add3A_185, %add3A_202 : i32
      %mul3A_204 = arith.constant 128 : i32
      %mul3A_205 = arith.muli %add3A_203, %mul3A_204 : i32
      %add3A_206 = arith.addi %mul3A_29, %mul3A_205 : i32
      %dma_start3A_207 = tpu.memref_slice %arg4[%add3A_206] : memref<327680xi32, #tpu.memory_space<hbm>> -> memref<128xi32, #tpu.memory_space<hbm>>
      %dma_start3A_208 = tpu.memref_slice %arg4[%add3A_206] : memref<327680xi32, #tpu.memory_space<hbm>> -> memref<128xi32, #tpu.memory_space<hbm>>
      tpu.enqueue_dma source(%dma_start3A_208 : memref<128xi32, #tpu.memory_space<hbm>>) target(%arg9 : memref<128xi32, #tpu.memory_space<vmem>>) target_semaphore(%arg18 : memref<!tpu.dma_semaphore, #tpu.memory_space<semaphore_mem>>)
      %mul3A_209 = arith.constant 6 : i32
      %mul3A_210 = arith.muli %mul3A_209, %scan3A_72 : i32
      %add3A_211 = arith.constant 5 : i32
      %add3A_212 = arith.addi %mul3A_210, %add3A_211 : i32
      %add3A_213 = arith.constant 2 : i32
      %add3A_214 = arith.addi %add3A_212, %add3A_213 : i32
      %mul3A_215 = arith.constant 128 : i32
      %mul3A_216 = arith.muli %add3A_214, %mul3A_215 : i32
      %add3A_217 = arith.addi %mul3A_29, %mul3A_216 : i32
      "tpu.region"() ({
        %run_scoped3A = tpu.sem_alloc : memref<!tpu.dma_semaphore, #tpu.memory_space<semaphore_mem>>
        %dma_start3A_237 = tpu.memref_slice %arg3[%add3A_217] : memref<327680xi32, #tpu.memory_space<hbm>> -> memref<128xi32, #tpu.memory_space<hbm>>
        %dma_start3A_238 = tpu.memref_slice %arg3[%add3A_217] : memref<327680xi32, #tpu.memory_space<hbm>> -> memref<128xi32, #tpu.memory_space<hbm>>
        tpu.enqueue_dma source(%dma_start3A_238 : memref<128xi32, #tpu.memory_space<hbm>>) target(%arg7 : memref<128xi32, #tpu.memory_space<vmem>>) target_semaphore(%run_scoped3A : memref<!tpu.dma_semaphore, #tpu.memory_space<semaphore_mem>>)
        %dma_wait3A_239 = tpu.memref_slice %arg3[%add3A_217] : memref<327680xi32, #tpu.memory_space<hbm>> -> memref<128xi32, #tpu.memory_space<hbm>>
        %dma_wait3A_240 = tpu.memref_slice %arg3[%add3A_217] : memref<327680xi32, #tpu.memory_space<hbm>> -> memref<128xi32, #tpu.memory_space<hbm>>
        tpu.wait_dma2 semaphore(%run_scoped3A : memref<!tpu.dma_semaphore, #tpu.memory_space<semaphore_mem>>) src(%dma_wait3A_240 : memref<128xi32, #tpu.memory_space<hbm>>) dst(%arg7 : memref<128xi32, #tpu.memory_space<vmem>>)
        tpu.yield
      }) : () -> ()
      %dma_start3A_218 = arith.constant 0 : i32
      %dma_start3A_219 = arith.constant 0 : i32
      %dma_start3A_220 = tpu.memref_slice %arg2[%dma_start3A_218, %dma_start3A_219] : memref<10000x128xf32, #tpu.memory_space<hbm>> -> memref<10000x128xf32, #tpu.memory_space<hbm>>
      tpu.enqueue_indirect_dma source(%dma_start3A_220 : memref<10000x128xf32, #tpu.memory_space<hbm>>) target(%arg12 : memref<128x128xf32, #tpu.memory_space<vmem>>) offsets(%arg7 : memref<128xi32, #tpu.memory_space<vmem>>) semaphore(%arg16 : memref<!tpu.dma_semaphore, #tpu.memory_space<semaphore_mem>>)
      %dma_wait3A_221 = arith.constant 0 : i32
      %dma_wait3A_222 = arith.constant 0 : i32
      %dma_wait3A_223 = tpu.memref_slice %arg2[%dma_wait3A_221, %dma_wait3A_222] : memref<10000x128xf32, #tpu.memory_space<hbm>> -> memref<10000x128xf32, #tpu.memory_space<hbm>>
      tpu.wait_indirect_dma semaphore(%arg17 : memref<!tpu.dma_semaphore, #tpu.memory_space<semaphore_mem>>) src(%dma_wait3A_223 : memref<10000x128xf32, #tpu.memory_space<hbm>>) dst(%arg13 : memref<128x128xf32, #tpu.memory_space<vmem>>)
      %mul3A_224 = arith.constant 128 : i32
      %mul3A_225 = arith.muli %add3A_212, %mul3A_224 : i32
      %add3A_226 = arith.addi %mul3A_29, %mul3A_225 : i32
      %dma_wait3A_227 = tpu.memref_slice %arg4[%add3A_226] : memref<327680xi32, #tpu.memory_space<hbm>> -> memref<128xi32, #tpu.memory_space<hbm>>
      %dma_wait3A_228 = tpu.memref_slice %arg4[%add3A_226] : memref<327680xi32, #tpu.memory_space<hbm>> -> memref<128xi32, #tpu.memory_space<hbm>>
      tpu.wait_dma2 semaphore(%arg19 : memref<!tpu.dma_semaphore, #tpu.memory_space<semaphore_mem>>) src(%dma_wait3A_228 : memref<128xi32, #tpu.memory_space<hbm>>) dst(%arg10 : memref<128xi32, #tpu.memory_space<vmem>>)
      "tpu.region"() ({
        %run_scoped3A = tpu.sem_alloc : memref<!tpu.dma_semaphore, #tpu.memory_space<semaphore_mem>>
        %dma_start3A_237 = arith.constant 0 : i32
        %dma_start3A_238 = arith.constant 0 : i32
        %dma_start3A_239 = tpu.memref_slice %arg14[%dma_start3A_237, %dma_start3A_238] : memref<10112x128xf32, #tpu.memory_space<vmem_shared>> -> memref<10112x128xf32, #tpu.memory_space<vmem_shared>>
        tpu.enqueue_indirect_dma source(%arg13 : memref<128x128xf32, #tpu.memory_space<vmem>>) target(%dma_start3A_239 : memref<10112x128xf32, #tpu.memory_space<vmem_shared>>) offsets(%arg10 : memref<128xi32, #tpu.memory_space<vmem>>) semaphore(%run_scoped3A : memref<!tpu.dma_semaphore, #tpu.memory_space<semaphore_mem>>) {add = true}
        %dma_wait3A_240 = arith.constant 0 : i32
        %dma_wait3A_241 = arith.constant 0 : i32
        %dma_wait3A_242 = tpu.memref_slice %arg14[%dma_wait3A_240, %dma_wait3A_241] : memref<10112x128xf32, #tpu.memory_space<vmem_shared>> -> memref<10112x128xf32, #tpu.memory_space<vmem_shared>>
        tpu.wait_indirect_dma semaphore(%run_scoped3A : memref<!tpu.dma_semaphore, #tpu.memory_space<semaphore_mem>>) src(%arg13 : memref<128x128xf32, #tpu.memory_space<vmem>>) dst(%dma_wait3A_242 : memref<10112x128xf32, #tpu.memory_space<vmem_shared>>)
        tpu.yield
      }) : () -> ()
      %add3A_229 = arith.constant 2 : i32
      %add3A_230 = arith.addi %add3A_212, %add3A_229 : i32
      %mul3A_231 = arith.constant 128 : i32
      %mul3A_232 = arith.muli %add3A_230, %mul3A_231 : i32
      %add3A_233 = arith.addi %mul3A_29, %mul3A_232 : i32
      %dma_start3A_234 = tpu.memref_slice %arg4[%add3A_233] : memref<327680xi32, #tpu.memory_space<hbm>> -> memref<128xi32, #tpu.memory_space<hbm>>
      %dma_start3A_235 = tpu.memref_slice %arg4[%add3A_233] : memref<327680xi32, #tpu.memory_space<hbm>> -> memref<128xi32, #tpu.memory_space<hbm>>
      tpu.enqueue_dma source(%dma_start3A_235 : memref<128xi32, #tpu.memory_space<hbm>>) target(%arg10 : memref<128xi32, #tpu.memory_space<vmem>>) target_semaphore(%arg19 : memref<!tpu.dma_semaphore, #tpu.memory_space<semaphore_mem>>)
      %scan3A_236 = arith.constant 0 : i32
      scf.yield %scan3A_236 : i32
    }
    %scan3A_53 = arith.constant 13 : i32
    %dma_wait3A = arith.constant 0 : i32
    %dma_wait3A_54 = arith.constant 0 : i32
    %dma_wait3A_55 = tpu.memref_slice %arg2[%dma_wait3A, %dma_wait3A_54] : memref<10000x128xf32, #tpu.memory_space<hbm>> -> memref<10000x128xf32, #tpu.memory_space<hbm>>
    tpu.wait_indirect_dma semaphore(%arg15 : memref<!tpu.dma_semaphore, #tpu.memory_space<semaphore_mem>>) src(%dma_wait3A_55 : memref<10000x128xf32, #tpu.memory_space<hbm>>) dst(%arg11 : memref<128x128xf32, #tpu.memory_space<vmem>>)
    %add3A_56 = arith.constant 9984 : i32
    %add3A_57 = arith.addi %mul3A_29, %add3A_56 : i32
    %dma_wait3A_58 = tpu.memref_slice %arg4[%add3A_57] : memref<327680xi32, #tpu.memory_space<hbm>> -> memref<128xi32, #tpu.memory_space<hbm>>
    %dma_wait3A_59 = tpu.memref_slice %arg4[%add3A_57] : memref<327680xi32, #tpu.memory_space<hbm>> -> memref<128xi32, #tpu.memory_space<hbm>>
    tpu.wait_dma2 semaphore(%arg18 : memref<!tpu.dma_semaphore, #tpu.memory_space<semaphore_mem>>) src(%dma_wait3A_59 : memref<128xi32, #tpu.memory_space<hbm>>) dst(%arg9 : memref<128xi32, #tpu.memory_space<vmem>>)
    "tpu.region"() ({
      %run_scoped3A = tpu.sem_alloc : memref<!tpu.dma_semaphore, #tpu.memory_space<semaphore_mem>>
      %dma_start3A_72 = arith.constant 0 : i32
      %dma_start3A_73 = arith.constant 0 : i32
      %dma_start3A_74 = tpu.memref_slice %arg14[%dma_start3A_72, %dma_start3A_73] : memref<10112x128xf32, #tpu.memory_space<vmem_shared>> -> memref<10112x128xf32, #tpu.memory_space<vmem_shared>>
      tpu.enqueue_indirect_dma source(%arg11 : memref<128x128xf32, #tpu.memory_space<vmem>>) target(%dma_start3A_74 : memref<10112x128xf32, #tpu.memory_space<vmem_shared>>) offsets(%arg9 : memref<128xi32, #tpu.memory_space<vmem>>) semaphore(%run_scoped3A : memref<!tpu.dma_semaphore, #tpu.memory_space<semaphore_mem>>) {add = true}
      %dma_wait3A_75 = arith.constant 0 : i32
      %dma_wait3A_76 = arith.constant 0 : i32
      %dma_wait3A_77 = tpu.memref_slice %arg14[%dma_wait3A_75, %dma_wait3A_76] : memref<10112x128xf32, #tpu.memory_space<vmem_shared>> -> memref<10112x128xf32, #tpu.memory_space<vmem_shared>>
      tpu.wait_indirect_dma semaphore(%run_scoped3A : memref<!tpu.dma_semaphore, #tpu.memory_space<semaphore_mem>>) src(%arg11 : memref<128x128xf32, #tpu.memory_space<vmem>>) dst(%dma_wait3A_77 : memref<10112x128xf32, #tpu.memory_space<vmem_shared>>)
      tpu.yield
    }) : () -> ()
    %dma_wait3A_60 = arith.constant 0 : i32
    %dma_wait3A_61 = arith.constant 0 : i32
    %dma_wait3A_62 = tpu.memref_slice %arg2[%dma_wait3A_60, %dma_wait3A_61] : memref<10000x128xf32, #tpu.memory_space<hbm>> -> memref<10000x128xf32, #tpu.memory_space<hbm>>
    tpu.wait_indirect_dma semaphore(%arg16 : memref<!tpu.dma_semaphore, #tpu.memory_space<semaphore_mem>>) src(%dma_wait3A_62 : memref<10000x128xf32, #tpu.memory_space<hbm>>) dst(%arg12 : memref<128x128xf32, #tpu.memory_space<vmem>>)
    %add3A_63 = arith.constant 10112 : i32
    %add3A_64 = arith.addi %mul3A_29, %add3A_63 : i32
    %dma_wait3A_65 = tpu.memref_slice %arg4[%add3A_64] : memref<327680xi32, #tpu.memory_space<hbm>> -> memref<128xi32, #tpu.memory_space<hbm>>
    %dma_wait3A_66 = tpu.memref_slice %arg4[%add3A_64] : memref<327680xi32, #tpu.memory_space<hbm>> -> memref<128xi32, #tpu.memory_space<hbm>>
    tpu.wait_dma2 semaphore(%arg19 : memref<!tpu.dma_semaphore, #tpu.memory_space<semaphore_mem>>) src(%dma_wait3A_66 : memref<128xi32, #tpu.memory_space<hbm>>) dst(%arg10 : memref<128xi32, #tpu.memory_space<vmem>>)
    "tpu.region"() ({
      %run_scoped3A = tpu.sem_alloc : memref<!tpu.dma_semaphore, #tpu.memory_space<semaphore_mem>>
      %dma_start3A_72 = arith.constant 0 : i32
      %dma_start3A_73 = arith.constant 0 : i32
      %dma_start3A_74 = tpu.memref_slice %arg14[%dma_start3A_72, %dma_start3A_73] : memref<10112x128xf32, #tpu.memory_space<vmem_shared>> -> memref<10112x128xf32, #tpu.memory_space<vmem_shared>>
      tpu.enqueue_indirect_dma source(%arg12 : memref<128x128xf32, #tpu.memory_space<vmem>>) target(%dma_start3A_74 : memref<10112x128xf32, #tpu.memory_space<vmem_shared>>) offsets(%arg10 : memref<128xi32, #tpu.memory_space<vmem>>) semaphore(%run_scoped3A : memref<!tpu.dma_semaphore, #tpu.memory_space<semaphore_mem>>) {add = true}
      %dma_wait3A_75 = arith.constant 0 : i32
      %dma_wait3A_76 = arith.constant 0 : i32
      %dma_wait3A_77 = tpu.memref_slice %arg14[%dma_wait3A_75, %dma_wait3A_76] : memref<10112x128xf32, #tpu.memory_space<vmem_shared>> -> memref<10112x128xf32, #tpu.memory_space<vmem_shared>>
      tpu.wait_indirect_dma semaphore(%run_scoped3A : memref<!tpu.dma_semaphore, #tpu.memory_space<semaphore_mem>>) src(%arg12 : memref<128x128xf32, #tpu.memory_space<vmem>>) dst(%dma_wait3A_77 : memref<10112x128xf32, #tpu.memory_space<vmem_shared>>)
      tpu.yield
    }) : () -> ()
    %barrier3A_67 = arith.constant 0 : index
    tpu.barrier barrier_id(%barrier3A_67)
    %mul3A_68 = arith.constant 632 : i32
    %mul3A_69 = arith.muli %arg1, %mul3A_68 : i32
    %mul3A_70 = arith.constant 632 : i32
    %mul3A_71 = arith.muli %arg1, %mul3A_70 : i32
    "tpu.region"() ({
      %run_scoped3A = tpu.sem_alloc : memref<!tpu.dma_semaphore, #tpu.memory_space<semaphore_mem>>
      %dma_start3A_72 = arith.constant 0 : i32
      %dma_start3A_73 = tpu.memref_slice %arg5[%arg0, %mul3A_71, %dma_start3A_72] : memref<2x10112x128xf32, #tpu.memory_space<hbm>> -> memref<1x632x128xf32, #tpu.memory_space<hbm>>
      %dma_start3A_74 = tpu.memref_squeeze %dma_start3A_73 : memref<1x632x128xf32, #tpu.memory_space<hbm>> -> memref<632x128xf32, #tpu.memory_space<hbm>>
      %dma_start3A_75 = arith.constant 0 : i32
      %dma_start3A_76 = tpu.memref_slice %arg14[%mul3A_69, %dma_start3A_75] : memref<10112x128xf32, #tpu.memory_space<vmem_shared>> -> memref<632x128xf32, #tpu.memory_space<vmem_shared>>
      tpu.enqueue_dma source(%dma_start3A_76 : memref<632x128xf32, #tpu.memory_space<vmem_shared>>) target(%dma_start3A_74 : memref<632x128xf32, #tpu.memory_space<hbm>>) target_semaphore(%run_scoped3A : memref<!tpu.dma_semaphore, #tpu.memory_space<semaphore_mem>>)
      %dma_wait3A_77 = arith.constant 0 : i32
      %dma_wait3A_78 = tpu.memref_slice %arg5[%arg0, %mul3A_71, %dma_wait3A_77] : memref<2x10112x128xf32, #tpu.memory_space<hbm>> -> memref<1x632x128xf32, #tpu.memory_space<hbm>>
      %dma_wait3A_79 = tpu.memref_squeeze %dma_wait3A_78 : memref<1x632x128xf32, #tpu.memory_space<hbm>> -> memref<632x128xf32, #tpu.memory_space<hbm>>
      %dma_wait3A_80 = arith.constant 0 : i32
      %dma_wait3A_81 = tpu.memref_slice %arg14[%mul3A_69, %dma_wait3A_80] : memref<10112x128xf32, #tpu.memory_space<vmem_shared>> -> memref<632x128xf32, #tpu.memory_space<vmem_shared>>
      tpu.wait_dma2 semaphore(%run_scoped3A : memref<!tpu.dma_semaphore, #tpu.memory_space<semaphore_mem>>) src(%dma_wait3A_81 : memref<632x128xf32, #tpu.memory_space<vmem_shared>>) dst(%dma_wait3A_79 : memref<632x128xf32, #tpu.memory_space<hbm>>)
      tpu.yield
    }) : () -> ()
    return
  }
}

module attributes {stable_mosaic.version = 14 : i64} {
  func.func @_tc_update_body(%arg0: memref<2x10112x128xf32, #tpu.memory_space<vmem>>, %arg1: memref<2x10112x128xf32, #tpu.memory_space<vmem>>, %arg2: memref<10000x128xf32, #tpu.memory_space<vmem>>, %arg3: memref<256x128xf32, #tpu.memory_space<vmem>>, %arg4: memref<1x128xf32, #tpu.memory_space<vmem>>, %arg5: memref<1x128xf32, #tpu.memory_space<vmem>>, %arg6: memref<128x128xf32, #tpu.memory_space<vmem>>, %arg7: memref<1x128xf32, #tpu.memory_space<vmem>>, %arg8: memref<10000x128xf32, #tpu.memory_space<vmem>>, %arg9: memref<10000x128xf32, #tpu.memory_space<vmem>>) attributes {dimension_semantics = [], scalar_prefetch = 0 : i64, scratch_operands = 0 : i64, tpu.core_type = #tpu.core_type<tc>} {
    %get3A = arith.constant 0 : index
    %get3A_0 = arith.constant 0 : index
    %get3A_1 = arith.constant 0 : index
    %get3A_2 = vector.load %arg0[%get3A, %get3A_0, %get3A_1] : memref<2x10112x128xf32, #tpu.memory_space<vmem>>, vector<1x10000x128xf32>
    %get3A_3 = vector.shape_cast %get3A_2 : vector<1x10000x128xf32> to vector<10000x128xf32>
    %get3A_4 = arith.constant 1 : index
    %get3A_5 = arith.constant 0 : index
    %get3A_6 = arith.constant 0 : index
    %get3A_7 = vector.load %arg0[%get3A_4, %get3A_5, %get3A_6] : memref<2x10112x128xf32, #tpu.memory_space<vmem>>, vector<1x10000x128xf32>
    %get3A_8 = vector.shape_cast %get3A_7 : vector<1x10000x128xf32> to vector<10000x128xf32>
    %add3A = arith.addf %get3A_3, %get3A_8 : vector<10000x128xf32>
    %get3A_9 = arith.constant 0 : index
    %get3A_10 = arith.constant 0 : index
    %get3A_11 = arith.constant 0 : index
    %get3A_12 = vector.load %arg1[%get3A_9, %get3A_10, %get3A_11] : memref<2x10112x128xf32, #tpu.memory_space<vmem>>, vector<1x10000x1xf32>
    %get3A_13 = vector.shape_cast %get3A_12 : vector<1x10000x1xf32> to vector<10000x1xf32>
    %get3A_14 = arith.constant 1 : index
    %get3A_15 = arith.constant 0 : index
    %get3A_16 = arith.constant 0 : index
    %get3A_17 = vector.load %arg1[%get3A_14, %get3A_15, %get3A_16] : memref<2x10112x128xf32, #tpu.memory_space<vmem>>, vector<1x10000x1xf32>
    %get3A_18 = vector.shape_cast %get3A_17 : vector<1x10000x1xf32> to vector<10000x1xf32>
    %add3A_19 = arith.addf %get3A_13, %get3A_18 : vector<10000x1xf32>
    %max3A = arith.constant 1.000000e+00 : f32
    %max3A_20 = vector.broadcast %max3A : f32 to vector<10000x1xf32>
    %max3A_21 = arith.maximumf %add3A_19, %max3A_20 : vector<10000x1xf32>
    %div3A = vector.broadcast %max3A_21 : vector<10000x1xf32> to vector<10000x128xf32>
    %div3A_22 = arith.divf %add3A, %div3A : vector<10000x128xf32>
    %get3A_23 = arith.constant 0 : index
    %get3A_24 = arith.constant 0 : index
    %get3A_25 = vector.load %arg3[%get3A_23, %get3A_24] : memref<256x128xf32, #tpu.memory_space<vmem>>, vector<128x128xf32>
    %dot_general3A = arith.constant dense<0.000000e+00> : vector<10000x128xf32>
    %dot_general3A_26 = tpu.matmul %div3A_22, %get3A_25, %dot_general3A {dimension_numbers = #tpu.dot_dimension_numbers<[1], [0], [0], [1], [0, 0, 1, 1], [], []>, transpose_lhs_hint = false} : vector<10000x128xf32>, vector<128x128xf32>, vector<10000x128xf32> -> vector<10000x128xf32>
    %get3A_27 = arith.constant 0 : index
    %get3A_28 = arith.constant 0 : index
    %get3A_29 = vector.load %arg2[%get3A_27, %get3A_28] : memref<10000x128xf32, #tpu.memory_space<vmem>>, vector<10000x128xf32>
    %get3A_30 = arith.constant 128 : index
    %get3A_31 = arith.constant 0 : index
    %get3A_32 = vector.load %arg3[%get3A_30, %get3A_31] : memref<256x128xf32, #tpu.memory_space<vmem>>, vector<128x128xf32>
    %dot_general3A_33 = arith.constant dense<0.000000e+00> : vector<10000x128xf32>
    %dot_general3A_34 = tpu.matmul %get3A_29, %get3A_32, %dot_general3A_33 {dimension_numbers = #tpu.dot_dimension_numbers<[1], [0], [0], [1], [0, 0, 1, 1], [], []>, transpose_lhs_hint = false} : vector<10000x128xf32>, vector<128x128xf32>, vector<10000x128xf32> -> vector<10000x128xf32>
    %add3A_35 = arith.addf %dot_general3A_26, %dot_general3A_34 : vector<10000x128xf32>
    %max3A_36 = arith.constant 0.000000e+00 : f32
    %max3A_37 = vector.broadcast %max3A_36 : f32 to vector<10000x128xf32>
    %max3A_38 = arith.maximumf %add3A_35, %max3A_37 : vector<10000x128xf32>
    %reduce_sum3A = arith.constant dense<0.000000e+00> : vector<128xf32>
    %reduce_sum3A_39 = vector.multi_reduction <add>, %max3A_38, %reduce_sum3A [0] : vector<10000x128xf32> to vector<128xf32>
    %broadcast_in_dim3A = vector.shape_cast %reduce_sum3A_39 : vector<128xf32> to vector<1x128xf32>
    %div3A_40 = arith.constant 1.000000e+04 : f32
    %div3A_41 = vector.broadcast %div3A_40 : f32 to vector<1x128xf32>
    %div3A_42 = arith.divf %broadcast_in_dim3A, %div3A_41 : vector<1x128xf32>
    %sub3A = vector.broadcast %div3A_42 : vector<1x128xf32> to vector<10000x128xf32>
    %sub3A_43 = arith.subf %max3A_38, %sub3A : vector<10000x128xf32>
    %sub3A_44 = vector.broadcast %div3A_42 : vector<1x128xf32> to vector<10000x128xf32>
    %sub3A_45 = arith.subf %max3A_38, %sub3A_44 : vector<10000x128xf32>
    %mul3A = arith.mulf %sub3A_43, %sub3A_45 : vector<10000x128xf32>
    %reduce_sum3A_46 = arith.constant dense<0.000000e+00> : vector<128xf32>
    %reduce_sum3A_47 = vector.multi_reduction <add>, %mul3A, %reduce_sum3A_46 [0] : vector<10000x128xf32> to vector<128xf32>
    %broadcast_in_dim3A_48 = vector.shape_cast %reduce_sum3A_47 : vector<128xf32> to vector<1x128xf32>
    %div3A_49 = arith.constant 1.000000e+04 : f32
    %div3A_50 = vector.broadcast %div3A_49 : f32 to vector<1x128xf32>
    %div3A_51 = arith.divf %broadcast_in_dim3A_48, %div3A_50 : vector<1x128xf32>
    %get3A_52 = arith.constant 0 : index
    %get3A_53 = arith.constant 0 : index
    %get3A_54 = vector.load %arg4[%get3A_52, %get3A_53] : memref<1x128xf32, #tpu.memory_space<vmem>>, vector<1x128xf32>
    %sub3A_55 = vector.broadcast %div3A_42 : vector<1x128xf32> to vector<10000x128xf32>
    %sub3A_56 = arith.subf %max3A_38, %sub3A_55 : vector<10000x128xf32>
    %mul3A_57 = vector.broadcast %get3A_54 : vector<1x128xf32> to vector<10000x128xf32>
    %mul3A_58 = arith.mulf %mul3A_57, %sub3A_56 : vector<10000x128xf32>
    %add3A_59 = arith.constant 9.99999974E-6 : f32
    %add3A_60 = vector.broadcast %add3A_59 : f32 to vector<1x128xf32>
    %add3A_61 = arith.addf %div3A_51, %add3A_60 : vector<1x128xf32>
    %sqrt3A = math.sqrt %add3A_61 : vector<1x128xf32>
    %div3A_62 = vector.broadcast %sqrt3A : vector<1x128xf32> to vector<10000x128xf32>
    %div3A_63 = arith.divf %mul3A_58, %div3A_62 : vector<10000x128xf32>
    %get3A_64 = arith.constant 0 : index
    %get3A_65 = arith.constant 0 : index
    %get3A_66 = vector.load %arg5[%get3A_64, %get3A_65] : memref<1x128xf32, #tpu.memory_space<vmem>>, vector<1x128xf32>
    %add3A_67 = vector.broadcast %get3A_66 : vector<1x128xf32> to vector<10000x128xf32>
    %add3A_68 = arith.addf %div3A_63, %add3A_67 : vector<10000x128xf32>
    %max3A_69 = arith.constant 0.000000e+00 : f32
    %max3A_70 = vector.broadcast %max3A_69 : f32 to vector<10000x128xf32>
    %max3A_71 = arith.maximumf %add3A_68, %max3A_70 : vector<10000x128xf32>
    %swap3A = arith.constant 0 : index
    %swap3A_72 = arith.constant 0 : index
    %swap3A_73 = vector.load %arg8[%swap3A, %swap3A_72] : memref<10000x128xf32, #tpu.memory_space<vmem>>, vector<10000x128xf32>
    tpu.vector_store %arg8[%swap3A, %swap3A_72], %max3A_71 {strides = array<i32>} : memref<10000x128xf32, #tpu.memory_space<vmem>>, vector<10000x128xf32>,
    %get3A_74 = arith.constant 0 : index
    %get3A_75 = arith.constant 0 : index
    %get3A_76 = vector.load %arg6[%get3A_74, %get3A_75] : memref<128x128xf32, #tpu.memory_space<vmem>>, vector<128x128xf32>
    %dot_general3A_77 = arith.constant dense<0.000000e+00> : vector<10000x128xf32>
    %dot_general3A_78 = tpu.matmul %max3A_71, %get3A_76, %dot_general3A_77 {dimension_numbers = #tpu.dot_dimension_numbers<[1], [0], [0], [1], [0, 0, 1, 1], [], []>, transpose_lhs_hint = false} : vector<10000x128xf32>, vector<128x128xf32>, vector<10000x128xf32> -> vector<10000x128xf32>
    %get3A_79 = arith.constant 0 : index
    %get3A_80 = arith.constant 0 : index
    %get3A_81 = vector.load %arg7[%get3A_79, %get3A_80] : memref<1x128xf32, #tpu.memory_space<vmem>>, vector<1x128xf32>
    %add3A_82 = vector.broadcast %get3A_81 : vector<1x128xf32> to vector<10000x128xf32>
    %add3A_83 = arith.addf %dot_general3A_78, %add3A_82 : vector<10000x128xf32>
    %max3A_84 = arith.constant 0.000000e+00 : f32
    %max3A_85 = vector.broadcast %max3A_84 : f32 to vector<10000x128xf32>
    %max3A_86 = arith.maximumf %add3A_83, %max3A_85 : vector<10000x128xf32>
    %swap3A_87 = arith.constant 0 : index
    %swap3A_88 = arith.constant 0 : index
    %swap3A_89 = vector.load %arg9[%swap3A_87, %swap3A_88] : memref<10000x128xf32, #tpu.memory_space<vmem>>, vector<10000x128xf32>
    tpu.vector_store %arg9[%swap3A_87, %swap3A_88], %max3A_86 {strides = array<i32>} : memref<10000x128xf32, #tpu.memory_space<vmem>>, vector<10000x128xf32>,
    return
  }
}

module attributes {stable_mosaic.version = 14 : i64} {
  func.func @_tc_lin_body(%arg0: memref<10000x128xf32, #tpu.memory_space<vmem>>, %arg1: memref<128x128xf32, #tpu.memory_space<vmem>>, %arg2: memref<1x128xf32, #tpu.memory_space<vmem>>, %arg3: memref<10000x128xf32, #tpu.memory_space<vmem>>) attributes {dimension_semantics = [], scalar_prefetch = 0 : i64, scratch_operands = 0 : i64, tpu.core_type = #tpu.core_type<tc>} {
    %get3A = arith.constant 0 : index
    %get3A_0 = arith.constant 0 : index
    %get3A_1 = vector.load %arg0[%get3A, %get3A_0] : memref<10000x128xf32, #tpu.memory_space<vmem>>, vector<10000x128xf32>
    %get3A_2 = arith.constant 0 : index
    %get3A_3 = arith.constant 0 : index
    %get3A_4 = vector.load %arg1[%get3A_2, %get3A_3] : memref<128x128xf32, #tpu.memory_space<vmem>>, vector<128x128xf32>
    %dot_general3A = arith.constant dense<0.000000e+00> : vector<10000x128xf32>
    %dot_general3A_5 = tpu.matmul %get3A_1, %get3A_4, %dot_general3A {dimension_numbers = #tpu.dot_dimension_numbers<[1], [0], [0], [1], [0, 0, 1, 1], [], []>, transpose_lhs_hint = false} : vector<10000x128xf32>, vector<128x128xf32>, vector<10000x128xf32> -> vector<10000x128xf32>
    %get3A_6 = arith.constant 0 : index
    %get3A_7 = arith.constant 0 : index
    %get3A_8 = vector.load %arg2[%get3A_6, %get3A_7] : memref<1x128xf32, #tpu.memory_space<vmem>>, vector<1x128xf32>
    %add3A = vector.broadcast %get3A_8 : vector<1x128xf32> to vector<10000x128xf32>
    %add3A_9 = arith.addf %dot_general3A_5, %add3A : vector<10000x128xf32>
    %max3A = arith.constant 0.000000e+00 : f32
    %max3A_10 = vector.broadcast %max3A : f32 to vector<10000x128xf32>
    %max3A_11 = arith.maximumf %add3A_9, %max3A_10 : vector<10000x128xf32>
    %swap3A = arith.constant 0 : index
    %swap3A_12 = arith.constant 0 : index
    %swap3A_13 = vector.load %arg3[%swap3A, %swap3A_12] : memref<10000x128xf32, #tpu.memory_space<vmem>>, vector<10000x128xf32>
    tpu.vector_store %arg3[%swap3A, %swap3A_12], %max3A_11 {strides = array<i32>} : memref<10000x128xf32, #tpu.memory_space<vmem>>, vector<10000x128xf32>,
    return
  }
}

module attributes {stable_mosaic.version = 14 : i64} {
  func.func @_tc_final_body(%arg0: memref<2x10112x128xf32, #tpu.memory_space<vmem>>, %arg1: memref<2x10112x128xf32, #tpu.memory_space<vmem>>, %arg2: memref<10000x128xf32, #tpu.memory_space<vmem>>, %arg3: memref<256x128xf32, #tpu.memory_space<vmem>>, %arg4: memref<128x128xf32, #tpu.memory_space<vmem>>, %arg5: memref<1x128xf32, #tpu.memory_space<vmem>>, %arg6: memref<10000x128xf32, #tpu.memory_space<vmem>>) attributes {dimension_semantics = [], scalar_prefetch = 0 : i64, scratch_operands = 0 : i64, tpu.core_type = #tpu.core_type<tc>} {
    %get3A = arith.constant 0 : index
    %get3A_0 = arith.constant 0 : index
    %get3A_1 = arith.constant 0 : index
    %get3A_2 = vector.load %arg0[%get3A, %get3A_0, %get3A_1] : memref<2x10112x128xf32, #tpu.memory_space<vmem>>, vector<1x10000x128xf32>
    %get3A_3 = vector.shape_cast %get3A_2 : vector<1x10000x128xf32> to vector<10000x128xf32>
    %get3A_4 = arith.constant 1 : index
    %get3A_5 = arith.constant 0 : index
    %get3A_6 = arith.constant 0 : index
    %get3A_7 = vector.load %arg0[%get3A_4, %get3A_5, %get3A_6] : memref<2x10112x128xf32, #tpu.memory_space<vmem>>, vector<1x10000x128xf32>
    %get3A_8 = vector.shape_cast %get3A_7 : vector<1x10000x128xf32> to vector<10000x128xf32>
    %add3A = arith.addf %get3A_3, %get3A_8 : vector<10000x128xf32>
    %get3A_9 = arith.constant 0 : index
    %get3A_10 = arith.constant 0 : index
    %get3A_11 = arith.constant 0 : index
    %get3A_12 = vector.load %arg1[%get3A_9, %get3A_10, %get3A_11] : memref<2x10112x128xf32, #tpu.memory_space<vmem>>, vector<1x10000x1xf32>
    %get3A_13 = vector.shape_cast %get3A_12 : vector<1x10000x1xf32> to vector<10000x1xf32>
    %get3A_14 = arith.constant 1 : index
    %get3A_15 = arith.constant 0 : index
    %get3A_16 = arith.constant 0 : index
    %get3A_17 = vector.load %arg1[%get3A_14, %get3A_15, %get3A_16] : memref<2x10112x128xf32, #tpu.memory_space<vmem>>, vector<1x10000x1xf32>
    %get3A_18 = vector.shape_cast %get3A_17 : vector<1x10000x1xf32> to vector<10000x1xf32>
    %add3A_19 = arith.addf %get3A_13, %get3A_18 : vector<10000x1xf32>
    %max3A = arith.constant 1.000000e+00 : f32
    %max3A_20 = vector.broadcast %max3A : f32 to vector<10000x1xf32>
    %max3A_21 = arith.maximumf %add3A_19, %max3A_20 : vector<10000x1xf32>
    %div3A = vector.broadcast %max3A_21 : vector<10000x1xf32> to vector<10000x128xf32>
    %div3A_22 = arith.divf %add3A, %div3A : vector<10000x128xf32>
    %get3A_23 = arith.constant 0 : index
    %get3A_24 = arith.constant 0 : index
    %get3A_25 = vector.load %arg3[%get3A_23, %get3A_24] : memref<256x128xf32, #tpu.memory_space<vmem>>, vector<128x128xf32>
    %dot_general3A = arith.constant dense<0.000000e+00> : vector<10000x128xf32>
    %dot_general3A_26 = tpu.matmul %div3A_22, %get3A_25, %dot_general3A {dimension_numbers = #tpu.dot_dimension_numbers<[1], [0], [0], [1], [0, 0, 1, 1], [], []>, transpose_lhs_hint = false} : vector<10000x128xf32>, vector<128x128xf32>, vector<10000x128xf32> -> vector<10000x128xf32>
    %get3A_27 = arith.constant 0 : index
    %get3A_28 = arith.constant 0 : index
    %get3A_29 = vector.load %arg2[%get3A_27, %get3A_28] : memref<10000x128xf32, #tpu.memory_space<vmem>>, vector<10000x128xf32>
    %get3A_30 = arith.constant 128 : index
    %get3A_31 = arith.constant 0 : index
    %get3A_32 = vector.load %arg3[%get3A_30, %get3A_31] : memref<256x128xf32, #tpu.memory_space<vmem>>, vector<128x128xf32>
    %dot_general3A_33 = arith.constant dense<0.000000e+00> : vector<10000x128xf32>
    %dot_general3A_34 = tpu.matmul %get3A_29, %get3A_32, %dot_general3A_33 {dimension_numbers = #tpu.dot_dimension_numbers<[1], [0], [0], [1], [0, 0, 1, 1], [], []>, transpose_lhs_hint = false} : vector<10000x128xf32>, vector<128x128xf32>, vector<10000x128xf32> -> vector<10000x128xf32>
    %add3A_35 = arith.addf %dot_general3A_26, %dot_general3A_34 : vector<10000x128xf32>
    %max3A_36 = arith.constant 0.000000e+00 : f32
    %max3A_37 = vector.broadcast %max3A_36 : f32 to vector<10000x128xf32>
    %max3A_38 = arith.maximumf %add3A_35, %max3A_37 : vector<10000x128xf32>
    %get3A_39 = arith.constant 0 : index
    %get3A_40 = arith.constant 0 : index
    %get3A_41 = vector.load %arg4[%get3A_39, %get3A_40] : memref<128x128xf32, #tpu.memory_space<vmem>>, vector<128x128xf32>
    %dot_general3A_42 = arith.constant dense<0.000000e+00> : vector<10000x128xf32>
    %dot_general3A_43 = tpu.matmul %max3A_38, %get3A_41, %dot_general3A_42 {dimension_numbers = #tpu.dot_dimension_numbers<[1], [0], [0], [1], [0, 0, 1, 1], [], []>, transpose_lhs_hint = false} : vector<10000x128xf32>, vector<128x128xf32>, vector<10000x128xf32> -> vector<10000x128xf32>
    %get3A_44 = arith.constant 0 : index
    %get3A_45 = arith.constant 0 : index
    %get3A_46 = vector.load %arg5[%get3A_44, %get3A_45] : memref<1x128xf32, #tpu.memory_space<vmem>>, vector<1x128xf32>
    %add3A_47 = vector.broadcast %get3A_46 : vector<1x128xf32> to vector<10000x128xf32>
    %add3A_48 = arith.addf %dot_general3A_43, %add3A_47 : vector<10000x128xf32>
    %swap3A = arith.constant 0 : index
    %swap3A_49 = arith.constant 0 : index
    %swap3A_50 = vector.load %arg6[%swap3A, %swap3A_49] : memref<10000x128xf32, #tpu.memory_space<vmem>>, vector<10000x128xf32>
    tpu.vector_store %arg6[%swap3A, %swap3A_49], %add3A_48 {strides = array<i32>} : memref<10000x128xf32, #tpu.memory_space<vmem>>, vector<10000x128xf32>,
    return
  }
}

</mosaic_0001>

<sc_bundles>
// kernel: kernel.10.cloned.1.call-start
scs
__scs_entry_jumppad:
0x0: {  	(pc) =	sbr.rel $0x88, $3  }
0x1: {  	(tag) =	ssettag $0x0;
	lr =	simm.s32 $0x1  }
0x2: {  	[smem:$0x3F92] =	sst lr;
	_ =	strace $0xD0000000  }
0x3: {  	_ = 	snop  }
0x4: {  	_ = 	snop  }
0x5: {  	_ = 	snop  }
0x6: {  	_ = 	snop  }
0x7: {  	_ = 	snop  }
__scs_overlays_trampoline_lowered:
0x8: {  	[smem:$0x3FA1] =	sst s0  }
0x9: {  	[smem:$0x3FA2] =	sst s1  }
0xa: {  	[smem:$0x3FA3] =	sst s2  }
0xb: {  	[smem:$0x3FA4] =	sst s3  }
0xc: {  	[smem:$0x3FA5] =	sst s4  }
0xd: {  	[smem:$0x3FA6] =	sst s5  }
0xe: {  	[smem:$0x3FA7] =	sst s6  }
0xf: {  	[smem:$0x3FA8] =	sst s7  }
0x10: {  	[smem:$0x3FA9] =	sst s8  }
0x11: {  	[smem:$0x3FAA] =	sst s9;
	s0 =	simm.s32 @!p0 $0x0  }
0x12: {  	s1 =	sld [smem:$0x3F90];
	s0 =	simm.s32 @p0 $0x1  }
0x13: {  	[smem:$0x3FAB] =	sst s0;
	s0 =	simm.s32 @!p1 $0x0  }
0x14: {  	s2 =	sld [smem:$0x3F8F];
	s0 =	simm.s32 @p1 $0x1  }
0x15: {  	[smem:$0x3FAC] =	sst s0;
	s0 =	simm.s32 @!p2 $0x0  }
0x16: {  	s3 =	sld [smem:$0x3FDB];
	s0 =	simm.s32 @p2 $0x1  }
0x17: {  	s4 =	simm.s32 $0x1BF5;
	[smem:$0x3FAE] =	sst s0  }
0x18: {  	s0 =	sld [smem:$0x3F91];
	_ =	swait.ge [sflag:s4], $0x0  }
0x19: {  	s7 =	sld [smem:$0x3F92]  }
0x1a: {  	s8 =	sadd.s32 $0xFFFFE003, lr  }
0x1b: {  	s9 =	sadd.s32 $0xFFFFFEF7, lr;
	s5 =	simm.s32 $0xFFFFFFFF;
	p2 =	slt.u32 s8, $0xFFFFF086  }
0x1c: {  	p1 =	slt.u32 s9, $0xF7A;
	s5 =	simm.s32 @!p2 $0x0  }
0x1d: {  	s5 =	simm.s32 @p1 $0x1;
	p0 =	seq.s32 s7, s2  }
0x1e: {  	s7 =	smul.u32 @!p0 $0xF7A, s2;
	p2 =	seq.s32 @!p0 s5, $0x0  }
0x1f: {  	s9 =	smul.u32 $0xF7A, s1;
	s8 =	simm.s32 @!p0 $0x1BF5;
	p2 =	por !p2, p0  }
0x20: {  	[sflag:s8] =	ssyncset.s32 @!p0 $0xFFFFF086;
	s6 =	sadd.s32 @!p0 s3, s7;
	s7 =	simm.s32 @!p0 $0x108  }
0x21: {  	s3 =	sadd.s32 s3, s9;
	s6 =	sadd.s32 @!p0 $0x88, s6;
	s7 =	simm.s32 @p2 $0x1082  }
0x22: {  	[simem:s7], [sflag:s8] =	dma.local @!p0 [hbm:s6], $0xF7A  }
0x23: {  	s9 =	sor.u32 $0xD0000000, s2;
	s6 =	simm.s32 $0x108;
	_ =	swait.ge @!p0 [sflag:s8], $0x0  }
0x24: {  	s3 =	sadd.s32 $0x88, s3;
	s6 =	simm.s32 @!p1 $0x1082;
	[sflag:s4] =	ssyncset.s32 $0xFFFFF086  }
0x25: {  	[simem:s6], [sflag:s4] =	dma.local [hbm:s3], $0xF7A  }
0x26: {  	[smem:$0x3F92] =	sst s1;
	(tag) =	ssettag s2;
	_ =	strace s9  }
0x27: {  	s1 =	sld [smem:$0x3FA2]  }
0x28: {  	s2 =	sld [smem:$0x3FA3]  }
0x29: {  	s4 =	sld [smem:$0x3FA5]  }
0x2a: {  	p0 =	seq.s32 s5, $0x0;
	s5 =	sld [smem:$0x3FA6]  }
0x2b: {  	s6 =	sld [smem:$0x3FA7]  }
0x2c: {  	s7 =	sld [smem:$0x3FA8]  }
0x2d: {  	s3 =	simm.s32 $0x108;
	s8 =	sld [smem:$0x3FA9]  }
0x2e: {  	s3 =	simm.s32 @!p0 $0x1082;
	s9 =	sld [smem:$0x3FAA]  }
0x2f: {  	lr =	sadd.s32 s0, s3;
	s0 =	sld [smem:$0x3FA1]  }
0x30: {  	s3 =	sld [smem:$0x3FA4]  }
0x31: {  	[smem:$0x3FAD] =	sst s10  }
0x32: {  	s10 =	sld [smem:$0x3FAB];
	_ =	sdelay $0x3  }
0x33: {  	p0 =	seq.s32 s10, $0x1;
	s10 =	sld [smem:$0x3FAD];
	_ =	sdelay $0x3  }
0x34: {  	[smem:$0x3FAD] =	sst s10  }
0x35: {  	s10 =	sld [smem:$0x3FAC];
	_ =	sdelay $0x3  }
0x36: {  	p1 =	seq.s32 s10, $0x1;
	s10 =	sld [smem:$0x3FAD];
	_ =	sdelay $0x3  }
0x37: {  	[smem:$0x3FAD] =	sst s10  }
0x38: {  	s10 =	sld [smem:$0x3FAE]  }
0x39: {  	_ = 	snop;
	(pc) =	sbr.ind lr, $3  }
0x3a: {  	_ = 	snop  }
0x3b: {  	_ = 	snop  }
0x3c: {  	p2 =	seq.s32 s10, $0x1;
	s10 =	sld [smem:$0x3FAD]  }
0x3d: {  	_ =	shalt  }
0x3e: {  	_ =	shalt  }
0x3f: {  	_ =	shalt  }
0x40: {  	_ =	shalt  }
0x41: {  	_ =	shalt  }
0x42: {  	_ =	shalt  }
0x43: {  	_ =	shalt  }
0x44: {  	_ =	shalt  }
0x45: {  	_ =	shalt  }
0x46: {  	_ =	shalt  }
0x47: {  	_ =	shalt  }
0x48: {  	_ =	shalt  }
0x49: {  	_ =	shalt  }
0x4a: {  	_ =	shalt  }
0x4b: {  	_ =	shalt  }
0x4c: {  	_ =	shalt  }
0x4d: {  	_ =	shalt  }
0x4e: {  	_ =	shalt  }
0x4f: {  	_ =	shalt  }
0x50: {  	_ =	shalt  }
0x51: {  	_ =	shalt  }
0x52: {  	_ =	shalt  }
0x53: {  	_ =	shalt  }
0x54: {  	_ =	shalt  }
0x55: {  	_ =	shalt  }
0x56: {  	_ =	shalt  }
0x57: {  	_ =	shalt  }
0x58: {  	_ =	shalt  }
0x59: {  	_ =	shalt  }
0x5a: {  	_ =	shalt  }
0x5b: {  	_ =	shalt  }
0x5c: {  	_ =	shalt  }
0x5d: {  	_ =	shalt  }
0x5e: {  	_ =	shalt  }
0x5f: {  	_ =	shalt  }
0x60: {  	_ =	shalt  }
0x61: {  	_ =	shalt  }
0x62: {  	_ =	shalt  }
0x63: {  	_ =	shalt  }
0x64: {  	_ =	shalt  }
0x65: {  	_ =	shalt  }
0x66: {  	_ =	shalt  }
0x67: {  	_ =	shalt  }
0x68: {  	_ =	shalt  }
0x69: {  	_ =	shalt  }
0x6a: {  	_ =	shalt  }
0x6b: {  	_ =	shalt  }
0x6c: {  	_ =	shalt  }
0x6d: {  	_ =	shalt  }
0x6e: {  	_ =	shalt  }
0x6f: {  	_ =	shalt  }
0x70: {  	_ =	shalt  }
0x71: {  	_ =	shalt  }
0x72: {  	_ =	shalt  }
0x73: {  	_ =	shalt  }
0x74: {  	_ =	shalt  }
0x75: {  	_ =	shalt  }
0x76: {  	_ =	shalt  }
0x77: {  	_ =	shalt  }
0x78: {  	_ =	shalt  }
0x79: {  	_ =	shalt  }
0x7a: {  	_ =	shalt  }
0x7b: {  	_ =	shalt  }
0x7c: {  	_ =	shalt  }
0x7d: {  	_ =	shalt  }
0x7e: {  	_ =	shalt  }
0x7f: {  	_ =	shalt  }
0x80: {  	_ =	shalt  }
0x81: {  	_ =	shalt  }
0x82: {  	_ =	shalt  }
0x83: {  	_ =	shalt  }
0x84: {  	_ =	shalt  }
0x85: {  	_ =	shalt  }
0x86: {  	_ =	shalt  }
0x87: {  	_ =	shalt  }
.Lfunc_end0:
.L_simem_size_0:
called_computation_lowered:
.L_overlay_start_0:
0x88: {  	s2 =	sld [smem:$0x3FD9]  }
0x89: {  	s3 =	sld [smem:$0x3FFE];
	_ =	sdelay $0x1  }
0x8a: {  	s1 =	srdreg.scid  }
0x8b: {  	s0 =	sand.u32 $0x1, s1  }
0x8c: {  	s17 =	sshll.u32 s0, $0xA;
	s2 =	sadd.s32 s3, s2  }
0x8d: {  	s2 =	sadd.s32 s2, s17  }
0x8e: {  	[smem:$0x3FB9] =	sst s2  }
0x8f: {  	_ = 	snop  }
0x90: {  	(tm) =	ssettm $0x1  }
0x91: {  	s18 =	sld [smem:$0x3FFB];
	_ =	sdelay $0x3  }
0x92: {  	_ =	strace s18  }
0x93: {  	s2 =	sld [smem:$0x3FFC];
	_ =	sdelay $0x3  }
0x94: {  	_ =	strace s2  }
0x95: {  	s2 =	sld [smem:$0x3FFD];
	_ =	sdelay $0x3  }
0x96: {  	_ =	strace s2  }
0x97: {  	_ =	strace $0x8FFFFFFF  }
0x98: {  	s19 =	sld [smem:$0x3FDB];
	_ =	sdelay $0x1  }
0x99: {  	s20 =	simm.s32 $_scs_section_size  }
0x9a: {  	s4 =	simm.s32 $_size__tile_overlayer_lowered;
	s5 =	simm.s32 $_tile_overlayer_lowered  }
0x9b: {  	s6 =	simm.s32 $0x1BFF;
	s21 =	sshll.u32 s5, $0x1;
	s3 =	sadd.s32 s20, s19  }
0x9c: {  	s22 =	simm.s32 $0x0;
	s4 =	sshll.u32 s4, $0x1;
	s5 =	sadd.s32 s21, s3  }
0x9d: {  	[timem:s22], [sflag:s6] =	dma.local [hbm:s5], s4  }
0x9e: {  	_ =	swait.ge [sflag:s6], s4  }
0x9f: {  	s4 =	ssub.s32 $0x0, s4;
	[sflag:s6] =	ssyncset.done $0x0  }
0xa0: {  	[sflag:s6] =	ssyncadd.s32 s4;
	_ =	sdelay $0x1  }
0xa1: {  	s23 =	simm.s32 $0x1B8B  }
0xa2: {  	_ =	swait.ge [sflag:s23], $0x1  }
0xa3: {  	[sflag:s23] =	ssyncset.done $0x0  }
0xa4: {  	[sflag:s23] =	ssyncadd.s32 $0xFFFFFFFF  }
0xa5: {  	s4 =	sld [smem:$0x0]  }
0xa6: {  	s5 =	sand.u32 $0xFFFFFFFE, s1  }
0xa7: {  	p0 =	sne.s32 s1, s5  }
0xa8: {  	s5 =	sshll.u32 @p0 s5, $0xE  }
0xa9: {  	s5 =	sadd.s32 @p0 $0x11B8D, s5;
	s6 =	sshll.u32 @p0 s4, $0x11  }
0xaa: {  	s5 =	sor.u32 @p0 s6, s5  }
0xab: {  	[sflag:s5] =	ssyncadd.remote.s32 @p0 $0x1;
	_ =	sdelay $0x1  }
0xac: {  	s5 =	simm.s32 @p0 $0x1B8D  }
0xad: {  	_ =	swait.eq @p0 [sflag:s5], $0x1  }
0xae: {  	[sflag:s5] =	ssyncadd.s32 @p0 $0xFFFFFFFF  }
0xaf: {  	s6 =	sshll.u32 @!p0 s1, $0xE  }
0xb0: {  	s6 =	sor.u32 @!p0 $0x4000, s6;
	s5 =	simm.s32 @!p0 $0x1B8D  }
0xb1: {  	s4 =	sshll.u32 @!p0 s4, $0x11;
	s6 =	sadd.s32 @!p0 $0x11B8D, s6;
	_ =	swait.eq @!p0 [sflag:s5], $0x1  }
0xb2: {  	s4 =	sor.u32 @!p0 s4, s6;
	[sflag:s5] =	ssyncadd.s32 @!p0 $0xFFFFFFFF  }
0xb3: {  	s25 =	simm.s32 $0x1B8E;
	s24 =	sld [smem:$0x3FFE];
	[sflag:s4] =	ssyncadd.remote.s32 @!p0 $0x1  }
0xb4: {  	s26 =	simm.s32 $execute0_lowered;
	[smem:$0x3FD2] =	sst s25  }
0xb5: {  	s5 =	sshll.u32 s26, $0x1;
	_ =	strace $0x80000049;
	[dreg:$0x1] =	wrdreg $0xFFFFFFFF  }
0xb6: {  	s28 =	simm.s32 $_size_execute0_lowered;
	s3 =	sadd.s32 s3, s5;
	[dreg:$0x0] =	wrdreg $0x0  }
0xb7: {  	s5 =	sshll.u32 s28, $0x1;
	[dreg:$0x2] =	wrdreg s3  }
0xb8: {  	[dreg:$0x3] =	wrdreg s5  }
0xb9: {  	[dreg:$0x4] =	wrdreg $0xC0  }
0xba: {  	_ =	task [dreg:s22], $0x5FFFF  }
0xbb: {  	[dreg:$0x1] =	wrdreg $0xFFFFFFFF  }
0xbc: {  	[dreg:$0x0] =	wrdreg $0x60  }
0xbd: {  	[dreg:$0x2] =	wrdreg s24  }
0xbe: {  	[dreg:$0x3] =	wrdreg $0x80800  }
0xbf: {  	[dreg:$0x4] =	wrdreg $0x9  }
0xc0: {  	_ =	task.clear_ibuf [dreg:s22], $0x5FFFF;
	_ =	strace $0x90000049  }
0xc1: {  	s29 =	simm.s32 $0x9;
	_ =	strace $0x8000004B  }
0xc2: {  	_ =	swait.ge [sflag:s29], $0x1  }
0xc3: {  	[sflag:s29] =	ssyncadd.s32 $0xFFFFFFFF  }
0xc4: {  	_ =	strace $0x9000004B  }
0xc5: {  	_ =	sfence  }
0xc6: {  	s30 =	sld [smem:$0x0];
	_ =	sdelay $0x2  }
0xc7: {  	s31 =	sshll.u32 s1, $0xD;
	s1 =	sshrl.u32 s1, $0x2  }
0xc8: {  	s4 =	sand.u32 $0x4000, s31;
	s1 =	sadd.s32 s1, s30  }
0xc9: {  	s0 =	sor.u32 s4, s0;
	s1 =	sshll.u32 s1, $0x11  }
0xca: {  	s0 =	sor.u32 s1, s0  }
0xcb: {  	s0 =	sadd.s32 $0x8F2B, s0  }
0xcc: {  	[sflag:s0] =	ssyncadd.remote.s32 $0x1  }
0xcd: {  	_ =	sfence.sel $0xFFFF  }
0xce: {  	[dreg:$0x0] =	wrdreg $0xFFFFFFFF;
	(pc) =	sbr.abs _section_cstart, $3  }
0xcf: {  	[dreg:$0x1] =	wrdreg $0xFFFFFFFF  }
0xd0: {  	_ =	task.clear_ibuf [dreg:s22], $0x2FFFF;
	_ =	strace $0x9FFFFFFF  }
0xd1: {  	(tm) =	ssettm $0x7FFFFFFF  }
tec
execute0_lowered:
.L_overlay_start_1:
0x0: {  	(tag) =	ssettag $0x1  }
0x1: {  	s4 =	rddreg [dreg:$0x0]  }
0x2: {  	s0 =	srdreg.scid;
	s1 =	stileid.u32  }
0x3: {  	s2 =	rddreg [dreg:$0x1];
	s7 =	smul.u32 $0x13C00, s1  }
0x4: {  	s3 =	simm.s32 $0x0;
	s13 =	simm.s32 $0x1;
	s29 =	smul.u32 $0x4F000, s1  }
0x5: {  	s14 =	simm.s32 $0x80;
	s5 =	sand.u32 $0x1, s0;
	s12 =	smul.u32 $0x500, s1  }
0x6: {  	s17 =	simm.s32 $0x0;
	s0 =	rddreg [dreg:$0x2];
	s6 =	smul.u32 $0x13C000, s5  }
0x7: {  	[smem:$0x7FF] =	sst s3;
	s15 =	sshll.u32 s1, $0x6;
	s8 =	smul.u32 $0x5000, s5  }
0x8: {  	_ =	strace $0x8000004A;
	s5 =	ssub.s32 $0x2, s5;
	s15 =	sor.u32 $0x1C01, s15  }
0x9: {  	s30 =	sshrl.u32 s5, $0x1;
	s31 =	sshrl.u32 s29, $0x2;
	s6 =	sadd.s32 s7, s6  }
0xa: {  	s10 =	sadd.s32 s8, s4;
	s11 =	ssub.s32 s5, s30;
	s6 =	sshrl.u32 s6, $0x3  }
0xb: {  	s12 =	sadd.s32 s12, s10;
	s10 =	smax.u32 s11, $0x1;
	s9 =	sadd.s32 s6, s4  }
0xc: {  	s4 =	sadd.s32 s31, s2;
	s11 =	sadd.s32 $0x2A00, s12;
	s12 =	simm.s32 $0x4080  }
0xd: {  	s5 =	sadd.s32 $0x4000, s4;
	s6 =	sadd.s32 $0x8000, s4;
	s7 =	sadd.s32 $0xC000, s4  }
0xe: {  	v0 =	vimm.f32 $0.0e+00;
	v1 =	vimm.f32 $1.000000000e+00;
	s8 =	sadd.s32 $0x10000, s4;
	s9 =	sadd.s32 $0x82C00, s9;
	s16 =	sshrl.u32 s4, $0x3  }
.LBB2_1:
0xf: {  	s18 =	simm.s32 $0x0;
	s19 =	simm.s32 $0x0  }
.LBB2_2:
0x10: {  	p0 =	sne.s32 s19, $0xFFC0  }
.Ltmp0:
0x11: {  	_ = 	snop;
	(pc) =	sbr.rel @p0 .LBB2_2-.Ltmp0, $4  }
0x12: {  	s20 =	sand.u32 $0xFE00, s19  }
0x13: {  	s21 =	sand.u32 $0x70, s18;
	s20 =	sshrl.u32 s20, $0x2  }
0x14: {  	s20 =	sor.u32 s21, s20  }
0x15: {  	s18 =	sadd.s32 $0x10, s18;
	s19 =	sadd.s32 $0x40, s19;
	[tilespmem:s20+$0x4080] =	vst v0  }
0x16: {  	s18 =	simm.s32 $0x0  }
0x17: {  	s19 =	sand.u32 $0xFE00, s18  }
0x18: {  	s20 =	sand.u32 $0x70, s18;
	s21 =	sshrl.u32 s19, $0x2  }
0x19: {  	s19 =	simm.s32 $0x40;
	s20 =	sor.u32 s20, s21  }
.LBB2_4:
0x1a: {  	p0 =	sne.s32 s19, $0xFFC0  }
0x1b: {  	[tilespmem:s20+$0x80] =	vst v1;
	s18 =	sadd.s32 $0x10, s18;
	s20 =	smov.u32 s19;
	s19 =	sadd.s32 $0x40, s19  }
.Ltmp1:
0x1c: {  	(pc) =	sbr.rel @p0 .LBB2_4-.Ltmp1, $4  }
0x1d: {  	_ = 	snop  }
0x1e: {  	s20 =	sand.u32 $0xFE00, s20  }
0x1f: {  	s21 =	sand.u32 $0x70, s18;
	s20 =	sshrl.u32 s20, $0x2  }
0x20: {  	s20 =	sor.u32 s21, s20  }
0x21: {  	[tilespmem:s20+$0x80] =	vst v1  }
0x22: {  	[spmem:s4] =	stream.linear.scatter [tilespmem:s12], [sflag:$0x1], $0x4000, $0x38;
	[tilespmem:$0x1BC80] =	vst v63  }
0x23: {  	_ =	swait.ge [sflag:s13], $0x4000  }
0x24: {  	[sflag:s13] =	ssyncset.done $0x0  }
0x25: {  	[sflag:s13] =	ssyncadd.s32 $0xFFFFC000  }
0x26: {  	[spmem:s5] =	stream.linear.scatter [tilespmem:s12], [sflag:$0x1], $0x4000, $0x38;
	[tilespmem:$0x1BC80] =	vst v63  }
0x27: {  	_ =	swait.ge [sflag:s13], $0x4000  }
0x28: {  	[sflag:s13] =	ssyncset.done $0x0  }
0x29: {  	[sflag:s13] =	ssyncadd.s32 $0xFFFFC000  }
0x2a: {  	[spmem:s6] =	stream.linear.scatter [tilespmem:s12], [sflag:$0x1], $0x4000, $0x38;
	[tilespmem:$0x1BC80] =	vst v63  }
0x2b: {  	_ =	swait.ge [sflag:s13], $0x4000  }
0x2c: {  	[sflag:s13] =	ssyncset.done $0x0  }
0x2d: {  	[sflag:s13] =	ssyncadd.s32 $0xFFFFC000  }
0x2e: {  	[spmem:s7] =	stream.linear.scatter [tilespmem:s12], [sflag:$0x1], $0x4000, $0x38;
	[tilespmem:$0x1BC80] =	vst v63  }
0x2f: {  	_ =	swait.ge [sflag:s13], $0x4000  }
0x30: {  	[sflag:s13] =	ssyncset.done $0x0  }
0x31: {  	[sflag:s13] =	ssyncadd.s32 $0xFFFFC000  }
0x32: {  	[spmem:s8] =	stream.linear.scatter [tilespmem:s12], [sflag:$0x1], $0x3C00, $0x38;
	[tilespmem:$0x1BC80] =	vst v63  }
0x33: {  	_ =	swait.ge [sflag:s13], $0x3C00  }
0x34: {  	[sflag:s13] =	ssyncset.done $0x0  }
0x35: {  	[sflag:s13] =	ssyncadd.s32 $0xFFFFC400  }
0x36: {  	s18 =	sadd.s32 $0x0, s11;
	[bflag:$0x0] =	sbarrier.arrive $0xFFFF  }
0x37: {  	[tilespmem:s3], [sflag:$0x1] =	stream.linear.gather [hbm4b:s18+s3], $0x80, $0x38;
	[tilespmem:$0x1BC80] =	vst v63  }
0x38: {  	_ =	swait.ge [sflag:s13], $0x80  }
0x39: {  	[sflag:s13] =	ssyncset.done $0x0  }
0x3a: {  	[sflag:s13] =	ssyncadd.s32 $0xFFFFFF80  }
0x3b: {  	[spmem:s2] =	stream.indirect.scatter.add.f32 [tilespmem:s14], [sflag:$0x1], $0x80, s3, s14, $0xb8;
	[tilespmem:$0x1BC80] =	vst v63  }
0x3c: {  	_ =	swait.ge [sflag:s13], $0x4000  }
0x3d: {  	s19 =	simm.s32 $0x20;
	s18 =	simm.s32 $0x10;
	[sflag:s13] =	ssyncset.done $0x0  }
.LBB2_6:
0x3e: {  	s20 =	sadd.s32 s18, s11  }
0x3f: {  	[sflag:s13] =	ssyncadd.s32 $0xFFFFC000;
	s18 =	smov.u32 s19;
	s21 =	sadd.s32 $0x10, s19  }
0x40: {  	[tilespmem:s3], [sflag:$0x1] =	stream.linear.gather [hbm4b:s20+s3], $0x80, $0x38;
	[tilespmem:$0x1BC80] =	vst v63  }
0x41: {  	p0 =	sne.s32 s19, $0x4F0;
	_ =	swait.ge [sflag:s13], $0x80  }
.Ltmp2:
0x42: {  	[sflag:s13] =	ssyncset.done $0x0;
	(pc) =	sbr.rel @p0 .LBB2_6-.Ltmp2, $4  }
0x43: {  	[sflag:s13] =	ssyncadd.s32 $0xFFFFFF80  }
0x44: {  	[spmem:s2] =	stream.indirect.scatter.add.f32 [tilespmem:s14], [sflag:$0x1], $0x80, s3, s14, $0xb8;
	[tilespmem:$0x1BC80] =	vst v63  }
0x45: {  	_ =	swait.ge [sflag:s13], $0x4000  }
0x46: {  	s19 =	smov.u32 s21;
	[sflag:s13] =	ssyncset.done $0x0  }
0x47: {  	s18 =	sadd.s32 s18, s11;
	[sflag:s13] =	ssyncadd.s32 $0xFFFFC000  }
0x48: {  	[tilespmem:s3], [sflag:$0x1] =	stream.linear.gather [hbm4b:s18+s3], $0x80, $0x38;
	[tilespmem:$0x1BC80] =	vst v63  }
0x49: {  	_ =	swait.ge [sflag:s13], $0x80  }
0x4a: {  	[sflag:s13] =	ssyncset.done $0x0  }
0x4b: {  	[sflag:s13] =	ssyncadd.s32 $0xFFFFFF80  }
0x4c: {  	[spmem:s2] =	stream.indirect.scatter.add.f32 [tilespmem:s14], [sflag:$0x1], $0x80, s3, s14, $0xb8;
	[tilespmem:$0x1BC80] =	vst v63  }
0x4d: {  	_ =	swait.ge [sflag:s13], $0x4000  }
0x4e: {  	s17 =	sadd.s32 $0x1, s17;
	[sflag:s13] =	ssyncset.done $0x0  }
0x4f: {  	p0 =	sne.s32 s17, s10;
	[sflag:s13] =	ssyncadd.s32 $0xFFFFC000  }
.Ltmp3:
0x50: {  	[bflag:$0x0] =	sbarrier.arrive $0xFFFF;
	(pc) =	sbr.rel @p0 .LBB2_1-.Ltmp3, $4  }
0x51: {  	[hbm:s9], [sflag:s15] =	dma.local [spmem:s16], $0x2780  }
0x52: {  	_ =	swait.ge [sflag:s13], $0x2780  }
0x53: {  	[sflag:s13] =	ssyncset.done $0x0  }
0x54: {  	[sflag:s13] =	ssyncadd.s32 $0xFFFFD880  }
0x55: {  	_ =	sfence.sel $0x180000  }
0x56: {  	[bflag:$0x0] =	sbarrier.arrive $0xFFFF  }
0x57: {  	p0 =	sne.s32 s1, $0x0;
	_ =	strace $0x9000004A  }
0x58: {  	s0 =	sadd.s32 @!p0 $0x100000, s0;
	[bflag:$0x2] =	sbarrier.arrive $0xFFFF  }
0x59: {  	[sflag:s0] =	ssyncadd.tile.s32 @!p0 $0x1;
	_ =	shalt  }
.Lfunc_end2:
_tile_overlayer_lowered:
.L_overlay_start_2:
0x5a: {  	(tag) =	ssettag $0x2  }
0x5b: {  	s0 =	rddreg [dreg:$0x0];
	s2 =	stileid.u32  }
0x5c: {  	s1 =	rddreg [dreg:$0x1];
	p0 =	sne.s32 s2, $0x0  }
0x5d: {  	s3 =	rddreg [dreg:$0x2];
	[bflag:$0x3] =	sbarrier.arrive $0xFFFF;
	s2 =	simm.s32 @!p0 $0x1C01  }
0x5e: {  	[timem:s3], [sflag:s2] =	dma.local @!p0 [hbm:s0], s1  }
0x5f: {  	s0 =	simm.s32 @!p0 $0x1  }
0x60: {  	_ =	swait.ge @!p0 [sflag:s0], s1  }
0x61: {  	s1 =	ssub.s32 @!p0 $0x0, s1;
	[sflag:s0] =	ssyncset.done @!p0 $0x0  }
0x62: {  	[sflag:s0] =	ssyncadd.s32 @!p0 s1  }
0x63: {  	[bflag:$0x3] =	sbarrier.arrive $0xFFFF  }
0x64: {  	_ =	shalt  }

// kernel: kernel.13.cloned.1.call-start
scs
__scs_entry_jumppad:
0x0: {  	(pc) =	sbr.rel $0x88, $3  }
0x1: {  	(tag) =	ssettag $0x0;
	lr =	simm.s32 $0x1  }
0x2: {  	[smem:$0x3F92] =	sst lr;
	_ =	strace $0xD0000000  }
0x3: {  	_ = 	snop  }
0x4: {  	_ = 	snop  }
0x5: {  	_ = 	snop  }
0x6: {  	_ = 	snop  }
0x7: {  	_ = 	snop  }
__scs_overlays_trampoline_lowered:
0x8: {  	[smem:$0x3FA1] =	sst s0  }
0x9: {  	[smem:$0x3FA2] =	sst s1  }
0xa: {  	[smem:$0x3FA3] =	sst s2  }
0xb: {  	[smem:$0x3FA4] =	sst s3  }
0xc: {  	[smem:$0x3FA5] =	sst s4  }
0xd: {  	[smem:$0x3FA6] =	sst s5  }
0xe: {  	[smem:$0x3FA7] =	sst s6  }
0xf: {  	[smem:$0x3FA8] =	sst s7  }
0x10: {  	[smem:$0x3FA9] =	sst s8  }
0x11: {  	[smem:$0x3FAA] =	sst s9;
	s0 =	simm.s32 @!p0 $0x0  }
0x12: {  	s1 =	sld [smem:$0x3F90];
	s0 =	simm.s32 @p0 $0x1  }
0x13: {  	[smem:$0x3FAB] =	sst s0;
	s0 =	simm.s32 @!p1 $0x0  }
0x14: {  	s2 =	sld [smem:$0x3F8F];
	s0 =	simm.s32 @p1 $0x1  }
0x15: {  	[smem:$0x3FAC] =	sst s0;
	s0 =	simm.s32 @!p2 $0x0  }
0x16: {  	s3 =	sld [smem:$0x3FDB];
	s0 =	simm.s32 @p2 $0x1  }
0x17: {  	s4 =	simm.s32 $0x1BF5;
	[smem:$0x3FAE] =	sst s0  }
0x18: {  	s0 =	sld [smem:$0x3F91];
	_ =	swait.ge [sflag:s4], $0x0  }
0x19: {  	s7 =	sld [smem:$0x3F92]  }
0x1a: {  	s8 =	sadd.s32 $0xFFFFE003, lr  }
0x1b: {  	s9 =	sadd.s32 $0xFFFFFEF7, lr;
	s5 =	simm.s32 $0xFFFFFFFF;
	p2 =	slt.u32 s8, $0xFFFFF086  }
0x1c: {  	p1 =	slt.u32 s9, $0xF7A;
	s5 =	simm.s32 @!p2 $0x0  }
0x1d: {  	s5 =	simm.s32 @p1 $0x1;
	p0 =	seq.s32 s7, s2  }
0x1e: {  	s7 =	smul.u32 @!p0 $0xF7A, s2;
	p2 =	seq.s32 @!p0 s5, $0x0  }
0x1f: {  	s9 =	smul.u32 $0xF7A, s1;
	s8 =	simm.s32 @!p0 $0x1BF5;
	p2 =	por !p2, p0  }
0x20: {  	[sflag:s8] =	ssyncset.s32 @!p0 $0xFFFFF086;
	s6 =	sadd.s32 @!p0 s3, s7;
	s7 =	simm.s32 @!p0 $0x108  }
0x21: {  	s3 =	sadd.s32 s3, s9;
	s6 =	sadd.s32 @!p0 $0x88, s6;
	s7 =	simm.s32 @p2 $0x1082  }
0x22: {  	[simem:s7], [sflag:s8] =	dma.local @!p0 [hbm:s6], $0xF7A  }
0x23: {  	s9 =	sor.u32 $0xD0000000, s2;
	s6 =	simm.s32 $0x108;
	_ =	swait.ge @!p0 [sflag:s8], $0x0  }
0x24: {  	s3 =	sadd.s32 $0x88, s3;
	s6 =	simm.s32 @!p1 $0x1082;
	[sflag:s4] =	ssyncset.s32 $0xFFFFF086  }
0x25: {  	[simem:s6], [sflag:s4] =	dma.local [hbm:s3], $0xF7A  }
0x26: {  	[smem:$0x3F92] =	sst s1;
	(tag) =	ssettag s2;
	_ =	strace s9  }
0x27: {  	s1 =	sld [smem:$0x3FA2]  }
0x28: {  	s2 =	sld [smem:$0x3FA3]  }
0x29: {  	s4 =	sld [smem:$0x3FA5]  }
0x2a: {  	p0 =	seq.s32 s5, $0x0;
	s5 =	sld [smem:$0x3FA6]  }
0x2b: {  	s6 =	sld [smem:$0x3FA7]  }
0x2c: {  	s7 =	sld [smem:$0x3FA8]  }
0x2d: {  	s3 =	simm.s32 $0x108;
	s8 =	sld [smem:$0x3FA9]  }
0x2e: {  	s3 =	simm.s32 @!p0 $0x1082;
	s9 =	sld [smem:$0x3FAA]  }
0x2f: {  	lr =	sadd.s32 s0, s3;
	s0 =	sld [smem:$0x3FA1]  }
0x30: {  	s3 =	sld [smem:$0x3FA4]  }
0x31: {  	[smem:$0x3FAD] =	sst s10  }
0x32: {  	s10 =	sld [smem:$0x3FAB];
	_ =	sdelay $0x3  }
0x33: {  	p0 =	seq.s32 s10, $0x1;
	s10 =	sld [smem:$0x3FAD];
	_ =	sdelay $0x3  }
0x34: {  	[smem:$0x3FAD] =	sst s10  }
0x35: {  	s10 =	sld [smem:$0x3FAC];
	_ =	sdelay $0x3  }
0x36: {  	p1 =	seq.s32 s10, $0x1;
	s10 =	sld [smem:$0x3FAD];
	_ =	sdelay $0x3  }
0x37: {  	[smem:$0x3FAD] =	sst s10  }
0x38: {  	s10 =	sld [smem:$0x3FAE]  }
0x39: {  	_ = 	snop;
	(pc) =	sbr.ind lr, $3  }
0x3a: {  	_ = 	snop  }
0x3b: {  	_ = 	snop  }
0x3c: {  	p2 =	seq.s32 s10, $0x1;
	s10 =	sld [smem:$0x3FAD]  }
0x3d: {  	_ =	shalt  }
0x3e: {  	_ =	shalt  }
0x3f: {  	_ =	shalt  }
0x40: {  	_ =	shalt  }
0x41: {  	_ =	shalt  }
0x42: {  	_ =	shalt  }
0x43: {  	_ =	shalt  }
0x44: {  	_ =	shalt  }
0x45: {  	_ =	shalt  }
0x46: {  	_ =	shalt  }
0x47: {  	_ =	shalt  }
0x48: {  	_ =	shalt  }
0x49: {  	_ =	shalt  }
0x4a: {  	_ =	shalt  }
0x4b: {  	_ =	shalt  }
0x4c: {  	_ =	shalt  }
0x4d: {  	_ =	shalt  }
0x4e: {  	_ =	shalt  }
0x4f: {  	_ =	shalt  }
0x50: {  	_ =	shalt  }
0x51: {  	_ =	shalt  }
0x52: {  	_ =	shalt  }
0x53: {  	_ =	shalt  }
0x54: {  	_ =	shalt  }
0x55: {  	_ =	shalt  }
0x56: {  	_ =	shalt  }
0x57: {  	_ =	shalt  }
0x58: {  	_ =	shalt  }
0x59: {  	_ =	shalt  }
0x5a: {  	_ =	shalt  }
0x5b: {  	_ =	shalt  }
0x5c: {  	_ =	shalt  }
0x5d: {  	_ =	shalt  }
0x5e: {  	_ =	shalt  }
0x5f: {  	_ =	shalt  }
0x60: {  	_ =	shalt  }
0x61: {  	_ =	shalt  }
0x62: {  	_ =	shalt  }
0x63: {  	_ =	shalt  }
0x64: {  	_ =	shalt  }
0x65: {  	_ =	shalt  }
0x66: {  	_ =	shalt  }
0x67: {  	_ =	shalt  }
0x68: {  	_ =	shalt  }
0x69: {  	_ =	shalt  }
0x6a: {  	_ =	shalt  }
0x6b: {  	_ =	shalt  }
0x6c: {  	_ =	shalt  }
0x6d: {  	_ =	shalt  }
0x6e: {  	_ =	shalt  }
0x6f: {  	_ =	shalt  }
0x70: {  	_ =	shalt  }
0x71: {  	_ =	shalt  }
0x72: {  	_ =	shalt  }
0x73: {  	_ =	shalt  }
0x74: {  	_ =	shalt  }
0x75: {  	_ =	shalt  }
0x76: {  	_ =	shalt  }
0x77: {  	_ =	shalt  }
0x78: {  	_ =	shalt  }
0x79: {  	_ =	shalt  }
0x7a: {  	_ =	shalt  }
0x7b: {  	_ =	shalt  }
0x7c: {  	_ =	shalt  }
0x7d: {  	_ =	shalt  }
0x7e: {  	_ =	shalt  }
0x7f: {  	_ =	shalt  }
0x80: {  	_ =	shalt  }
0x81: {  	_ =	shalt  }
0x82: {  	_ =	shalt  }
0x83: {  	_ =	shalt  }
0x84: {  	_ =	shalt  }
0x85: {  	_ =	shalt  }
0x86: {  	_ =	shalt  }
0x87: {  	_ =	shalt  }
.Lfunc_end0:
.L_simem_size_0:
called_computation.1_lowered:
.L_overlay_start_0:
0x88: {  	s2 =	sld [smem:$0x3FD9]  }
0x89: {  	s3 =	sld [smem:$0x3FFE];
	_ =	sdelay $0x1  }
0x8a: {  	s1 =	srdreg.scid  }
0x8b: {  	s0 =	sand.u32 $0x1, s1  }
0x8c: {  	s17 =	sshll.u32 s0, $0xA;
	s2 =	sadd.s32 s3, s2  }
0x8d: {  	s2 =	sadd.s32 s2, s17  }
0x8e: {  	[smem:$0x3FB9] =	sst s2  }
0x8f: {  	_ = 	snop  }
0x90: {  	s2 =	sld [smem:$0x3FD0];
	(tm) =	ssettm $0x1  }
0x91: {  	s18 =	sld [smem:$0x3FFB];
	_ =	sdelay $0x3  }
0x92: {  	_ =	strace s18  }
0x93: {  	s3 =	sld [smem:$0x3FFC];
	_ =	sdelay $0x3  }
0x94: {  	_ =	strace s3  }
0x95: {  	s3 =	sld [smem:$0x3FFD];
	_ =	sdelay $0x3  }
0x96: {  	_ =	strace s3  }
0x97: {  	_ =	strace $0x8FFFFFFF  }
0x98: {  	s19 =	sld [smem:$0x3FDB];
	_ =	sdelay $0x1  }
0x99: {  	s4 =	simm.s32 $_scs_section_size  }
0x9a: {  	s5 =	simm.s32 $_size__tile_overlayer_lowered;
	s6 =	simm.s32 $_tile_overlayer_lowered  }
0x9b: {  	s22 =	simm.s32 $0x1BFF;
	s21 =	sshll.u32 s6, $0x1;
	s3 =	sadd.s32 s4, s19  }
0x9c: {  	s7 =	simm.s32 $0x0;
	s20 =	sshll.u32 s5, $0x1;
	s5 =	sadd.s32 s21, s3  }
0x9d: {  	[timem:s7], [sflag:s22] =	dma.local [hbm:s5], s20  }
0x9e: {  	_ =	swait.ge [sflag:s22], s20  }
0x9f: {  	s4 =	ssub.s32 $0x0, s20;
	[sflag:s22] =	ssyncset.done $0x0  }
0xa0: {  	[sflag:s22] =	ssyncadd.s32 s4;
	_ =	sdelay $0x1  }
0xa1: {  	s23 =	simm.s32 $0x1B8B  }
0xa2: {  	_ =	swait.ge [sflag:s23], $0x1  }
0xa3: {  	[sflag:s23] =	ssyncset.done $0x0  }
0xa4: {  	s25 =	simm.s32 $0x1B8E;
	s24 =	sld [smem:$0x3FFE];
	[sflag:s23] =	ssyncadd.s32 $0xFFFFFFFF  }
0xa5: {  	s26 =	simm.s32 $execute0_lowered;
	[smem:$0x3FD2] =	sst s25  }
0xa6: {  	s5 =	sshll.u32 s26, $0x1;
	_ =	strace $0x80000046;
	[dreg:$0x1] =	wrdreg $0xFFFFFFFF  }
0xa7: {  	s28 =	simm.s32 $_size_execute0_lowered;
	s3 =	sadd.s32 s3, s5;
	[dreg:$0x0] =	wrdreg $0x0  }
0xa8: {  	s5 =	sshll.u32 s28, $0x1;
	[dreg:$0x2] =	wrdreg s3  }
0xa9: {  	[dreg:$0x3] =	wrdreg s5  }
0xaa: {  	[dreg:$0x4] =	wrdreg $0xC0  }
0xab: {  	_ =	task [dreg:s7], $0x5FFFF  }
0xac: {  	[dreg:$0x1] =	wrdreg $0xFFFFFFFF  }
0xad: {  	[dreg:$0x0] =	wrdreg $0x60  }
0xae: {  	[dreg:$0x2] =	wrdreg s24  }
0xaf: {  	[dreg:$0x3] =	wrdreg s2  }
0xb0: {  	[dreg:$0x4] =	wrdreg $0xC2800  }
0xb1: {  	[dreg:$0x5] =	wrdreg $0xA  }
0xb2: {  	_ =	task.clear_ibuf [dreg:s7], $0x6FFFF;
	_ =	strace $0x90000046  }
0xb3: {  	s29 =	simm.s32 $0xA;
	_ =	strace $0x80000048  }
0xb4: {  	_ =	swait.ge [sflag:s29], $0x1  }
0xb5: {  	[sflag:s29] =	ssyncadd.s32 $0xFFFFFFFF  }
0xb6: {  	_ =	strace $0x90000048  }
0xb7: {  	_ =	sfence  }
0xb8: {  	s30 =	sld [smem:$0x0];
	_ =	sdelay $0x2  }
0xb9: {  	s31 =	sshll.u32 s1, $0xD;
	s1 =	sshrl.u32 s1, $0x2  }
0xba: {  	s3 =	sand.u32 $0x4000, s31;
	s1 =	sadd.s32 s1, s30  }
0xbb: {  	s0 =	sor.u32 s3, s0;
	s1 =	sshll.u32 s1, $0x11  }
0xbc: {  	s0 =	sor.u32 s1, s0  }
0xbd: {  	s0 =	sadd.s32 $0x8F2B, s0  }
0xbe: {  	[sflag:s0] =	ssyncadd.remote.s32 $0x1  }
0xbf: {  	_ =	sfence.sel $0xFFFF  }
0xc0: {  	[dreg:$0x0] =	wrdreg $0xFFFFFFFF;
	(pc) =	sbr.abs _section_cstart, $3  }
0xc1: {  	[dreg:$0x1] =	wrdreg $0xFFFFFFFF  }
0xc2: {  	_ =	task.clear_ibuf [dreg:s7], $0x2FFFF;
	_ =	strace $0x9FFFFFFF  }
0xc3: {  	(tm) =	ssettm $0x7FFFFFFF  }
tec
execute0_lowered:
.L_overlay_start_1:
0x0: {  	(tag) =	ssettag $0x1  }
0x1: {  	s2 =	rddreg [dreg:$0x0]  }
0x2: {  	s0 =	rddreg [dreg:$0x1]  }
0x3: {  	s1 =	rddreg [dreg:$0x2];
	s3 =	srdreg.scid  }
0x4: {  	s12 =	stileid.u32;
	s28 =	simm.s32 $0x1;
	s29 =	simm.s32 $0x4  }
0x5: {  	s30 =	simm.s32 $0x2;
	s31 =	simm.s32 $0x5;
	s7 =	smul.u32 $0x13C00, s12  }
0x6: {  	s5 =	sand.u32 $0x1, s3;
	s3 =	simm.s32 $0x0;
	s9 =	smul.u32 $0x4F000, s12  }
0x7: {  	s4 =	sadd.s32 $0xCA00, s2;
	s8 =	sadd.s32 $0x2A00, s2;
	s20 =	smul.u32 $0x2800, s12  }
0x8: {  	s6 =	smul.u32 $0x13C000, s5;
	[smem:$0x7FF] =	sst s3;
	s18 =	sshll.u32 s5, $0x4  }
0x9: {  	s19 =	ssub.s32 $0x2, s5;
	s11 =	smul.u32 $0x28000, s5;
	_ =	strace $0x80000047  }
0xa: {  	s10 =	sshrl.u32 s19, $0x1;
	s9 =	sshrl.u32 s9, $0x2;
	s6 =	sadd.s32 s7, s6  }
0xb: {  	s7 =	sor.u32 s12, s18;
	s5 =	sadd.s32 s9, s1;
	s16 =	sadd.s32 s20, s11  }
0xc: {  	s6 =	sshrl.u32 s6, $0x3;
	s7 =	smul.u32 $0x2800, s7;
	s9 =	sadd.s32 $0x4000, s5  }
0xd: {  	s21 =	sadd.s32 $0x8000, s5;
	s22 =	sadd.s32 $0xC000, s5;
	[dreg:$0xd] =	wrdreg s9  }
0xe: {  	s23 =	sadd.s32 $0x10000, s5;
	s14 =	sor.u32 $0x380, s16;
	[dreg:$0xe] =	wrdreg s21  }
0xf: {  	s15 =	sor.u32 $0x300, s16;
	s20 =	sor.u32 $0x200, s16;
	[dreg:$0xf] =	wrdreg s22  }
0x10: {  	s2 =	sadd.s32 s6, s2;
	s6 =	ssub.s32 s19, s10;
	[dreg:$0x10] =	wrdreg s23  }
0x11: {  	s24 =	sshrl.u32 s14, $0x3;
	s25 =	sshrl.u32 s15, $0x3;
	s9 =	sor.u32 $0x280, s16  }
0x12: {  	s23 =	sor.u32 $0x180, s16;
	s7 =	sshrl.u32 s7, $0x3;
	s14 =	sadd.s32 s24, s8  }
0x13: {  	s26 =	sadd.s32 s25, s8;
	s17 =	sadd.s32 s25, s0;
	s18 =	sshrl.u32 s9, $0x3  }
0x14: {  	s15 =	smax.u32 s6, $0x1;
	s25 =	sor.u32 $0x100, s16;
	[dreg:$0x4] =	wrdreg s14  }
0x15: {  	s10 =	sadd.s32 s0, s7;
	s13 =	sor.u32 $0x10, s7;
	[dreg:$0x6] =	wrdreg s26  }
0x16: {  	s12 =	sadd.s32 s8, s7;
	s7 =	sadd.s32 s24, s0;
	[dreg:$0x7] =	wrdreg s17  }
0x17: {  	s19 =	sadd.s32 s18, s8;
	s21 =	sadd.s32 s18, s0;
	s17 =	sshrl.u32 s20, $0x3  }
0x18: {  	s14 =	sadd.s32 $0x33C00, s2;
	s2 =	sshrl.u32 s23, $0x3;
	[dreg:$0x5] =	wrdreg s7  }
0x19: {  	s20 =	simm.s32 $0x6;
	s23 =	simm.s32 $0x180;
	[dreg:$0x8] =	wrdreg s19  }
0x1a: {  	s11 =	sadd.s32 s0, s13;
	s13 =	sadd.s32 s8, s13;
	[dreg:$0x9] =	wrdreg s21  }
0x1b: {  	s22 =	sadd.s32 s17, s8;
	s24 =	sadd.s32 s17, s0;
	s26 =	sadd.s32 s2, s8  }
0x1c: {  	s7 =	sshrl.u32 s25, $0x3;
	s16 =	sadd.s32 s2, s0;
	[dreg:$0xa] =	wrdreg s22  }
0x1d: {  	s19 =	simm.s32 $0x280;
	s21 =	simm.s32 $0x80;
	[dreg:$0xb] =	wrdreg s24  }
0x1e: {  	s25 =	simm.s32 $0x100;
	s2 =	simm.s32 $0x0;
	[dreg:$0xc] =	wrdreg s26  }
0x1f: {  	s17 =	sadd.s32 s7, s8;
	s18 =	sadd.s32 s7, s0;
	s22 =	simm.s32 $0x4280  }
0x20: {  	v0 =	vimm.f32 $0.0e+00;
	s24 =	simm.s32 $0x200;
	s26 =	simm.s32 $0x8280;
	s0 =	simm.s32 $0x3  }
.LBB2_1:
0x21: {  	s6 =	sand.u32 $0xFE00, s3  }
0x22: {  	s7 =	sand.u32 $0x70, s3;
	s8 =	sshrl.u32 s6, $0x2  }
0x23: {  	s6 =	simm.s32 $0x40;
	s8 =	sor.u32 s7, s8;
	s7 =	simm.s32 $0x0  }
.LBB2_2:
0x24: {  	p0 =	sne.s32 s6, $0xFFC0  }
0x25: {  	[tilespmem:s8+$0x280] =	vst v0;
	s7 =	sadd.s32 $0x10, s7;
	s8 =	smov.u32 s6;
	s6 =	sadd.s32 $0x40, s6  }
.Ltmp0:
0x26: {  	(pc) =	sbr.rel @p0 .LBB2_2-.Ltmp0, $4  }
0x27: {  	_ = 	snop  }
0x28: {  	s8 =	sand.u32 $0xFE00, s8  }
0x29: {  	s9 =	sand.u32 $0x70, s7;
	s8 =	sshrl.u32 s8, $0x2  }
0x2a: {  	s8 =	sor.u32 s9, s8  }
0x2b: {  	[tilespmem:s8+$0x280] =	vst v0  }
0x2c: {  	[spmem:s5] =	stream.linear.scatter [tilespmem:s19], [sflag:$0x6], $0x4000, $0x38;
	[tilespmem:$0x1FE80] =	vst v63  }
0x2d: {  	_ =	swait.ge [sflag:s20], $0x4000  }
0x2e: {  	[sflag:s20] =	ssyncset.done $0x0  }
0x2f: {  	s6 =	rddreg [dreg:$0xd];
	[sflag:s20] =	ssyncadd.s32 $0xFFFFC000  }
0x30: {  	[spmem:s6] =	stream.linear.scatter [tilespmem:s19], [sflag:$0x6], $0x4000, $0x38;
	[tilespmem:$0x1FE80] =	vst v63  }
0x31: {  	_ =	swait.ge [sflag:s20], $0x4000  }
0x32: {  	[sflag:s20] =	ssyncset.done $0x0  }
0x33: {  	s8 =	rddreg [dreg:$0xe];
	[sflag:s20] =	ssyncadd.s32 $0xFFFFC000  }
0x34: {  	[spmem:s8] =	stream.linear.scatter [tilespmem:s19], [sflag:$0x6], $0x4000, $0x38;
	[tilespmem:$0x1FE80] =	vst v63  }
0x35: {  	_ =	swait.ge [sflag:s20], $0x4000  }
0x36: {  	[sflag:s20] =	ssyncset.done $0x0  }
0x37: {  	s9 =	rddreg [dreg:$0xf];
	[sflag:s20] =	ssyncadd.s32 $0xFFFFC000  }
0x38: {  	[spmem:s9] =	stream.linear.scatter [tilespmem:s19], [sflag:$0x6], $0x4000, $0x38;
	[tilespmem:$0x1FE80] =	vst v63  }
0x39: {  	_ =	swait.ge [sflag:s20], $0x4000  }
0x3a: {  	[sflag:s20] =	ssyncset.done $0x0  }
0x3b: {  	s7 =	rddreg [dreg:$0x10];
	[sflag:s20] =	ssyncadd.s32 $0xFFFFC000  }
0x3c: {  	[spmem:s7] =	stream.linear.scatter [tilespmem:s19], [sflag:$0x6], $0x3C00, $0x38;
	[tilespmem:$0x1FE80] =	vst v63  }
0x3d: {  	_ =	swait.ge [sflag:s20], $0x3C00  }
0x3e: {  	[sflag:s20] =	ssyncset.done $0x0  }
0x3f: {  	[sflag:s20] =	ssyncadd.s32 $0xFFFFC400  }
0x40: {  	s8 =	simm.s32 $0x0;
	[bflag:$0x0] =	sbarrier.arrive $0xFFFF  }
0x41: {  	[tilespmem:s8], [sflag:$0x6] =	stream.linear.gather [hbm4b:s10+s8], $0x80, $0x38;
	[tilespmem:$0x1FE80] =	vst v63  }
0x42: {  	_ =	swait.ge [sflag:s20], $0x80  }
0x43: {  	[sflag:s20] =	ssyncset.done $0x0  }
0x44: {  	[sflag:s20] =	ssyncadd.s32 $0xFFFFFF80  }
0x45: {  	[tilespmem:s19], [sflag:$0x1] =	stream.indirect.gather [hbm4b:s4+s21], $0x80, s8, s21, $0xb8;
	[tilespmem:$0x1FE80] =	vst v63  }
0x46: {  	_ = 	snop  }
0x47: {  	[tilespmem:s21], [sflag:$0x6] =	stream.linear.gather [hbm4b:s11+s8], $0x80, $0x38;
	[tilespmem:$0x1FE80] =	vst v63  }
0x48: {  	_ =	swait.ge [sflag:s20], $0x80  }
0x49: {  	[sflag:s20] =	ssyncset.done $0x0  }
0x4a: {  	[sflag:s20] =	ssyncadd.s32 $0xFFFFFF80  }
0x4b: {  	[tilespmem:s22], [sflag:$0x2] =	stream.indirect.gather [hbm4b:s4+s21], $0x80, s21, s21, $0xb8;
	[tilespmem:$0x1FE80] =	vst v63  }
0x4c: {  	_ = 	snop  }
0x4d: {  	[tilespmem:s23], [sflag:$0x4] =	stream.linear.gather [hbm4b:s12+s8], $0x80, $0x38;
	[tilespmem:$0x1FE80] =	vst v63  }
0x4e: {  	_ = 	snop  }
0x4f: {  	[tilespmem:s24], [sflag:$0x5] =	stream.linear.gather [hbm4b:s13+s8], $0x80, $0x38;
	[tilespmem:$0x1FE80] =	vst v63  }
0x50: {  	s9 =	sadd.s32 $0x0, s18  }
0x51: {  	[tilespmem:s25], [sflag:$0x6] =	stream.linear.gather [hbm4b:s9+s3], $0x80, $0x38;
	[tilespmem:$0x1FE80] =	vst v63  }
0x52: {  	_ =	swait.ge [sflag:s20], $0x80  }
0x53: {  	[sflag:s20] =	ssyncset.done $0x0  }
0x54: {  	[sflag:s20] =	ssyncadd.s32 $0xFFFFFF80  }
0x55: {  	[tilespmem:s26], [sflag:$0x3] =	stream.indirect.gather [hbm4b:s4+s21], $0x80, s25, s21, $0xb8;
	[tilespmem:$0x1FE80] =	vst v63  }
0x56: {  	_ =	swait.ge [sflag:s28], $0x4000  }
0x57: {  	[sflag:s28] =	ssyncset.done $0x0  }
0x58: {  	[sflag:s28] =	ssyncadd.s32 $0xFFFFC000  }
0x59: {  	_ =	swait.ge [sflag:s29], $0x80  }
0x5a: {  	[sflag:s29] =	ssyncset.done $0x0  }
0x5b: {  	[sflag:s29] =	ssyncadd.s32 $0xFFFFFF80  }
0x5c: {  	[spmem:s1] =	stream.indirect.scatter.add.f32 [tilespmem:s19], [sflag:$0x6], $0x80, s23, s21, $0xb8;
	[tilespmem:$0x1FE80] =	vst v63  }
0x5d: {  	_ =	swait.ge [sflag:s20], $0x4000  }
0x5e: {  	[sflag:s20] =	ssyncset.done $0x0  }
0x5f: {  	s7 =	sadd.s32 $0x0, s17;
	[sflag:s20] =	ssyncadd.s32 $0xFFFFC000  }
0x60: {  	[tilespmem:s23], [sflag:$0x4] =	stream.linear.gather [hbm4b:s7+s3], $0x80, $0x38;
	[tilespmem:$0x1FE80] =	vst v63  }
0x61: {  	s8 =	sadd.s32 $0x0, s16  }
0x62: {  	[tilespmem:s3], [sflag:$0x6] =	stream.linear.gather [hbm4b:s8+s3], $0x80, $0x38;
	[tilespmem:$0x1FE80] =	vst v63  }
0x63: {  	_ =	swait.ge [sflag:s20], $0x80  }
0x64: {  	[sflag:s20] =	ssyncset.done $0x0  }
0x65: {  	[sflag:s20] =	ssyncadd.s32 $0xFFFFFF80  }
0x66: {  	[tilespmem:s19], [sflag:$0x1] =	stream.indirect.gather [hbm4b:s4+s21], $0x80, s3, s21, $0xb8;
	[tilespmem:$0x1FE80] =	vst v63  }
0x67: {  	_ =	swait.ge [sflag:s30], $0x4000  }
0x68: {  	[sflag:s30] =	ssyncset.done $0x0  }
0x69: {  	[sflag:s30] =	ssyncadd.s32 $0xFFFFC000  }
0x6a: {  	_ =	swait.ge [sflag:s31], $0x80  }
0x6b: {  	[sflag:s31] =	ssyncset.done $0x0  }
0x6c: {  	[sflag:s31] =	ssyncadd.s32 $0xFFFFFF80  }
0x6d: {  	[spmem:s1] =	stream.indirect.scatter.add.f32 [tilespmem:s22], [sflag:$0x6], $0x80, s24, s21, $0xb8;
	[tilespmem:$0x1FE80] =	vst v63  }
0x6e: {  	_ =	swait.ge [sflag:s20], $0x4000  }
0x6f: {  	s9 =	rddreg [dreg:$0xc];
	[sflag:s20] =	ssyncset.done $0x0  }
0x70: {  	s7 =	rddreg [dreg:$0xb];
	[sflag:s20] =	ssyncadd.s32 $0xFFFFC000;
	s6 =	sadd.s32 $0x0, s9  }
0x71: {  	[tilespmem:s24], [sflag:$0x5] =	stream.linear.gather [hbm4b:s6+s3], $0x80, $0x38;
	[tilespmem:$0x1FE80] =	vst v63  }
0x72: {  	s7 =	sadd.s32 $0x0, s7  }
0x73: {  	[tilespmem:s21], [sflag:$0x6] =	stream.linear.gather [hbm4b:s7+s3], $0x80, $0x38;
	[tilespmem:$0x1FE80] =	vst v63  }
0x74: {  	_ =	swait.ge [sflag:s20], $0x80  }
0x75: {  	[sflag:s20] =	ssyncset.done $0x0  }
0x76: {  	[sflag:s20] =	ssyncadd.s32 $0xFFFFFF80  }
0x77: {  	[tilespmem:s22], [sflag:$0x2] =	stream.indirect.gather [hbm4b:s4+s21], $0x80, s21, s21, $0xb8;
	[tilespmem:$0x1FE80] =	vst v63  }
0x78: {  	_ =	swait.ge [sflag:s0], $0x4000  }
0x79: {  	[sflag:s0] =	ssyncset.done $0x0  }
0x7a: {  	[sflag:s0] =	ssyncadd.s32 $0xFFFFC000  }
0x7b: {  	_ =	swait.ge [sflag:s29], $0x80  }
0x7c: {  	[sflag:s29] =	ssyncset.done $0x0  }
0x7d: {  	[sflag:s29] =	ssyncadd.s32 $0xFFFFFF80  }
0x7e: {  	[spmem:s1] =	stream.indirect.scatter.add.f32 [tilespmem:s26], [sflag:$0x6], $0x80, s23, s21, $0xb8;
	[tilespmem:$0x1FE80] =	vst v63  }
0x7f: {  	_ =	swait.ge [sflag:s20], $0x4000  }
0x80: {  	s8 =	rddreg [dreg:$0xa];
	[sflag:s20] =	ssyncset.done $0x0  }
0x81: {  	s9 =	rddreg [dreg:$0x9];
	[sflag:s20] =	ssyncadd.s32 $0xFFFFC000;
	s6 =	sadd.s32 $0x0, s8  }
0x82: {  	[tilespmem:s23], [sflag:$0x4] =	stream.linear.gather [hbm4b:s6+s3], $0x80, $0x38;
	[tilespmem:$0x1FE80] =	vst v63  }
0x83: {  	s7 =	sadd.s32 $0x0, s9  }
0x84: {  	[tilespmem:s25], [sflag:$0x6] =	stream.linear.gather [hbm4b:s7+s3], $0x80, $0x38;
	[tilespmem:$0x1FE80] =	vst v63  }
0x85: {  	_ =	swait.ge [sflag:s20], $0x80  }
0x86: {  	[sflag:s20] =	ssyncset.done $0x0  }
0x87: {  	[sflag:s20] =	ssyncadd.s32 $0xFFFFFF80  }
0x88: {  	[tilespmem:s26], [sflag:$0x3] =	stream.indirect.gather [hbm4b:s4+s21], $0x80, s25, s21, $0xb8;
	[tilespmem:$0x1FE80] =	vst v63  }
0x89: {  	_ =	swait.ge [sflag:s28], $0x4000  }
0x8a: {  	[sflag:s28] =	ssyncset.done $0x0  }
0x8b: {  	[sflag:s28] =	ssyncadd.s32 $0xFFFFC000  }
0x8c: {  	_ =	swait.ge [sflag:s31], $0x80  }
0x8d: {  	[sflag:s31] =	ssyncset.done $0x0  }
0x8e: {  	[sflag:s31] =	ssyncadd.s32 $0xFFFFFF80  }
0x8f: {  	[spmem:s1] =	stream.indirect.scatter.add.f32 [tilespmem:s19], [sflag:$0x6], $0x80, s24, s21, $0xb8;
	[tilespmem:$0x1FE80] =	vst v63  }
0x90: {  	_ =	swait.ge [sflag:s20], $0x4000  }
0x91: {  	s8 =	rddreg [dreg:$0x8];
	[sflag:s20] =	ssyncset.done $0x0  }
0x92: {  	s9 =	rddreg [dreg:$0x7];
	[sflag:s20] =	ssyncadd.s32 $0xFFFFC000;
	s6 =	sadd.s32 $0x0, s8  }
0x93: {  	[tilespmem:s24], [sflag:$0x5] =	stream.linear.gather [hbm4b:s6+s3], $0x80, $0x38;
	[tilespmem:$0x1FE80] =	vst v63  }
0x94: {  	s7 =	sadd.s32 $0x0, s9  }
0x95: {  	[tilespmem:s3], [sflag:$0x6] =	stream.linear.gather [hbm4b:s7+s3], $0x80, $0x38;
	[tilespmem:$0x1FE80] =	vst v63  }
0x96: {  	_ =	swait.ge [sflag:s20], $0x80  }
0x97: {  	[sflag:s20] =	ssyncset.done $0x0  }
0x98: {  	[sflag:s20] =	ssyncadd.s32 $0xFFFFFF80  }
0x99: {  	[tilespmem:s19], [sflag:$0x1] =	stream.indirect.gather [hbm4b:s4+s21], $0x80, s3, s21, $0xb8;
	[tilespmem:$0x1FE80] =	vst v63  }
0x9a: {  	_ =	swait.ge [sflag:s30], $0x4000  }
0x9b: {  	[sflag:s30] =	ssyncset.done $0x0  }
0x9c: {  	[sflag:s30] =	ssyncadd.s32 $0xFFFFC000  }
0x9d: {  	_ =	swait.ge [sflag:s29], $0x80  }
0x9e: {  	[sflag:s29] =	ssyncset.done $0x0  }
0x9f: {  	[sflag:s29] =	ssyncadd.s32 $0xFFFFFF80  }
0xa0: {  	[spmem:s1] =	stream.indirect.scatter.add.f32 [tilespmem:s22], [sflag:$0x6], $0x80, s23, s21, $0xb8;
	[tilespmem:$0x1FE80] =	vst v63  }
0xa1: {  	_ =	swait.ge [sflag:s20], $0x4000  }
0xa2: {  	s8 =	rddreg [dreg:$0x6];
	[sflag:s20] =	ssyncset.done $0x0  }
0xa3: {  	s9 =	rddreg [dreg:$0x5];
	[sflag:s20] =	ssyncadd.s32 $0xFFFFC000;
	s6 =	sadd.s32 $0x0, s8  }
0xa4: {  	[tilespmem:s23], [sflag:$0x4] =	stream.linear.gather [hbm4b:s6+s3], $0x80, $0x38;
	[tilespmem:$0x1FE80] =	vst v63  }
0xa5: {  	s8 =	sadd.s32 $0x0, s9  }
0xa6: {  	[tilespmem:s21], [sflag:$0x6] =	stream.linear.gather [hbm4b:s8+s3], $0x80, $0x38;
	[tilespmem:$0x1FE80] =	vst v63  }
0xa7: {  	_ =	swait.ge [sflag:s20], $0x80  }
0xa8: {  	[sflag:s20] =	ssyncset.done $0x0  }
0xa9: {  	[sflag:s20] =	ssyncadd.s32 $0xFFFFFF80  }
0xaa: {  	[tilespmem:s22], [sflag:$0x2] =	stream.indirect.gather [hbm4b:s4+s21], $0x80, s21, s21, $0xb8;
	[tilespmem:$0x1FE80] =	vst v63  }
0xab: {  	_ =	swait.ge [sflag:s0], $0x4000  }
0xac: {  	[sflag:s0] =	ssyncset.done $0x0  }
0xad: {  	[sflag:s0] =	ssyncadd.s32 $0xFFFFC000  }
0xae: {  	_ =	swait.ge [sflag:s31], $0x80  }
0xaf: {  	[sflag:s31] =	ssyncset.done $0x0  }
0xb0: {  	[sflag:s31] =	ssyncadd.s32 $0xFFFFFF80  }
0xb1: {  	[spmem:s1] =	stream.indirect.scatter.add.f32 [tilespmem:s26], [sflag:$0x6], $0x80, s24, s21, $0xb8;
	[tilespmem:$0x1FE80] =	vst v63  }
0xb2: {  	_ =	swait.ge [sflag:s20], $0x4000  }
0xb3: {  	s9 =	rddreg [dreg:$0x4];
	[sflag:s20] =	ssyncset.done $0x0  }
0xb4: {  	s6 =	simm.s32 $0x60;
	[sflag:s20] =	ssyncadd.s32 $0xFFFFC000;
	s7 =	sadd.s32 $0x0, s9  }
.LBB2_4:
0xb5: {  	[tilespmem:s24], [sflag:$0x5] =	stream.linear.gather [hbm4b:s7+s3], $0x80, $0x38;
	[tilespmem:$0x1FE80] =	vst v63  }
0xb6: {  	s7 =	smov.u32 s6  }
0xb7: {  	s8 =	sadd.s32 s7, s18  }
0xb8: {  	[tilespmem:s25], [sflag:$0x6] =	stream.linear.gather [hbm4b:s8+s3], $0x80, $0x38;
	[tilespmem:$0x1FE80] =	vst v63  }
0xb9: {  	_ =	swait.ge [sflag:s20], $0x80  }
0xba: {  	[sflag:s20] =	ssyncset.done $0x0  }
0xbb: {  	[sflag:s20] =	ssyncadd.s32 $0xFFFFFF80  }
0xbc: {  	[tilespmem:s26], [sflag:$0x3] =	stream.indirect.gather [hbm4b:s4+s21], $0x80, s25, s21, $0xb8;
	[tilespmem:$0x1FE80] =	vst v63  }
0xbd: {  	_ =	swait.ge [sflag:s28], $0x4000  }
0xbe: {  	[sflag:s28] =	ssyncset.done $0x0  }
0xbf: {  	[sflag:s28] =	ssyncadd.s32 $0xFFFFC000  }
0xc0: {  	_ =	swait.ge [sflag:s29], $0x80  }
0xc1: {  	[sflag:s29] =	ssyncset.done $0x0  }
0xc2: {  	[sflag:s29] =	ssyncadd.s32 $0xFFFFFF80  }
0xc3: {  	[spmem:s1] =	stream.indirect.scatter.add.f32 [tilespmem:s19], [sflag:$0x6], $0x80, s23, s21, $0xb8;
	[tilespmem:$0x1FE80] =	vst v63  }
0xc4: {  	_ =	swait.ge [sflag:s20], $0x4000  }
0xc5: {  	[sflag:s20] =	ssyncset.done $0x0  }
0xc6: {  	s9 =	sadd.s32 s7, s17;
	[sflag:s20] =	ssyncadd.s32 $0xFFFFC000  }
0xc7: {  	[tilespmem:s23], [sflag:$0x4] =	stream.linear.gather [hbm4b:s9+s3], $0x80, $0x38;
	[tilespmem:$0x1FE80] =	vst v63  }
0xc8: {  	s9 =	sadd.s32 s7, s16  }
0xc9: {  	[tilespmem:s3], [sflag:$0x6] =	stream.linear.gather [hbm4b:s9+s3], $0x80, $0x38;
	[tilespmem:$0x1FE80] =	vst v63  }
0xca: {  	_ =	swait.ge [sflag:s20], $0x80  }
0xcb: {  	[sflag:s20] =	ssyncset.done $0x0  }
0xcc: {  	[sflag:s20] =	ssyncadd.s32 $0xFFFFFF80  }
0xcd: {  	[tilespmem:s19], [sflag:$0x1] =	stream.indirect.gather [hbm4b:s4+s21], $0x80, s3, s21, $0xb8;
	[tilespmem:$0x1FE80] =	vst v63  }
0xce: {  	_ =	swait.ge [sflag:s30], $0x4000  }
0xcf: {  	[sflag:s30] =	ssyncset.done $0x0  }
0xd0: {  	[sflag:s30] =	ssyncadd.s32 $0xFFFFC000  }
0xd1: {  	_ =	swait.ge [sflag:s31], $0x80  }
0xd2: {  	[sflag:s31] =	ssyncset.done $0x0  }
0xd3: {  	[sflag:s31] =	ssyncadd.s32 $0xFFFFFF80  }
0xd4: {  	[spmem:s1] =	stream.indirect.scatter.add.f32 [tilespmem:s22], [sflag:$0x6], $0x80, s24, s21, $0xb8;
	[tilespmem:$0x1FE80] =	vst v63  }
0xd5: {  	_ =	swait.ge [sflag:s20], $0x4000  }
0xd6: {  	s8 =	rddreg [dreg:$0xc];
	[sflag:s20] =	ssyncset.done $0x0  }
0xd7: {  	s9 =	rddreg [dreg:$0xb];
	[sflag:s20] =	ssyncadd.s32 $0xFFFFC000;
	s8 =	sadd.s32 s7, s8  }
0xd8: {  	[tilespmem:s24], [sflag:$0x5] =	stream.linear.gather [hbm4b:s8+s3], $0x80, $0x38;
	[tilespmem:$0x1FE80] =	vst v63  }
0xd9: {  	s9 =	sadd.s32 s7, s9  }
0xda: {  	[tilespmem:s21], [sflag:$0x6] =	stream.linear.gather [hbm4b:s9+s3], $0x80, $0x38;
	[tilespmem:$0x1FE80] =	vst v63  }
0xdb: {  	_ =	swait.ge [sflag:s20], $0x80  }
0xdc: {  	[sflag:s20] =	ssyncset.done $0x0  }
0xdd: {  	[sflag:s20] =	ssyncadd.s32 $0xFFFFFF80  }
0xde: {  	[tilespmem:s22], [sflag:$0x2] =	stream.indirect.gather [hbm4b:s4+s21], $0x80, s21, s21, $0xb8;
	[tilespmem:$0x1FE80] =	vst v63  }
0xdf: {  	_ =	swait.ge [sflag:s0], $0x4000  }
0xe0: {  	[sflag:s0] =	ssyncset.done $0x0  }
0xe1: {  	[sflag:s0] =	ssyncadd.s32 $0xFFFFC000  }
0xe2: {  	_ =	swait.ge [sflag:s29], $0x80  }
0xe3: {  	[sflag:s29] =	ssyncset.done $0x0  }
0xe4: {  	[sflag:s29] =	ssyncadd.s32 $0xFFFFFF80  }
0xe5: {  	[spmem:s1] =	stream.indirect.scatter.add.f32 [tilespmem:s26], [sflag:$0x6], $0x80, s23, s21, $0xb8;
	[tilespmem:$0x1FE80] =	vst v63  }
0xe6: {  	_ =	swait.ge [sflag:s20], $0x4000  }
0xe7: {  	s8 =	rddreg [dreg:$0xa];
	[sflag:s20] =	ssyncset.done $0x0  }
0xe8: {  	s9 =	rddreg [dreg:$0x9];
	[sflag:s20] =	ssyncadd.s32 $0xFFFFC000;
	s8 =	sadd.s32 s7, s8  }
0xe9: {  	[tilespmem:s23], [sflag:$0x4] =	stream.linear.gather [hbm4b:s8+s3], $0x80, $0x38;
	[tilespmem:$0x1FE80] =	vst v63  }
0xea: {  	s9 =	sadd.s32 s7, s9  }
0xeb: {  	[tilespmem:s25], [sflag:$0x6] =	stream.linear.gather [hbm4b:s9+s3], $0x80, $0x38;
	[tilespmem:$0x1FE80] =	vst v63  }
0xec: {  	_ =	swait.ge [sflag:s20], $0x80  }
0xed: {  	[sflag:s20] =	ssyncset.done $0x0  }
0xee: {  	[sflag:s20] =	ssyncadd.s32 $0xFFFFFF80  }
0xef: {  	[tilespmem:s26], [sflag:$0x3] =	stream.indirect.gather [hbm4b:s4+s21], $0x80, s25, s21, $0xb8;
	[tilespmem:$0x1FE80] =	vst v63  }
0xf0: {  	_ =	swait.ge [sflag:s28], $0x4000  }
0xf1: {  	[sflag:s28] =	ssyncset.done $0x0  }
0xf2: {  	[sflag:s28] =	ssyncadd.s32 $0xFFFFC000  }
0xf3: {  	_ =	swait.ge [sflag:s31], $0x80  }
0xf4: {  	[sflag:s31] =	ssyncset.done $0x0  }
0xf5: {  	[sflag:s31] =	ssyncadd.s32 $0xFFFFFF80  }
0xf6: {  	[spmem:s1] =	stream.indirect.scatter.add.f32 [tilespmem:s19], [sflag:$0x6], $0x80, s24, s21, $0xb8;
	[tilespmem:$0x1FE80] =	vst v63  }
0xf7: {  	_ =	swait.ge [sflag:s20], $0x4000  }
0xf8: {  	s8 =	rddreg [dreg:$0x8];
	[sflag:s20] =	ssyncset.done $0x0  }
0xf9: {  	s9 =	rddreg [dreg:$0x7];
	[sflag:s20] =	ssyncadd.s32 $0xFFFFC000;
	s8 =	sadd.s32 s7, s8  }
0xfa: {  	[tilespmem:s24], [sflag:$0x5] =	stream.linear.gather [hbm4b:s8+s3], $0x80, $0x38;
	[tilespmem:$0x1FE80] =	vst v63  }
0xfb: {  	s9 =	sadd.s32 s7, s9  }
0xfc: {  	[tilespmem:s3], [sflag:$0x6] =	stream.linear.gather [hbm4b:s9+s3], $0x80, $0x38;
	[tilespmem:$0x1FE80] =	vst v63  }
0xfd: {  	_ =	swait.ge [sflag:s20], $0x80  }
0xfe: {  	[sflag:s20] =	ssyncset.done $0x0  }
0xff: {  	[sflag:s20] =	ssyncadd.s32 $0xFFFFFF80  }
0x100: {  	[tilespmem:s19], [sflag:$0x1] =	stream.indirect.gather [hbm4b:s4+s21], $0x80, s3, s21, $0xb8;
	[tilespmem:$0x1FE80] =	vst v63  }
0x101: {  	_ =	swait.ge [sflag:s30], $0x4000  }
0x102: {  	[sflag:s30] =	ssyncset.done $0x0  }
0x103: {  	[sflag:s30] =	ssyncadd.s32 $0xFFFFC000  }
0x104: {  	_ =	swait.ge [sflag:s29], $0x80  }
0x105: {  	[sflag:s29] =	ssyncset.done $0x0  }
0x106: {  	[sflag:s29] =	ssyncadd.s32 $0xFFFFFF80  }
0x107: {  	[spmem:s1] =	stream.indirect.scatter.add.f32 [tilespmem:s22], [sflag:$0x6], $0x80, s23, s21, $0xb8;
	[tilespmem:$0x1FE80] =	vst v63  }
0x108: {  	_ =	swait.ge [sflag:s20], $0x4000  }
0x109: {  	s8 =	rddreg [dreg:$0x6];
	[sflag:s20] =	ssyncset.done $0x0  }
0x10a: {  	s9 =	rddreg [dreg:$0x5];
	[sflag:s20] =	ssyncadd.s32 $0xFFFFC000;
	s8 =	sadd.s32 s7, s8  }
0x10b: {  	[tilespmem:s23], [sflag:$0x4] =	stream.linear.gather [hbm4b:s8+s3], $0x80, $0x38;
	[tilespmem:$0x1FE80] =	vst v63  }
0x10c: {  	s9 =	sadd.s32 s7, s9  }
0x10d: {  	[tilespmem:s21], [sflag:$0x6] =	stream.linear.gather [hbm4b:s9+s3], $0x80, $0x38;
	[tilespmem:$0x1FE80] =	vst v63  }
0x10e: {  	_ =	swait.ge [sflag:s20], $0x80  }
0x10f: {  	[sflag:s20] =	ssyncset.done $0x0  }
0x110: {  	[sflag:s20] =	ssyncadd.s32 $0xFFFFFF80  }
0x111: {  	[tilespmem:s22], [sflag:$0x2] =	stream.indirect.gather [hbm4b:s4+s21], $0x80, s21, s21, $0xb8;
	[tilespmem:$0x1FE80] =	vst v63  }
0x112: {  	_ =	swait.ge [sflag:s0], $0x4000  }
0x113: {  	[sflag:s0] =	ssyncset.done $0x0  }
0x114: {  	[sflag:s0] =	ssyncadd.s32 $0xFFFFC000  }
0x115: {  	_ =	swait.ge [sflag:s31], $0x80  }
0x116: {  	p0 =	sne.s32 s6, $0x480;
	[sflag:s31] =	ssyncset.done $0x0  }
.Ltmp1:
0x117: {  	[sflag:s31] =	ssyncadd.s32 $0xFFFFFF80;
	(pc) =	sbr.rel @p0 .LBB2_4-.Ltmp1, $4  }
0x118: {  	[spmem:s1] =	stream.indirect.scatter.add.f32 [tilespmem:s26], [sflag:$0x6], $0x80, s24, s21, $0xb8;
	[tilespmem:$0x1FE80] =	vst v63  }
0x119: {  	_ =	swait.ge [sflag:s20], $0x4000  }
0x11a: {  	[sflag:s20] =	ssyncset.done $0x0;
	s9 =	rddreg [dreg:$0x4]  }
0x11b: {  	s6 =	sadd.s32 $0x60, s6;
	[sflag:s20] =	ssyncadd.s32 $0xFFFFC000;
	s7 =	sadd.s32 s7, s9  }
0x11c: {  	[tilespmem:s24], [sflag:$0x5] =	stream.linear.gather [hbm4b:s7+s3], $0x80, $0x38;
	[tilespmem:$0x1FE80] =	vst v63  }
0x11d: {  	_ =	swait.ge [sflag:s28], $0x4000  }
0x11e: {  	[sflag:s28] =	ssyncset.done $0x0  }
0x11f: {  	[sflag:s28] =	ssyncadd.s32 $0xFFFFC000  }
0x120: {  	_ =	swait.ge [sflag:s29], $0x80  }
0x121: {  	[sflag:s29] =	ssyncset.done $0x0  }
0x122: {  	[sflag:s29] =	ssyncadd.s32 $0xFFFFFF80  }
0x123: {  	[spmem:s1] =	stream.indirect.scatter.add.f32 [tilespmem:s19], [sflag:$0x6], $0x80, s23, s21, $0xb8;
	[tilespmem:$0x1FE80] =	vst v63  }
0x124: {  	_ =	swait.ge [sflag:s20], $0x4000  }
0x125: {  	[sflag:s20] =	ssyncset.done $0x0  }
0x126: {  	[sflag:s20] =	ssyncadd.s32 $0xFFFFC000  }
0x127: {  	_ =	swait.ge [sflag:s30], $0x4000  }
0x128: {  	[sflag:s30] =	ssyncset.done $0x0  }
0x129: {  	[sflag:s30] =	ssyncadd.s32 $0xFFFFC000  }
0x12a: {  	_ =	swait.ge [sflag:s31], $0x80  }
0x12b: {  	[sflag:s31] =	ssyncset.done $0x0  }
0x12c: {  	[sflag:s31] =	ssyncadd.s32 $0xFFFFFF80  }
0x12d: {  	[spmem:s1] =	stream.indirect.scatter.add.f32 [tilespmem:s22], [sflag:$0x6], $0x80, s24, s21, $0xb8;
	[tilespmem:$0x1FE80] =	vst v63  }
0x12e: {  	s6 =	stileid.u32;
	_ =	swait.ge [sflag:s20], $0x4000  }
0x12f: {  	s9 =	sshrl.u32 s5, $0x3;
	s2 =	sadd.s32 $0x1, s2;
	[sflag:s20] =	ssyncset.done $0x0  }
0x130: {  	s6 =	sshll.u32 s6, $0x6;
	p0 =	sne.s32 s2, s15;
	[sflag:s20] =	ssyncadd.s32 $0xFFFFC000  }
.Ltmp2:
0x131: {  	s6 =	sor.u32 $0x1C06, s6;
	[bflag:$0x0] =	sbarrier.arrive $0xFFFF;
	(pc) =	sbr.rel @p0 .LBB2_1-.Ltmp2, $4  }
0x132: {  	[hbm:s14], [sflag:s6] =	dma.local [spmem:s9], $0x2780  }
0x133: {  	_ =	swait.ge [sflag:s20], $0x2780  }
0x134: {  	[sflag:s20] =	ssyncset.done $0x0  }
0x135: {  	[sflag:s20] =	ssyncadd.s32 $0xFFFFD880  }
0x136: {  	_ =	sfence.sel $0x180000  }
0x137: {  	[bflag:$0x0] =	sbarrier.arrive $0xFFFF  }
0x138: {  	_ =	strace $0x90000047  }
0x139: {  	s0 =	stileid.u32;
	[bflag:$0x2] =	sbarrier.arrive $0xFFFF  }
0x13a: {  	p0 =	sne.s32 s0, $0x0;
	s0 =	rddreg [dreg:$0x3]  }
0x13b: {  	s0 =	sadd.s32 @!p0 $0x100000, s0  }
0x13c: {  	[sflag:s0] =	ssyncadd.tile.s32 @!p0 $0x1;
	_ =	shalt  }
.Lfunc_end2:
_tile_overlayer_lowered:
.L_overlay_start_2:
0x13d: {  	(tag) =	ssettag $0x2  }
0x13e: {  	s0 =	rddreg [dreg:$0x0];
	s2 =	stileid.u32  }
0x13f: {  	s1 =	rddreg [dreg:$0x1];
	p0 =	sne.s32 s2, $0x0  }
0x140: {  	s3 =	rddreg [dreg:$0x2];
	[bflag:$0x3] =	sbarrier.arrive $0xFFFF;
	s2 =	simm.s32 @!p0 $0x1C06  }
0x141: {  	[timem:s3], [sflag:s2] =	dma.local @!p0 [hbm:s0], s1  }
0x142: {  	s0 =	simm.s32 @!p0 $0x6  }
0x143: {  	_ =	swait.ge @!p0 [sflag:s0], s1  }
0x144: {  	s1 =	ssub.s32 @!p0 $0x0, s1;
	[sflag:s0] =	ssyncset.done @!p0 $0x0  }
0x145: {  	[sflag:s0] =	ssyncadd.s32 @!p0 s1  }
0x146: {  	[bflag:$0x3] =	sbarrier.arrive $0xFFFF  }
0x147: {  	_ =	shalt  }

// kernel: kernel.16.cloned.1.call-start
scs
__scs_entry_jumppad:
0x0: {  	(pc) =	sbr.rel $0x88, $3  }
0x1: {  	(tag) =	ssettag $0x0;
	lr =	simm.s32 $0x1  }
0x2: {  	[smem:$0x3F92] =	sst lr;
	_ =	strace $0xD0000000  }
0x3: {  	_ = 	snop  }
0x4: {  	_ = 	snop  }
0x5: {  	_ = 	snop  }
0x6: {  	_ = 	snop  }
0x7: {  	_ = 	snop  }
__scs_overlays_trampoline_lowered:
0x8: {  	[smem:$0x3FA1] =	sst s0  }
0x9: {  	[smem:$0x3FA2] =	sst s1  }
0xa: {  	[smem:$0x3FA3] =	sst s2  }
0xb: {  	[smem:$0x3FA4] =	sst s3  }
0xc: {  	[smem:$0x3FA5] =	sst s4  }
0xd: {  	[smem:$0x3FA6] =	sst s5  }
0xe: {  	[smem:$0x3FA7] =	sst s6  }
0xf: {  	[smem:$0x3FA8] =	sst s7  }
0x10: {  	[smem:$0x3FA9] =	sst s8  }
0x11: {  	[smem:$0x3FAA] =	sst s9;
	s0 =	simm.s32 @!p0 $0x0  }
0x12: {  	s1 =	sld [smem:$0x3F90];
	s0 =	simm.s32 @p0 $0x1  }
0x13: {  	[smem:$0x3FAB] =	sst s0;
	s0 =	simm.s32 @!p1 $0x0  }
0x14: {  	s2 =	sld [smem:$0x3F8F];
	s0 =	simm.s32 @p1 $0x1  }
0x15: {  	[smem:$0x3FAC] =	sst s0;
	s0 =	simm.s32 @!p2 $0x0  }
0x16: {  	s3 =	sld [smem:$0x3FDB];
	s0 =	simm.s32 @p2 $0x1  }
0x17: {  	s4 =	simm.s32 $0x1BF5;
	[smem:$0x3FAE] =	sst s0  }
0x18: {  	s0 =	sld [smem:$0x3F91];
	_ =	swait.ge [sflag:s4], $0x0  }
0x19: {  	s7 =	sld [smem:$0x3F92]  }
0x1a: {  	s8 =	sadd.s32 $0xFFFFE003, lr  }
0x1b: {  	s9 =	sadd.s32 $0xFFFFFEF7, lr;
	s5 =	simm.s32 $0xFFFFFFFF;
	p2 =	slt.u32 s8, $0xFFFFF086  }
0x1c: {  	p1 =	slt.u32 s9, $0xF7A;
	s5 =	simm.s32 @!p2 $0x0  }
0x1d: {  	s5 =	simm.s32 @p1 $0x1;
	p0 =	seq.s32 s7, s2  }
0x1e: {  	s7 =	smul.u32 @!p0 $0xF7A, s2;
	p2 =	seq.s32 @!p0 s5, $0x0  }
0x1f: {  	s9 =	smul.u32 $0xF7A, s1;
	s8 =	simm.s32 @!p0 $0x1BF5;
	p2 =	por !p2, p0  }
0x20: {  	[sflag:s8] =	ssyncset.s32 @!p0 $0xFFFFF086;
	s6 =	sadd.s32 @!p0 s3, s7;
	s7 =	simm.s32 @!p0 $0x108  }
0x21: {  	s3 =	sadd.s32 s3, s9;
	s6 =	sadd.s32 @!p0 $0x88, s6;
	s7 =	simm.s32 @p2 $0x1082  }
0x22: {  	[simem:s7], [sflag:s8] =	dma.local @!p0 [hbm:s6], $0xF7A  }
0x23: {  	s9 =	sor.u32 $0xD0000000, s2;
	s6 =	simm.s32 $0x108;
	_ =	swait.ge @!p0 [sflag:s8], $0x0  }
0x24: {  	s3 =	sadd.s32 $0x88, s3;
	s6 =	simm.s32 @!p1 $0x1082;
	[sflag:s4] =	ssyncset.s32 $0xFFFFF086  }
0x25: {  	[simem:s6], [sflag:s4] =	dma.local [hbm:s3], $0xF7A  }
0x26: {  	[smem:$0x3F92] =	sst s1;
	(tag) =	ssettag s2;
	_ =	strace s9  }
0x27: {  	s1 =	sld [smem:$0x3FA2]  }
0x28: {  	s2 =	sld [smem:$0x3FA3]  }
0x29: {  	s4 =	sld [smem:$0x3FA5]  }
0x2a: {  	p0 =	seq.s32 s5, $0x0;
	s5 =	sld [smem:$0x3FA6]  }
0x2b: {  	s6 =	sld [smem:$0x3FA7]  }
0x2c: {  	s7 =	sld [smem:$0x3FA8]  }
0x2d: {  	s3 =	simm.s32 $0x108;
	s8 =	sld [smem:$0x3FA9]  }
0x2e: {  	s3 =	simm.s32 @!p0 $0x1082;
	s9 =	sld [smem:$0x3FAA]  }
0x2f: {  	lr =	sadd.s32 s0, s3;
	s0 =	sld [smem:$0x3FA1]  }
0x30: {  	s3 =	sld [smem:$0x3FA4]  }
0x31: {  	[smem:$0x3FAD] =	sst s10  }
0x32: {  	s10 =	sld [smem:$0x3FAB];
	_ =	sdelay $0x3  }
0x33: {  	p0 =	seq.s32 s10, $0x1;
	s10 =	sld [smem:$0x3FAD];
	_ =	sdelay $0x3  }
0x34: {  	[smem:$0x3FAD] =	sst s10  }
0x35: {  	s10 =	sld [smem:$0x3FAC];
	_ =	sdelay $0x3  }
0x36: {  	p1 =	seq.s32 s10, $0x1;
	s10 =	sld [smem:$0x3FAD];
	_ =	sdelay $0x3  }
0x37: {  	[smem:$0x3FAD] =	sst s10  }
0x38: {  	s10 =	sld [smem:$0x3FAE]  }
0x39: {  	_ = 	snop;
	(pc) =	sbr.ind lr, $3  }
0x3a: {  	_ = 	snop  }
0x3b: {  	_ = 	snop  }
0x3c: {  	p2 =	seq.s32 s10, $0x1;
	s10 =	sld [smem:$0x3FAD]  }
0x3d: {  	_ =	shalt  }
0x3e: {  	_ =	shalt  }
0x3f: {  	_ =	shalt  }
0x40: {  	_ =	shalt  }
0x41: {  	_ =	shalt  }
0x42: {  	_ =	shalt  }
0x43: {  	_ =	shalt  }
0x44: {  	_ =	shalt  }
0x45: {  	_ =	shalt  }
0x46: {  	_ =	shalt  }
0x47: {  	_ =	shalt  }
0x48: {  	_ =	shalt  }
0x49: {  	_ =	shalt  }
0x4a: {  	_ =	shalt  }
0x4b: {  	_ =	shalt  }
0x4c: {  	_ =	shalt  }
0x4d: {  	_ =	shalt  }
0x4e: {  	_ =	shalt  }
0x4f: {  	_ =	shalt  }
0x50: {  	_ =	shalt  }
0x51: {  	_ =	shalt  }
0x52: {  	_ =	shalt  }
0x53: {  	_ =	shalt  }
0x54: {  	_ =	shalt  }
0x55: {  	_ =	shalt  }
0x56: {  	_ =	shalt  }
0x57: {  	_ =	shalt  }
0x58: {  	_ =	shalt  }
0x59: {  	_ =	shalt  }
0x5a: {  	_ =	shalt  }
0x5b: {  	_ =	shalt  }
0x5c: {  	_ =	shalt  }
0x5d: {  	_ =	shalt  }
0x5e: {  	_ =	shalt  }
0x5f: {  	_ =	shalt  }
0x60: {  	_ =	shalt  }
0x61: {  	_ =	shalt  }
0x62: {  	_ =	shalt  }
0x63: {  	_ =	shalt  }
0x64: {  	_ =	shalt  }
0x65: {  	_ =	shalt  }
0x66: {  	_ =	shalt  }
0x67: {  	_ =	shalt  }
0x68: {  	_ =	shalt  }
0x69: {  	_ =	shalt  }
0x6a: {  	_ =	shalt  }
0x6b: {  	_ =	shalt  }
0x6c: {  	_ =	shalt  }
0x6d: {  	_ =	shalt  }
0x6e: {  	_ =	shalt  }
0x6f: {  	_ =	shalt  }
0x70: {  	_ =	shalt  }
0x71: {  	_ =	shalt  }
0x72: {  	_ =	shalt  }
0x73: {  	_ =	shalt  }
0x74: {  	_ =	shalt  }
0x75: {  	_ =	shalt  }
0x76: {  	_ =	shalt  }
0x77: {  	_ =	shalt  }
0x78: {  	_ =	shalt  }
0x79: {  	_ =	shalt  }
0x7a: {  	_ =	shalt  }
0x7b: {  	_ =	shalt  }
0x7c: {  	_ =	shalt  }
0x7d: {  	_ =	shalt  }
0x7e: {  	_ =	shalt  }
0x7f: {  	_ =	shalt  }
0x80: {  	_ =	shalt  }
0x81: {  	_ =	shalt  }
0x82: {  	_ =	shalt  }
0x83: {  	_ =	shalt  }
0x84: {  	_ =	shalt  }
0x85: {  	_ =	shalt  }
0x86: {  	_ =	shalt  }
0x87: {  	_ =	shalt  }
.Lfunc_end0:
.L_simem_size_0:
called_computation.2_lowered:
.L_overlay_start_0:
0x88: {  	s2 =	sld [smem:$0x3FD9]  }
0x89: {  	s3 =	sld [smem:$0x3FFE];
	_ =	sdelay $0x1  }
0x8a: {  	s1 =	srdreg.scid  }
0x8b: {  	s0 =	sand.u32 $0x1, s1  }
0x8c: {  	s17 =	sshll.u32 s0, $0xA;
	s2 =	sadd.s32 s3, s2  }
0x8d: {  	s2 =	sadd.s32 s2, s17  }
0x8e: {  	[smem:$0x3FB9] =	sst s2  }
0x8f: {  	_ = 	snop  }
0x90: {  	s2 =	sld [smem:$0x3FD0];
	(tm) =	ssettm $0x1  }
0x91: {  	s18 =	sld [smem:$0x3FFB];
	_ =	sdelay $0x3  }
0x92: {  	_ =	strace s18  }
0x93: {  	s3 =	sld [smem:$0x3FFC];
	_ =	sdelay $0x3  }
0x94: {  	_ =	strace s3  }
0x95: {  	s3 =	sld [smem:$0x3FFD];
	_ =	sdelay $0x3  }
0x96: {  	_ =	strace s3  }
0x97: {  	_ =	strace $0x8FFFFFFF  }
0x98: {  	s19 =	sld [smem:$0x3FDB];
	_ =	sdelay $0x1  }
0x99: {  	s4 =	simm.s32 $_scs_section_size  }
0x9a: {  	s5 =	simm.s32 $_size__tile_overlayer_lowered;
	s6 =	simm.s32 $_tile_overlayer_lowered  }
0x9b: {  	s22 =	simm.s32 $0x1BFF;
	s21 =	sshll.u32 s6, $0x1;
	s3 =	sadd.s32 s4, s19  }
0x9c: {  	s7 =	simm.s32 $0x0;
	s20 =	sshll.u32 s5, $0x1;
	s5 =	sadd.s32 s21, s3  }
0x9d: {  	[timem:s7], [sflag:s22] =	dma.local [hbm:s5], s20  }
0x9e: {  	_ =	swait.ge [sflag:s22], s20  }
0x9f: {  	s4 =	ssub.s32 $0x0, s20;
	[sflag:s22] =	ssyncset.done $0x0  }
0xa0: {  	[sflag:s22] =	ssyncadd.s32 s4;
	_ =	sdelay $0x1  }
0xa1: {  	s23 =	simm.s32 $0x1B8B  }
0xa2: {  	_ =	swait.ge [sflag:s23], $0x1  }
0xa3: {  	[sflag:s23] =	ssyncset.done $0x0  }
0xa4: {  	s25 =	simm.s32 $0x1B8E;
	s24 =	sld [smem:$0x3FFE];
	[sflag:s23] =	ssyncadd.s32 $0xFFFFFFFF  }
0xa5: {  	s26 =	simm.s32 $execute0_lowered;
	[smem:$0x3FD2] =	sst s25  }
0xa6: {  	s5 =	sshll.u32 s26, $0x1;
	_ =	strace $0x8000004C;
	[dreg:$0x1] =	wrdreg $0xFFFFFFFF  }
0xa7: {  	s28 =	simm.s32 $_size_execute0_lowered;
	s3 =	sadd.s32 s3, s5;
	[dreg:$0x0] =	wrdreg $0x0  }
0xa8: {  	s5 =	sshll.u32 s28, $0x1;
	[dreg:$0x2] =	wrdreg s3  }
0xa9: {  	[dreg:$0x3] =	wrdreg s5  }
0xaa: {  	[dreg:$0x4] =	wrdreg $0xC0  }
0xab: {  	_ =	task [dreg:s7], $0x5FFFF  }
0xac: {  	[dreg:$0x1] =	wrdreg $0xFFFFFFFF  }
0xad: {  	[dreg:$0x0] =	wrdreg $0x60  }
0xae: {  	[dreg:$0x2] =	wrdreg s24  }
0xaf: {  	[dreg:$0x3] =	wrdreg s2  }
0xb0: {  	[dreg:$0x4] =	wrdreg $0xC2800  }
0xb1: {  	[dreg:$0x5] =	wrdreg $0x9  }
0xb2: {  	_ =	task.clear_ibuf [dreg:s7], $0x6FFFF;
	_ =	strace $0x9000004C  }
0xb3: {  	s29 =	simm.s32 $0x9;
	_ =	strace $0x8000004E  }
0xb4: {  	_ =	swait.ge [sflag:s29], $0x1  }
0xb5: {  	[sflag:s29] =	ssyncadd.s32 $0xFFFFFFFF  }
0xb6: {  	_ =	strace $0x9000004E  }
0xb7: {  	_ =	sfence  }
0xb8: {  	s30 =	sld [smem:$0x0];
	_ =	sdelay $0x2  }
0xb9: {  	s31 =	sshll.u32 s1, $0xD;
	s1 =	sshrl.u32 s1, $0x2  }
0xba: {  	s3 =	sand.u32 $0x4000, s31;
	s1 =	sadd.s32 s1, s30  }
0xbb: {  	s0 =	sor.u32 s3, s0;
	s1 =	sshll.u32 s1, $0x11  }
0xbc: {  	s0 =	sor.u32 s1, s0  }
0xbd: {  	s0 =	sadd.s32 $0x8F2B, s0  }
0xbe: {  	[sflag:s0] =	ssyncadd.remote.s32 $0x1  }
0xbf: {  	_ =	sfence.sel $0xFFFF  }
0xc0: {  	[dreg:$0x0] =	wrdreg $0xFFFFFFFF;
	(pc) =	sbr.abs _section_cstart, $3  }
0xc1: {  	[dreg:$0x1] =	wrdreg $0xFFFFFFFF  }
0xc2: {  	_ =	task.clear_ibuf [dreg:s7], $0x2FFFF;
	_ =	strace $0x9FFFFFFF  }
0xc3: {  	(tm) =	ssettm $0x7FFFFFFF  }
tec
execute0_lowered:
.L_overlay_start_1:
0x0: {  	(tag) =	ssettag $0x1  }
0x1: {  	s2 =	rddreg [dreg:$0x0]  }
0x2: {  	s0 =	rddreg [dreg:$0x1]  }
0x3: {  	s1 =	rddreg [dreg:$0x2];
	s3 =	srdreg.scid  }
0x4: {  	s12 =	stileid.u32;
	s28 =	simm.s32 $0x1;
	s29 =	simm.s32 $0x4  }
0x5: {  	s30 =	simm.s32 $0x2;
	s31 =	simm.s32 $0x5;
	s7 =	smul.u32 $0x13C00, s12  }
0x6: {  	s5 =	sand.u32 $0x1, s3;
	s3 =	simm.s32 $0x0;
	s9 =	smul.u32 $0x4F000, s12  }
0x7: {  	s4 =	sadd.s32 $0xCA00, s2;
	s8 =	sadd.s32 $0x2A00, s2;
	s20 =	smul.u32 $0x2800, s12  }
0x8: {  	s6 =	smul.u32 $0x13C000, s5;
	[smem:$0x7FF] =	sst s3;
	s18 =	sshll.u32 s5, $0x4  }
0x9: {  	s19 =	ssub.s32 $0x2, s5;
	s11 =	smul.u32 $0x28000, s5;
	_ =	strace $0x8000004D  }
0xa: {  	s10 =	sshrl.u32 s19, $0x1;
	s9 =	sshrl.u32 s9, $0x2;
	s6 =	sadd.s32 s7, s6  }
0xb: {  	s7 =	sor.u32 s12, s18;
	s5 =	sadd.s32 s9, s1;
	s16 =	sadd.s32 s20, s11  }
0xc: {  	s6 =	sshrl.u32 s6, $0x3;
	s7 =	smul.u32 $0x2800, s7;
	s9 =	sadd.s32 $0x4000, s5  }
0xd: {  	s21 =	sadd.s32 $0x8000, s5;
	s22 =	sadd.s32 $0xC000, s5;
	[dreg:$0xd] =	wrdreg s9  }
0xe: {  	s23 =	sadd.s32 $0x10000, s5;
	s14 =	sor.u32 $0x380, s16;
	[dreg:$0xe] =	wrdreg s21  }
0xf: {  	s15 =	sor.u32 $0x300, s16;
	s20 =	sor.u32 $0x200, s16;
	[dreg:$0xf] =	wrdreg s22  }
0x10: {  	s2 =	sadd.s32 s6, s2;
	s6 =	ssub.s32 s19, s10;
	[dreg:$0x10] =	wrdreg s23  }
0x11: {  	s24 =	sshrl.u32 s14, $0x3;
	s25 =	sshrl.u32 s15, $0x3;
	s9 =	sor.u32 $0x280, s16  }
0x12: {  	s23 =	sor.u32 $0x180, s16;
	s7 =	sshrl.u32 s7, $0x3;
	s14 =	sadd.s32 s24, s8  }
0x13: {  	s26 =	sadd.s32 s25, s8;
	s17 =	sadd.s32 s25, s0;
	s18 =	sshrl.u32 s9, $0x3  }
0x14: {  	s15 =	smax.u32 s6, $0x1;
	s25 =	sor.u32 $0x100, s16;
	[dreg:$0x4] =	wrdreg s14  }
0x15: {  	s10 =	sadd.s32 s0, s7;
	s13 =	sor.u32 $0x10, s7;
	[dreg:$0x6] =	wrdreg s26  }
0x16: {  	s12 =	sadd.s32 s8, s7;
	s7 =	sadd.s32 s24, s0;
	[dreg:$0x7] =	wrdreg s17  }
0x17: {  	s19 =	sadd.s32 s18, s8;
	s21 =	sadd.s32 s18, s0;
	s17 =	sshrl.u32 s20, $0x3  }
0x18: {  	s14 =	sadd.s32 $0x33C00, s2;
	s2 =	sshrl.u32 s23, $0x3;
	[dreg:$0x5] =	wrdreg s7  }
0x19: {  	s20 =	simm.s32 $0x6;
	s23 =	simm.s32 $0x180;
	[dreg:$0x8] =	wrdreg s19  }
0x1a: {  	s11 =	sadd.s32 s0, s13;
	s13 =	sadd.s32 s8, s13;
	[dreg:$0x9] =	wrdreg s21  }
0x1b: {  	s22 =	sadd.s32 s17, s8;
	s24 =	sadd.s32 s17, s0;
	s26 =	sadd.s32 s2, s8  }
0x1c: {  	s7 =	sshrl.u32 s25, $0x3;
	s16 =	sadd.s32 s2, s0;
	[dreg:$0xa] =	wrdreg s22  }
0x1d: {  	s19 =	simm.s32 $0x280;
	s21 =	simm.s32 $0x80;
	[dreg:$0xb] =	wrdreg s24  }
0x1e: {  	s25 =	simm.s32 $0x100;
	s2 =	simm.s32 $0x0;
	[dreg:$0xc] =	wrdreg s26  }
0x1f: {  	s17 =	sadd.s32 s7, s8;
	s18 =	sadd.s32 s7, s0;
	s22 =	simm.s32 $0x4280  }
0x20: {  	v0 =	vimm.f32 $0.0e+00;
	s24 =	simm.s32 $0x200;
	s26 =	simm.s32 $0x8280;
	s0 =	simm.s32 $0x3  }
.LBB2_1:
0x21: {  	s6 =	sand.u32 $0xFE00, s3  }
0x22: {  	s7 =	sand.u32 $0x70, s3;
	s8 =	sshrl.u32 s6, $0x2  }
0x23: {  	s6 =	simm.s32 $0x40;
	s8 =	sor.u32 s7, s8;
	s7 =	simm.s32 $0x0  }
.LBB2_2:
0x24: {  	p0 =	sne.s32 s6, $0xFFC0  }
0x25: {  	[tilespmem:s8+$0x280] =	vst v0;
	s7 =	sadd.s32 $0x10, s7;
	s8 =	smov.u32 s6;
	s6 =	sadd.s32 $0x40, s6  }
.Ltmp0:
0x26: {  	(pc) =	sbr.rel @p0 .LBB2_2-.Ltmp0, $4  }
0x27: {  	_ = 	snop  }
0x28: {  	s8 =	sand.u32 $0xFE00, s8  }
0x29: {  	s9 =	sand.u32 $0x70, s7;
	s8 =	sshrl.u32 s8, $0x2  }
0x2a: {  	s8 =	sor.u32 s9, s8  }
0x2b: {  	[tilespmem:s8+$0x280] =	vst v0  }
0x2c: {  	[spmem:s5] =	stream.linear.scatter [tilespmem:s19], [sflag:$0x6], $0x4000, $0x38;
	[tilespmem:$0x1FE80] =	vst v63  }
0x2d: {  	_ =	swait.ge [sflag:s20], $0x4000  }
0x2e: {  	[sflag:s20] =	ssyncset.done $0x0  }
0x2f: {  	s6 =	rddreg [dreg:$0xd];
	[sflag:s20] =	ssyncadd.s32 $0xFFFFC000  }
0x30: {  	[spmem:s6] =	stream.linear.scatter [tilespmem:s19], [sflag:$0x6], $0x4000, $0x38;
	[tilespmem:$0x1FE80] =	vst v63  }
0x31: {  	_ =	swait.ge [sflag:s20], $0x4000  }
0x32: {  	[sflag:s20] =	ssyncset.done $0x0  }
0x33: {  	s8 =	rddreg [dreg:$0xe];
	[sflag:s20] =	ssyncadd.s32 $0xFFFFC000  }
0x34: {  	[spmem:s8] =	stream.linear.scatter [tilespmem:s19], [sflag:$0x6], $0x4000, $0x38;
	[tilespmem:$0x1FE80] =	vst v63  }
0x35: {  	_ =	swait.ge [sflag:s20], $0x4000  }
0x36: {  	[sflag:s20] =	ssyncset.done $0x0  }
0x37: {  	s9 =	rddreg [dreg:$0xf];
	[sflag:s20] =	ssyncadd.s32 $0xFFFFC000  }
0x38: {  	[spmem:s9] =	stream.linear.scatter [tilespmem:s19], [sflag:$0x6], $0x4000, $0x38;
	[tilespmem:$0x1FE80] =	vst v63  }
0x39: {  	_ =	swait.ge [sflag:s20], $0x4000  }
0x3a: {  	[sflag:s20] =	ssyncset.done $0x0  }
0x3b: {  	s7 =	rddreg [dreg:$0x10];
	[sflag:s20] =	ssyncadd.s32 $0xFFFFC000  }
0x3c: {  	[spmem:s7] =	stream.linear.scatter [tilespmem:s19], [sflag:$0x6], $0x3C00, $0x38;
	[tilespmem:$0x1FE80] =	vst v63  }
0x3d: {  	_ =	swait.ge [sflag:s20], $0x3C00  }
0x3e: {  	[sflag:s20] =	ssyncset.done $0x0  }
0x3f: {  	[sflag:s20] =	ssyncadd.s32 $0xFFFFC400  }
0x40: {  	s8 =	simm.s32 $0x0;
	[bflag:$0x0] =	sbarrier.arrive $0xFFFF  }
0x41: {  	[tilespmem:s8], [sflag:$0x6] =	stream.linear.gather [hbm4b:s10+s8], $0x80, $0x38;
	[tilespmem:$0x1FE80] =	vst v63  }
0x42: {  	_ =	swait.ge [sflag:s20], $0x80  }
0x43: {  	[sflag:s20] =	ssyncset.done $0x0  }
0x44: {  	[sflag:s20] =	ssyncadd.s32 $0xFFFFFF80  }
0x45: {  	[tilespmem:s19], [sflag:$0x1] =	stream.indirect.gather [hbm4b:s4+s21], $0x80, s8, s21, $0xb8;
	[tilespmem:$0x1FE80] =	vst v63  }
0x46: {  	_ = 	snop  }
0x47: {  	[tilespmem:s21], [sflag:$0x6] =	stream.linear.gather [hbm4b:s11+s8], $0x80, $0x38;
	[tilespmem:$0x1FE80] =	vst v63  }
0x48: {  	_ =	swait.ge [sflag:s20], $0x80  }
0x49: {  	[sflag:s20] =	ssyncset.done $0x0  }
0x4a: {  	[sflag:s20] =	ssyncadd.s32 $0xFFFFFF80  }
0x4b: {  	[tilespmem:s22], [sflag:$0x2] =	stream.indirect.gather [hbm4b:s4+s21], $0x80, s21, s21, $0xb8;
	[tilespmem:$0x1FE80] =	vst v63  }
0x4c: {  	_ = 	snop  }
0x4d: {  	[tilespmem:s23], [sflag:$0x4] =	stream.linear.gather [hbm4b:s12+s8], $0x80, $0x38;
	[tilespmem:$0x1FE80] =	vst v63  }
0x4e: {  	_ = 	snop  }
0x4f: {  	[tilespmem:s24], [sflag:$0x5] =	stream.linear.gather [hbm4b:s13+s8], $0x80, $0x38;
	[tilespmem:$0x1FE80] =	vst v63  }
0x50: {  	s9 =	sadd.s32 $0x0, s18  }
0x51: {  	[tilespmem:s25], [sflag:$0x6] =	stream.linear.gather [hbm4b:s9+s3], $0x80, $0x38;
	[tilespmem:$0x1FE80] =	vst v63  }
0x52: {  	_ =	swait.ge [sflag:s20], $0x80  }
0x53: {  	[sflag:s20] =	ssyncset.done $0x0  }
0x54: {  	[sflag:s20] =	ssyncadd.s32 $0xFFFFFF80  }
0x55: {  	[tilespmem:s26], [sflag:$0x3] =	stream.indirect.gather [hbm4b:s4+s21], $0x80, s25, s21, $0xb8;
	[tilespmem:$0x1FE80] =	vst v63  }
0x56: {  	_ =	swait.ge [sflag:s28], $0x4000  }
0x57: {  	[sflag:s28] =	ssyncset.done $0x0  }
0x58: {  	[sflag:s28] =	ssyncadd.s32 $0xFFFFC000  }
0x59: {  	_ =	swait.ge [sflag:s29], $0x80  }
0x5a: {  	[sflag:s29] =	ssyncset.done $0x0  }
0x5b: {  	[sflag:s29] =	ssyncadd.s32 $0xFFFFFF80  }
0x5c: {  	[spmem:s1] =	stream.indirect.scatter.add.f32 [tilespmem:s19], [sflag:$0x6], $0x80, s23, s21, $0xb8;
	[tilespmem:$0x1FE80] =	vst v63  }
0x5d: {  	_ =	swait.ge [sflag:s20], $0x4000  }
0x5e: {  	[sflag:s20] =	ssyncset.done $0x0  }
0x5f: {  	s7 =	sadd.s32 $0x0, s17;
	[sflag:s20] =	ssyncadd.s32 $0xFFFFC000  }
0x60: {  	[tilespmem:s23], [sflag:$0x4] =	stream.linear.gather [hbm4b:s7+s3], $0x80, $0x38;
	[tilespmem:$0x1FE80] =	vst v63  }
0x61: {  	s8 =	sadd.s32 $0x0, s16  }
0x62: {  	[tilespmem:s3], [sflag:$0x6] =	stream.linear.gather [hbm4b:s8+s3], $0x80, $0x38;
	[tilespmem:$0x1FE80] =	vst v63  }
0x63: {  	_ =	swait.ge [sflag:s20], $0x80  }
0x64: {  	[sflag:s20] =	ssyncset.done $0x0  }
0x65: {  	[sflag:s20] =	ssyncadd.s32 $0xFFFFFF80  }
0x66: {  	[tilespmem:s19], [sflag:$0x1] =	stream.indirect.gather [hbm4b:s4+s21], $0x80, s3, s21, $0xb8;
	[tilespmem:$0x1FE80] =	vst v63  }
0x67: {  	_ =	swait.ge [sflag:s30], $0x4000  }
0x68: {  	[sflag:s30] =	ssyncset.done $0x0  }
0x69: {  	[sflag:s30] =	ssyncadd.s32 $0xFFFFC000  }
0x6a: {  	_ =	swait.ge [sflag:s31], $0x80  }
0x6b: {  	[sflag:s31] =	ssyncset.done $0x0  }
0x6c: {  	[sflag:s31] =	ssyncadd.s32 $0xFFFFFF80  }
0x6d: {  	[spmem:s1] =	stream.indirect.scatter.add.f32 [tilespmem:s22], [sflag:$0x6], $0x80, s24, s21, $0xb8;
	[tilespmem:$0x1FE80] =	vst v63  }
0x6e: {  	_ =	swait.ge [sflag:s20], $0x4000  }
0x6f: {  	s9 =	rddreg [dreg:$0xc];
	[sflag:s20] =	ssyncset.done $0x0  }
0x70: {  	s7 =	rddreg [dreg:$0xb];
	[sflag:s20] =	ssyncadd.s32 $0xFFFFC000;
	s6 =	sadd.s32 $0x0, s9  }
0x71: {  	[tilespmem:s24], [sflag:$0x5] =	stream.linear.gather [hbm4b:s6+s3], $0x80, $0x38;
	[tilespmem:$0x1FE80] =	vst v63  }
0x72: {  	s7 =	sadd.s32 $0x0, s7  }
0x73: {  	[tilespmem:s21], [sflag:$0x6] =	stream.linear.gather [hbm4b:s7+s3], $0x80, $0x38;
	[tilespmem:$0x1FE80] =	vst v63  }
0x74: {  	_ =	swait.ge [sflag:s20], $0x80  }
0x75: {  	[sflag:s20] =	ssyncset.done $0x0  }
0x76: {  	[sflag:s20] =	ssyncadd.s32 $0xFFFFFF80  }
0x77: {  	[tilespmem:s22], [sflag:$0x2] =	stream.indirect.gather [hbm4b:s4+s21], $0x80, s21, s21, $0xb8;
	[tilespmem:$0x1FE80] =	vst v63  }
0x78: {  	_ =	swait.ge [sflag:s0], $0x4000  }
0x79: {  	[sflag:s0] =	ssyncset.done $0x0  }
0x7a: {  	[sflag:s0] =	ssyncadd.s32 $0xFFFFC000  }
0x7b: {  	_ =	swait.ge [sflag:s29], $0x80  }
0x7c: {  	[sflag:s29] =	ssyncset.done $0x0  }
0x7d: {  	[sflag:s29] =	ssyncadd.s32 $0xFFFFFF80  }
0x7e: {  	[spmem:s1] =	stream.indirect.scatter.add.f32 [tilespmem:s26], [sflag:$0x6], $0x80, s23, s21, $0xb8;
	[tilespmem:$0x1FE80] =	vst v63  }
0x7f: {  	_ =	swait.ge [sflag:s20], $0x4000  }
0x80: {  	s8 =	rddreg [dreg:$0xa];
	[sflag:s20] =	ssyncset.done $0x0  }
0x81: {  	s9 =	rddreg [dreg:$0x9];
	[sflag:s20] =	ssyncadd.s32 $0xFFFFC000;
	s6 =	sadd.s32 $0x0, s8  }
0x82: {  	[tilespmem:s23], [sflag:$0x4] =	stream.linear.gather [hbm4b:s6+s3], $0x80, $0x38;
	[tilespmem:$0x1FE80] =	vst v63  }
0x83: {  	s7 =	sadd.s32 $0x0, s9  }
0x84: {  	[tilespmem:s25], [sflag:$0x6] =	stream.linear.gather [hbm4b:s7+s3], $0x80, $0x38;
	[tilespmem:$0x1FE80] =	vst v63  }
0x85: {  	_ =	swait.ge [sflag:s20], $0x80  }
0x86: {  	[sflag:s20] =	ssyncset.done $0x0  }
0x87: {  	[sflag:s20] =	ssyncadd.s32 $0xFFFFFF80  }
0x88: {  	[tilespmem:s26], [sflag:$0x3] =	stream.indirect.gather [hbm4b:s4+s21], $0x80, s25, s21, $0xb8;
	[tilespmem:$0x1FE80] =	vst v63  }
0x89: {  	_ =	swait.ge [sflag:s28], $0x4000  }
0x8a: {  	[sflag:s28] =	ssyncset.done $0x0  }
0x8b: {  	[sflag:s28] =	ssyncadd.s32 $0xFFFFC000  }
0x8c: {  	_ =	swait.ge [sflag:s31], $0x80  }
0x8d: {  	[sflag:s31] =	ssyncset.done $0x0  }
0x8e: {  	[sflag:s31] =	ssyncadd.s32 $0xFFFFFF80  }
0x8f: {  	[spmem:s1] =	stream.indirect.scatter.add.f32 [tilespmem:s19], [sflag:$0x6], $0x80, s24, s21, $0xb8;
	[tilespmem:$0x1FE80] =	vst v63  }
0x90: {  	_ =	swait.ge [sflag:s20], $0x4000  }
0x91: {  	s8 =	rddreg [dreg:$0x8];
	[sflag:s20] =	ssyncset.done $0x0  }
0x92: {  	s9 =	rddreg [dreg:$0x7];
	[sflag:s20] =	ssyncadd.s32 $0xFFFFC000;
	s6 =	sadd.s32 $0x0, s8  }
0x93: {  	[tilespmem:s24], [sflag:$0x5] =	stream.linear.gather [hbm4b:s6+s3], $0x80, $0x38;
	[tilespmem:$0x1FE80] =	vst v63  }
0x94: {  	s7 =	sadd.s32 $0x0, s9  }
0x95: {  	[tilespmem:s3], [sflag:$0x6] =	stream.linear.gather [hbm4b:s7+s3], $0x80, $0x38;
	[tilespmem:$0x1FE80] =	vst v63  }
0x96: {  	_ =	swait.ge [sflag:s20], $0x80  }
0x97: {  	[sflag:s20] =	ssyncset.done $0x0  }
0x98: {  	[sflag:s20] =	ssyncadd.s32 $0xFFFFFF80  }
0x99: {  	[tilespmem:s19], [sflag:$0x1] =	stream.indirect.gather [hbm4b:s4+s21], $0x80, s3, s21, $0xb8;
	[tilespmem:$0x1FE80] =	vst v63  }
0x9a: {  	_ =	swait.ge [sflag:s30], $0x4000  }
0x9b: {  	[sflag:s30] =	ssyncset.done $0x0  }
0x9c: {  	[sflag:s30] =	ssyncadd.s32 $0xFFFFC000  }
0x9d: {  	_ =	swait.ge [sflag:s29], $0x80  }
0x9e: {  	[sflag:s29] =	ssyncset.done $0x0  }
0x9f: {  	[sflag:s29] =	ssyncadd.s32 $0xFFFFFF80  }
0xa0: {  	[spmem:s1] =	stream.indirect.scatter.add.f32 [tilespmem:s22], [sflag:$0x6], $0x80, s23, s21, $0xb8;
	[tilespmem:$0x1FE80] =	vst v63  }
0xa1: {  	_ =	swait.ge [sflag:s20], $0x4000  }
0xa2: {  	s8 =	rddreg [dreg:$0x6];
	[sflag:s20] =	ssyncset.done $0x0  }
0xa3: {  	s9 =	rddreg [dreg:$0x5];
	[sflag:s20] =	ssyncadd.s32 $0xFFFFC000;
	s6 =	sadd.s32 $0x0, s8  }
0xa4: {  	[tilespmem:s23], [sflag:$0x4] =	stream.linear.gather [hbm4b:s6+s3], $0x80, $0x38;
	[tilespmem:$0x1FE80] =	vst v63  }
0xa5: {  	s8 =	sadd.s32 $0x0, s9  }
0xa6: {  	[tilespmem:s21], [sflag:$0x6] =	stream.linear.gather [hbm4b:s8+s3], $0x80, $0x38;
	[tilespmem:$0x1FE80] =	vst v63  }
0xa7: {  	_ =	swait.ge [sflag:s20], $0x80  }
0xa8: {  	[sflag:s20] =	ssyncset.done $0x0  }
0xa9: {  	[sflag:s20] =	ssyncadd.s32 $0xFFFFFF80  }
0xaa: {  	[tilespmem:s22], [sflag:$0x2] =	stream.indirect.gather [hbm4b:s4+s21], $0x80, s21, s21, $0xb8;
	[tilespmem:$0x1FE80] =	vst v63  }
0xab: {  	_ =	swait.ge [sflag:s0], $0x4000  }
0xac: {  	[sflag:s0] =	ssyncset.done $0x0  }
0xad: {  	[sflag:s0] =	ssyncadd.s32 $0xFFFFC000  }
0xae: {  	_ =	swait.ge [sflag:s31], $0x80  }
0xaf: {  	[sflag:s31] =	ssyncset.done $0x0  }
0xb0: {  	[sflag:s31] =	ssyncadd.s32 $0xFFFFFF80  }
0xb1: {  	[spmem:s1] =	stream.indirect.scatter.add.f32 [tilespmem:s26], [sflag:$0x6], $0x80, s24, s21, $0xb8;
	[tilespmem:$0x1FE80] =	vst v63  }
0xb2: {  	_ =	swait.ge [sflag:s20], $0x4000  }
0xb3: {  	s9 =	rddreg [dreg:$0x4];
	[sflag:s20] =	ssyncset.done $0x0  }
0xb4: {  	s6 =	simm.s32 $0x60;
	[sflag:s20] =	ssyncadd.s32 $0xFFFFC000;
	s7 =	sadd.s32 $0x0, s9  }
.LBB2_4:
0xb5: {  	[tilespmem:s24], [sflag:$0x5] =	stream.linear.gather [hbm4b:s7+s3], $0x80, $0x38;
	[tilespmem:$0x1FE80] =	vst v63  }
0xb6: {  	s7 =	smov.u32 s6  }
0xb7: {  	s8 =	sadd.s32 s7, s18  }
0xb8: {  	[tilespmem:s25], [sflag:$0x6] =	stream.linear.gather [hbm4b:s8+s3], $0x80, $0x38;
	[tilespmem:$0x1FE80] =	vst v63  }
0xb9: {  	_ =	swait.ge [sflag:s20], $0x80  }
0xba: {  	[sflag:s20] =	ssyncset.done $0x0  }
0xbb: {  	[sflag:s20] =	ssyncadd.s32 $0xFFFFFF80  }
0xbc: {  	[tilespmem:s26], [sflag:$0x3] =	stream.indirect.gather [hbm4b:s4+s21], $0x80, s25, s21, $0xb8;
	[tilespmem:$0x1FE80] =	vst v63  }
0xbd: {  	_ =	swait.ge [sflag:s28], $0x4000  }
0xbe: {  	[sflag:s28] =	ssyncset.done $0x0  }
0xbf: {  	[sflag:s28] =	ssyncadd.s32 $0xFFFFC000  }
0xc0: {  	_ =	swait.ge [sflag:s29], $0x80  }
0xc1: {  	[sflag:s29] =	ssyncset.done $0x0  }
0xc2: {  	[sflag:s29] =	ssyncadd.s32 $0xFFFFFF80  }
0xc3: {  	[spmem:s1] =	stream.indirect.scatter.add.f32 [tilespmem:s19], [sflag:$0x6], $0x80, s23, s21, $0xb8;
	[tilespmem:$0x1FE80] =	vst v63  }
0xc4: {  	_ =	swait.ge [sflag:s20], $0x4000  }
0xc5: {  	[sflag:s20] =	ssyncset.done $0x0  }
0xc6: {  	s9 =	sadd.s32 s7, s17;
	[sflag:s20] =	ssyncadd.s32 $0xFFFFC000  }
0xc7: {  	[tilespmem:s23], [sflag:$0x4] =	stream.linear.gather [hbm4b:s9+s3], $0x80, $0x38;
	[tilespmem:$0x1FE80] =	vst v63  }
0xc8: {  	s9 =	sadd.s32 s7, s16  }
0xc9: {  	[tilespmem:s3], [sflag:$0x6] =	stream.linear.gather [hbm4b:s9+s3], $0x80, $0x38;
	[tilespmem:$0x1FE80] =	vst v63  }
0xca: {  	_ =	swait.ge [sflag:s20], $0x80  }
0xcb: {  	[sflag:s20] =	ssyncset.done $0x0  }
0xcc: {  	[sflag:s20] =	ssyncadd.s32 $0xFFFFFF80  }
0xcd: {  	[tilespmem:s19], [sflag:$0x1] =	stream.indirect.gather [hbm4b:s4+s21], $0x80, s3, s21, $0xb8;
	[tilespmem:$0x1FE80] =	vst v63  }
0xce: {  	_ =	swait.ge [sflag:s30], $0x4000  }
0xcf: {  	[sflag:s30] =	ssyncset.done $0x0  }
0xd0: {  	[sflag:s30] =	ssyncadd.s32 $0xFFFFC000  }
0xd1: {  	_ =	swait.ge [sflag:s31], $0x80  }
0xd2: {  	[sflag:s31] =	ssyncset.done $0x0  }
0xd3: {  	[sflag:s31] =	ssyncadd.s32 $0xFFFFFF80  }
0xd4: {  	[spmem:s1] =	stream.indirect.scatter.add.f32 [tilespmem:s22], [sflag:$0x6], $0x80, s24, s21, $0xb8;
	[tilespmem:$0x1FE80] =	vst v63  }
0xd5: {  	_ =	swait.ge [sflag:s20], $0x4000  }
0xd6: {  	s8 =	rddreg [dreg:$0xc];
	[sflag:s20] =	ssyncset.done $0x0  }
0xd7: {  	s9 =	rddreg [dreg:$0xb];
	[sflag:s20] =	ssyncadd.s32 $0xFFFFC000;
	s8 =	sadd.s32 s7, s8  }
0xd8: {  	[tilespmem:s24], [sflag:$0x5] =	stream.linear.gather [hbm4b:s8+s3], $0x80, $0x38;
	[tilespmem:$0x1FE80] =	vst v63  }
0xd9: {  	s9 =	sadd.s32 s7, s9  }
0xda: {  	[tilespmem:s21], [sflag:$0x6] =	stream.linear.gather [hbm4b:s9+s3], $0x80, $0x38;
	[tilespmem:$0x1FE80] =	vst v63  }
0xdb: {  	_ =	swait.ge [sflag:s20], $0x80  }
0xdc: {  	[sflag:s20] =	ssyncset.done $0x0  }
0xdd: {  	[sflag:s20] =	ssyncadd.s32 $0xFFFFFF80  }
0xde: {  	[tilespmem:s22], [sflag:$0x2] =	stream.indirect.gather [hbm4b:s4+s21], $0x80, s21, s21, $0xb8;
	[tilespmem:$0x1FE80] =	vst v63  }
0xdf: {  	_ =	swait.ge [sflag:s0], $0x4000  }
0xe0: {  	[sflag:s0] =	ssyncset.done $0x0  }
0xe1: {  	[sflag:s0] =	ssyncadd.s32 $0xFFFFC000  }
0xe2: {  	_ =	swait.ge [sflag:s29], $0x80  }
0xe3: {  	[sflag:s29] =	ssyncset.done $0x0  }
0xe4: {  	[sflag:s29] =	ssyncadd.s32 $0xFFFFFF80  }
0xe5: {  	[spmem:s1] =	stream.indirect.scatter.add.f32 [tilespmem:s26], [sflag:$0x6], $0x80, s23, s21, $0xb8;
	[tilespmem:$0x1FE80] =	vst v63  }
0xe6: {  	_ =	swait.ge [sflag:s20], $0x4000  }
0xe7: {  	s8 =	rddreg [dreg:$0xa];
	[sflag:s20] =	ssyncset.done $0x0  }
0xe8: {  	s9 =	rddreg [dreg:$0x9];
	[sflag:s20] =	ssyncadd.s32 $0xFFFFC000;
	s8 =	sadd.s32 s7, s8  }
0xe9: {  	[tilespmem:s23], [sflag:$0x4] =	stream.linear.gather [hbm4b:s8+s3], $0x80, $0x38;
	[tilespmem:$0x1FE80] =	vst v63  }
0xea: {  	s9 =	sadd.s32 s7, s9  }
0xeb: {  	[tilespmem:s25], [sflag:$0x6] =	stream.linear.gather [hbm4b:s9+s3], $0x80, $0x38;
	[tilespmem:$0x1FE80] =	vst v63  }
0xec: {  	_ =	swait.ge [sflag:s20], $0x80  }
0xed: {  	[sflag:s20] =	ssyncset.done $0x0  }
0xee: {  	[sflag:s20] =	ssyncadd.s32 $0xFFFFFF80  }
0xef: {  	[tilespmem:s26], [sflag:$0x3] =	stream.indirect.gather [hbm4b:s4+s21], $0x80, s25, s21, $0xb8;
	[tilespmem:$0x1FE80] =	vst v63  }
0xf0: {  	_ =	swait.ge [sflag:s28], $0x4000  }
0xf1: {  	[sflag:s28] =	ssyncset.done $0x0  }
0xf2: {  	[sflag:s28] =	ssyncadd.s32 $0xFFFFC000  }
0xf3: {  	_ =	swait.ge [sflag:s31], $0x80  }
0xf4: {  	[sflag:s31] =	ssyncset.done $0x0  }
0xf5: {  	[sflag:s31] =	ssyncadd.s32 $0xFFFFFF80  }
0xf6: {  	[spmem:s1] =	stream.indirect.scatter.add.f32 [tilespmem:s19], [sflag:$0x6], $0x80, s24, s21, $0xb8;
	[tilespmem:$0x1FE80] =	vst v63  }
0xf7: {  	_ =	swait.ge [sflag:s20], $0x4000  }
0xf8: {  	s8 =	rddreg [dreg:$0x8];
	[sflag:s20] =	ssyncset.done $0x0  }
0xf9: {  	s9 =	rddreg [dreg:$0x7];
	[sflag:s20] =	ssyncadd.s32 $0xFFFFC000;
	s8 =	sadd.s32 s7, s8  }
0xfa: {  	[tilespmem:s24], [sflag:$0x5] =	stream.linear.gather [hbm4b:s8+s3], $0x80, $0x38;
	[tilespmem:$0x1FE80] =	vst v63  }
0xfb: {  	s9 =	sadd.s32 s7, s9  }
0xfc: {  	[tilespmem:s3], [sflag:$0x6] =	stream.linear.gather [hbm4b:s9+s3], $0x80, $0x38;
	[tilespmem:$0x1FE80] =	vst v63  }
0xfd: {  	_ =	swait.ge [sflag:s20], $0x80  }
0xfe: {  	[sflag:s20] =	ssyncset.done $0x0  }
0xff: {  	[sflag:s20] =	ssyncadd.s32 $0xFFFFFF80  }
0x100: {  	[tilespmem:s19], [sflag:$0x1] =	stream.indirect.gather [hbm4b:s4+s21], $0x80, s3, s21, $0xb8;
	[tilespmem:$0x1FE80] =	vst v63  }
0x101: {  	_ =	swait.ge [sflag:s30], $0x4000  }
0x102: {  	[sflag:s30] =	ssyncset.done $0x0  }
0x103: {  	[sflag:s30] =	ssyncadd.s32 $0xFFFFC000  }
0x104: {  	_ =	swait.ge [sflag:s29], $0x80  }
0x105: {  	[sflag:s29] =	ssyncset.done $0x0  }
0x106: {  	[sflag:s29] =	ssyncadd.s32 $0xFFFFFF80  }
0x107: {  	[spmem:s1] =	stream.indirect.scatter.add.f32 [tilespmem:s22], [sflag:$0x6], $0x80, s23, s21, $0xb8;
	[tilespmem:$0x1FE80] =	vst v63  }
0x108: {  	_ =	swait.ge [sflag:s20], $0x4000  }
0x109: {  	s8 =	rddreg [dreg:$0x6];
	[sflag:s20] =	ssyncset.done $0x0  }
0x10a: {  	s9 =	rddreg [dreg:$0x5];
	[sflag:s20] =	ssyncadd.s32 $0xFFFFC000;
	s8 =	sadd.s32 s7, s8  }
0x10b: {  	[tilespmem:s23], [sflag:$0x4] =	stream.linear.gather [hbm4b:s8+s3], $0x80, $0x38;
	[tilespmem:$0x1FE80] =	vst v63  }
0x10c: {  	s9 =	sadd.s32 s7, s9  }
0x10d: {  	[tilespmem:s21], [sflag:$0x6] =	stream.linear.gather [hbm4b:s9+s3], $0x80, $0x38;
	[tilespmem:$0x1FE80] =	vst v63  }
0x10e: {  	_ =	swait.ge [sflag:s20], $0x80  }
0x10f: {  	[sflag:s20] =	ssyncset.done $0x0  }
0x110: {  	[sflag:s20] =	ssyncadd.s32 $0xFFFFFF80  }
0x111: {  	[tilespmem:s22], [sflag:$0x2] =	stream.indirect.gather [hbm4b:s4+s21], $0x80, s21, s21, $0xb8;
	[tilespmem:$0x1FE80] =	vst v63  }
0x112: {  	_ =	swait.ge [sflag:s0], $0x4000  }
0x113: {  	[sflag:s0] =	ssyncset.done $0x0  }
0x114: {  	[sflag:s0] =	ssyncadd.s32 $0xFFFFC000  }
0x115: {  	_ =	swait.ge [sflag:s31], $0x80  }
0x116: {  	p0 =	sne.s32 s6, $0x480;
	[sflag:s31] =	ssyncset.done $0x0  }
.Ltmp1:
0x117: {  	[sflag:s31] =	ssyncadd.s32 $0xFFFFFF80;
	(pc) =	sbr.rel @p0 .LBB2_4-.Ltmp1, $4  }
0x118: {  	[spmem:s1] =	stream.indirect.scatter.add.f32 [tilespmem:s26], [sflag:$0x6], $0x80, s24, s21, $0xb8;
	[tilespmem:$0x1FE80] =	vst v63  }
0x119: {  	_ =	swait.ge [sflag:s20], $0x4000  }
0x11a: {  	[sflag:s20] =	ssyncset.done $0x0;
	s9 =	rddreg [dreg:$0x4]  }
0x11b: {  	s6 =	sadd.s32 $0x60, s6;
	[sflag:s20] =	ssyncadd.s32 $0xFFFFC000;
	s7 =	sadd.s32 s7, s9  }
0x11c: {  	[tilespmem:s24], [sflag:$0x5] =	stream.linear.gather [hbm4b:s7+s3], $0x80, $0x38;
	[tilespmem:$0x1FE80] =	vst v63  }
0x11d: {  	_ =	swait.ge [sflag:s28], $0x4000  }
0x11e: {  	[sflag:s28] =	ssyncset.done $0x0  }
0x11f: {  	[sflag:s28] =	ssyncadd.s32 $0xFFFFC000  }
0x120: {  	_ =	swait.ge [sflag:s29], $0x80  }
0x121: {  	[sflag:s29] =	ssyncset.done $0x0  }
0x122: {  	[sflag:s29] =	ssyncadd.s32 $0xFFFFFF80  }
0x123: {  	[spmem:s1] =	stream.indirect.scatter.add.f32 [tilespmem:s19], [sflag:$0x6], $0x80, s23, s21, $0xb8;
	[tilespmem:$0x1FE80] =	vst v63  }
0x124: {  	_ =	swait.ge [sflag:s20], $0x4000  }
0x125: {  	[sflag:s20] =	ssyncset.done $0x0  }
0x126: {  	[sflag:s20] =	ssyncadd.s32 $0xFFFFC000  }
0x127: {  	_ =	swait.ge [sflag:s30], $0x4000  }
0x128: {  	[sflag:s30] =	ssyncset.done $0x0  }
0x129: {  	[sflag:s30] =	ssyncadd.s32 $0xFFFFC000  }
0x12a: {  	_ =	swait.ge [sflag:s31], $0x80  }
0x12b: {  	[sflag:s31] =	ssyncset.done $0x0  }
0x12c: {  	[sflag:s31] =	ssyncadd.s32 $0xFFFFFF80  }
0x12d: {  	[spmem:s1] =	stream.indirect.scatter.add.f32 [tilespmem:s22], [sflag:$0x6], $0x80, s24, s21, $0xb8;
	[tilespmem:$0x1FE80] =	vst v63  }
0x12e: {  	s6 =	stileid.u32;
	_ =	swait.ge [sflag:s20], $0x4000  }
0x12f: {  	s9 =	sshrl.u32 s5, $0x3;
	s2 =	sadd.s32 $0x1, s2;
	[sflag:s20] =	ssyncset.done $0x0  }
0x130: {  	s6 =	sshll.u32 s6, $0x6;
	p0 =	sne.s32 s2, s15;
	[sflag:s20] =	ssyncadd.s32 $0xFFFFC000  }
.Ltmp2:
0x131: {  	s6 =	sor.u32 $0x1C06, s6;
	[bflag:$0x0] =	sbarrier.arrive $0xFFFF;
	(pc) =	sbr.rel @p0 .LBB2_1-.Ltmp2, $4  }
0x132: {  	[hbm:s14], [sflag:s6] =	dma.local [spmem:s9], $0x2780  }
0x133: {  	_ =	swait.ge [sflag:s20], $0x2780  }
0x134: {  	[sflag:s20] =	ssyncset.done $0x0  }
0x135: {  	[sflag:s20] =	ssyncadd.s32 $0xFFFFD880  }
0x136: {  	_ =	sfence.sel $0x180000  }
0x137: {  	[bflag:$0x0] =	sbarrier.arrive $0xFFFF  }
0x138: {  	_ =	strace $0x9000004D  }
0x139: {  	s0 =	stileid.u32;
	[bflag:$0x2] =	sbarrier.arrive $0xFFFF  }
0x13a: {  	p0 =	sne.s32 s0, $0x0;
	s0 =	rddreg [dreg:$0x3]  }
0x13b: {  	s0 =	sadd.s32 @!p0 $0x100000, s0  }
0x13c: {  	[sflag:s0] =	ssyncadd.tile.s32 @!p0 $0x1;
	_ =	shalt  }
.Lfunc_end2:
_tile_overlayer_lowered:
.L_overlay_start_2:
0x13d: {  	(tag) =	ssettag $0x2  }
0x13e: {  	s0 =	rddreg [dreg:$0x0];
	s2 =	stileid.u32  }
0x13f: {  	s1 =	rddreg [dreg:$0x1];
	p0 =	sne.s32 s2, $0x0  }
0x140: {  	s3 =	rddreg [dreg:$0x2];
	[bflag:$0x3] =	sbarrier.arrive $0xFFFF;
	s2 =	simm.s32 @!p0 $0x1C06  }
0x141: {  	[timem:s3], [sflag:s2] =	dma.local @!p0 [hbm:s0], s1  }
0x142: {  	s0 =	simm.s32 @!p0 $0x6  }
0x143: {  	_ =	swait.ge @!p0 [sflag:s0], s1  }
0x144: {  	s1 =	ssub.s32 @!p0 $0x0, s1;
	[sflag:s0] =	ssyncset.done @!p0 $0x0  }
0x145: {  	[sflag:s0] =	ssyncadd.s32 @!p0 s1  }
0x146: {  	[bflag:$0x3] =	sbarrier.arrive $0xFFFF  }
0x147: {  	_ =	shalt  }

// kernel: kernel.19.cloned.1.call-start
scs
__scs_entry_jumppad:
0x0: {  	(pc) =	sbr.rel $0x88, $3  }
0x1: {  	(tag) =	ssettag $0x0;
	lr =	simm.s32 $0x1  }
0x2: {  	[smem:$0x3F92] =	sst lr;
	_ =	strace $0xD0000000  }
0x3: {  	_ = 	snop  }
0x4: {  	_ = 	snop  }
0x5: {  	_ = 	snop  }
0x6: {  	_ = 	snop  }
0x7: {  	_ = 	snop  }
__scs_overlays_trampoline_lowered:
0x8: {  	[smem:$0x3FA1] =	sst s0  }
0x9: {  	[smem:$0x3FA2] =	sst s1  }
0xa: {  	[smem:$0x3FA3] =	sst s2  }
0xb: {  	[smem:$0x3FA4] =	sst s3  }
0xc: {  	[smem:$0x3FA5] =	sst s4  }
0xd: {  	[smem:$0x3FA6] =	sst s5  }
0xe: {  	[smem:$0x3FA7] =	sst s6  }
0xf: {  	[smem:$0x3FA8] =	sst s7  }
0x10: {  	[smem:$0x3FA9] =	sst s8  }
0x11: {  	[smem:$0x3FAA] =	sst s9;
	s0 =	simm.s32 @!p0 $0x0  }
0x12: {  	s1 =	sld [smem:$0x3F90];
	s0 =	simm.s32 @p0 $0x1  }
0x13: {  	[smem:$0x3FAB] =	sst s0;
	s0 =	simm.s32 @!p1 $0x0  }
0x14: {  	s2 =	sld [smem:$0x3F8F];
	s0 =	simm.s32 @p1 $0x1  }
0x15: {  	[smem:$0x3FAC] =	sst s0;
	s0 =	simm.s32 @!p2 $0x0  }
0x16: {  	s3 =	sld [smem:$0x3FDB];
	s0 =	simm.s32 @p2 $0x1  }
0x17: {  	s4 =	simm.s32 $0x1BF5;
	[smem:$0x3FAE] =	sst s0  }
0x18: {  	s0 =	sld [smem:$0x3F91];
	_ =	swait.ge [sflag:s4], $0x0  }
0x19: {  	s7 =	sld [smem:$0x3F92]  }
0x1a: {  	s8 =	sadd.s32 $0xFFFFE003, lr  }
0x1b: {  	s9 =	sadd.s32 $0xFFFFFEF7, lr;
	s5 =	simm.s32 $0xFFFFFFFF;
	p2 =	slt.u32 s8, $0xFFFFF086  }
0x1c: {  	p1 =	slt.u32 s9, $0xF7A;
	s5 =	simm.s32 @!p2 $0x0  }
0x1d: {  	s5 =	simm.s32 @p1 $0x1;
	p0 =	seq.s32 s7, s2  }
0x1e: {  	s7 =	smul.u32 @!p0 $0xF7A, s2;
	p2 =	seq.s32 @!p0 s5, $0x0  }
0x1f: {  	s9 =	smul.u32 $0xF7A, s1;
	s8 =	simm.s32 @!p0 $0x1BF5;
	p2 =	por !p2, p0  }
0x20: {  	[sflag:s8] =	ssyncset.s32 @!p0 $0xFFFFF086;
	s6 =	sadd.s32 @!p0 s3, s7;
	s7 =	simm.s32 @!p0 $0x108  }
0x21: {  	s3 =	sadd.s32 s3, s9;
	s6 =	sadd.s32 @!p0 $0x88, s6;
	s7 =	simm.s32 @p2 $0x1082  }
0x22: {  	[simem:s7], [sflag:s8] =	dma.local @!p0 [hbm:s6], $0xF7A  }
0x23: {  	s9 =	sor.u32 $0xD0000000, s2;
	s6 =	simm.s32 $0x108;
	_ =	swait.ge @!p0 [sflag:s8], $0x0  }
0x24: {  	s3 =	sadd.s32 $0x88, s3;
	s6 =	simm.s32 @!p1 $0x1082;
	[sflag:s4] =	ssyncset.s32 $0xFFFFF086  }
0x25: {  	[simem:s6], [sflag:s4] =	dma.local [hbm:s3], $0xF7A  }
0x26: {  	[smem:$0x3F92] =	sst s1;
	(tag) =	ssettag s2;
	_ =	strace s9  }
0x27: {  	s1 =	sld [smem:$0x3FA2]  }
0x28: {  	s2 =	sld [smem:$0x3FA3]  }
0x29: {  	s4 =	sld [smem:$0x3FA5]  }
0x2a: {  	p0 =	seq.s32 s5, $0x0;
	s5 =	sld [smem:$0x3FA6]  }
0x2b: {  	s6 =	sld [smem:$0x3FA7]  }
0x2c: {  	s7 =	sld [smem:$0x3FA8]  }
0x2d: {  	s3 =	simm.s32 $0x108;
	s8 =	sld [smem:$0x3FA9]  }
0x2e: {  	s3 =	simm.s32 @!p0 $0x1082;
	s9 =	sld [smem:$0x3FAA]  }
0x2f: {  	lr =	sadd.s32 s0, s3;
	s0 =	sld [smem:$0x3FA1]  }
0x30: {  	s3 =	sld [smem:$0x3FA4]  }
0x31: {  	[smem:$0x3FAD] =	sst s10  }
0x32: {  	s10 =	sld [smem:$0x3FAB];
	_ =	sdelay $0x3  }
0x33: {  	p0 =	seq.s32 s10, $0x1;
	s10 =	sld [smem:$0x3FAD];
	_ =	sdelay $0x3  }
0x34: {  	[smem:$0x3FAD] =	sst s10  }
0x35: {  	s10 =	sld [smem:$0x3FAC];
	_ =	sdelay $0x3  }
0x36: {  	p1 =	seq.s32 s10, $0x1;
	s10 =	sld [smem:$0x3FAD];
	_ =	sdelay $0x3  }
0x37: {  	[smem:$0x3FAD] =	sst s10  }
0x38: {  	s10 =	sld [smem:$0x3FAE]  }
0x39: {  	_ = 	snop;
	(pc) =	sbr.ind lr, $3  }
0x3a: {  	_ = 	snop  }
0x3b: {  	_ = 	snop  }
0x3c: {  	p2 =	seq.s32 s10, $0x1;
	s10 =	sld [smem:$0x3FAD]  }
0x3d: {  	_ =	shalt  }
0x3e: {  	_ =	shalt  }
0x3f: {  	_ =	shalt  }
0x40: {  	_ =	shalt  }
0x41: {  	_ =	shalt  }
0x42: {  	_ =	shalt  }
0x43: {  	_ =	shalt  }
0x44: {  	_ =	shalt  }
0x45: {  	_ =	shalt  }
0x46: {  	_ =	shalt  }
0x47: {  	_ =	shalt  }
0x48: {  	_ =	shalt  }
0x49: {  	_ =	shalt  }
0x4a: {  	_ =	shalt  }
0x4b: {  	_ =	shalt  }
0x4c: {  	_ =	shalt  }
0x4d: {  	_ =	shalt  }
0x4e: {  	_ =	shalt  }
0x4f: {  	_ =	shalt  }
0x50: {  	_ =	shalt  }
0x51: {  	_ =	shalt  }
0x52: {  	_ =	shalt  }
0x53: {  	_ =	shalt  }
0x54: {  	_ =	shalt  }
0x55: {  	_ =	shalt  }
0x56: {  	_ =	shalt  }
0x57: {  	_ =	shalt  }
0x58: {  	_ =	shalt  }
0x59: {  	_ =	shalt  }
0x5a: {  	_ =	shalt  }
0x5b: {  	_ =	shalt  }
0x5c: {  	_ =	shalt  }
0x5d: {  	_ =	shalt  }
0x5e: {  	_ =	shalt  }
0x5f: {  	_ =	shalt  }
0x60: {  	_ =	shalt  }
0x61: {  	_ =	shalt  }
0x62: {  	_ =	shalt  }
0x63: {  	_ =	shalt  }
0x64: {  	_ =	shalt  }
0x65: {  	_ =	shalt  }
0x66: {  	_ =	shalt  }
0x67: {  	_ =	shalt  }
0x68: {  	_ =	shalt  }
0x69: {  	_ =	shalt  }
0x6a: {  	_ =	shalt  }
0x6b: {  	_ =	shalt  }
0x6c: {  	_ =	shalt  }
0x6d: {  	_ =	shalt  }
0x6e: {  	_ =	shalt  }
0x6f: {  	_ =	shalt  }
0x70: {  	_ =	shalt  }
0x71: {  	_ =	shalt  }
0x72: {  	_ =	shalt  }
0x73: {  	_ =	shalt  }
0x74: {  	_ =	shalt  }
0x75: {  	_ =	shalt  }
0x76: {  	_ =	shalt  }
0x77: {  	_ =	shalt  }
0x78: {  	_ =	shalt  }
0x79: {  	_ =	shalt  }
0x7a: {  	_ =	shalt  }
0x7b: {  	_ =	shalt  }
0x7c: {  	_ =	shalt  }
0x7d: {  	_ =	shalt  }
0x7e: {  	_ =	shalt  }
0x7f: {  	_ =	shalt  }
0x80: {  	_ =	shalt  }
0x81: {  	_ =	shalt  }
0x82: {  	_ =	shalt  }
0x83: {  	_ =	shalt  }
0x84: {  	_ =	shalt  }
0x85: {  	_ =	shalt  }
0x86: {  	_ =	shalt  }
0x87: {  	_ =	shalt  }
.Lfunc_end0:
.L_simem_size_0:
called_computation.3_lowered:
.L_overlay_start_0:
0x88: {  	s2 =	sld [smem:$0x3FD9]  }
0x89: {  	s3 =	sld [smem:$0x3FFE];
	_ =	sdelay $0x1  }
0x8a: {  	s1 =	srdreg.scid  }
0x8b: {  	s0 =	sand.u32 $0x1, s1  }
0x8c: {  	s17 =	sshll.u32 s0, $0xA;
	s2 =	sadd.s32 s3, s2  }
0x8d: {  	s2 =	sadd.s32 s2, s17  }
0x8e: {  	[smem:$0x3FB9] =	sst s2  }
0x8f: {  	_ = 	snop  }
0x90: {  	s2 =	sld [smem:$0x3FD0];
	(tm) =	ssettm $0x1  }
0x91: {  	s18 =	sld [smem:$0x3FFB];
	_ =	sdelay $0x3  }
0x92: {  	_ =	strace s18  }
0x93: {  	s3 =	sld [smem:$0x3FFC];
	_ =	sdelay $0x3  }
0x94: {  	_ =	strace s3  }
0x95: {  	s3 =	sld [smem:$0x3FFD];
	_ =	sdelay $0x3  }
0x96: {  	_ =	strace s3  }
0x97: {  	_ =	strace $0x8FFFFFFF  }
0x98: {  	s19 =	sld [smem:$0x3FDB];
	_ =	sdelay $0x1  }
0x99: {  	s4 =	simm.s32 $_scs_section_size  }
0x9a: {  	s5 =	simm.s32 $_size__tile_overlayer_lowered;
	s6 =	simm.s32 $_tile_overlayer_lowered  }
0x9b: {  	s22 =	simm.s32 $0x1BFF;
	s21 =	sshll.u32 s6, $0x1;
	s3 =	sadd.s32 s4, s19  }
0x9c: {  	s7 =	simm.s32 $0x0;
	s20 =	sshll.u32 s5, $0x1;
	s5 =	sadd.s32 s21, s3  }
0x9d: {  	[timem:s7], [sflag:s22] =	dma.local [hbm:s5], s20  }
0x9e: {  	_ =	swait.ge [sflag:s22], s20  }
0x9f: {  	s4 =	ssub.s32 $0x0, s20;
	[sflag:s22] =	ssyncset.done $0x0  }
0xa0: {  	[sflag:s22] =	ssyncadd.s32 s4;
	_ =	sdelay $0x1  }
0xa1: {  	s23 =	simm.s32 $0x1B8B  }
0xa2: {  	_ =	swait.ge [sflag:s23], $0x1  }
0xa3: {  	[sflag:s23] =	ssyncset.done $0x0  }
0xa4: {  	s25 =	simm.s32 $0x1B8E;
	s24 =	sld [smem:$0x3FFE];
	[sflag:s23] =	ssyncadd.s32 $0xFFFFFFFF  }
0xa5: {  	s26 =	simm.s32 $execute0_lowered;
	[smem:$0x3FD2] =	sst s25  }
0xa6: {  	s5 =	sshll.u32 s26, $0x1;
	_ =	strace $0x8000004F;
	[dreg:$0x1] =	wrdreg $0xFFFFFFFF  }
0xa7: {  	s28 =	simm.s32 $_size_execute0_lowered;
	s3 =	sadd.s32 s3, s5;
	[dreg:$0x0] =	wrdreg $0x0  }
0xa8: {  	s5 =	sshll.u32 s28, $0x1;
	[dreg:$0x2] =	wrdreg s3  }
0xa9: {  	[dreg:$0x3] =	wrdreg s5  }
0xaa: {  	[dreg:$0x4] =	wrdreg $0xC0  }
0xab: {  	_ =	task [dreg:s7], $0x5FFFF  }
0xac: {  	[dreg:$0x1] =	wrdreg $0xFFFFFFFF  }
0xad: {  	[dreg:$0x0] =	wrdreg $0x60  }
0xae: {  	[dreg:$0x2] =	wrdreg s24  }
0xaf: {  	[dreg:$0x3] =	wrdreg s2  }
0xb0: {  	[dreg:$0x4] =	wrdreg $0xC2800  }
0xb1: {  	[dreg:$0x5] =	wrdreg $0x9  }
0xb2: {  	_ =	task.clear_ibuf [dreg:s7], $0x6FFFF;
	_ =	strace $0x9000004F  }
0xb3: {  	s29 =	simm.s32 $0x9;
	_ =	strace $0x80000051  }
0xb4: {  	_ =	swait.ge [sflag:s29], $0x1  }
0xb5: {  	[sflag:s29] =	ssyncadd.s32 $0xFFFFFFFF  }
0xb6: {  	_ =	strace $0x90000051  }
0xb7: {  	_ =	sfence  }
0xb8: {  	s30 =	sld [smem:$0x0];
	_ =	sdelay $0x2  }
0xb9: {  	s31 =	sshll.u32 s1, $0xD;
	s1 =	sshrl.u32 s1, $0x2  }
0xba: {  	s3 =	sand.u32 $0x4000, s31;
	s1 =	sadd.s32 s1, s30  }
0xbb: {  	s0 =	sor.u32 s3, s0;
	s1 =	sshll.u32 s1, $0x11  }
0xbc: {  	s0 =	sor.u32 s1, s0  }
0xbd: {  	s0 =	sadd.s32 $0x8F2B, s0  }
0xbe: {  	[sflag:s0] =	ssyncadd.remote.s32 $0x1  }
0xbf: {  	_ =	sfence.sel $0xFFFF  }
0xc0: {  	[dreg:$0x0] =	wrdreg $0xFFFFFFFF;
	(pc) =	sbr.abs _section_cstart, $3  }
0xc1: {  	[dreg:$0x1] =	wrdreg $0xFFFFFFFF  }
0xc2: {  	_ =	task.clear_ibuf [dreg:s7], $0x2FFFF;
	_ =	strace $0x9FFFFFFF  }
0xc3: {  	(tm) =	ssettm $0x7FFFFFFF  }
tec
execute0_lowered:
.L_overlay_start_1:
0x0: {  	(tag) =	ssettag $0x1  }
0x1: {  	s2 =	rddreg [dreg:$0x0]  }
0x2: {  	s0 =	rddreg [dreg:$0x1]  }
0x3: {  	s1 =	rddreg [dreg:$0x2];
	s3 =	srdreg.scid  }
0x4: {  	s12 =	stileid.u32;
	s28 =	simm.s32 $0x1;
	s29 =	simm.s32 $0x4  }
0x5: {  	s30 =	simm.s32 $0x2;
	s31 =	simm.s32 $0x5;
	s7 =	smul.u32 $0x13C00, s12  }
0x6: {  	s5 =	sand.u32 $0x1, s3;
	s3 =	simm.s32 $0x0;
	s9 =	smul.u32 $0x4F000, s12  }
0x7: {  	s4 =	sadd.s32 $0xCA00, s2;
	s8 =	sadd.s32 $0x2A00, s2;
	s20 =	smul.u32 $0x2800, s12  }
0x8: {  	s6 =	smul.u32 $0x13C000, s5;
	[smem:$0x7FF] =	sst s3;
	s18 =	sshll.u32 s5, $0x4  }
0x9: {  	s19 =	ssub.s32 $0x2, s5;
	s11 =	smul.u32 $0x28000, s5;
	_ =	strace $0x80000050  }
0xa: {  	s10 =	sshrl.u32 s19, $0x1;
	s9 =	sshrl.u32 s9, $0x2;
	s6 =	sadd.s32 s7, s6  }
0xb: {  	s7 =	sor.u32 s12, s18;
	s5 =	sadd.s32 s9, s1;
	s16 =	sadd.s32 s20, s11  }
0xc: {  	s6 =	sshrl.u32 s6, $0x3;
	s7 =	smul.u32 $0x2800, s7;
	s9 =	sadd.s32 $0x4000, s5  }
0xd: {  	s21 =	sadd.s32 $0x8000, s5;
	s22 =	sadd.s32 $0xC000, s5;
	[dreg:$0xd] =	wrdreg s9  }
0xe: {  	s23 =	sadd.s32 $0x10000, s5;
	s14 =	sor.u32 $0x380, s16;
	[dreg:$0xe] =	wrdreg s21  }
0xf: {  	s15 =	sor.u32 $0x300, s16;
	s20 =	sor.u32 $0x200, s16;
	[dreg:$0xf] =	wrdreg s22  }
0x10: {  	s2 =	sadd.s32 s6, s2;
	s6 =	ssub.s32 s19, s10;
	[dreg:$0x10] =	wrdreg s23  }
0x11: {  	s24 =	sshrl.u32 s14, $0x3;
	s25 =	sshrl.u32 s15, $0x3;
	s9 =	sor.u32 $0x280, s16  }
0x12: {  	s23 =	sor.u32 $0x180, s16;
	s7 =	sshrl.u32 s7, $0x3;
	s14 =	sadd.s32 s24, s8  }
0x13: {  	s26 =	sadd.s32 s25, s8;
	s17 =	sadd.s32 s25, s0;
	s18 =	sshrl.u32 s9, $0x3  }
0x14: {  	s15 =	smax.u32 s6, $0x1;
	s25 =	sor.u32 $0x100, s16;
	[dreg:$0x4] =	wrdreg s14  }
0x15: {  	s10 =	sadd.s32 s0, s7;
	s13 =	sor.u32 $0x10, s7;
	[dreg:$0x6] =	wrdreg s26  }
0x16: {  	s12 =	sadd.s32 s8, s7;
	s7 =	sadd.s32 s24, s0;
	[dreg:$0x7] =	wrdreg s17  }
0x17: {  	s19 =	sadd.s32 s18, s8;
	s21 =	sadd.s32 s18, s0;
	s17 =	sshrl.u32 s20, $0x3  }
0x18: {  	s14 =	sadd.s32 $0x33C00, s2;
	s2 =	sshrl.u32 s23, $0x3;
	[dreg:$0x5] =	wrdreg s7  }
0x19: {  	s20 =	simm.s32 $0x6;
	s23 =	simm.s32 $0x180;
	[dreg:$0x8] =	wrdreg s19  }
0x1a: {  	s11 =	sadd.s32 s0, s13;
	s13 =	sadd.s32 s8, s13;
	[dreg:$0x9] =	wrdreg s21  }
0x1b: {  	s22 =	sadd.s32 s17, s8;
	s24 =	sadd.s32 s17, s0;
	s26 =	sadd.s32 s2, s8  }
0x1c: {  	s7 =	sshrl.u32 s25, $0x3;
	s16 =	sadd.s32 s2, s0;
	[dreg:$0xa] =	wrdreg s22  }
0x1d: {  	s19 =	simm.s32 $0x280;
	s21 =	simm.s32 $0x80;
	[dreg:$0xb] =	wrdreg s24  }
0x1e: {  	s25 =	simm.s32 $0x100;
	s2 =	simm.s32 $0x0;
	[dreg:$0xc] =	wrdreg s26  }
0x1f: {  	s17 =	sadd.s32 s7, s8;
	s18 =	sadd.s32 s7, s0;
	s22 =	simm.s32 $0x4280  }
0x20: {  	v0 =	vimm.f32 $0.0e+00;
	s24 =	simm.s32 $0x200;
	s26 =	simm.s32 $0x8280;
	s0 =	simm.s32 $0x3  }
.LBB2_1:
0x21: {  	s6 =	sand.u32 $0xFE00, s3  }
0x22: {  	s7 =	sand.u32 $0x70, s3;
	s8 =	sshrl.u32 s6, $0x2  }
0x23: {  	s6 =	simm.s32 $0x40;
	s8 =	sor.u32 s7, s8;
	s7 =	simm.s32 $0x0  }
.LBB2_2:
0x24: {  	p0 =	sne.s32 s6, $0xFFC0  }
0x25: {  	[tilespmem:s8+$0x280] =	vst v0;
	s7 =	sadd.s32 $0x10, s7;
	s8 =	smov.u32 s6;
	s6 =	sadd.s32 $0x40, s6  }
.Ltmp0:
0x26: {  	(pc) =	sbr.rel @p0 .LBB2_2-.Ltmp0, $4  }
0x27: {  	_ = 	snop  }
0x28: {  	s8 =	sand.u32 $0xFE00, s8  }
0x29: {  	s9 =	sand.u32 $0x70, s7;
	s8 =	sshrl.u32 s8, $0x2  }
0x2a: {  	s8 =	sor.u32 s9, s8  }
0x2b: {  	[tilespmem:s8+$0x280] =	vst v0  }
0x2c: {  	[spmem:s5] =	stream.linear.scatter [tilespmem:s19], [sflag:$0x6], $0x4000, $0x38;
	[tilespmem:$0x1FE80] =	vst v63  }
0x2d: {  	_ =	swait.ge [sflag:s20], $0x4000  }
0x2e: {  	[sflag:s20] =	ssyncset.done $0x0  }
0x2f: {  	s6 =	rddreg [dreg:$0xd];
	[sflag:s20] =	ssyncadd.s32 $0xFFFFC000  }
0x30: {  	[spmem:s6] =	stream.linear.scatter [tilespmem:s19], [sflag:$0x6], $0x4000, $0x38;
	[tilespmem:$0x1FE80] =	vst v63  }
0x31: {  	_ =	swait.ge [sflag:s20], $0x4000  }
0x32: {  	[sflag:s20] =	ssyncset.done $0x0  }
0x33: {  	s8 =	rddreg [dreg:$0xe];
	[sflag:s20] =	ssyncadd.s32 $0xFFFFC000  }
0x34: {  	[spmem:s8] =	stream.linear.scatter [tilespmem:s19], [sflag:$0x6], $0x4000, $0x38;
	[tilespmem:$0x1FE80] =	vst v63  }
0x35: {  	_ =	swait.ge [sflag:s20], $0x4000  }
0x36: {  	[sflag:s20] =	ssyncset.done $0x0  }
0x37: {  	s9 =	rddreg [dreg:$0xf];
	[sflag:s20] =	ssyncadd.s32 $0xFFFFC000  }
0x38: {  	[spmem:s9] =	stream.linear.scatter [tilespmem:s19], [sflag:$0x6], $0x4000, $0x38;
	[tilespmem:$0x1FE80] =	vst v63  }
0x39: {  	_ =	swait.ge [sflag:s20], $0x4000  }
0x3a: {  	[sflag:s20] =	ssyncset.done $0x0  }
0x3b: {  	s7 =	rddreg [dreg:$0x10];
	[sflag:s20] =	ssyncadd.s32 $0xFFFFC000  }
0x3c: {  	[spmem:s7] =	stream.linear.scatter [tilespmem:s19], [sflag:$0x6], $0x3C00, $0x38;
	[tilespmem:$0x1FE80] =	vst v63  }
0x3d: {  	_ =	swait.ge [sflag:s20], $0x3C00  }
0x3e: {  	[sflag:s20] =	ssyncset.done $0x0  }
0x3f: {  	[sflag:s20] =	ssyncadd.s32 $0xFFFFC400  }
0x40: {  	s8 =	simm.s32 $0x0;
	[bflag:$0x0] =	sbarrier.arrive $0xFFFF  }
0x41: {  	[tilespmem:s8], [sflag:$0x6] =	stream.linear.gather [hbm4b:s10+s8], $0x80, $0x38;
	[tilespmem:$0x1FE80] =	vst v63  }
0x42: {  	_ =	swait.ge [sflag:s20], $0x80  }
0x43: {  	[sflag:s20] =	ssyncset.done $0x0  }
0x44: {  	[sflag:s20] =	ssyncadd.s32 $0xFFFFFF80  }
0x45: {  	[tilespmem:s19], [sflag:$0x1] =	stream.indirect.gather [hbm4b:s4+s21], $0x80, s8, s21, $0xb8;
	[tilespmem:$0x1FE80] =	vst v63  }
0x46: {  	_ = 	snop  }
0x47: {  	[tilespmem:s21], [sflag:$0x6] =	stream.linear.gather [hbm4b:s11+s8], $0x80, $0x38;
	[tilespmem:$0x1FE80] =	vst v63  }
0x48: {  	_ =	swait.ge [sflag:s20], $0x80  }
0x49: {  	[sflag:s20] =	ssyncset.done $0x0  }
0x4a: {  	[sflag:s20] =	ssyncadd.s32 $0xFFFFFF80  }
0x4b: {  	[tilespmem:s22], [sflag:$0x2] =	stream.indirect.gather [hbm4b:s4+s21], $0x80, s21, s21, $0xb8;
	[tilespmem:$0x1FE80] =	vst v63  }
0x4c: {  	_ = 	snop  }
0x4d: {  	[tilespmem:s23], [sflag:$0x4] =	stream.linear.gather [hbm4b:s12+s8], $0x80, $0x38;
	[tilespmem:$0x1FE80] =	vst v63  }
0x4e: {  	_ = 	snop  }
0x4f: {  	[tilespmem:s24], [sflag:$0x5] =	stream.linear.gather [hbm4b:s13+s8], $0x80, $0x38;
	[tilespmem:$0x1FE80] =	vst v63  }
0x50: {  	s9 =	sadd.s32 $0x0, s18  }
0x51: {  	[tilespmem:s25], [sflag:$0x6] =	stream.linear.gather [hbm4b:s9+s3], $0x80, $0x38;
	[tilespmem:$0x1FE80] =	vst v63  }
0x52: {  	_ =	swait.ge [sflag:s20], $0x80  }
0x53: {  	[sflag:s20] =	ssyncset.done $0x0  }
0x54: {  	[sflag:s20] =	ssyncadd.s32 $0xFFFFFF80  }
0x55: {  	[tilespmem:s26], [sflag:$0x3] =	stream.indirect.gather [hbm4b:s4+s21], $0x80, s25, s21, $0xb8;
	[tilespmem:$0x1FE80] =	vst v63  }
0x56: {  	_ =	swait.ge [sflag:s28], $0x4000  }
0x57: {  	[sflag:s28] =	ssyncset.done $0x0  }
0x58: {  	[sflag:s28] =	ssyncadd.s32 $0xFFFFC000  }
0x59: {  	_ =	swait.ge [sflag:s29], $0x80  }
0x5a: {  	[sflag:s29] =	ssyncset.done $0x0  }
0x5b: {  	[sflag:s29] =	ssyncadd.s32 $0xFFFFFF80  }
0x5c: {  	[spmem:s1] =	stream.indirect.scatter.add.f32 [tilespmem:s19], [sflag:$0x6], $0x80, s23, s21, $0xb8;
	[tilespmem:$0x1FE80] =	vst v63  }
0x5d: {  	_ =	swait.ge [sflag:s20], $0x4000  }
0x5e: {  	[sflag:s20] =	ssyncset.done $0x0  }
0x5f: {  	s7 =	sadd.s32 $0x0, s17;
	[sflag:s20] =	ssyncadd.s32 $0xFFFFC000  }
0x60: {  	[tilespmem:s23], [sflag:$0x4] =	stream.linear.gather [hbm4b:s7+s3], $0x80, $0x38;
	[tilespmem:$0x1FE80] =	vst v63  }
0x61: {  	s8 =	sadd.s32 $0x0, s16  }
0x62: {  	[tilespmem:s3], [sflag:$0x6] =	stream.linear.gather [hbm4b:s8+s3], $0x80, $0x38;
	[tilespmem:$0x1FE80] =	vst v63  }
0x63: {  	_ =	swait.ge [sflag:s20], $0x80  }
0x64: {  	[sflag:s20] =	ssyncset.done $0x0  }
0x65: {  	[sflag:s20] =	ssyncadd.s32 $0xFFFFFF80  }
0x66: {  	[tilespmem:s19], [sflag:$0x1] =	stream.indirect.gather [hbm4b:s4+s21], $0x80, s3, s21, $0xb8;
	[tilespmem:$0x1FE80] =	vst v63  }
0x67: {  	_ =	swait.ge [sflag:s30], $0x4000  }
0x68: {  	[sflag:s30] =	ssyncset.done $0x0  }
0x69: {  	[sflag:s30] =	ssyncadd.s32 $0xFFFFC000  }
0x6a: {  	_ =	swait.ge [sflag:s31], $0x80  }
0x6b: {  	[sflag:s31] =	ssyncset.done $0x0  }
0x6c: {  	[sflag:s31] =	ssyncadd.s32 $0xFFFFFF80  }
0x6d: {  	[spmem:s1] =	stream.indirect.scatter.add.f32 [tilespmem:s22], [sflag:$0x6], $0x80, s24, s21, $0xb8;
	[tilespmem:$0x1FE80] =	vst v63  }
0x6e: {  	_ =	swait.ge [sflag:s20], $0x4000  }
0x6f: {  	s9 =	rddreg [dreg:$0xc];
	[sflag:s20] =	ssyncset.done $0x0  }
0x70: {  	s7 =	rddreg [dreg:$0xb];
	[sflag:s20] =	ssyncadd.s32 $0xFFFFC000;
	s6 =	sadd.s32 $0x0, s9  }
0x71: {  	[tilespmem:s24], [sflag:$0x5] =	stream.linear.gather [hbm4b:s6+s3], $0x80, $0x38;
	[tilespmem:$0x1FE80] =	vst v63  }
0x72: {  	s7 =	sadd.s32 $0x0, s7  }
0x73: {  	[tilespmem:s21], [sflag:$0x6] =	stream.linear.gather [hbm4b:s7+s3], $0x80, $0x38;
	[tilespmem:$0x1FE80] =	vst v63  }
0x74: {  	_ =	swait.ge [sflag:s20], $0x80  }
0x75: {  	[sflag:s20] =	ssyncset.done $0x0  }
0x76: {  	[sflag:s20] =	ssyncadd.s32 $0xFFFFFF80  }
0x77: {  	[tilespmem:s22], [sflag:$0x2] =	stream.indirect.gather [hbm4b:s4+s21], $0x80, s21, s21, $0xb8;
	[tilespmem:$0x1FE80] =	vst v63  }
0x78: {  	_ =	swait.ge [sflag:s0], $0x4000  }
0x79: {  	[sflag:s0] =	ssyncset.done $0x0  }
0x7a: {  	[sflag:s0] =	ssyncadd.s32 $0xFFFFC000  }
0x7b: {  	_ =	swait.ge [sflag:s29], $0x80  }
0x7c: {  	[sflag:s29] =	ssyncset.done $0x0  }
0x7d: {  	[sflag:s29] =	ssyncadd.s32 $0xFFFFFF80  }
0x7e: {  	[spmem:s1] =	stream.indirect.scatter.add.f32 [tilespmem:s26], [sflag:$0x6], $0x80, s23, s21, $0xb8;
	[tilespmem:$0x1FE80] =	vst v63  }
0x7f: {  	_ =	swait.ge [sflag:s20], $0x4000  }
0x80: {  	s8 =	rddreg [dreg:$0xa];
	[sflag:s20] =	ssyncset.done $0x0  }
0x81: {  	s9 =	rddreg [dreg:$0x9];
	[sflag:s20] =	ssyncadd.s32 $0xFFFFC000;
	s6 =	sadd.s32 $0x0, s8  }
0x82: {  	[tilespmem:s23], [sflag:$0x4] =	stream.linear.gather [hbm4b:s6+s3], $0x80, $0x38;
	[tilespmem:$0x1FE80] =	vst v63  }
0x83: {  	s7 =	sadd.s32 $0x0, s9  }
0x84: {  	[tilespmem:s25], [sflag:$0x6] =	stream.linear.gather [hbm4b:s7+s3], $0x80, $0x38;
	[tilespmem:$0x1FE80] =	vst v63  }
0x85: {  	_ =	swait.ge [sflag:s20], $0x80  }
0x86: {  	[sflag:s20] =	ssyncset.done $0x0  }
0x87: {  	[sflag:s20] =	ssyncadd.s32 $0xFFFFFF80  }
0x88: {  	[tilespmem:s26], [sflag:$0x3] =	stream.indirect.gather [hbm4b:s4+s21], $0x80, s25, s21, $0xb8;
	[tilespmem:$0x1FE80] =	vst v63  }
0x89: {  	_ =	swait.ge [sflag:s28], $0x4000  }
0x8a: {  	[sflag:s28] =	ssyncset.done $0x0  }
0x8b: {  	[sflag:s28] =	ssyncadd.s32 $0xFFFFC000  }
0x8c: {  	_ =	swait.ge [sflag:s31], $0x80  }
0x8d: {  	[sflag:s31] =	ssyncset.done $0x0  }
0x8e: {  	[sflag:s31] =	ssyncadd.s32 $0xFFFFFF80  }
0x8f: {  	[spmem:s1] =	stream.indirect.scatter.add.f32 [tilespmem:s19], [sflag:$0x6], $0x80, s24, s21, $0xb8;
	[tilespmem:$0x1FE80] =	vst v63  }
0x90: {  	_ =	swait.ge [sflag:s20], $0x4000  }
0x91: {  	s8 =	rddreg [dreg:$0x8];
	[sflag:s20] =	ssyncset.done $0x0  }
0x92: {  	s9 =	rddreg [dreg:$0x7];
	[sflag:s20] =	ssyncadd.s32 $0xFFFFC000;
	s6 =	sadd.s32 $0x0, s8  }
0x93: {  	[tilespmem:s24], [sflag:$0x5] =	stream.linear.gather [hbm4b:s6+s3], $0x80, $0x38;
	[tilespmem:$0x1FE80] =	vst v63  }
0x94: {  	s7 =	sadd.s32 $0x0, s9  }
0x95: {  	[tilespmem:s3], [sflag:$0x6] =	stream.linear.gather [hbm4b:s7+s3], $0x80, $0x38;
	[tilespmem:$0x1FE80] =	vst v63  }
0x96: {  	_ =	swait.ge [sflag:s20], $0x80  }
0x97: {  	[sflag:s20] =	ssyncset.done $0x0  }
0x98: {  	[sflag:s20] =	ssyncadd.s32 $0xFFFFFF80  }
0x99: {  	[tilespmem:s19], [sflag:$0x1] =	stream.indirect.gather [hbm4b:s4+s21], $0x80, s3, s21, $0xb8;
	[tilespmem:$0x1FE80] =	vst v63  }
0x9a: {  	_ =	swait.ge [sflag:s30], $0x4000  }
0x9b: {  	[sflag:s30] =	ssyncset.done $0x0  }
0x9c: {  	[sflag:s30] =	ssyncadd.s32 $0xFFFFC000  }
0x9d: {  	_ =	swait.ge [sflag:s29], $0x80  }
0x9e: {  	[sflag:s29] =	ssyncset.done $0x0  }
0x9f: {  	[sflag:s29] =	ssyncadd.s32 $0xFFFFFF80  }
0xa0: {  	[spmem:s1] =	stream.indirect.scatter.add.f32 [tilespmem:s22], [sflag:$0x6], $0x80, s23, s21, $0xb8;
	[tilespmem:$0x1FE80] =	vst v63  }
0xa1: {  	_ =	swait.ge [sflag:s20], $0x4000  }
0xa2: {  	s8 =	rddreg [dreg:$0x6];
	[sflag:s20] =	ssyncset.done $0x0  }
0xa3: {  	s9 =	rddreg [dreg:$0x5];
	[sflag:s20] =	ssyncadd.s32 $0xFFFFC000;
	s6 =	sadd.s32 $0x0, s8  }
0xa4: {  	[tilespmem:s23], [sflag:$0x4] =	stream.linear.gather [hbm4b:s6+s3], $0x80, $0x38;
	[tilespmem:$0x1FE80] =	vst v63  }
0xa5: {  	s8 =	sadd.s32 $0x0, s9  }
0xa6: {  	[tilespmem:s21], [sflag:$0x6] =	stream.linear.gather [hbm4b:s8+s3], $0x80, $0x38;
	[tilespmem:$0x1FE80] =	vst v63  }
0xa7: {  	_ =	swait.ge [sflag:s20], $0x80  }
0xa8: {  	[sflag:s20] =	ssyncset.done $0x0  }
0xa9: {  	[sflag:s20] =	ssyncadd.s32 $0xFFFFFF80  }
0xaa: {  	[tilespmem:s22], [sflag:$0x2] =	stream.indirect.gather [hbm4b:s4+s21], $0x80, s21, s21, $0xb8;
	[tilespmem:$0x1FE80] =	vst v63  }
0xab: {  	_ =	swait.ge [sflag:s0], $0x4000  }
0xac: {  	[sflag:s0] =	ssyncset.done $0x0  }
0xad: {  	[sflag:s0] =	ssyncadd.s32 $0xFFFFC000  }
0xae: {  	_ =	swait.ge [sflag:s31], $0x80  }
0xaf: {  	[sflag:s31] =	ssyncset.done $0x0  }
0xb0: {  	[sflag:s31] =	ssyncadd.s32 $0xFFFFFF80  }
0xb1: {  	[spmem:s1] =	stream.indirect.scatter.add.f32 [tilespmem:s26], [sflag:$0x6], $0x80, s24, s21, $0xb8;
	[tilespmem:$0x1FE80] =	vst v63  }
0xb2: {  	_ =	swait.ge [sflag:s20], $0x4000  }
0xb3: {  	s9 =	rddreg [dreg:$0x4];
	[sflag:s20] =	ssyncset.done $0x0  }
0xb4: {  	s6 =	simm.s32 $0x60;
	[sflag:s20] =	ssyncadd.s32 $0xFFFFC000;
	s7 =	sadd.s32 $0x0, s9  }
.LBB2_4:
0xb5: {  	[tilespmem:s24], [sflag:$0x5] =	stream.linear.gather [hbm4b:s7+s3], $0x80, $0x38;
	[tilespmem:$0x1FE80] =	vst v63  }
0xb6: {  	s7 =	smov.u32 s6  }
0xb7: {  	s8 =	sadd.s32 s7, s18  }
0xb8: {  	[tilespmem:s25], [sflag:$0x6] =	stream.linear.gather [hbm4b:s8+s3], $0x80, $0x38;
	[tilespmem:$0x1FE80] =	vst v63  }
0xb9: {  	_ =	swait.ge [sflag:s20], $0x80  }
0xba: {  	[sflag:s20] =	ssyncset.done $0x0  }
0xbb: {  	[sflag:s20] =	ssyncadd.s32 $0xFFFFFF80  }
0xbc: {  	[tilespmem:s26], [sflag:$0x3] =	stream.indirect.gather [hbm4b:s4+s21], $0x80, s25, s21, $0xb8;
	[tilespmem:$0x1FE80] =	vst v63  }
0xbd: {  	_ =	swait.ge [sflag:s28], $0x4000  }
0xbe: {  	[sflag:s28] =	ssyncset.done $0x0  }
0xbf: {  	[sflag:s28] =	ssyncadd.s32 $0xFFFFC000  }
0xc0: {  	_ =	swait.ge [sflag:s29], $0x80  }
0xc1: {  	[sflag:s29] =	ssyncset.done $0x0  }
0xc2: {  	[sflag:s29] =	ssyncadd.s32 $0xFFFFFF80  }
0xc3: {  	[spmem:s1] =	stream.indirect.scatter.add.f32 [tilespmem:s19], [sflag:$0x6], $0x80, s23, s21, $0xb8;
	[tilespmem:$0x1FE80] =	vst v63  }
0xc4: {  	_ =	swait.ge [sflag:s20], $0x4000  }
0xc5: {  	[sflag:s20] =	ssyncset.done $0x0  }
0xc6: {  	s9 =	sadd.s32 s7, s17;
	[sflag:s20] =	ssyncadd.s32 $0xFFFFC000  }
0xc7: {  	[tilespmem:s23], [sflag:$0x4] =	stream.linear.gather [hbm4b:s9+s3], $0x80, $0x38;
	[tilespmem:$0x1FE80] =	vst v63  }
0xc8: {  	s9 =	sadd.s32 s7, s16  }
0xc9: {  	[tilespmem:s3], [sflag:$0x6] =	stream.linear.gather [hbm4b:s9+s3], $0x80, $0x38;
	[tilespmem:$0x1FE80] =	vst v63  }
0xca: {  	_ =	swait.ge [sflag:s20], $0x80  }
0xcb: {  	[sflag:s20] =	ssyncset.done $0x0  }
0xcc: {  	[sflag:s20] =	ssyncadd.s32 $0xFFFFFF80  }
0xcd: {  	[tilespmem:s19], [sflag:$0x1] =	stream.indirect.gather [hbm4b:s4+s21], $0x80, s3, s21, $0xb8;
	[tilespmem:$0x1FE80] =	vst v63  }
0xce: {  	_ =	swait.ge [sflag:s30], $0x4000  }
0xcf: {  	[sflag:s30] =	ssyncset.done $0x0  }
0xd0: {  	[sflag:s30] =	ssyncadd.s32 $0xFFFFC000  }
0xd1: {  	_ =	swait.ge [sflag:s31], $0x80  }
0xd2: {  	[sflag:s31] =	ssyncset.done $0x0  }
0xd3: {  	[sflag:s31] =	ssyncadd.s32 $0xFFFFFF80  }
0xd4: {  	[spmem:s1] =	stream.indirect.scatter.add.f32 [tilespmem:s22], [sflag:$0x6], $0x80, s24, s21, $0xb8;
	[tilespmem:$0x1FE80] =	vst v63  }
0xd5: {  	_ =	swait.ge [sflag:s20], $0x4000  }
0xd6: {  	s8 =	rddreg [dreg:$0xc];
	[sflag:s20] =	ssyncset.done $0x0  }
0xd7: {  	s9 =	rddreg [dreg:$0xb];
	[sflag:s20] =	ssyncadd.s32 $0xFFFFC000;
	s8 =	sadd.s32 s7, s8  }
0xd8: {  	[tilespmem:s24], [sflag:$0x5] =	stream.linear.gather [hbm4b:s8+s3], $0x80, $0x38;
	[tilespmem:$0x1FE80] =	vst v63  }
0xd9: {  	s9 =	sadd.s32 s7, s9  }
0xda: {  	[tilespmem:s21], [sflag:$0x6] =	stream.linear.gather [hbm4b:s9+s3], $0x80, $0x38;
	[tilespmem:$0x1FE80] =	vst v63  }
0xdb: {  	_ =	swait.ge [sflag:s20], $0x80  }
0xdc: {  	[sflag:s20] =	ssyncset.done $0x0  }
0xdd: {  	[sflag:s20] =	ssyncadd.s32 $0xFFFFFF80  }
0xde: {  	[tilespmem:s22], [sflag:$0x2] =	stream.indirect.gather [hbm4b:s4+s21], $0x80, s21, s21, $0xb8;
	[tilespmem:$0x1FE80] =	vst v63  }
0xdf: {  	_ =	swait.ge [sflag:s0], $0x4000  }
0xe0: {  	[sflag:s0] =	ssyncset.done $0x0  }
0xe1: {  	[sflag:s0] =	ssyncadd.s32 $0xFFFFC000  }
0xe2: {  	_ =	swait.ge [sflag:s29], $0x80  }
0xe3: {  	[sflag:s29] =	ssyncset.done $0x0  }
0xe4: {  	[sflag:s29] =	ssyncadd.s32 $0xFFFFFF80  }
0xe5: {  	[spmem:s1] =	stream.indirect.scatter.add.f32 [tilespmem:s26], [sflag:$0x6], $0x80, s23, s21, $0xb8;
	[tilespmem:$0x1FE80] =	vst v63  }
0xe6: {  	_ =	swait.ge [sflag:s20], $0x4000  }
0xe7: {  	s8 =	rddreg [dreg:$0xa];
	[sflag:s20] =	ssyncset.done $0x0  }
0xe8: {  	s9 =	rddreg [dreg:$0x9];
	[sflag:s20] =	ssyncadd.s32 $0xFFFFC000;
	s8 =	sadd.s32 s7, s8  }
0xe9: {  	[tilespmem:s23], [sflag:$0x4] =	stream.linear.gather [hbm4b:s8+s3], $0x80, $0x38;
	[tilespmem:$0x1FE80] =	vst v63  }
0xea: {  	s9 =	sadd.s32 s7, s9  }
0xeb: {  	[tilespmem:s25], [sflag:$0x6] =	stream.linear.gather [hbm4b:s9+s3], $0x80, $0x38;
	[tilespmem:$0x1FE80] =	vst v63  }
0xec: {  	_ =	swait.ge [sflag:s20], $0x80  }
0xed: {  	[sflag:s20] =	ssyncset.done $0x0  }
0xee: {  	[sflag:s20] =	ssyncadd.s32 $0xFFFFFF80  }
0xef: {  	[tilespmem:s26], [sflag:$0x3] =	stream.indirect.gather [hbm4b:s4+s21], $0x80, s25, s21, $0xb8;
	[tilespmem:$0x1FE80] =	vst v63  }
0xf0: {  	_ =	swait.ge [sflag:s28], $0x4000  }
0xf1: {  	[sflag:s28] =	ssyncset.done $0x0  }
0xf2: {  	[sflag:s28] =	ssyncadd.s32 $0xFFFFC000  }
0xf3: {  	_ =	swait.ge [sflag:s31], $0x80  }
0xf4: {  	[sflag:s31] =	ssyncset.done $0x0  }
0xf5: {  	[sflag:s31] =	ssyncadd.s32 $0xFFFFFF80  }
0xf6: {  	[spmem:s1] =	stream.indirect.scatter.add.f32 [tilespmem:s19], [sflag:$0x6], $0x80, s24, s21, $0xb8;
	[tilespmem:$0x1FE80] =	vst v63  }
0xf7: {  	_ =	swait.ge [sflag:s20], $0x4000  }
0xf8: {  	s8 =	rddreg [dreg:$0x8];
	[sflag:s20] =	ssyncset.done $0x0  }
0xf9: {  	s9 =	rddreg [dreg:$0x7];
	[sflag:s20] =	ssyncadd.s32 $0xFFFFC000;
	s8 =	sadd.s32 s7, s8  }
0xfa: {  	[tilespmem:s24], [sflag:$0x5] =	stream.linear.gather [hbm4b:s8+s3], $0x80, $0x38;
	[tilespmem:$0x1FE80] =	vst v63  }
0xfb: {  	s9 =	sadd.s32 s7, s9  }
0xfc: {  	[tilespmem:s3], [sflag:$0x6] =	stream.linear.gather [hbm4b:s9+s3], $0x80, $0x38;
	[tilespmem:$0x1FE80] =	vst v63  }
0xfd: {  	_ =	swait.ge [sflag:s20], $0x80  }
0xfe: {  	[sflag:s20] =	ssyncset.done $0x0  }
0xff: {  	[sflag:s20] =	ssyncadd.s32 $0xFFFFFF80  }
0x100: {  	[tilespmem:s19], [sflag:$0x1] =	stream.indirect.gather [hbm4b:s4+s21], $0x80, s3, s21, $0xb8;
	[tilespmem:$0x1FE80] =	vst v63  }
0x101: {  	_ =	swait.ge [sflag:s30], $0x4000  }
0x102: {  	[sflag:s30] =	ssyncset.done $0x0  }
0x103: {  	[sflag:s30] =	ssyncadd.s32 $0xFFFFC000  }
0x104: {  	_ =	swait.ge [sflag:s29], $0x80  }
0x105: {  	[sflag:s29] =	ssyncset.done $0x0  }
0x106: {  	[sflag:s29] =	ssyncadd.s32 $0xFFFFFF80  }
0x107: {  	[spmem:s1] =	stream.indirect.scatter.add.f32 [tilespmem:s22], [sflag:$0x6], $0x80, s23, s21, $0xb8;
	[tilespmem:$0x1FE80] =	vst v63  }
0x108: {  	_ =	swait.ge [sflag:s20], $0x4000  }
0x109: {  	s8 =	rddreg [dreg:$0x6];
	[sflag:s20] =	ssyncset.done $0x0  }
0x10a: {  	s9 =	rddreg [dreg:$0x5];
	[sflag:s20] =	ssyncadd.s32 $0xFFFFC000;
	s8 =	sadd.s32 s7, s8  }
0x10b: {  	[tilespmem:s23], [sflag:$0x4] =	stream.linear.gather [hbm4b:s8+s3], $0x80, $0x38;
	[tilespmem:$0x1FE80] =	vst v63  }
0x10c: {  	s9 =	sadd.s32 s7, s9  }
0x10d: {  	[tilespmem:s21], [sflag:$0x6] =	stream.linear.gather [hbm4b:s9+s3], $0x80, $0x38;
	[tilespmem:$0x1FE80] =	vst v63  }
0x10e: {  	_ =	swait.ge [sflag:s20], $0x80  }
0x10f: {  	[sflag:s20] =	ssyncset.done $0x0  }
0x110: {  	[sflag:s20] =	ssyncadd.s32 $0xFFFFFF80  }
0x111: {  	[tilespmem:s22], [sflag:$0x2] =	stream.indirect.gather [hbm4b:s4+s21], $0x80, s21, s21, $0xb8;
	[tilespmem:$0x1FE80] =	vst v63  }
0x112: {  	_ =	swait.ge [sflag:s0], $0x4000  }
0x113: {  	[sflag:s0] =	ssyncset.done $0x0  }
0x114: {  	[sflag:s0] =	ssyncadd.s32 $0xFFFFC000  }
0x115: {  	_ =	swait.ge [sflag:s31], $0x80  }
0x116: {  	p0 =	sne.s32 s6, $0x480;
	[sflag:s31] =	ssyncset.done $0x0  }
.Ltmp1:
0x117: {  	[sflag:s31] =	ssyncadd.s32 $0xFFFFFF80;
	(pc) =	sbr.rel @p0 .LBB2_4-.Ltmp1, $4  }
0x118: {  	[spmem:s1] =	stream.indirect.scatter.add.f32 [tilespmem:s26], [sflag:$0x6], $0x80, s24, s21, $0xb8;
	[tilespmem:$0x1FE80] =	vst v63  }
0x119: {  	_ =	swait.ge [sflag:s20], $0x4000  }
0x11a: {  	[sflag:s20] =	ssyncset.done $0x0;
	s9 =	rddreg [dreg:$0x4]  }
0x11b: {  	s6 =	sadd.s32 $0x60, s6;
	[sflag:s20] =	ssyncadd.s32 $0xFFFFC000;
	s7 =	sadd.s32 s7, s9  }
0x11c: {  	[tilespmem:s24], [sflag:$0x5] =	stream.linear.gather [hbm4b:s7+s3], $0x80, $0x38;
	[tilespmem:$0x1FE80] =	vst v63  }
0x11d: {  	_ =	swait.ge [sflag:s28], $0x4000  }
0x11e: {  	[sflag:s28] =	ssyncset.done $0x0  }
0x11f: {  	[sflag:s28] =	ssyncadd.s32 $0xFFFFC000  }
0x120: {  	_ =	swait.ge [sflag:s29], $0x80  }
0x121: {  	[sflag:s29] =	ssyncset.done $0x0  }
0x122: {  	[sflag:s29] =	ssyncadd.s32 $0xFFFFFF80  }
0x123: {  	[spmem:s1] =	stream.indirect.scatter.add.f32 [tilespmem:s19], [sflag:$0x6], $0x80, s23, s21, $0xb8;
	[tilespmem:$0x1FE80] =	vst v63  }
0x124: {  	_ =	swait.ge [sflag:s20], $0x4000  }
0x125: {  	[sflag:s20] =	ssyncset.done $0x0  }
0x126: {  	[sflag:s20] =	ssyncadd.s32 $0xFFFFC000  }
0x127: {  	_ =	swait.ge [sflag:s30], $0x4000  }
0x128: {  	[sflag:s30] =	ssyncset.done $0x0  }
0x129: {  	[sflag:s30] =	ssyncadd.s32 $0xFFFFC000  }
0x12a: {  	_ =	swait.ge [sflag:s31], $0x80  }
0x12b: {  	[sflag:s31] =	ssyncset.done $0x0  }
0x12c: {  	[sflag:s31] =	ssyncadd.s32 $0xFFFFFF80  }
0x12d: {  	[spmem:s1] =	stream.indirect.scatter.add.f32 [tilespmem:s22], [sflag:$0x6], $0x80, s24, s21, $0xb8;
	[tilespmem:$0x1FE80] =	vst v63  }
0x12e: {  	s6 =	stileid.u32;
	_ =	swait.ge [sflag:s20], $0x4000  }
0x12f: {  	s9 =	sshrl.u32 s5, $0x3;
	s2 =	sadd.s32 $0x1, s2;
	[sflag:s20] =	ssyncset.done $0x0  }
0x130: {  	s6 =	sshll.u32 s6, $0x6;
	p0 =	sne.s32 s2, s15;
	[sflag:s20] =	ssyncadd.s32 $0xFFFFC000  }
.Ltmp2:
0x131: {  	s6 =	sor.u32 $0x1C06, s6;
	[bflag:$0x0] =	sbarrier.arrive $0xFFFF;
	(pc) =	sbr.rel @p0 .LBB2_1-.Ltmp2, $4  }
0x132: {  	[hbm:s14], [sflag:s6] =	dma.local [spmem:s9], $0x2780  }
0x133: {  	_ =	swait.ge [sflag:s20], $0x2780  }
0x134: {  	[sflag:s20] =	ssyncset.done $0x0  }
0x135: {  	[sflag:s20] =	ssyncadd.s32 $0xFFFFD880  }
0x136: {  	_ =	sfence.sel $0x180000  }
0x137: {  	[bflag:$0x0] =	sbarrier.arrive $0xFFFF  }
0x138: {  	_ =	strace $0x90000050  }
0x139: {  	s0 =	stileid.u32;
	[bflag:$0x2] =	sbarrier.arrive $0xFFFF  }
0x13a: {  	p0 =	sne.s32 s0, $0x0;
	s0 =	rddreg [dreg:$0x3]  }
0x13b: {  	s0 =	sadd.s32 @!p0 $0x100000, s0  }
0x13c: {  	[sflag:s0] =	ssyncadd.tile.s32 @!p0 $0x1;
	_ =	shalt  }
.Lfunc_end2:
_tile_overlayer_lowered:
.L_overlay_start_2:
0x13d: {  	(tag) =	ssettag $0x2  }
0x13e: {  	s0 =	rddreg [dreg:$0x0];
	s2 =	stileid.u32  }
0x13f: {  	s1 =	rddreg [dreg:$0x1];
	p0 =	sne.s32 s2, $0x0  }
0x140: {  	s3 =	rddreg [dreg:$0x2];
	[bflag:$0x3] =	sbarrier.arrive $0xFFFF;
	s2 =	simm.s32 @!p0 $0x1C06  }
0x141: {  	[timem:s3], [sflag:s2] =	dma.local @!p0 [hbm:s0], s1  }
0x142: {  	s0 =	simm.s32 @!p0 $0x6  }
0x143: {  	_ =	swait.ge @!p0 [sflag:s0], s1  }
0x144: {  	s1 =	ssub.s32 @!p0 $0x0, s1;
	[sflag:s0] =	ssyncset.done @!p0 $0x0  }
0x145: {  	[sflag:s0] =	ssyncadd.s32 @!p0 s1  }
0x146: {  	[bflag:$0x3] =	sbarrier.arrive $0xFFFF  }
0x147: {  	_ =	shalt  }

</sc_bundles>
